<compile_context>
chip_gen: v7x
topology: tpu7x:2x2x1
jax: 0.10.2.dev20260603
libtpu: 0.0.44.dev20260713+nightly
codegen_flags: <defaults>
</compile_context>

<pallas_src>
import functools

import jax
import jax.numpy as jnp
from jax import lax
from jax.experimental import pallas as pl
from jax.experimental.pallas import tpu as pltpu
from jax.experimental.pallas import tpu_sc as plsc

B = 16384
V = 100000
D = 8
NCOLS = 37
NC, NS, L = 2, 16, 16
NW = NC * NS
BPW = B // NW
CHUNK = 128
NCHUNK = BPW // CHUNK


_TILE = 128
_VT = (V + _TILE - 1) // _TILE
_VTPAD = _VT + 1
_SPLIT_LBLK = 50048
_SPLIT_TPB = _SPLIT_LBLK // _TILE
_SPLIT_GRID = (V + _SPLIT_LBLK - 1) // _SPLIT_LBLK


def _split_body(x_ref, o_ref):
    for k in range(_SPLIT_TPB):
        o_ref[pl.ds(k * 1024, 1024)] = x_ref[
            :, pl.ds(k * _TILE, _TILE)
        ].reshape(1024)


_split_tc = pl.pallas_call(
    _split_body,
    grid=(_SPLIT_GRID,),
    in_specs=[pl.BlockSpec((D, _SPLIT_LBLK), lambda c: (0, c))],
    out_specs=pl.BlockSpec((_SPLIT_TPB * 1024,), lambda c: (c,)),
    out_shape=jax.ShapeDtypeStruct((_VTPAD * 1024,), jnp.float32),
)


_mesh = plsc.VectorSubcoreMesh(
    core_axis_name="c", subcore_axis_name="s", num_cores=NC, num_subcores=NS
)


@functools.partial(
    pl.kernel,
    out_type=tuple(
        jax.ShapeDtypeStruct((B,), jnp.float32) for _ in range(D)
    ),
    mesh=_mesh,
    compiler_params=pltpu.CompilerParams(
        needs_layout_passes=False, use_tc_tiling_on_sc=False
    ),
    scratch_types=[
        pltpu.VMEM((BPW,), jnp.int32),
        pltpu.VMEM((BPW,), jnp.int32),
        tuple(pltpu.VMEM((BPW,), jnp.float32) for _ in range(D)),
        pltpu.SemaphoreType.DMA,
        pltpu.SemaphoreType.DMA,
    ],
)
def _gather_sc(idx_hbm, tflat_hbm, *rest):
    out_refs = rest[:D]
    idx_v, addr_v, zd_vs, gsem, osem = rest[D:]
    wid = lax.axis_index("s") * NC + lax.axis_index("c")
    base = wid * BPW

    pltpu.sync_copy(idx_hbm.at[pl.ds(base, BPW)], idx_v)

    def addr_body(g, carry):
        r = idx_v[pl.ds(g * L, L)]
        addr_v[pl.ds(g * L, L)] = (
            lax.shift_left(lax.shift_right_logical(r, 7), 10)
            | lax.bitwise_and(r, 127)
        )
        return carry

    lax.fori_loop(0, BPW // L, addr_body, 0)

    copies = []
    for j in range(NCHUNK):
        sl = pl.ds(j * CHUNK, CHUNK)
        for d in range(D):
            view = tflat_hbm.at[pl.ds(d * _TILE, _VT * 1024)]
            copies.append(
                pltpu.async_copy(view.at[addr_v.at[sl]], zd_vs[d].at[sl], gsem)
            )
    for c in copies:
        c.wait()

    outs = []
    for d in range(D):
        outs.append(
            pltpu.async_copy(zd_vs[d], out_refs[d].at[pl.ds(base, BPW)], osem)
        )
    for c in outs:
        c.wait()



_ASM_BLK = 8192
_ASM_GRID = B // _ASM_BLK


def _assemble_body(g_ref, a_ref, o_ref, *zs_and_out):
    z_refs = zs_and_out[:D]
    out_ref = zs_and_out[D]
    out_ref[0, :] = g_ref[...].astype(jnp.float32)
    out_ref[1:8, :] = a_ref[...]
    out_ref[8:29, :] = o_ref[...]
    for d in range(D):
        out_ref[29 + d, :] = z_refs[d][...]


_assemble_tc = pl.pallas_call(
    _assemble_body,
    grid=(_ASM_GRID,),
    in_specs=(
        [pl.BlockSpec((_ASM_BLK,), lambda c: (c,))]
        + [pl.BlockSpec((7, _ASM_BLK), lambda c: (0, c))]
        + [pl.BlockSpec((21, _ASM_BLK), lambda c: (0, c))]
        + [pl.BlockSpec((_ASM_BLK,), lambda c: (c,)) for _ in range(D)]
    ),
    out_specs=pl.BlockSpec((NCOLS, _ASM_BLK), lambda c: (0, c)),
    out_shape=jax.ShapeDtypeStruct((NCOLS, B), jnp.float32),
)


def kernel(gender, age, occupation, zipcode_bucket, zipcode_table):
    tflat = _split_tc(jnp.swapaxes(zipcode_table, 0, 1))
    zcols = _gather_sc(zipcode_bucket.astype(jnp.int32), tflat)
    out_t = _assemble_tc(
        gender.astype(jnp.int32),
        jnp.swapaxes(age, 0, 1),
        jnp.swapaxes(occupation, 0, 1),
        *zcols,
    )
    return jnp.swapaxes(out_t, 0, 1)

# --- scband reference (transcript-rebuilt; emitter-appended) ---
"""Pipeline reference for scband-static-feature-encoder-7189775254201 (READ-ONLY COPY).

The authoritative reference and input builder live on the scoring server;
editing this copy changes nothing except your own understanding.
"""

import jax, jax.numpy as jnp
import numpy as np

B = 16384
V = 100000
D = 8

def setup_inputs(seed: int = 0) -> dict:
    key = jax.random.key(seed)
    k1, k2, k3, k4, k5 = jax.random.split(key, 5)
    gender = jax.random.randint(k1, (B,), 0, 2)
    age = jax.random.uniform(k2, (B, 7), dtype=jnp.float32)
    occupation = jax.random.uniform(k3, (B, 21), dtype=jnp.float32)
    zipcode_bucket = jax.random.randint(k4, (B,), 0, V)
    zipcode_table = jax.random.normal(k5, (V, D), dtype=jnp.float32)
    return {
        "gender": gender,
        "age": age,
        "occupation": occupation,
        "zipcode_bucket": zipcode_bucket,
        "zipcode_table": zipcode_table,
    }

def reference(gender, age, occupation, zipcode_bucket, zipcode_table):
    # gender: (B,) -> (B, 1) float
    g = gender.astype(jnp.float32)[:, None]
    a = age.astype(jnp.float32)
    o = occupation.astype(jnp.float32)
    # embedding lookup: (B, D)
    z = jnp.take(zipcode_table, zipcode_bucket, axis=0)
    encoded = jnp.concatenate([g, a, o, z], axis=1)  # (B, 1+7+21+D)
    return encoded

if __name__ == "__main__":
    import jax
    _d = setup_inputs()
    print(jax.jit(kernel)(*tuple(_d.values())))

</pallas_src>

<mosaic_0001>
#map = affine_map<(d0, d1) -> (0)>
module attributes {stable_mosaic.version = 14 : i64} {
  func.func @_gather_sc(%arg0: i32, %arg1: i32, %arg2: memref<16384xi32, #tpu.memory_space<hbm>>, %arg3: memref<801792xf32, #tpu.memory_space<hbm>>, %arg4: memref<16384xf32, #tpu.memory_space<hbm>>, %arg5: memref<16384xf32, #tpu.memory_space<hbm>>, %arg6: memref<16384xf32, #tpu.memory_space<hbm>>, %arg7: memref<16384xf32, #tpu.memory_space<hbm>>, %arg8: memref<16384xf32, #tpu.memory_space<hbm>>, %arg9: memref<16384xf32, #tpu.memory_space<hbm>>, %arg10: memref<16384xf32, #tpu.memory_space<hbm>>, %arg11: memref<16384xf32, #tpu.memory_space<hbm>>, %arg12: memref<512xi32, #tpu.memory_space<vmem>>, %arg13: memref<512xi32, #tpu.memory_space<vmem>>, %arg14: memref<512xf32, #tpu.memory_space<vmem>>, %arg15: memref<512xf32, #tpu.memory_space<vmem>>, %arg16: memref<512xf32, #tpu.memory_space<vmem>>, %arg17: memref<512xf32, #tpu.memory_space<vmem>>, %arg18: memref<512xf32, #tpu.memory_space<vmem>>, %arg19: memref<512xf32, #tpu.memory_space<vmem>>, %arg20: memref<512xf32, #tpu.memory_space<vmem>>, %arg21: memref<512xf32, #tpu.memory_space<vmem>>, %arg22: memref<!tpu.dma_semaphore, #tpu.memory_space<semaphore_mem>>, %arg23: memref<!tpu.dma_semaphore, #tpu.memory_space<semaphore_mem>>) attributes {dimension_semantics = [#tpu.dimension_semantics<core_parallel>, #tpu.dimension_semantics<subcore_parallel>], iteration_bounds = array<i64: 2, 16>, scalar_prefetch = 0 : i64, scratch_operands = 12 : i64, tpu.core_type = #tpu.core_type<sc_vector_subcore>, window_params = [{transform_indices = #map}, {transform_indices = #map}, {transform_indices = #map}, {transform_indices = #map}, {transform_indices = #map}, {transform_indices = #map}, {transform_indices = #map}, {transform_indices = #map}, {transform_indices = #map}, {transform_indices = #map}]} {
    %mul3A = arith.constant 2 : i32
    %mul3A_0 = arith.muli %arg1, %mul3A : i32
    %add3A = arith.addi %mul3A_0, %arg0 : i32
    %mul3A_1 = arith.constant 512 : i32
    %mul3A_2 = arith.muli %add3A, %mul3A_1 : i32
    "tpu.region"() ({
      %run_scoped3A = tpu.sem_alloc : memref<!tpu.dma_semaphore, #tpu.memory_space<semaphore_mem>>
      %dma_start3A_550 = tpu.memref_slice %arg2[%mul3A_2] : memref<16384xi32, #tpu.memory_space<hbm>> -> memref<512xi32, #tpu.memory_space<hbm>>
      %dma_start3A_551 = tpu.memref_slice %arg2[%mul3A_2] : memref<16384xi32, #tpu.memory_space<hbm>> -> memref<512xi32, #tpu.memory_space<hbm>>
      tpu.enqueue_dma source(%dma_start3A_551 : memref<512xi32, #tpu.memory_space<hbm>>) target(%arg12 : memref<512xi32, #tpu.memory_space<vmem>>) target_semaphore(%run_scoped3A : memref<!tpu.dma_semaphore, #tpu.memory_space<semaphore_mem>>)
      %dma_wait3A_552 = tpu.memref_slice %arg2[%mul3A_2] : memref<16384xi32, #tpu.memory_space<hbm>> -> memref<512xi32, #tpu.memory_space<hbm>>
      %dma_wait3A_553 = tpu.memref_slice %arg2[%mul3A_2] : memref<16384xi32, #tpu.memory_space<hbm>> -> memref<512xi32, #tpu.memory_space<hbm>>
      tpu.wait_dma2 semaphore(%run_scoped3A : memref<!tpu.dma_semaphore, #tpu.memory_space<semaphore_mem>>) src(%dma_wait3A_553 : memref<512xi32, #tpu.memory_space<hbm>>) dst(%arg12 : memref<512xi32, #tpu.memory_space<vmem>>)
      tpu.yield
    }) : () -> ()
    %scan3A = arith.constant 0 : i32
    %scan3A_3 = arith.constant 0 : i32
    %scan3A_4 = arith.constant 32 : i32
    %scan3A_5 = arith.addi %scan3A_3, %scan3A_4 : i32
    %scan3A_6 = arith.constant 1 : i32
    scf.for %scan3A_550 = %scan3A_3 to %scan3A_5 step %scan3A_6  : i32 {
      %mul3A_551 = arith.constant 16 : i32
      %mul3A_552 = arith.muli %scan3A_550, %mul3A_551 : i32
      %get3A = arith.index_cast %mul3A_552 : i32 to index
      %get3A_553 = tpu.vector_load %arg12[%get3A] {strides = array<i32>} : memref<512xi32, #tpu.memory_space<vmem>>, vector<16xi32>,
      %shift_right_logical3A = arith.constant 7 : i32
      %shift_right_logical3A_554 = vector.broadcast %shift_right_logical3A : i32 to vector<16xi32>
      %shift_right_logical3A_555 = arith.shrui %get3A_553, %shift_right_logical3A_554 : vector<16xi32>
      %shift_left3A = arith.constant 10 : i32
      %shift_left3A_556 = vector.broadcast %shift_left3A : i32 to vector<16xi32>
      %shift_left3A_557 = arith.shli %shift_right_logical3A_555, %shift_left3A_556 : vector<16xi32>
      %and3A = arith.constant 127 : i32
      %and3A_558 = vector.broadcast %and3A : i32 to vector<16xi32>
      %and3A_559 = arith.andi %get3A_553, %and3A_558 : vector<16xi32>
      %or3A = arith.ori %shift_left3A_557, %and3A_559 : vector<16xi32>
      %mul3A_560 = arith.constant 16 : i32
      %mul3A_561 = arith.muli %scan3A_550, %mul3A_560 : i32
      %swap3A = arith.index_cast %mul3A_561 : i32 to index
      %swap3A_562 = tpu.vector_load %arg13[%swap3A] {strides = array<i32>} : memref<512xi32, #tpu.memory_space<vmem>>, vector<16xi32>,
      tpu.vector_store %arg13[%swap3A], %or3A {strides = array<i32>} : memref<512xi32, #tpu.memory_space<vmem>>, vector<16xi32>,
    }
    %scan3A_7 = arith.constant 32 : i32
    %dma_start3A = arith.constant 0 : i32
    %dma_start3A_8 = tpu.memref_slice %arg14[%dma_start3A] : memref<512xf32, #tpu.memory_space<vmem>> -> memref<128xf32, #tpu.memory_space<vmem>>
    %dma_start3A_9 = arith.constant 0 : i32
    %dma_start3A_10 = tpu.memref_slice %arg13[%dma_start3A_9] : memref<512xi32, #tpu.memory_space<vmem>> -> memref<128xi32, #tpu.memory_space<vmem>>
    %dma_start3A_11 = arith.constant 0 : i32
    %dma_start3A_12 = tpu.memref_slice %arg3[%dma_start3A_11] : memref<801792xf32, #tpu.memory_space<hbm>> -> memref<800768xf32, #tpu.memory_space<hbm>>
    %dma_start3A_13 = arith.constant 0 : i32
    %dma_start3A_14 = tpu.memref_slice %dma_start3A_12[%dma_start3A_13] : memref<800768xf32, #tpu.memory_space<hbm>> -> memref<800768xf32, #tpu.memory_space<hbm>>
    tpu.enqueue_indirect_dma source(%dma_start3A_14 : memref<800768xf32, #tpu.memory_space<hbm>>) target(%dma_start3A_8 : memref<128xf32, #tpu.memory_space<vmem>>) offsets(%dma_start3A_10 : memref<128xi32, #tpu.memory_space<vmem>>) semaphore(%arg22 : memref<!tpu.dma_semaphore, #tpu.memory_space<semaphore_mem>>)
    %dma_start3A_15 = arith.constant 0 : i32
    %dma_start3A_16 = tpu.memref_slice %arg15[%dma_start3A_15] : memref<512xf32, #tpu.memory_space<vmem>> -> memref<128xf32, #tpu.memory_space<vmem>>
    %dma_start3A_17 = arith.constant 0 : i32
    %dma_start3A_18 = tpu.memref_slice %arg13[%dma_start3A_17] : memref<512xi32, #tpu.memory_space<vmem>> -> memref<128xi32, #tpu.memory_space<vmem>>
    %dma_start3A_19 = arith.constant 128 : i32
    %dma_start3A_20 = tpu.memref_slice %arg3[%dma_start3A_19] : memref<801792xf32, #tpu.memory_space<hbm>> -> memref<800768xf32, #tpu.memory_space<hbm>>
    %dma_start3A_21 = arith.constant 0 : i32
    %dma_start3A_22 = tpu.memref_slice %dma_start3A_20[%dma_start3A_21] : memref<800768xf32, #tpu.memory_space<hbm>> -> memref<800768xf32, #tpu.memory_space<hbm>>
    tpu.enqueue_indirect_dma source(%dma_start3A_22 : memref<800768xf32, #tpu.memory_space<hbm>>) target(%dma_start3A_16 : memref<128xf32, #tpu.memory_space<vmem>>) offsets(%dma_start3A_18 : memref<128xi32, #tpu.memory_space<vmem>>) semaphore(%arg22 : memref<!tpu.dma_semaphore, #tpu.memory_space<semaphore_mem>>)
    %dma_start3A_23 = arith.constant 0 : i32
    %dma_start3A_24 = tpu.memref_slice %arg16[%dma_start3A_23] : memref<512xf32, #tpu.memory_space<vmem>> -> memref<128xf32, #tpu.memory_space<vmem>>
    %dma_start3A_25 = arith.constant 0 : i32
    %dma_start3A_26 = tpu.memref_slice %arg13[%dma_start3A_25] : memref<512xi32, #tpu.memory_space<vmem>> -> memref<128xi32, #tpu.memory_space<vmem>>
    %dma_start3A_27 = arith.constant 256 : i32
    %dma_start3A_28 = tpu.memref_slice %arg3[%dma_start3A_27] : memref<801792xf32, #tpu.memory_space<hbm>> -> memref<800768xf32, #tpu.memory_space<hbm>>
    %dma_start3A_29 = arith.constant 0 : i32
    %dma_start3A_30 = tpu.memref_slice %dma_start3A_28[%dma_start3A_29] : memref<800768xf32, #tpu.memory_space<hbm>> -> memref<800768xf32, #tpu.memory_space<hbm>>
    tpu.enqueue_indirect_dma source(%dma_start3A_30 : memref<800768xf32, #tpu.memory_space<hbm>>) target(%dma_start3A_24 : memref<128xf32, #tpu.memory_space<vmem>>) offsets(%dma_start3A_26 : memref<128xi32, #tpu.memory_space<vmem>>) semaphore(%arg22 : memref<!tpu.dma_semaphore, #tpu.memory_space<semaphore_mem>>)
    %dma_start3A_31 = arith.constant 0 : i32
    %dma_start3A_32 = tpu.memref_slice %arg17[%dma_start3A_31] : memref<512xf32, #tpu.memory_space<vmem>> -> memref<128xf32, #tpu.memory_space<vmem>>
    %dma_start3A_33 = arith.constant 0 : i32
    %dma_start3A_34 = tpu.memref_slice %arg13[%dma_start3A_33] : memref<512xi32, #tpu.memory_space<vmem>> -> memref<128xi32, #tpu.memory_space<vmem>>
    %dma_start3A_35 = arith.constant 384 : i32
    %dma_start3A_36 = tpu.memref_slice %arg3[%dma_start3A_35] : memref<801792xf32, #tpu.memory_space<hbm>> -> memref<800768xf32, #tpu.memory_space<hbm>>
    %dma_start3A_37 = arith.constant 0 : i32
    %dma_start3A_38 = tpu.memref_slice %dma_start3A_36[%dma_start3A_37] : memref<800768xf32, #tpu.memory_space<hbm>> -> memref<800768xf32, #tpu.memory_space<hbm>>
    tpu.enqueue_indirect_dma source(%dma_start3A_38 : memref<800768xf32, #tpu.memory_space<hbm>>) target(%dma_start3A_32 : memref<128xf32, #tpu.memory_space<vmem>>) offsets(%dma_start3A_34 : memref<128xi32, #tpu.memory_space<vmem>>) semaphore(%arg22 : memref<!tpu.dma_semaphore, #tpu.memory_space<semaphore_mem>>)
    %dma_start3A_39 = arith.constant 0 : i32
    %dma_start3A_40 = tpu.memref_slice %arg18[%dma_start3A_39] : memref<512xf32, #tpu.memory_space<vmem>> -> memref<128xf32, #tpu.memory_space<vmem>>
    %dma_start3A_41 = arith.constant 0 : i32
    %dma_start3A_42 = tpu.memref_slice %arg13[%dma_start3A_41] : memref<512xi32, #tpu.memory_space<vmem>> -> memref<128xi32, #tpu.memory_space<vmem>>
    %dma_start3A_43 = arith.constant 512 : i32
    %dma_start3A_44 = tpu.memref_slice %arg3[%dma_start3A_43] : memref<801792xf32, #tpu.memory_space<hbm>> -> memref<800768xf32, #tpu.memory_space<hbm>>
    %dma_start3A_45 = arith.constant 0 : i32
    %dma_start3A_46 = tpu.memref_slice %dma_start3A_44[%dma_start3A_45] : memref<800768xf32, #tpu.memory_space<hbm>> -> memref<800768xf32, #tpu.memory_space<hbm>>
    tpu.enqueue_indirect_dma source(%dma_start3A_46 : memref<800768xf32, #tpu.memory_space<hbm>>) target(%dma_start3A_40 : memref<128xf32, #tpu.memory_space<vmem>>) offsets(%dma_start3A_42 : memref<128xi32, #tpu.memory_space<vmem>>) semaphore(%arg22 : memref<!tpu.dma_semaphore, #tpu.memory_space<semaphore_mem>>)
    %dma_start3A_47 = arith.constant 0 : i32
    %dma_start3A_48 = tpu.memref_slice %arg19[%dma_start3A_47] : memref<512xf32, #tpu.memory_space<vmem>> -> memref<128xf32, #tpu.memory_space<vmem>>
    %dma_start3A_49 = arith.constant 0 : i32
    %dma_start3A_50 = tpu.memref_slice %arg13[%dma_start3A_49] : memref<512xi32, #tpu.memory_space<vmem>> -> memref<128xi32, #tpu.memory_space<vmem>>
    %dma_start3A_51 = arith.constant 640 : i32
    %dma_start3A_52 = tpu.memref_slice %arg3[%dma_start3A_51] : memref<801792xf32, #tpu.memory_space<hbm>> -> memref<800768xf32, #tpu.memory_space<hbm>>
    %dma_start3A_53 = arith.constant 0 : i32
    %dma_start3A_54 = tpu.memref_slice %dma_start3A_52[%dma_start3A_53] : memref<800768xf32, #tpu.memory_space<hbm>> -> memref<800768xf32, #tpu.memory_space<hbm>>
    tpu.enqueue_indirect_dma source(%dma_start3A_54 : memref<800768xf32, #tpu.memory_space<hbm>>) target(%dma_start3A_48 : memref<128xf32, #tpu.memory_space<vmem>>) offsets(%dma_start3A_50 : memref<128xi32, #tpu.memory_space<vmem>>) semaphore(%arg22 : memref<!tpu.dma_semaphore, #tpu.memory_space<semaphore_mem>>)
    %dma_start3A_55 = arith.constant 0 : i32
    %dma_start3A_56 = tpu.memref_slice %arg20[%dma_start3A_55] : memref<512xf32, #tpu.memory_space<vmem>> -> memref<128xf32, #tpu.memory_space<vmem>>
    %dma_start3A_57 = arith.constant 0 : i32
    %dma_start3A_58 = tpu.memref_slice %arg13[%dma_start3A_57] : memref<512xi32, #tpu.memory_space<vmem>> -> memref<128xi32, #tpu.memory_space<vmem>>
    %dma_start3A_59 = arith.constant 768 : i32
    %dma_start3A_60 = tpu.memref_slice %arg3[%dma_start3A_59] : memref<801792xf32, #tpu.memory_space<hbm>> -> memref<800768xf32, #tpu.memory_space<hbm>>
    %dma_start3A_61 = arith.constant 0 : i32
    %dma_start3A_62 = tpu.memref_slice %dma_start3A_60[%dma_start3A_61] : memref<800768xf32, #tpu.memory_space<hbm>> -> memref<800768xf32, #tpu.memory_space<hbm>>
    tpu.enqueue_indirect_dma source(%dma_start3A_62 : memref<800768xf32, #tpu.memory_space<hbm>>) target(%dma_start3A_56 : memref<128xf32, #tpu.memory_space<vmem>>) offsets(%dma_start3A_58 : memref<128xi32, #tpu.memory_space<vmem>>) semaphore(%arg22 : memref<!tpu.dma_semaphore, #tpu.memory_space<semaphore_mem>>)
    %dma_start3A_63 = arith.constant 0 : i32
    %dma_start3A_64 = tpu.memref_slice %arg21[%dma_start3A_63] : memref<512xf32, #tpu.memory_space<vmem>> -> memref<128xf32, #tpu.memory_space<vmem>>
    %dma_start3A_65 = arith.constant 0 : i32
    %dma_start3A_66 = tpu.memref_slice %arg13[%dma_start3A_65] : memref<512xi32, #tpu.memory_space<vmem>> -> memref<128xi32, #tpu.memory_space<vmem>>
    %dma_start3A_67 = arith.constant 896 : i32
    %dma_start3A_68 = tpu.memref_slice %arg3[%dma_start3A_67] : memref<801792xf32, #tpu.memory_space<hbm>> -> memref<800768xf32, #tpu.memory_space<hbm>>
    %dma_start3A_69 = arith.constant 0 : i32
    %dma_start3A_70 = tpu.memref_slice %dma_start3A_68[%dma_start3A_69] : memref<800768xf32, #tpu.memory_space<hbm>> -> memref<800768xf32, #tpu.memory_space<hbm>>
    tpu.enqueue_indirect_dma source(%dma_start3A_70 : memref<800768xf32, #tpu.memory_space<hbm>>) target(%dma_start3A_64 : memref<128xf32, #tpu.memory_space<vmem>>) offsets(%dma_start3A_66 : memref<128xi32, #tpu.memory_space<vmem>>) semaphore(%arg22 : memref<!tpu.dma_semaphore, #tpu.memory_space<semaphore_mem>>)
    %dma_start3A_71 = arith.constant 128 : i32
    %dma_start3A_72 = tpu.memref_slice %arg14[%dma_start3A_71] : memref<512xf32, #tpu.memory_space<vmem>> -> memref<128xf32, #tpu.memory_space<vmem>>
    %dma_start3A_73 = arith.constant 128 : i32
    %dma_start3A_74 = tpu.memref_slice %arg13[%dma_start3A_73] : memref<512xi32, #tpu.memory_space<vmem>> -> memref<128xi32, #tpu.memory_space<vmem>>
    %dma_start3A_75 = arith.constant 0 : i32
    %dma_start3A_76 = tpu.memref_slice %arg3[%dma_start3A_75] : memref<801792xf32, #tpu.memory_space<hbm>> -> memref<800768xf32, #tpu.memory_space<hbm>>
    %dma_start3A_77 = arith.constant 0 : i32
    %dma_start3A_78 = tpu.memref_slice %dma_start3A_76[%dma_start3A_77] : memref<800768xf32, #tpu.memory_space<hbm>> -> memref<800768xf32, #tpu.memory_space<hbm>>
    tpu.enqueue_indirect_dma source(%dma_start3A_78 : memref<800768xf32, #tpu.memory_space<hbm>>) target(%dma_start3A_72 : memref<128xf32, #tpu.memory_space<vmem>>) offsets(%dma_start3A_74 : memref<128xi32, #tpu.memory_space<vmem>>) semaphore(%arg22 : memref<!tpu.dma_semaphore, #tpu.memory_space<semaphore_mem>>)
    %dma_start3A_79 = arith.constant 128 : i32
    %dma_start3A_80 = tpu.memref_slice %arg15[%dma_start3A_79] : memref<512xf32, #tpu.memory_space<vmem>> -> memref<128xf32, #tpu.memory_space<vmem>>
    %dma_start3A_81 = arith.constant 128 : i32
    %dma_start3A_82 = tpu.memref_slice %arg13[%dma_start3A_81] : memref<512xi32, #tpu.memory_space<vmem>> -> memref<128xi32, #tpu.memory_space<vmem>>
    %dma_start3A_83 = arith.constant 128 : i32
    %dma_start3A_84 = tpu.memref_slice %arg3[%dma_start3A_83] : memref<801792xf32, #tpu.memory_space<hbm>> -> memref<800768xf32, #tpu.memory_space<hbm>>
    %dma_start3A_85 = arith.constant 0 : i32
    %dma_start3A_86 = tpu.memref_slice %dma_start3A_84[%dma_start3A_85] : memref<800768xf32, #tpu.memory_space<hbm>> -> memref<800768xf32, #tpu.memory_space<hbm>>
    tpu.enqueue_indirect_dma source(%dma_start3A_86 : memref<800768xf32, #tpu.memory_space<hbm>>) target(%dma_start3A_80 : memref<128xf32, #tpu.memory_space<vmem>>) offsets(%dma_start3A_82 : memref<128xi32, #tpu.memory_space<vmem>>) semaphore(%arg22 : memref<!tpu.dma_semaphore, #tpu.memory_space<semaphore_mem>>)
    %dma_start3A_87 = arith.constant 128 : i32
    %dma_start3A_88 = tpu.memref_slice %arg16[%dma_start3A_87] : memref<512xf32, #tpu.memory_space<vmem>> -> memref<128xf32, #tpu.memory_space<vmem>>
    %dma_start3A_89 = arith.constant 128 : i32
    %dma_start3A_90 = tpu.memref_slice %arg13[%dma_start3A_89] : memref<512xi32, #tpu.memory_space<vmem>> -> memref<128xi32, #tpu.memory_space<vmem>>
    %dma_start3A_91 = arith.constant 256 : i32
    %dma_start3A_92 = tpu.memref_slice %arg3[%dma_start3A_91] : memref<801792xf32, #tpu.memory_space<hbm>> -> memref<800768xf32, #tpu.memory_space<hbm>>
    %dma_start3A_93 = arith.constant 0 : i32
    %dma_start3A_94 = tpu.memref_slice %dma_start3A_92[%dma_start3A_93] : memref<800768xf32, #tpu.memory_space<hbm>> -> memref<800768xf32, #tpu.memory_space<hbm>>
    tpu.enqueue_indirect_dma source(%dma_start3A_94 : memref<800768xf32, #tpu.memory_space<hbm>>) target(%dma_start3A_88 : memref<128xf32, #tpu.memory_space<vmem>>) offsets(%dma_start3A_90 : memref<128xi32, #tpu.memory_space<vmem>>) semaphore(%arg22 : memref<!tpu.dma_semaphore, #tpu.memory_space<semaphore_mem>>)
    %dma_start3A_95 = arith.constant 128 : i32
    %dma_start3A_96 = tpu.memref_slice %arg17[%dma_start3A_95] : memref<512xf32, #tpu.memory_space<vmem>> -> memref<128xf32, #tpu.memory_space<vmem>>
    %dma_start3A_97 = arith.constant 128 : i32
    %dma_start3A_98 = tpu.memref_slice %arg13[%dma_start3A_97] : memref<512xi32, #tpu.memory_space<vmem>> -> memref<128xi32, #tpu.memory_space<vmem>>
    %dma_start3A_99 = arith.constant 384 : i32
    %dma_start3A_100 = tpu.memref_slice %arg3[%dma_start3A_99] : memref<801792xf32, #tpu.memory_space<hbm>> -> memref<800768xf32, #tpu.memory_space<hbm>>
    %dma_start3A_101 = arith.constant 0 : i32
    %dma_start3A_102 = tpu.memref_slice %dma_start3A_100[%dma_start3A_101] : memref<800768xf32, #tpu.memory_space<hbm>> -> memref<800768xf32, #tpu.memory_space<hbm>>
    tpu.enqueue_indirect_dma source(%dma_start3A_102 : memref<800768xf32, #tpu.memory_space<hbm>>) target(%dma_start3A_96 : memref<128xf32, #tpu.memory_space<vmem>>) offsets(%dma_start3A_98 : memref<128xi32, #tpu.memory_space<vmem>>) semaphore(%arg22 : memref<!tpu.dma_semaphore, #tpu.memory_space<semaphore_mem>>)
    %dma_start3A_103 = arith.constant 128 : i32
    %dma_start3A_104 = tpu.memref_slice %arg18[%dma_start3A_103] : memref<512xf32, #tpu.memory_space<vmem>> -> memref<128xf32, #tpu.memory_space<vmem>>
    %dma_start3A_105 = arith.constant 128 : i32
    %dma_start3A_106 = tpu.memref_slice %arg13[%dma_start3A_105] : memref<512xi32, #tpu.memory_space<vmem>> -> memref<128xi32, #tpu.memory_space<vmem>>
    %dma_start3A_107 = arith.constant 512 : i32
    %dma_start3A_108 = tpu.memref_slice %arg3[%dma_start3A_107] : memref<801792xf32, #tpu.memory_space<hbm>> -> memref<800768xf32, #tpu.memory_space<hbm>>
    %dma_start3A_109 = arith.constant 0 : i32
    %dma_start3A_110 = tpu.memref_slice %dma_start3A_108[%dma_start3A_109] : memref<800768xf32, #tpu.memory_space<hbm>> -> memref<800768xf32, #tpu.memory_space<hbm>>
    tpu.enqueue_indirect_dma source(%dma_start3A_110 : memref<800768xf32, #tpu.memory_space<hbm>>) target(%dma_start3A_104 : memref<128xf32, #tpu.memory_space<vmem>>) offsets(%dma_start3A_106 : memref<128xi32, #tpu.memory_space<vmem>>) semaphore(%arg22 : memref<!tpu.dma_semaphore, #tpu.memory_space<semaphore_mem>>)
    %dma_start3A_111 = arith.constant 128 : i32
    %dma_start3A_112 = tpu.memref_slice %arg19[%dma_start3A_111] : memref<512xf32, #tpu.memory_space<vmem>> -> memref<128xf32, #tpu.memory_space<vmem>>
    %dma_start3A_113 = arith.constant 128 : i32
    %dma_start3A_114 = tpu.memref_slice %arg13[%dma_start3A_113] : memref<512xi32, #tpu.memory_space<vmem>> -> memref<128xi32, #tpu.memory_space<vmem>>
    %dma_start3A_115 = arith.constant 640 : i32
    %dma_start3A_116 = tpu.memref_slice %arg3[%dma_start3A_115] : memref<801792xf32, #tpu.memory_space<hbm>> -> memref<800768xf32, #tpu.memory_space<hbm>>
    %dma_start3A_117 = arith.constant 0 : i32
    %dma_start3A_118 = tpu.memref_slice %dma_start3A_116[%dma_start3A_117] : memref<800768xf32, #tpu.memory_space<hbm>> -> memref<800768xf32, #tpu.memory_space<hbm>>
    tpu.enqueue_indirect_dma source(%dma_start3A_118 : memref<800768xf32, #tpu.memory_space<hbm>>) target(%dma_start3A_112 : memref<128xf32, #tpu.memory_space<vmem>>) offsets(%dma_start3A_114 : memref<128xi32, #tpu.memory_space<vmem>>) semaphore(%arg22 : memref<!tpu.dma_semaphore, #tpu.memory_space<semaphore_mem>>)
    %dma_start3A_119 = arith.constant 128 : i32
    %dma_start3A_120 = tpu.memref_slice %arg20[%dma_start3A_119] : memref<512xf32, #tpu.memory_space<vmem>> -> memref<128xf32, #tpu.memory_space<vmem>>
    %dma_start3A_121 = arith.constant 128 : i32
    %dma_start3A_122 = tpu.memref_slice %arg13[%dma_start3A_121] : memref<512xi32, #tpu.memory_space<vmem>> -> memref<128xi32, #tpu.memory_space<vmem>>
    %dma_start3A_123 = arith.constant 768 : i32
    %dma_start3A_124 = tpu.memref_slice %arg3[%dma_start3A_123] : memref<801792xf32, #tpu.memory_space<hbm>> -> memref<800768xf32, #tpu.memory_space<hbm>>
    %dma_start3A_125 = arith.constant 0 : i32
    %dma_start3A_126 = tpu.memref_slice %dma_start3A_124[%dma_start3A_125] : memref<800768xf32, #tpu.memory_space<hbm>> -> memref<800768xf32, #tpu.memory_space<hbm>>
    tpu.enqueue_indirect_dma source(%dma_start3A_126 : memref<800768xf32, #tpu.memory_space<hbm>>) target(%dma_start3A_120 : memref<128xf32, #tpu.memory_space<vmem>>) offsets(%dma_start3A_122 : memref<128xi32, #tpu.memory_space<vmem>>) semaphore(%arg22 : memref<!tpu.dma_semaphore, #tpu.memory_space<semaphore_mem>>)
    %dma_start3A_127 = arith.constant 128 : i32
    %dma_start3A_128 = tpu.memref_slice %arg21[%dma_start3A_127] : memref<512xf32, #tpu.memory_space<vmem>> -> memref<128xf32, #tpu.memory_space<vmem>>
    %dma_start3A_129 = arith.constant 128 : i32
    %dma_start3A_130 = tpu.memref_slice %arg13[%dma_start3A_129] : memref<512xi32, #tpu.memory_space<vmem>> -> memref<128xi32, #tpu.memory_space<vmem>>
    %dma_start3A_131 = arith.constant 896 : i32
    %dma_start3A_132 = tpu.memref_slice %arg3[%dma_start3A_131] : memref<801792xf32, #tpu.memory_space<hbm>> -> memref<800768xf32, #tpu.memory_space<hbm>>
    %dma_start3A_133 = arith.constant 0 : i32
    %dma_start3A_134 = tpu.memref_slice %dma_start3A_132[%dma_start3A_133] : memref<800768xf32, #tpu.memory_space<hbm>> -> memref<800768xf32, #tpu.memory_space<hbm>>
    tpu.enqueue_indirect_dma source(%dma_start3A_134 : memref<800768xf32, #tpu.memory_space<hbm>>) target(%dma_start3A_128 : memref<128xf32, #tpu.memory_space<vmem>>) offsets(%dma_start3A_130 : memref<128xi32, #tpu.memory_space<vmem>>) semaphore(%arg22 : memref<!tpu.dma_semaphore, #tpu.memory_space<semaphore_mem>>)
    %dma_start3A_135 = arith.constant 256 : i32
    %dma_start3A_136 = tpu.memref_slice %arg14[%dma_start3A_135] : memref<512xf32, #tpu.memory_space<vmem>> -> memref<128xf32, #tpu.memory_space<vmem>>
    %dma_start3A_137 = arith.constant 256 : i32
    %dma_start3A_138 = tpu.memref_slice %arg13[%dma_start3A_137] : memref<512xi32, #tpu.memory_space<vmem>> -> memref<128xi32, #tpu.memory_space<vmem>>
    %dma_start3A_139 = arith.constant 0 : i32
    %dma_start3A_140 = tpu.memref_slice %arg3[%dma_start3A_139] : memref<801792xf32, #tpu.memory_space<hbm>> -> memref<800768xf32, #tpu.memory_space<hbm>>
    %dma_start3A_141 = arith.constant 0 : i32
    %dma_start3A_142 = tpu.memref_slice %dma_start3A_140[%dma_start3A_141] : memref<800768xf32, #tpu.memory_space<hbm>> -> memref<800768xf32, #tpu.memory_space<hbm>>
    tpu.enqueue_indirect_dma source(%dma_start3A_142 : memref<800768xf32, #tpu.memory_space<hbm>>) target(%dma_start3A_136 : memref<128xf32, #tpu.memory_space<vmem>>) offsets(%dma_start3A_138 : memref<128xi32, #tpu.memory_space<vmem>>) semaphore(%arg22 : memref<!tpu.dma_semaphore, #tpu.memory_space<semaphore_mem>>)
    %dma_start3A_143 = arith.constant 256 : i32
    %dma_start3A_144 = tpu.memref_slice %arg15[%dma_start3A_143] : memref<512xf32, #tpu.memory_space<vmem>> -> memref<128xf32, #tpu.memory_space<vmem>>
    %dma_start3A_145 = arith.constant 256 : i32
    %dma_start3A_146 = tpu.memref_slice %arg13[%dma_start3A_145] : memref<512xi32, #tpu.memory_space<vmem>> -> memref<128xi32, #tpu.memory_space<vmem>>
    %dma_start3A_147 = arith.constant 128 : i32
    %dma_start3A_148 = tpu.memref_slice %arg3[%dma_start3A_147] : memref<801792xf32, #tpu.memory_space<hbm>> -> memref<800768xf32, #tpu.memory_space<hbm>>
    %dma_start3A_149 = arith.constant 0 : i32
    %dma_start3A_150 = tpu.memref_slice %dma_start3A_148[%dma_start3A_149] : memref<800768xf32, #tpu.memory_space<hbm>> -> memref<800768xf32, #tpu.memory_space<hbm>>
    tpu.enqueue_indirect_dma source(%dma_start3A_150 : memref<800768xf32, #tpu.memory_space<hbm>>) target(%dma_start3A_144 : memref<128xf32, #tpu.memory_space<vmem>>) offsets(%dma_start3A_146 : memref<128xi32, #tpu.memory_space<vmem>>) semaphore(%arg22 : memref<!tpu.dma_semaphore, #tpu.memory_space<semaphore_mem>>)
    %dma_start3A_151 = arith.constant 256 : i32
    %dma_start3A_152 = tpu.memref_slice %arg16[%dma_start3A_151] : memref<512xf32, #tpu.memory_space<vmem>> -> memref<128xf32, #tpu.memory_space<vmem>>
    %dma_start3A_153 = arith.constant 256 : i32
    %dma_start3A_154 = tpu.memref_slice %arg13[%dma_start3A_153] : memref<512xi32, #tpu.memory_space<vmem>> -> memref<128xi32, #tpu.memory_space<vmem>>
    %dma_start3A_155 = arith.constant 256 : i32
    %dma_start3A_156 = tpu.memref_slice %arg3[%dma_start3A_155] : memref<801792xf32, #tpu.memory_space<hbm>> -> memref<800768xf32, #tpu.memory_space<hbm>>
    %dma_start3A_157 = arith.constant 0 : i32
    %dma_start3A_158 = tpu.memref_slice %dma_start3A_156[%dma_start3A_157] : memref<800768xf32, #tpu.memory_space<hbm>> -> memref<800768xf32, #tpu.memory_space<hbm>>
    tpu.enqueue_indirect_dma source(%dma_start3A_158 : memref<800768xf32, #tpu.memory_space<hbm>>) target(%dma_start3A_152 : memref<128xf32, #tpu.memory_space<vmem>>) offsets(%dma_start3A_154 : memref<128xi32, #tpu.memory_space<vmem>>) semaphore(%arg22 : memref<!tpu.dma_semaphore, #tpu.memory_space<semaphore_mem>>)
    %dma_start3A_159 = arith.constant 256 : i32
    %dma_start3A_160 = tpu.memref_slice %arg17[%dma_start3A_159] : memref<512xf32, #tpu.memory_space<vmem>> -> memref<128xf32, #tpu.memory_space<vmem>>
    %dma_start3A_161 = arith.constant 256 : i32
    %dma_start3A_162 = tpu.memref_slice %arg13[%dma_start3A_161] : memref<512xi32, #tpu.memory_space<vmem>> -> memref<128xi32, #tpu.memory_space<vmem>>
    %dma_start3A_163 = arith.constant 384 : i32
    %dma_start3A_164 = tpu.memref_slice %arg3[%dma_start3A_163] : memref<801792xf32, #tpu.memory_space<hbm>> -> memref<800768xf32, #tpu.memory_space<hbm>>
    %dma_start3A_165 = arith.constant 0 : i32
    %dma_start3A_166 = tpu.memref_slice %dma_start3A_164[%dma_start3A_165] : memref<800768xf32, #tpu.memory_space<hbm>> -> memref<800768xf32, #tpu.memory_space<hbm>>
    tpu.enqueue_indirect_dma source(%dma_start3A_166 : memref<800768xf32, #tpu.memory_space<hbm>>) target(%dma_start3A_160 : memref<128xf32, #tpu.memory_space<vmem>>) offsets(%dma_start3A_162 : memref<128xi32, #tpu.memory_space<vmem>>) semaphore(%arg22 : memref<!tpu.dma_semaphore, #tpu.memory_space<semaphore_mem>>)
    %dma_start3A_167 = arith.constant 256 : i32
    %dma_start3A_168 = tpu.memref_slice %arg18[%dma_start3A_167] : memref<512xf32, #tpu.memory_space<vmem>> -> memref<128xf32, #tpu.memory_space<vmem>>
    %dma_start3A_169 = arith.constant 256 : i32
    %dma_start3A_170 = tpu.memref_slice %arg13[%dma_start3A_169] : memref<512xi32, #tpu.memory_space<vmem>> -> memref<128xi32, #tpu.memory_space<vmem>>
    %dma_start3A_171 = arith.constant 512 : i32
    %dma_start3A_172 = tpu.memref_slice %arg3[%dma_start3A_171] : memref<801792xf32, #tpu.memory_space<hbm>> -> memref<800768xf32, #tpu.memory_space<hbm>>
    %dma_start3A_173 = arith.constant 0 : i32
    %dma_start3A_174 = tpu.memref_slice %dma_start3A_172[%dma_start3A_173] : memref<800768xf32, #tpu.memory_space<hbm>> -> memref<800768xf32, #tpu.memory_space<hbm>>
    tpu.enqueue_indirect_dma source(%dma_start3A_174 : memref<800768xf32, #tpu.memory_space<hbm>>) target(%dma_start3A_168 : memref<128xf32, #tpu.memory_space<vmem>>) offsets(%dma_start3A_170 : memref<128xi32, #tpu.memory_space<vmem>>) semaphore(%arg22 : memref<!tpu.dma_semaphore, #tpu.memory_space<semaphore_mem>>)
    %dma_start3A_175 = arith.constant 256 : i32
    %dma_start3A_176 = tpu.memref_slice %arg19[%dma_start3A_175] : memref<512xf32, #tpu.memory_space<vmem>> -> memref<128xf32, #tpu.memory_space<vmem>>
    %dma_start3A_177 = arith.constant 256 : i32
    %dma_start3A_178 = tpu.memref_slice %arg13[%dma_start3A_177] : memref<512xi32, #tpu.memory_space<vmem>> -> memref<128xi32, #tpu.memory_space<vmem>>
    %dma_start3A_179 = arith.constant 640 : i32
    %dma_start3A_180 = tpu.memref_slice %arg3[%dma_start3A_179] : memref<801792xf32, #tpu.memory_space<hbm>> -> memref<800768xf32, #tpu.memory_space<hbm>>
    %dma_start3A_181 = arith.constant 0 : i32
    %dma_start3A_182 = tpu.memref_slice %dma_start3A_180[%dma_start3A_181] : memref<800768xf32, #tpu.memory_space<hbm>> -> memref<800768xf32, #tpu.memory_space<hbm>>
    tpu.enqueue_indirect_dma source(%dma_start3A_182 : memref<800768xf32, #tpu.memory_space<hbm>>) target(%dma_start3A_176 : memref<128xf32, #tpu.memory_space<vmem>>) offsets(%dma_start3A_178 : memref<128xi32, #tpu.memory_space<vmem>>) semaphore(%arg22 : memref<!tpu.dma_semaphore, #tpu.memory_space<semaphore_mem>>)
    %dma_start3A_183 = arith.constant 256 : i32
    %dma_start3A_184 = tpu.memref_slice %arg20[%dma_start3A_183] : memref<512xf32, #tpu.memory_space<vmem>> -> memref<128xf32, #tpu.memory_space<vmem>>
    %dma_start3A_185 = arith.constant 256 : i32
    %dma_start3A_186 = tpu.memref_slice %arg13[%dma_start3A_185] : memref<512xi32, #tpu.memory_space<vmem>> -> memref<128xi32, #tpu.memory_space<vmem>>
    %dma_start3A_187 = arith.constant 768 : i32
    %dma_start3A_188 = tpu.memref_slice %arg3[%dma_start3A_187] : memref<801792xf32, #tpu.memory_space<hbm>> -> memref<800768xf32, #tpu.memory_space<hbm>>
    %dma_start3A_189 = arith.constant 0 : i32
    %dma_start3A_190 = tpu.memref_slice %dma_start3A_188[%dma_start3A_189] : memref<800768xf32, #tpu.memory_space<hbm>> -> memref<800768xf32, #tpu.memory_space<hbm>>
    tpu.enqueue_indirect_dma source(%dma_start3A_190 : memref<800768xf32, #tpu.memory_space<hbm>>) target(%dma_start3A_184 : memref<128xf32, #tpu.memory_space<vmem>>) offsets(%dma_start3A_186 : memref<128xi32, #tpu.memory_space<vmem>>) semaphore(%arg22 : memref<!tpu.dma_semaphore, #tpu.memory_space<semaphore_mem>>)
    %dma_start3A_191 = arith.constant 256 : i32
    %dma_start3A_192 = tpu.memref_slice %arg21[%dma_start3A_191] : memref<512xf32, #tpu.memory_space<vmem>> -> memref<128xf32, #tpu.memory_space<vmem>>
    %dma_start3A_193 = arith.constant 256 : i32
    %dma_start3A_194 = tpu.memref_slice %arg13[%dma_start3A_193] : memref<512xi32, #tpu.memory_space<vmem>> -> memref<128xi32, #tpu.memory_space<vmem>>
    %dma_start3A_195 = arith.constant 896 : i32
    %dma_start3A_196 = tpu.memref_slice %arg3[%dma_start3A_195] : memref<801792xf32, #tpu.memory_space<hbm>> -> memref<800768xf32, #tpu.memory_space<hbm>>
    %dma_start3A_197 = arith.constant 0 : i32
    %dma_start3A_198 = tpu.memref_slice %dma_start3A_196[%dma_start3A_197] : memref<800768xf32, #tpu.memory_space<hbm>> -> memref<800768xf32, #tpu.memory_space<hbm>>
    tpu.enqueue_indirect_dma source(%dma_start3A_198 : memref<800768xf32, #tpu.memory_space<hbm>>) target(%dma_start3A_192 : memref<128xf32, #tpu.memory_space<vmem>>) offsets(%dma_start3A_194 : memref<128xi32, #tpu.memory_space<vmem>>) semaphore(%arg22 : memref<!tpu.dma_semaphore, #tpu.memory_space<semaphore_mem>>)
    %dma_start3A_199 = arith.constant 384 : i32
    %dma_start3A_200 = tpu.memref_slice %arg14[%dma_start3A_199] : memref<512xf32, #tpu.memory_space<vmem>> -> memref<128xf32, #tpu.memory_space<vmem>>
    %dma_start3A_201 = arith.constant 384 : i32
    %dma_start3A_202 = tpu.memref_slice %arg13[%dma_start3A_201] : memref<512xi32, #tpu.memory_space<vmem>> -> memref<128xi32, #tpu.memory_space<vmem>>
    %dma_start3A_203 = arith.constant 0 : i32
    %dma_start3A_204 = tpu.memref_slice %arg3[%dma_start3A_203] : memref<801792xf32, #tpu.memory_space<hbm>> -> memref<800768xf32, #tpu.memory_space<hbm>>
    %dma_start3A_205 = arith.constant 0 : i32
    %dma_start3A_206 = tpu.memref_slice %dma_start3A_204[%dma_start3A_205] : memref<800768xf32, #tpu.memory_space<hbm>> -> memref<800768xf32, #tpu.memory_space<hbm>>
    tpu.enqueue_indirect_dma source(%dma_start3A_206 : memref<800768xf32, #tpu.memory_space<hbm>>) target(%dma_start3A_200 : memref<128xf32, #tpu.memory_space<vmem>>) offsets(%dma_start3A_202 : memref<128xi32, #tpu.memory_space<vmem>>) semaphore(%arg22 : memref<!tpu.dma_semaphore, #tpu.memory_space<semaphore_mem>>)
    %dma_start3A_207 = arith.constant 384 : i32
    %dma_start3A_208 = tpu.memref_slice %arg15[%dma_start3A_207] : memref<512xf32, #tpu.memory_space<vmem>> -> memref<128xf32, #tpu.memory_space<vmem>>
    %dma_start3A_209 = arith.constant 384 : i32
    %dma_start3A_210 = tpu.memref_slice %arg13[%dma_start3A_209] : memref<512xi32, #tpu.memory_space<vmem>> -> memref<128xi32, #tpu.memory_space<vmem>>
    %dma_start3A_211 = arith.constant 128 : i32
    %dma_start3A_212 = tpu.memref_slice %arg3[%dma_start3A_211] : memref<801792xf32, #tpu.memory_space<hbm>> -> memref<800768xf32, #tpu.memory_space<hbm>>
    %dma_start3A_213 = arith.constant 0 : i32
    %dma_start3A_214 = tpu.memref_slice %dma_start3A_212[%dma_start3A_213] : memref<800768xf32, #tpu.memory_space<hbm>> -> memref<800768xf32, #tpu.memory_space<hbm>>
    tpu.enqueue_indirect_dma source(%dma_start3A_214 : memref<800768xf32, #tpu.memory_space<hbm>>) target(%dma_start3A_208 : memref<128xf32, #tpu.memory_space<vmem>>) offsets(%dma_start3A_210 : memref<128xi32, #tpu.memory_space<vmem>>) semaphore(%arg22 : memref<!tpu.dma_semaphore, #tpu.memory_space<semaphore_mem>>)
    %dma_start3A_215 = arith.constant 384 : i32
    %dma_start3A_216 = tpu.memref_slice %arg16[%dma_start3A_215] : memref<512xf32, #tpu.memory_space<vmem>> -> memref<128xf32, #tpu.memory_space<vmem>>
    %dma_start3A_217 = arith.constant 384 : i32
    %dma_start3A_218 = tpu.memref_slice %arg13[%dma_start3A_217] : memref<512xi32, #tpu.memory_space<vmem>> -> memref<128xi32, #tpu.memory_space<vmem>>
    %dma_start3A_219 = arith.constant 256 : i32
    %dma_start3A_220 = tpu.memref_slice %arg3[%dma_start3A_219] : memref<801792xf32, #tpu.memory_space<hbm>> -> memref<800768xf32, #tpu.memory_space<hbm>>
    %dma_start3A_221 = arith.constant 0 : i32
    %dma_start3A_222 = tpu.memref_slice %dma_start3A_220[%dma_start3A_221] : memref<800768xf32, #tpu.memory_space<hbm>> -> memref<800768xf32, #tpu.memory_space<hbm>>
    tpu.enqueue_indirect_dma source(%dma_start3A_222 : memref<800768xf32, #tpu.memory_space<hbm>>) target(%dma_start3A_216 : memref<128xf32, #tpu.memory_space<vmem>>) offsets(%dma_start3A_218 : memref<128xi32, #tpu.memory_space<vmem>>) semaphore(%arg22 : memref<!tpu.dma_semaphore, #tpu.memory_space<semaphore_mem>>)
    %dma_start3A_223 = arith.constant 384 : i32
    %dma_start3A_224 = tpu.memref_slice %arg17[%dma_start3A_223] : memref<512xf32, #tpu.memory_space<vmem>> -> memref<128xf32, #tpu.memory_space<vmem>>
    %dma_start3A_225 = arith.constant 384 : i32
    %dma_start3A_226 = tpu.memref_slice %arg13[%dma_start3A_225] : memref<512xi32, #tpu.memory_space<vmem>> -> memref<128xi32, #tpu.memory_space<vmem>>
    %dma_start3A_227 = arith.constant 384 : i32
    %dma_start3A_228 = tpu.memref_slice %arg3[%dma_start3A_227] : memref<801792xf32, #tpu.memory_space<hbm>> -> memref<800768xf32, #tpu.memory_space<hbm>>
    %dma_start3A_229 = arith.constant 0 : i32
    %dma_start3A_230 = tpu.memref_slice %dma_start3A_228[%dma_start3A_229] : memref<800768xf32, #tpu.memory_space<hbm>> -> memref<800768xf32, #tpu.memory_space<hbm>>
    tpu.enqueue_indirect_dma source(%dma_start3A_230 : memref<800768xf32, #tpu.memory_space<hbm>>) target(%dma_start3A_224 : memref<128xf32, #tpu.memory_space<vmem>>) offsets(%dma_start3A_226 : memref<128xi32, #tpu.memory_space<vmem>>) semaphore(%arg22 : memref<!tpu.dma_semaphore, #tpu.memory_space<semaphore_mem>>)
    %dma_start3A_231 = arith.constant 384 : i32
    %dma_start3A_232 = tpu.memref_slice %arg18[%dma_start3A_231] : memref<512xf32, #tpu.memory_space<vmem>> -> memref<128xf32, #tpu.memory_space<vmem>>
    %dma_start3A_233 = arith.constant 384 : i32
    %dma_start3A_234 = tpu.memref_slice %arg13[%dma_start3A_233] : memref<512xi32, #tpu.memory_space<vmem>> -> memref<128xi32, #tpu.memory_space<vmem>>
    %dma_start3A_235 = arith.constant 512 : i32
    %dma_start3A_236 = tpu.memref_slice %arg3[%dma_start3A_235] : memref<801792xf32, #tpu.memory_space<hbm>> -> memref<800768xf32, #tpu.memory_space<hbm>>
    %dma_start3A_237 = arith.constant 0 : i32
    %dma_start3A_238 = tpu.memref_slice %dma_start3A_236[%dma_start3A_237] : memref<800768xf32, #tpu.memory_space<hbm>> -> memref<800768xf32, #tpu.memory_space<hbm>>
    tpu.enqueue_indirect_dma source(%dma_start3A_238 : memref<800768xf32, #tpu.memory_space<hbm>>) target(%dma_start3A_232 : memref<128xf32, #tpu.memory_space<vmem>>) offsets(%dma_start3A_234 : memref<128xi32, #tpu.memory_space<vmem>>) semaphore(%arg22 : memref<!tpu.dma_semaphore, #tpu.memory_space<semaphore_mem>>)
    %dma_start3A_239 = arith.constant 384 : i32
    %dma_start3A_240 = tpu.memref_slice %arg19[%dma_start3A_239] : memref<512xf32, #tpu.memory_space<vmem>> -> memref<128xf32, #tpu.memory_space<vmem>>
    %dma_start3A_241 = arith.constant 384 : i32
    %dma_start3A_242 = tpu.memref_slice %arg13[%dma_start3A_241] : memref<512xi32, #tpu.memory_space<vmem>> -> memref<128xi32, #tpu.memory_space<vmem>>
    %dma_start3A_243 = arith.constant 640 : i32
    %dma_start3A_244 = tpu.memref_slice %arg3[%dma_start3A_243] : memref<801792xf32, #tpu.memory_space<hbm>> -> memref<800768xf32, #tpu.memory_space<hbm>>
    %dma_start3A_245 = arith.constant 0 : i32
    %dma_start3A_246 = tpu.memref_slice %dma_start3A_244[%dma_start3A_245] : memref<800768xf32, #tpu.memory_space<hbm>> -> memref<800768xf32, #tpu.memory_space<hbm>>
    tpu.enqueue_indirect_dma source(%dma_start3A_246 : memref<800768xf32, #tpu.memory_space<hbm>>) target(%dma_start3A_240 : memref<128xf32, #tpu.memory_space<vmem>>) offsets(%dma_start3A_242 : memref<128xi32, #tpu.memory_space<vmem>>) semaphore(%arg22 : memref<!tpu.dma_semaphore, #tpu.memory_space<semaphore_mem>>)
    %dma_start3A_247 = arith.constant 384 : i32
    %dma_start3A_248 = tpu.memref_slice %arg20[%dma_start3A_247] : memref<512xf32, #tpu.memory_space<vmem>> -> memref<128xf32, #tpu.memory_space<vmem>>
    %dma_start3A_249 = arith.constant 384 : i32
    %dma_start3A_250 = tpu.memref_slice %arg13[%dma_start3A_249] : memref<512xi32, #tpu.memory_space<vmem>> -> memref<128xi32, #tpu.memory_space<vmem>>
    %dma_start3A_251 = arith.constant 768 : i32
    %dma_start3A_252 = tpu.memref_slice %arg3[%dma_start3A_251] : memref<801792xf32, #tpu.memory_space<hbm>> -> memref<800768xf32, #tpu.memory_space<hbm>>
    %dma_start3A_253 = arith.constant 0 : i32
    %dma_start3A_254 = tpu.memref_slice %dma_start3A_252[%dma_start3A_253] : memref<800768xf32, #tpu.memory_space<hbm>> -> memref<800768xf32, #tpu.memory_space<hbm>>
    tpu.enqueue_indirect_dma source(%dma_start3A_254 : memref<800768xf32, #tpu.memory_space<hbm>>) target(%dma_start3A_248 : memref<128xf32, #tpu.memory_space<vmem>>) offsets(%dma_start3A_250 : memref<128xi32, #tpu.memory_space<vmem>>) semaphore(%arg22 : memref<!tpu.dma_semaphore, #tpu.memory_space<semaphore_mem>>)
    %dma_start3A_255 = arith.constant 384 : i32
    %dma_start3A_256 = tpu.memref_slice %arg21[%dma_start3A_255] : memref<512xf32, #tpu.memory_space<vmem>> -> memref<128xf32, #tpu.memory_space<vmem>>
    %dma_start3A_257 = arith.constant 384 : i32
    %dma_start3A_258 = tpu.memref_slice %arg13[%dma_start3A_257] : memref<512xi32, #tpu.memory_space<vmem>> -> memref<128xi32, #tpu.memory_space<vmem>>
    %dma_start3A_259 = arith.constant 896 : i32
    %dma_start3A_260 = tpu.memref_slice %arg3[%dma_start3A_259] : memref<801792xf32, #tpu.memory_space<hbm>> -> memref<800768xf32, #tpu.memory_space<hbm>>
    %dma_start3A_261 = arith.constant 0 : i32
    %dma_start3A_262 = tpu.memref_slice %dma_start3A_260[%dma_start3A_261] : memref<800768xf32, #tpu.memory_space<hbm>> -> memref<800768xf32, #tpu.memory_space<hbm>>
    tpu.enqueue_indirect_dma source(%dma_start3A_262 : memref<800768xf32, #tpu.memory_space<hbm>>) target(%dma_start3A_256 : memref<128xf32, #tpu.memory_space<vmem>>) offsets(%dma_start3A_258 : memref<128xi32, #tpu.memory_space<vmem>>) semaphore(%arg22 : memref<!tpu.dma_semaphore, #tpu.memory_space<semaphore_mem>>)
    %dma_wait3A = arith.constant 0 : i32
    %dma_wait3A_263 = tpu.memref_slice %arg14[%dma_wait3A] : memref<512xf32, #tpu.memory_space<vmem>> -> memref<128xf32, #tpu.memory_space<vmem>>
    %dma_wait3A_264 = arith.constant 0 : i32
    %dma_wait3A_265 = tpu.memref_slice %arg13[%dma_wait3A_264] : memref<512xi32, #tpu.memory_space<vmem>> -> memref<128xi32, #tpu.memory_space<vmem>>
    %dma_wait3A_266 = arith.constant 0 : i32
    %dma_wait3A_267 = tpu.memref_slice %arg3[%dma_wait3A_266] : memref<801792xf32, #tpu.memory_space<hbm>> -> memref<800768xf32, #tpu.memory_space<hbm>>
    %dma_wait3A_268 = arith.constant 0 : i32
    %dma_wait3A_269 = tpu.memref_slice %dma_wait3A_267[%dma_wait3A_268] : memref<800768xf32, #tpu.memory_space<hbm>> -> memref<800768xf32, #tpu.memory_space<hbm>>
    tpu.wait_indirect_dma semaphore(%arg22 : memref<!tpu.dma_semaphore, #tpu.memory_space<semaphore_mem>>) src(%dma_wait3A_269 : memref<800768xf32, #tpu.memory_space<hbm>>) dst(%dma_wait3A_263 : memref<128xf32, #tpu.memory_space<vmem>>)
    %dma_wait3A_270 = arith.constant 0 : i32
    %dma_wait3A_271 = tpu.memref_slice %arg15[%dma_wait3A_270] : memref<512xf32, #tpu.memory_space<vmem>> -> memref<128xf32, #tpu.memory_space<vmem>>
    %dma_wait3A_272 = arith.constant 0 : i32
    %dma_wait3A_273 = tpu.memref_slice %arg13[%dma_wait3A_272] : memref<512xi32, #tpu.memory_space<vmem>> -> memref<128xi32, #tpu.memory_space<vmem>>
    %dma_wait3A_274 = arith.constant 128 : i32
    %dma_wait3A_275 = tpu.memref_slice %arg3[%dma_wait3A_274] : memref<801792xf32, #tpu.memory_space<hbm>> -> memref<800768xf32, #tpu.memory_space<hbm>>
    %dma_wait3A_276 = arith.constant 0 : i32
    %dma_wait3A_277 = tpu.memref_slice %dma_wait3A_275[%dma_wait3A_276] : memref<800768xf32, #tpu.memory_space<hbm>> -> memref<800768xf32, #tpu.memory_space<hbm>>
    tpu.wait_indirect_dma semaphore(%arg22 : memref<!tpu.dma_semaphore, #tpu.memory_space<semaphore_mem>>) src(%dma_wait3A_277 : memref<800768xf32, #tpu.memory_space<hbm>>) dst(%dma_wait3A_271 : memref<128xf32, #tpu.memory_space<vmem>>)
    %dma_wait3A_278 = arith.constant 0 : i32
    %dma_wait3A_279 = tpu.memref_slice %arg16[%dma_wait3A_278] : memref<512xf32, #tpu.memory_space<vmem>> -> memref<128xf32, #tpu.memory_space<vmem>>
    %dma_wait3A_280 = arith.constant 0 : i32
    %dma_wait3A_281 = tpu.memref_slice %arg13[%dma_wait3A_280] : memref<512xi32, #tpu.memory_space<vmem>> -> memref<128xi32, #tpu.memory_space<vmem>>
    %dma_wait3A_282 = arith.constant 256 : i32
    %dma_wait3A_283 = tpu.memref_slice %arg3[%dma_wait3A_282] : memref<801792xf32, #tpu.memory_space<hbm>> -> memref<800768xf32, #tpu.memory_space<hbm>>
    %dma_wait3A_284 = arith.constant 0 : i32
    %dma_wait3A_285 = tpu.memref_slice %dma_wait3A_283[%dma_wait3A_284] : memref<800768xf32, #tpu.memory_space<hbm>> -> memref<800768xf32, #tpu.memory_space<hbm>>
    tpu.wait_indirect_dma semaphore(%arg22 : memref<!tpu.dma_semaphore, #tpu.memory_space<semaphore_mem>>) src(%dma_wait3A_285 : memref<800768xf32, #tpu.memory_space<hbm>>) dst(%dma_wait3A_279 : memref<128xf32, #tpu.memory_space<vmem>>)
    %dma_wait3A_286 = arith.constant 0 : i32
    %dma_wait3A_287 = tpu.memref_slice %arg17[%dma_wait3A_286] : memref<512xf32, #tpu.memory_space<vmem>> -> memref<128xf32, #tpu.memory_space<vmem>>
    %dma_wait3A_288 = arith.constant 0 : i32
    %dma_wait3A_289 = tpu.memref_slice %arg13[%dma_wait3A_288] : memref<512xi32, #tpu.memory_space<vmem>> -> memref<128xi32, #tpu.memory_space<vmem>>
    %dma_wait3A_290 = arith.constant 384 : i32
    %dma_wait3A_291 = tpu.memref_slice %arg3[%dma_wait3A_290] : memref<801792xf32, #tpu.memory_space<hbm>> -> memref<800768xf32, #tpu.memory_space<hbm>>
    %dma_wait3A_292 = arith.constant 0 : i32
    %dma_wait3A_293 = tpu.memref_slice %dma_wait3A_291[%dma_wait3A_292] : memref<800768xf32, #tpu.memory_space<hbm>> -> memref<800768xf32, #tpu.memory_space<hbm>>
    tpu.wait_indirect_dma semaphore(%arg22 : memref<!tpu.dma_semaphore, #tpu.memory_space<semaphore_mem>>) src(%dma_wait3A_293 : memref<800768xf32, #tpu.memory_space<hbm>>) dst(%dma_wait3A_287 : memref<128xf32, #tpu.memory_space<vmem>>)
    %dma_wait3A_294 = arith.constant 0 : i32
    %dma_wait3A_295 = tpu.memref_slice %arg18[%dma_wait3A_294] : memref<512xf32, #tpu.memory_space<vmem>> -> memref<128xf32, #tpu.memory_space<vmem>>
    %dma_wait3A_296 = arith.constant 0 : i32
    %dma_wait3A_297 = tpu.memref_slice %arg13[%dma_wait3A_296] : memref<512xi32, #tpu.memory_space<vmem>> -> memref<128xi32, #tpu.memory_space<vmem>>
    %dma_wait3A_298 = arith.constant 512 : i32
    %dma_wait3A_299 = tpu.memref_slice %arg3[%dma_wait3A_298] : memref<801792xf32, #tpu.memory_space<hbm>> -> memref<800768xf32, #tpu.memory_space<hbm>>
    %dma_wait3A_300 = arith.constant 0 : i32
    %dma_wait3A_301 = tpu.memref_slice %dma_wait3A_299[%dma_wait3A_300] : memref<800768xf32, #tpu.memory_space<hbm>> -> memref<800768xf32, #tpu.memory_space<hbm>>
    tpu.wait_indirect_dma semaphore(%arg22 : memref<!tpu.dma_semaphore, #tpu.memory_space<semaphore_mem>>) src(%dma_wait3A_301 : memref<800768xf32, #tpu.memory_space<hbm>>) dst(%dma_wait3A_295 : memref<128xf32, #tpu.memory_space<vmem>>)
    %dma_wait3A_302 = arith.constant 0 : i32
    %dma_wait3A_303 = tpu.memref_slice %arg19[%dma_wait3A_302] : memref<512xf32, #tpu.memory_space<vmem>> -> memref<128xf32, #tpu.memory_space<vmem>>
    %dma_wait3A_304 = arith.constant 0 : i32
    %dma_wait3A_305 = tpu.memref_slice %arg13[%dma_wait3A_304] : memref<512xi32, #tpu.memory_space<vmem>> -> memref<128xi32, #tpu.memory_space<vmem>>
    %dma_wait3A_306 = arith.constant 640 : i32
    %dma_wait3A_307 = tpu.memref_slice %arg3[%dma_wait3A_306] : memref<801792xf32, #tpu.memory_space<hbm>> -> memref<800768xf32, #tpu.memory_space<hbm>>
    %dma_wait3A_308 = arith.constant 0 : i32
    %dma_wait3A_309 = tpu.memref_slice %dma_wait3A_307[%dma_wait3A_308] : memref<800768xf32, #tpu.memory_space<hbm>> -> memref<800768xf32, #tpu.memory_space<hbm>>
    tpu.wait_indirect_dma semaphore(%arg22 : memref<!tpu.dma_semaphore, #tpu.memory_space<semaphore_mem>>) src(%dma_wait3A_309 : memref<800768xf32, #tpu.memory_space<hbm>>) dst(%dma_wait3A_303 : memref<128xf32, #tpu.memory_space<vmem>>)
    %dma_wait3A_310 = arith.constant 0 : i32
    %dma_wait3A_311 = tpu.memref_slice %arg20[%dma_wait3A_310] : memref<512xf32, #tpu.memory_space<vmem>> -> memref<128xf32, #tpu.memory_space<vmem>>
    %dma_wait3A_312 = arith.constant 0 : i32
    %dma_wait3A_313 = tpu.memref_slice %arg13[%dma_wait3A_312] : memref<512xi32, #tpu.memory_space<vmem>> -> memref<128xi32, #tpu.memory_space<vmem>>
    %dma_wait3A_314 = arith.constant 768 : i32
    %dma_wait3A_315 = tpu.memref_slice %arg3[%dma_wait3A_314] : memref<801792xf32, #tpu.memory_space<hbm>> -> memref<800768xf32, #tpu.memory_space<hbm>>
    %dma_wait3A_316 = arith.constant 0 : i32
    %dma_wait3A_317 = tpu.memref_slice %dma_wait3A_315[%dma_wait3A_316] : memref<800768xf32, #tpu.memory_space<hbm>> -> memref<800768xf32, #tpu.memory_space<hbm>>
    tpu.wait_indirect_dma semaphore(%arg22 : memref<!tpu.dma_semaphore, #tpu.memory_space<semaphore_mem>>) src(%dma_wait3A_317 : memref<800768xf32, #tpu.memory_space<hbm>>) dst(%dma_wait3A_311 : memref<128xf32, #tpu.memory_space<vmem>>)
    %dma_wait3A_318 = arith.constant 0 : i32
    %dma_wait3A_319 = tpu.memref_slice %arg21[%dma_wait3A_318] : memref<512xf32, #tpu.memory_space<vmem>> -> memref<128xf32, #tpu.memory_space<vmem>>
    %dma_wait3A_320 = arith.constant 0 : i32
    %dma_wait3A_321 = tpu.memref_slice %arg13[%dma_wait3A_320] : memref<512xi32, #tpu.memory_space<vmem>> -> memref<128xi32, #tpu.memory_space<vmem>>
    %dma_wait3A_322 = arith.constant 896 : i32
    %dma_wait3A_323 = tpu.memref_slice %arg3[%dma_wait3A_322] : memref<801792xf32, #tpu.memory_space<hbm>> -> memref<800768xf32, #tpu.memory_space<hbm>>
    %dma_wait3A_324 = arith.constant 0 : i32
    %dma_wait3A_325 = tpu.memref_slice %dma_wait3A_323[%dma_wait3A_324] : memref<800768xf32, #tpu.memory_space<hbm>> -> memref<800768xf32, #tpu.memory_space<hbm>>
    tpu.wait_indirect_dma semaphore(%arg22 : memref<!tpu.dma_semaphore, #tpu.memory_space<semaphore_mem>>) src(%dma_wait3A_325 : memref<800768xf32, #tpu.memory_space<hbm>>) dst(%dma_wait3A_319 : memref<128xf32, #tpu.memory_space<vmem>>)
    %dma_wait3A_326 = arith.constant 128 : i32
    %dma_wait3A_327 = tpu.memref_slice %arg14[%dma_wait3A_326] : memref<512xf32, #tpu.memory_space<vmem>> -> memref<128xf32, #tpu.memory_space<vmem>>
    %dma_wait3A_328 = arith.constant 128 : i32
    %dma_wait3A_329 = tpu.memref_slice %arg13[%dma_wait3A_328] : memref<512xi32, #tpu.memory_space<vmem>> -> memref<128xi32, #tpu.memory_space<vmem>>
    %dma_wait3A_330 = arith.constant 0 : i32
    %dma_wait3A_331 = tpu.memref_slice %arg3[%dma_wait3A_330] : memref<801792xf32, #tpu.memory_space<hbm>> -> memref<800768xf32, #tpu.memory_space<hbm>>
    %dma_wait3A_332 = arith.constant 0 : i32
    %dma_wait3A_333 = tpu.memref_slice %dma_wait3A_331[%dma_wait3A_332] : memref<800768xf32, #tpu.memory_space<hbm>> -> memref<800768xf32, #tpu.memory_space<hbm>>
    tpu.wait_indirect_dma semaphore(%arg22 : memref<!tpu.dma_semaphore, #tpu.memory_space<semaphore_mem>>) src(%dma_wait3A_333 : memref<800768xf32, #tpu.memory_space<hbm>>) dst(%dma_wait3A_327 : memref<128xf32, #tpu.memory_space<vmem>>)
    %dma_wait3A_334 = arith.constant 128 : i32
    %dma_wait3A_335 = tpu.memref_slice %arg15[%dma_wait3A_334] : memref<512xf32, #tpu.memory_space<vmem>> -> memref<128xf32, #tpu.memory_space<vmem>>
    %dma_wait3A_336 = arith.constant 128 : i32
    %dma_wait3A_337 = tpu.memref_slice %arg13[%dma_wait3A_336] : memref<512xi32, #tpu.memory_space<vmem>> -> memref<128xi32, #tpu.memory_space<vmem>>
    %dma_wait3A_338 = arith.constant 128 : i32
    %dma_wait3A_339 = tpu.memref_slice %arg3[%dma_wait3A_338] : memref<801792xf32, #tpu.memory_space<hbm>> -> memref<800768xf32, #tpu.memory_space<hbm>>
    %dma_wait3A_340 = arith.constant 0 : i32
    %dma_wait3A_341 = tpu.memref_slice %dma_wait3A_339[%dma_wait3A_340] : memref<800768xf32, #tpu.memory_space<hbm>> -> memref<800768xf32, #tpu.memory_space<hbm>>
    tpu.wait_indirect_dma semaphore(%arg22 : memref<!tpu.dma_semaphore, #tpu.memory_space<semaphore_mem>>) src(%dma_wait3A_341 : memref<800768xf32, #tpu.memory_space<hbm>>) dst(%dma_wait3A_335 : memref<128xf32, #tpu.memory_space<vmem>>)
    %dma_wait3A_342 = arith.constant 128 : i32
    %dma_wait3A_343 = tpu.memref_slice %arg16[%dma_wait3A_342] : memref<512xf32, #tpu.memory_space<vmem>> -> memref<128xf32, #tpu.memory_space<vmem>>
    %dma_wait3A_344 = arith.constant 128 : i32
    %dma_wait3A_345 = tpu.memref_slice %arg13[%dma_wait3A_344] : memref<512xi32, #tpu.memory_space<vmem>> -> memref<128xi32, #tpu.memory_space<vmem>>
    %dma_wait3A_346 = arith.constant 256 : i32
    %dma_wait3A_347 = tpu.memref_slice %arg3[%dma_wait3A_346] : memref<801792xf32, #tpu.memory_space<hbm>> -> memref<800768xf32, #tpu.memory_space<hbm>>
    %dma_wait3A_348 = arith.constant 0 : i32
    %dma_wait3A_349 = tpu.memref_slice %dma_wait3A_347[%dma_wait3A_348] : memref<800768xf32, #tpu.memory_space<hbm>> -> memref<800768xf32, #tpu.memory_space<hbm>>
    tpu.wait_indirect_dma semaphore(%arg22 : memref<!tpu.dma_semaphore, #tpu.memory_space<semaphore_mem>>) src(%dma_wait3A_349 : memref<800768xf32, #tpu.memory_space<hbm>>) dst(%dma_wait3A_343 : memref<128xf32, #tpu.memory_space<vmem>>)
    %dma_wait3A_350 = arith.constant 128 : i32
    %dma_wait3A_351 = tpu.memref_slice %arg17[%dma_wait3A_350] : memref<512xf32, #tpu.memory_space<vmem>> -> memref<128xf32, #tpu.memory_space<vmem>>
    %dma_wait3A_352 = arith.constant 128 : i32
    %dma_wait3A_353 = tpu.memref_slice %arg13[%dma_wait3A_352] : memref<512xi32, #tpu.memory_space<vmem>> -> memref<128xi32, #tpu.memory_space<vmem>>
    %dma_wait3A_354 = arith.constant 384 : i32
    %dma_wait3A_355 = tpu.memref_slice %arg3[%dma_wait3A_354] : memref<801792xf32, #tpu.memory_space<hbm>> -> memref<800768xf32, #tpu.memory_space<hbm>>
    %dma_wait3A_356 = arith.constant 0 : i32
    %dma_wait3A_357 = tpu.memref_slice %dma_wait3A_355[%dma_wait3A_356] : memref<800768xf32, #tpu.memory_space<hbm>> -> memref<800768xf32, #tpu.memory_space<hbm>>
    tpu.wait_indirect_dma semaphore(%arg22 : memref<!tpu.dma_semaphore, #tpu.memory_space<semaphore_mem>>) src(%dma_wait3A_357 : memref<800768xf32, #tpu.memory_space<hbm>>) dst(%dma_wait3A_351 : memref<128xf32, #tpu.memory_space<vmem>>)
    %dma_wait3A_358 = arith.constant 128 : i32
    %dma_wait3A_359 = tpu.memref_slice %arg18[%dma_wait3A_358] : memref<512xf32, #tpu.memory_space<vmem>> -> memref<128xf32, #tpu.memory_space<vmem>>
    %dma_wait3A_360 = arith.constant 128 : i32
    %dma_wait3A_361 = tpu.memref_slice %arg13[%dma_wait3A_360] : memref<512xi32, #tpu.memory_space<vmem>> -> memref<128xi32, #tpu.memory_space<vmem>>
    %dma_wait3A_362 = arith.constant 512 : i32
    %dma_wait3A_363 = tpu.memref_slice %arg3[%dma_wait3A_362] : memref<801792xf32, #tpu.memory_space<hbm>> -> memref<800768xf32, #tpu.memory_space<hbm>>
    %dma_wait3A_364 = arith.constant 0 : i32
    %dma_wait3A_365 = tpu.memref_slice %dma_wait3A_363[%dma_wait3A_364] : memref<800768xf32, #tpu.memory_space<hbm>> -> memref<800768xf32, #tpu.memory_space<hbm>>
    tpu.wait_indirect_dma semaphore(%arg22 : memref<!tpu.dma_semaphore, #tpu.memory_space<semaphore_mem>>) src(%dma_wait3A_365 : memref<800768xf32, #tpu.memory_space<hbm>>) dst(%dma_wait3A_359 : memref<128xf32, #tpu.memory_space<vmem>>)
    %dma_wait3A_366 = arith.constant 128 : i32
    %dma_wait3A_367 = tpu.memref_slice %arg19[%dma_wait3A_366] : memref<512xf32, #tpu.memory_space<vmem>> -> memref<128xf32, #tpu.memory_space<vmem>>
    %dma_wait3A_368 = arith.constant 128 : i32
    %dma_wait3A_369 = tpu.memref_slice %arg13[%dma_wait3A_368] : memref<512xi32, #tpu.memory_space<vmem>> -> memref<128xi32, #tpu.memory_space<vmem>>
    %dma_wait3A_370 = arith.constant 640 : i32
    %dma_wait3A_371 = tpu.memref_slice %arg3[%dma_wait3A_370] : memref<801792xf32, #tpu.memory_space<hbm>> -> memref<800768xf32, #tpu.memory_space<hbm>>
    %dma_wait3A_372 = arith.constant 0 : i32
    %dma_wait3A_373 = tpu.memref_slice %dma_wait3A_371[%dma_wait3A_372] : memref<800768xf32, #tpu.memory_space<hbm>> -> memref<800768xf32, #tpu.memory_space<hbm>>
    tpu.wait_indirect_dma semaphore(%arg22 : memref<!tpu.dma_semaphore, #tpu.memory_space<semaphore_mem>>) src(%dma_wait3A_373 : memref<800768xf32, #tpu.memory_space<hbm>>) dst(%dma_wait3A_367 : memref<128xf32, #tpu.memory_space<vmem>>)
    %dma_wait3A_374 = arith.constant 128 : i32
    %dma_wait3A_375 = tpu.memref_slice %arg20[%dma_wait3A_374] : memref<512xf32, #tpu.memory_space<vmem>> -> memref<128xf32, #tpu.memory_space<vmem>>
    %dma_wait3A_376 = arith.constant 128 : i32
    %dma_wait3A_377 = tpu.memref_slice %arg13[%dma_wait3A_376] : memref<512xi32, #tpu.memory_space<vmem>> -> memref<128xi32, #tpu.memory_space<vmem>>
    %dma_wait3A_378 = arith.constant 768 : i32
    %dma_wait3A_379 = tpu.memref_slice %arg3[%dma_wait3A_378] : memref<801792xf32, #tpu.memory_space<hbm>> -> memref<800768xf32, #tpu.memory_space<hbm>>
    %dma_wait3A_380 = arith.constant 0 : i32
    %dma_wait3A_381 = tpu.memref_slice %dma_wait3A_379[%dma_wait3A_380] : memref<800768xf32, #tpu.memory_space<hbm>> -> memref<800768xf32, #tpu.memory_space<hbm>>
    tpu.wait_indirect_dma semaphore(%arg22 : memref<!tpu.dma_semaphore, #tpu.memory_space<semaphore_mem>>) src(%dma_wait3A_381 : memref<800768xf32, #tpu.memory_space<hbm>>) dst(%dma_wait3A_375 : memref<128xf32, #tpu.memory_space<vmem>>)
    %dma_wait3A_382 = arith.constant 128 : i32
    %dma_wait3A_383 = tpu.memref_slice %arg21[%dma_wait3A_382] : memref<512xf32, #tpu.memory_space<vmem>> -> memref<128xf32, #tpu.memory_space<vmem>>
    %dma_wait3A_384 = arith.constant 128 : i32
    %dma_wait3A_385 = tpu.memref_slice %arg13[%dma_wait3A_384] : memref<512xi32, #tpu.memory_space<vmem>> -> memref<128xi32, #tpu.memory_space<vmem>>
    %dma_wait3A_386 = arith.constant 896 : i32
    %dma_wait3A_387 = tpu.memref_slice %arg3[%dma_wait3A_386] : memref<801792xf32, #tpu.memory_space<hbm>> -> memref<800768xf32, #tpu.memory_space<hbm>>
    %dma_wait3A_388 = arith.constant 0 : i32
    %dma_wait3A_389 = tpu.memref_slice %dma_wait3A_387[%dma_wait3A_388] : memref<800768xf32, #tpu.memory_space<hbm>> -> memref<800768xf32, #tpu.memory_space<hbm>>
    tpu.wait_indirect_dma semaphore(%arg22 : memref<!tpu.dma_semaphore, #tpu.memory_space<semaphore_mem>>) src(%dma_wait3A_389 : memref<800768xf32, #tpu.memory_space<hbm>>) dst(%dma_wait3A_383 : memref<128xf32, #tpu.memory_space<vmem>>)
    %dma_wait3A_390 = arith.constant 256 : i32
    %dma_wait3A_391 = tpu.memref_slice %arg14[%dma_wait3A_390] : memref<512xf32, #tpu.memory_space<vmem>> -> memref<128xf32, #tpu.memory_space<vmem>>
    %dma_wait3A_392 = arith.constant 256 : i32
    %dma_wait3A_393 = tpu.memref_slice %arg13[%dma_wait3A_392] : memref<512xi32, #tpu.memory_space<vmem>> -> memref<128xi32, #tpu.memory_space<vmem>>
    %dma_wait3A_394 = arith.constant 0 : i32
    %dma_wait3A_395 = tpu.memref_slice %arg3[%dma_wait3A_394] : memref<801792xf32, #tpu.memory_space<hbm>> -> memref<800768xf32, #tpu.memory_space<hbm>>
    %dma_wait3A_396 = arith.constant 0 : i32
    %dma_wait3A_397 = tpu.memref_slice %dma_wait3A_395[%dma_wait3A_396] : memref<800768xf32, #tpu.memory_space<hbm>> -> memref<800768xf32, #tpu.memory_space<hbm>>
    tpu.wait_indirect_dma semaphore(%arg22 : memref<!tpu.dma_semaphore, #tpu.memory_space<semaphore_mem>>) src(%dma_wait3A_397 : memref<800768xf32, #tpu.memory_space<hbm>>) dst(%dma_wait3A_391 : memref<128xf32, #tpu.memory_space<vmem>>)
    %dma_wait3A_398 = arith.constant 256 : i32
    %dma_wait3A_399 = tpu.memref_slice %arg15[%dma_wait3A_398] : memref<512xf32, #tpu.memory_space<vmem>> -> memref<128xf32, #tpu.memory_space<vmem>>
    %dma_wait3A_400 = arith.constant 256 : i32
    %dma_wait3A_401 = tpu.memref_slice %arg13[%dma_wait3A_400] : memref<512xi32, #tpu.memory_space<vmem>> -> memref<128xi32, #tpu.memory_space<vmem>>
    %dma_wait3A_402 = arith.constant 128 : i32
    %dma_wait3A_403 = tpu.memref_slice %arg3[%dma_wait3A_402] : memref<801792xf32, #tpu.memory_space<hbm>> -> memref<800768xf32, #tpu.memory_space<hbm>>
    %dma_wait3A_404 = arith.constant 0 : i32
    %dma_wait3A_405 = tpu.memref_slice %dma_wait3A_403[%dma_wait3A_404] : memref<800768xf32, #tpu.memory_space<hbm>> -> memref<800768xf32, #tpu.memory_space<hbm>>
    tpu.wait_indirect_dma semaphore(%arg22 : memref<!tpu.dma_semaphore, #tpu.memory_space<semaphore_mem>>) src(%dma_wait3A_405 : memref<800768xf32, #tpu.memory_space<hbm>>) dst(%dma_wait3A_399 : memref<128xf32, #tpu.memory_space<vmem>>)
    %dma_wait3A_406 = arith.constant 256 : i32
    %dma_wait3A_407 = tpu.memref_slice %arg16[%dma_wait3A_406] : memref<512xf32, #tpu.memory_space<vmem>> -> memref<128xf32, #tpu.memory_space<vmem>>
    %dma_wait3A_408 = arith.constant 256 : i32
    %dma_wait3A_409 = tpu.memref_slice %arg13[%dma_wait3A_408] : memref<512xi32, #tpu.memory_space<vmem>> -> memref<128xi32, #tpu.memory_space<vmem>>
    %dma_wait3A_410 = arith.constant 256 : i32
    %dma_wait3A_411 = tpu.memref_slice %arg3[%dma_wait3A_410] : memref<801792xf32, #tpu.memory_space<hbm>> -> memref<800768xf32, #tpu.memory_space<hbm>>
    %dma_wait3A_412 = arith.constant 0 : i32
    %dma_wait3A_413 = tpu.memref_slice %dma_wait3A_411[%dma_wait3A_412] : memref<800768xf32, #tpu.memory_space<hbm>> -> memref<800768xf32, #tpu.memory_space<hbm>>
    tpu.wait_indirect_dma semaphore(%arg22 : memref<!tpu.dma_semaphore, #tpu.memory_space<semaphore_mem>>) src(%dma_wait3A_413 : memref<800768xf32, #tpu.memory_space<hbm>>) dst(%dma_wait3A_407 : memref<128xf32, #tpu.memory_space<vmem>>)
    %dma_wait3A_414 = arith.constant 256 : i32
    %dma_wait3A_415 = tpu.memref_slice %arg17[%dma_wait3A_414] : memref<512xf32, #tpu.memory_space<vmem>> -> memref<128xf32, #tpu.memory_space<vmem>>
    %dma_wait3A_416 = arith.constant 256 : i32
    %dma_wait3A_417 = tpu.memref_slice %arg13[%dma_wait3A_416] : memref<512xi32, #tpu.memory_space<vmem>> -> memref<128xi32, #tpu.memory_space<vmem>>
    %dma_wait3A_418 = arith.constant 384 : i32
    %dma_wait3A_419 = tpu.memref_slice %arg3[%dma_wait3A_418] : memref<801792xf32, #tpu.memory_space<hbm>> -> memref<800768xf32, #tpu.memory_space<hbm>>
    %dma_wait3A_420 = arith.constant 0 : i32
    %dma_wait3A_421 = tpu.memref_slice %dma_wait3A_419[%dma_wait3A_420] : memref<800768xf32, #tpu.memory_space<hbm>> -> memref<800768xf32, #tpu.memory_space<hbm>>
    tpu.wait_indirect_dma semaphore(%arg22 : memref<!tpu.dma_semaphore, #tpu.memory_space<semaphore_mem>>) src(%dma_wait3A_421 : memref<800768xf32, #tpu.memory_space<hbm>>) dst(%dma_wait3A_415 : memref<128xf32, #tpu.memory_space<vmem>>)
    %dma_wait3A_422 = arith.constant 256 : i32
    %dma_wait3A_423 = tpu.memref_slice %arg18[%dma_wait3A_422] : memref<512xf32, #tpu.memory_space<vmem>> -> memref<128xf32, #tpu.memory_space<vmem>>
    %dma_wait3A_424 = arith.constant 256 : i32
    %dma_wait3A_425 = tpu.memref_slice %arg13[%dma_wait3A_424] : memref<512xi32, #tpu.memory_space<vmem>> -> memref<128xi32, #tpu.memory_space<vmem>>
    %dma_wait3A_426 = arith.constant 512 : i32
    %dma_wait3A_427 = tpu.memref_slice %arg3[%dma_wait3A_426] : memref<801792xf32, #tpu.memory_space<hbm>> -> memref<800768xf32, #tpu.memory_space<hbm>>
    %dma_wait3A_428 = arith.constant 0 : i32
    %dma_wait3A_429 = tpu.memref_slice %dma_wait3A_427[%dma_wait3A_428] : memref<800768xf32, #tpu.memory_space<hbm>> -> memref<800768xf32, #tpu.memory_space<hbm>>
    tpu.wait_indirect_dma semaphore(%arg22 : memref<!tpu.dma_semaphore, #tpu.memory_space<semaphore_mem>>) src(%dma_wait3A_429 : memref<800768xf32, #tpu.memory_space<hbm>>) dst(%dma_wait3A_423 : memref<128xf32, #tpu.memory_space<vmem>>)
    %dma_wait3A_430 = arith.constant 256 : i32
    %dma_wait3A_431 = tpu.memref_slice %arg19[%dma_wait3A_430] : memref<512xf32, #tpu.memory_space<vmem>> -> memref<128xf32, #tpu.memory_space<vmem>>
    %dma_wait3A_432 = arith.constant 256 : i32
    %dma_wait3A_433 = tpu.memref_slice %arg13[%dma_wait3A_432] : memref<512xi32, #tpu.memory_space<vmem>> -> memref<128xi32, #tpu.memory_space<vmem>>
    %dma_wait3A_434 = arith.constant 640 : i32
    %dma_wait3A_435 = tpu.memref_slice %arg3[%dma_wait3A_434] : memref<801792xf32, #tpu.memory_space<hbm>> -> memref<800768xf32, #tpu.memory_space<hbm>>
    %dma_wait3A_436 = arith.constant 0 : i32
    %dma_wait3A_437 = tpu.memref_slice %dma_wait3A_435[%dma_wait3A_436] : memref<800768xf32, #tpu.memory_space<hbm>> -> memref<800768xf32, #tpu.memory_space<hbm>>
    tpu.wait_indirect_dma semaphore(%arg22 : memref<!tpu.dma_semaphore, #tpu.memory_space<semaphore_mem>>) src(%dma_wait3A_437 : memref<800768xf32, #tpu.memory_space<hbm>>) dst(%dma_wait3A_431 : memref<128xf32, #tpu.memory_space<vmem>>)
    %dma_wait3A_438 = arith.constant 256 : i32
    %dma_wait3A_439 = tpu.memref_slice %arg20[%dma_wait3A_438] : memref<512xf32, #tpu.memory_space<vmem>> -> memref<128xf32, #tpu.memory_space<vmem>>
    %dma_wait3A_440 = arith.constant 256 : i32
    %dma_wait3A_441 = tpu.memref_slice %arg13[%dma_wait3A_440] : memref<512xi32, #tpu.memory_space<vmem>> -> memref<128xi32, #tpu.memory_space<vmem>>
    %dma_wait3A_442 = arith.constant 768 : i32
    %dma_wait3A_443 = tpu.memref_slice %arg3[%dma_wait3A_442] : memref<801792xf32, #tpu.memory_space<hbm>> -> memref<800768xf32, #tpu.memory_space<hbm>>
    %dma_wait3A_444 = arith.constant 0 : i32
    %dma_wait3A_445 = tpu.memref_slice %dma_wait3A_443[%dma_wait3A_444] : memref<800768xf32, #tpu.memory_space<hbm>> -> memref<800768xf32, #tpu.memory_space<hbm>>
    tpu.wait_indirect_dma semaphore(%arg22 : memref<!tpu.dma_semaphore, #tpu.memory_space<semaphore_mem>>) src(%dma_wait3A_445 : memref<800768xf32, #tpu.memory_space<hbm>>) dst(%dma_wait3A_439 : memref<128xf32, #tpu.memory_space<vmem>>)
    %dma_wait3A_446 = arith.constant 256 : i32
    %dma_wait3A_447 = tpu.memref_slice %arg21[%dma_wait3A_446] : memref<512xf32, #tpu.memory_space<vmem>> -> memref<128xf32, #tpu.memory_space<vmem>>
    %dma_wait3A_448 = arith.constant 256 : i32
    %dma_wait3A_449 = tpu.memref_slice %arg13[%dma_wait3A_448] : memref<512xi32, #tpu.memory_space<vmem>> -> memref<128xi32, #tpu.memory_space<vmem>>
    %dma_wait3A_450 = arith.constant 896 : i32
    %dma_wait3A_451 = tpu.memref_slice %arg3[%dma_wait3A_450] : memref<801792xf32, #tpu.memory_space<hbm>> -> memref<800768xf32, #tpu.memory_space<hbm>>
    %dma_wait3A_452 = arith.constant 0 : i32
    %dma_wait3A_453 = tpu.memref_slice %dma_wait3A_451[%dma_wait3A_452] : memref<800768xf32, #tpu.memory_space<hbm>> -> memref<800768xf32, #tpu.memory_space<hbm>>
    tpu.wait_indirect_dma semaphore(%arg22 : memref<!tpu.dma_semaphore, #tpu.memory_space<semaphore_mem>>) src(%dma_wait3A_453 : memref<800768xf32, #tpu.memory_space<hbm>>) dst(%dma_wait3A_447 : memref<128xf32, #tpu.memory_space<vmem>>)
    %dma_wait3A_454 = arith.constant 384 : i32
    %dma_wait3A_455 = tpu.memref_slice %arg14[%dma_wait3A_454] : memref<512xf32, #tpu.memory_space<vmem>> -> memref<128xf32, #tpu.memory_space<vmem>>
    %dma_wait3A_456 = arith.constant 384 : i32
    %dma_wait3A_457 = tpu.memref_slice %arg13[%dma_wait3A_456] : memref<512xi32, #tpu.memory_space<vmem>> -> memref<128xi32, #tpu.memory_space<vmem>>
    %dma_wait3A_458 = arith.constant 0 : i32
    %dma_wait3A_459 = tpu.memref_slice %arg3[%dma_wait3A_458] : memref<801792xf32, #tpu.memory_space<hbm>> -> memref<800768xf32, #tpu.memory_space<hbm>>
    %dma_wait3A_460 = arith.constant 0 : i32
    %dma_wait3A_461 = tpu.memref_slice %dma_wait3A_459[%dma_wait3A_460] : memref<800768xf32, #tpu.memory_space<hbm>> -> memref<800768xf32, #tpu.memory_space<hbm>>
    tpu.wait_indirect_dma semaphore(%arg22 : memref<!tpu.dma_semaphore, #tpu.memory_space<semaphore_mem>>) src(%dma_wait3A_461 : memref<800768xf32, #tpu.memory_space<hbm>>) dst(%dma_wait3A_455 : memref<128xf32, #tpu.memory_space<vmem>>)
    %dma_wait3A_462 = arith.constant 384 : i32
    %dma_wait3A_463 = tpu.memref_slice %arg15[%dma_wait3A_462] : memref<512xf32, #tpu.memory_space<vmem>> -> memref<128xf32, #tpu.memory_space<vmem>>
    %dma_wait3A_464 = arith.constant 384 : i32
    %dma_wait3A_465 = tpu.memref_slice %arg13[%dma_wait3A_464] : memref<512xi32, #tpu.memory_space<vmem>> -> memref<128xi32, #tpu.memory_space<vmem>>
    %dma_wait3A_466 = arith.constant 128 : i32
    %dma_wait3A_467 = tpu.memref_slice %arg3[%dma_wait3A_466] : memref<801792xf32, #tpu.memory_space<hbm>> -> memref<800768xf32, #tpu.memory_space<hbm>>
    %dma_wait3A_468 = arith.constant 0 : i32
    %dma_wait3A_469 = tpu.memref_slice %dma_wait3A_467[%dma_wait3A_468] : memref<800768xf32, #tpu.memory_space<hbm>> -> memref<800768xf32, #tpu.memory_space<hbm>>
    tpu.wait_indirect_dma semaphore(%arg22 : memref<!tpu.dma_semaphore, #tpu.memory_space<semaphore_mem>>) src(%dma_wait3A_469 : memref<800768xf32, #tpu.memory_space<hbm>>) dst(%dma_wait3A_463 : memref<128xf32, #tpu.memory_space<vmem>>)
    %dma_wait3A_470 = arith.constant 384 : i32
    %dma_wait3A_471 = tpu.memref_slice %arg16[%dma_wait3A_470] : memref<512xf32, #tpu.memory_space<vmem>> -> memref<128xf32, #tpu.memory_space<vmem>>
    %dma_wait3A_472 = arith.constant 384 : i32
    %dma_wait3A_473 = tpu.memref_slice %arg13[%dma_wait3A_472] : memref<512xi32, #tpu.memory_space<vmem>> -> memref<128xi32, #tpu.memory_space<vmem>>
    %dma_wait3A_474 = arith.constant 256 : i32
    %dma_wait3A_475 = tpu.memref_slice %arg3[%dma_wait3A_474] : memref<801792xf32, #tpu.memory_space<hbm>> -> memref<800768xf32, #tpu.memory_space<hbm>>
    %dma_wait3A_476 = arith.constant 0 : i32
    %dma_wait3A_477 = tpu.memref_slice %dma_wait3A_475[%dma_wait3A_476] : memref<800768xf32, #tpu.memory_space<hbm>> -> memref<800768xf32, #tpu.memory_space<hbm>>
    tpu.wait_indirect_dma semaphore(%arg22 : memref<!tpu.dma_semaphore, #tpu.memory_space<semaphore_mem>>) src(%dma_wait3A_477 : memref<800768xf32, #tpu.memory_space<hbm>>) dst(%dma_wait3A_471 : memref<128xf32, #tpu.memory_space<vmem>>)
    %dma_wait3A_478 = arith.constant 384 : i32
    %dma_wait3A_479 = tpu.memref_slice %arg17[%dma_wait3A_478] : memref<512xf32, #tpu.memory_space<vmem>> -> memref<128xf32, #tpu.memory_space<vmem>>
    %dma_wait3A_480 = arith.constant 384 : i32
    %dma_wait3A_481 = tpu.memref_slice %arg13[%dma_wait3A_480] : memref<512xi32, #tpu.memory_space<vmem>> -> memref<128xi32, #tpu.memory_space<vmem>>
    %dma_wait3A_482 = arith.constant 384 : i32
    %dma_wait3A_483 = tpu.memref_slice %arg3[%dma_wait3A_482] : memref<801792xf32, #tpu.memory_space<hbm>> -> memref<800768xf32, #tpu.memory_space<hbm>>
    %dma_wait3A_484 = arith.constant 0 : i32
    %dma_wait3A_485 = tpu.memref_slice %dma_wait3A_483[%dma_wait3A_484] : memref<800768xf32, #tpu.memory_space<hbm>> -> memref<800768xf32, #tpu.memory_space<hbm>>
    tpu.wait_indirect_dma semaphore(%arg22 : memref<!tpu.dma_semaphore, #tpu.memory_space<semaphore_mem>>) src(%dma_wait3A_485 : memref<800768xf32, #tpu.memory_space<hbm>>) dst(%dma_wait3A_479 : memref<128xf32, #tpu.memory_space<vmem>>)
    %dma_wait3A_486 = arith.constant 384 : i32
    %dma_wait3A_487 = tpu.memref_slice %arg18[%dma_wait3A_486] : memref<512xf32, #tpu.memory_space<vmem>> -> memref<128xf32, #tpu.memory_space<vmem>>
    %dma_wait3A_488 = arith.constant 384 : i32
    %dma_wait3A_489 = tpu.memref_slice %arg13[%dma_wait3A_488] : memref<512xi32, #tpu.memory_space<vmem>> -> memref<128xi32, #tpu.memory_space<vmem>>
    %dma_wait3A_490 = arith.constant 512 : i32
    %dma_wait3A_491 = tpu.memref_slice %arg3[%dma_wait3A_490] : memref<801792xf32, #tpu.memory_space<hbm>> -> memref<800768xf32, #tpu.memory_space<hbm>>
    %dma_wait3A_492 = arith.constant 0 : i32
    %dma_wait3A_493 = tpu.memref_slice %dma_wait3A_491[%dma_wait3A_492] : memref<800768xf32, #tpu.memory_space<hbm>> -> memref<800768xf32, #tpu.memory_space<hbm>>
    tpu.wait_indirect_dma semaphore(%arg22 : memref<!tpu.dma_semaphore, #tpu.memory_space<semaphore_mem>>) src(%dma_wait3A_493 : memref<800768xf32, #tpu.memory_space<hbm>>) dst(%dma_wait3A_487 : memref<128xf32, #tpu.memory_space<vmem>>)
    %dma_wait3A_494 = arith.constant 384 : i32
    %dma_wait3A_495 = tpu.memref_slice %arg19[%dma_wait3A_494] : memref<512xf32, #tpu.memory_space<vmem>> -> memref<128xf32, #tpu.memory_space<vmem>>
    %dma_wait3A_496 = arith.constant 384 : i32
    %dma_wait3A_497 = tpu.memref_slice %arg13[%dma_wait3A_496] : memref<512xi32, #tpu.memory_space<vmem>> -> memref<128xi32, #tpu.memory_space<vmem>>
    %dma_wait3A_498 = arith.constant 640 : i32
    %dma_wait3A_499 = tpu.memref_slice %arg3[%dma_wait3A_498] : memref<801792xf32, #tpu.memory_space<hbm>> -> memref<800768xf32, #tpu.memory_space<hbm>>
    %dma_wait3A_500 = arith.constant 0 : i32
    %dma_wait3A_501 = tpu.memref_slice %dma_wait3A_499[%dma_wait3A_500] : memref<800768xf32, #tpu.memory_space<hbm>> -> memref<800768xf32, #tpu.memory_space<hbm>>
    tpu.wait_indirect_dma semaphore(%arg22 : memref<!tpu.dma_semaphore, #tpu.memory_space<semaphore_mem>>) src(%dma_wait3A_501 : memref<800768xf32, #tpu.memory_space<hbm>>) dst(%dma_wait3A_495 : memref<128xf32, #tpu.memory_space<vmem>>)
    %dma_wait3A_502 = arith.constant 384 : i32
    %dma_wait3A_503 = tpu.memref_slice %arg20[%dma_wait3A_502] : memref<512xf32, #tpu.memory_space<vmem>> -> memref<128xf32, #tpu.memory_space<vmem>>
    %dma_wait3A_504 = arith.constant 384 : i32
    %dma_wait3A_505 = tpu.memref_slice %arg13[%dma_wait3A_504] : memref<512xi32, #tpu.memory_space<vmem>> -> memref<128xi32, #tpu.memory_space<vmem>>
    %dma_wait3A_506 = arith.constant 768 : i32
    %dma_wait3A_507 = tpu.memref_slice %arg3[%dma_wait3A_506] : memref<801792xf32, #tpu.memory_space<hbm>> -> memref<800768xf32, #tpu.memory_space<hbm>>
    %dma_wait3A_508 = arith.constant 0 : i32
    %dma_wait3A_509 = tpu.memref_slice %dma_wait3A_507[%dma_wait3A_508] : memref<800768xf32, #tpu.memory_space<hbm>> -> memref<800768xf32, #tpu.memory_space<hbm>>
    tpu.wait_indirect_dma semaphore(%arg22 : memref<!tpu.dma_semaphore, #tpu.memory_space<semaphore_mem>>) src(%dma_wait3A_509 : memref<800768xf32, #tpu.memory_space<hbm>>) dst(%dma_wait3A_503 : memref<128xf32, #tpu.memory_space<vmem>>)
    %dma_wait3A_510 = arith.constant 384 : i32
    %dma_wait3A_511 = tpu.memref_slice %arg21[%dma_wait3A_510] : memref<512xf32, #tpu.memory_space<vmem>> -> memref<128xf32, #tpu.memory_space<vmem>>
    %dma_wait3A_512 = arith.constant 384 : i32
    %dma_wait3A_513 = tpu.memref_slice %arg13[%dma_wait3A_512] : memref<512xi32, #tpu.memory_space<vmem>> -> memref<128xi32, #tpu.memory_space<vmem>>
    %dma_wait3A_514 = arith.constant 896 : i32
    %dma_wait3A_515 = tpu.memref_slice %arg3[%dma_wait3A_514] : memref<801792xf32, #tpu.memory_space<hbm>> -> memref<800768xf32, #tpu.memory_space<hbm>>
    %dma_wait3A_516 = arith.constant 0 : i32
    %dma_wait3A_517 = tpu.memref_slice %dma_wait3A_515[%dma_wait3A_516] : memref<800768xf32, #tpu.memory_space<hbm>> -> memref<800768xf32, #tpu.memory_space<hbm>>
    tpu.wait_indirect_dma semaphore(%arg22 : memref<!tpu.dma_semaphore, #tpu.memory_space<semaphore_mem>>) src(%dma_wait3A_517 : memref<800768xf32, #tpu.memory_space<hbm>>) dst(%dma_wait3A_511 : memref<128xf32, #tpu.memory_space<vmem>>)
    %dma_start3A_518 = tpu.memref_slice %arg4[%mul3A_2] : memref<16384xf32, #tpu.memory_space<hbm>> -> memref<512xf32, #tpu.memory_space<hbm>>
    %dma_start3A_519 = tpu.memref_slice %arg4[%mul3A_2] : memref<16384xf32, #tpu.memory_space<hbm>> -> memref<512xf32, #tpu.memory_space<hbm>>
    tpu.enqueue_dma source(%arg14 : memref<512xf32, #tpu.memory_space<vmem>>) target(%dma_start3A_519 : memref<512xf32, #tpu.memory_space<hbm>>) target_semaphore(%arg23 : memref<!tpu.dma_semaphore, #tpu.memory_space<semaphore_mem>>)
    %dma_start3A_520 = tpu.memref_slice %arg5[%mul3A_2] : memref<16384xf32, #tpu.memory_space<hbm>> -> memref<512xf32, #tpu.memory_space<hbm>>
    %dma_start3A_521 = tpu.memref_slice %arg5[%mul3A_2] : memref<16384xf32, #tpu.memory_space<hbm>> -> memref<512xf32, #tpu.memory_space<hbm>>
    tpu.enqueue_dma source(%arg15 : memref<512xf32, #tpu.memory_space<vmem>>) target(%dma_start3A_521 : memref<512xf32, #tpu.memory_space<hbm>>) target_semaphore(%arg23 : memref<!tpu.dma_semaphore, #tpu.memory_space<semaphore_mem>>)
    %dma_start3A_522 = tpu.memref_slice %arg6[%mul3A_2] : memref<16384xf32, #tpu.memory_space<hbm>> -> memref<512xf32, #tpu.memory_space<hbm>>
    %dma_start3A_523 = tpu.memref_slice %arg6[%mul3A_2] : memref<16384xf32, #tpu.memory_space<hbm>> -> memref<512xf32, #tpu.memory_space<hbm>>
    tpu.enqueue_dma source(%arg16 : memref<512xf32, #tpu.memory_space<vmem>>) target(%dma_start3A_523 : memref<512xf32, #tpu.memory_space<hbm>>) target_semaphore(%arg23 : memref<!tpu.dma_semaphore, #tpu.memory_space<semaphore_mem>>)
    %dma_start3A_524 = tpu.memref_slice %arg7[%mul3A_2] : memref<16384xf32, #tpu.memory_space<hbm>> -> memref<512xf32, #tpu.memory_space<hbm>>
    %dma_start3A_525 = tpu.memref_slice %arg7[%mul3A_2] : memref<16384xf32, #tpu.memory_space<hbm>> -> memref<512xf32, #tpu.memory_space<hbm>>
    tpu.enqueue_dma source(%arg17 : memref<512xf32, #tpu.memory_space<vmem>>) target(%dma_start3A_525 : memref<512xf32, #tpu.memory_space<hbm>>) target_semaphore(%arg23 : memref<!tpu.dma_semaphore, #tpu.memory_space<semaphore_mem>>)
    %dma_start3A_526 = tpu.memref_slice %arg8[%mul3A_2] : memref<16384xf32, #tpu.memory_space<hbm>> -> memref<512xf32, #tpu.memory_space<hbm>>
    %dma_start3A_527 = tpu.memref_slice %arg8[%mul3A_2] : memref<16384xf32, #tpu.memory_space<hbm>> -> memref<512xf32, #tpu.memory_space<hbm>>
    tpu.enqueue_dma source(%arg18 : memref<512xf32, #tpu.memory_space<vmem>>) target(%dma_start3A_527 : memref<512xf32, #tpu.memory_space<hbm>>) target_semaphore(%arg23 : memref<!tpu.dma_semaphore, #tpu.memory_space<semaphore_mem>>)
    %dma_start3A_528 = tpu.memref_slice %arg9[%mul3A_2] : memref<16384xf32, #tpu.memory_space<hbm>> -> memref<512xf32, #tpu.memory_space<hbm>>
    %dma_start3A_529 = tpu.memref_slice %arg9[%mul3A_2] : memref<16384xf32, #tpu.memory_space<hbm>> -> memref<512xf32, #tpu.memory_space<hbm>>
    tpu.enqueue_dma source(%arg19 : memref<512xf32, #tpu.memory_space<vmem>>) target(%dma_start3A_529 : memref<512xf32, #tpu.memory_space<hbm>>) target_semaphore(%arg23 : memref<!tpu.dma_semaphore, #tpu.memory_space<semaphore_mem>>)
    %dma_start3A_530 = tpu.memref_slice %arg10[%mul3A_2] : memref<16384xf32, #tpu.memory_space<hbm>> -> memref<512xf32, #tpu.memory_space<hbm>>
    %dma_start3A_531 = tpu.memref_slice %arg10[%mul3A_2] : memref<16384xf32, #tpu.memory_space<hbm>> -> memref<512xf32, #tpu.memory_space<hbm>>
    tpu.enqueue_dma source(%arg20 : memref<512xf32, #tpu.memory_space<vmem>>) target(%dma_start3A_531 : memref<512xf32, #tpu.memory_space<hbm>>) target_semaphore(%arg23 : memref<!tpu.dma_semaphore, #tpu.memory_space<semaphore_mem>>)
    %dma_start3A_532 = tpu.memref_slice %arg11[%mul3A_2] : memref<16384xf32, #tpu.memory_space<hbm>> -> memref<512xf32, #tpu.memory_space<hbm>>
    %dma_start3A_533 = tpu.memref_slice %arg11[%mul3A_2] : memref<16384xf32, #tpu.memory_space<hbm>> -> memref<512xf32, #tpu.memory_space<hbm>>
    tpu.enqueue_dma source(%arg21 : memref<512xf32, #tpu.memory_space<vmem>>) target(%dma_start3A_533 : memref<512xf32, #tpu.memory_space<hbm>>) target_semaphore(%arg23 : memref<!tpu.dma_semaphore, #tpu.memory_space<semaphore_mem>>)
    %dma_wait3A_534 = tpu.memref_slice %arg4[%mul3A_2] : memref<16384xf32, #tpu.memory_space<hbm>> -> memref<512xf32, #tpu.memory_space<hbm>>
    %dma_wait3A_535 = tpu.memref_slice %arg4[%mul3A_2] : memref<16384xf32, #tpu.memory_space<hbm>> -> memref<512xf32, #tpu.memory_space<hbm>>
    tpu.wait_dma2 semaphore(%arg23 : memref<!tpu.dma_semaphore, #tpu.memory_space<semaphore_mem>>) src(%arg14 : memref<512xf32, #tpu.memory_space<vmem>>) dst(%dma_wait3A_535 : memref<512xf32, #tpu.memory_space<hbm>>)
    %dma_wait3A_536 = tpu.memref_slice %arg5[%mul3A_2] : memref<16384xf32, #tpu.memory_space<hbm>> -> memref<512xf32, #tpu.memory_space<hbm>>
    %dma_wait3A_537 = tpu.memref_slice %arg5[%mul3A_2] : memref<16384xf32, #tpu.memory_space<hbm>> -> memref<512xf32, #tpu.memory_space<hbm>>
    tpu.wait_dma2 semaphore(%arg23 : memref<!tpu.dma_semaphore, #tpu.memory_space<semaphore_mem>>) src(%arg15 : memref<512xf32, #tpu.memory_space<vmem>>) dst(%dma_wait3A_537 : memref<512xf32, #tpu.memory_space<hbm>>)
    %dma_wait3A_538 = tpu.memref_slice %arg6[%mul3A_2] : memref<16384xf32, #tpu.memory_space<hbm>> -> memref<512xf32, #tpu.memory_space<hbm>>
    %dma_wait3A_539 = tpu.memref_slice %arg6[%mul3A_2] : memref<16384xf32, #tpu.memory_space<hbm>> -> memref<512xf32, #tpu.memory_space<hbm>>
    tpu.wait_dma2 semaphore(%arg23 : memref<!tpu.dma_semaphore, #tpu.memory_space<semaphore_mem>>) src(%arg16 : memref<512xf32, #tpu.memory_space<vmem>>) dst(%dma_wait3A_539 : memref<512xf32, #tpu.memory_space<hbm>>)
    %dma_wait3A_540 = tpu.memref_slice %arg7[%mul3A_2] : memref<16384xf32, #tpu.memory_space<hbm>> -> memref<512xf32, #tpu.memory_space<hbm>>
    %dma_wait3A_541 = tpu.memref_slice %arg7[%mul3A_2] : memref<16384xf32, #tpu.memory_space<hbm>> -> memref<512xf32, #tpu.memory_space<hbm>>
    tpu.wait_dma2 semaphore(%arg23 : memref<!tpu.dma_semaphore, #tpu.memory_space<semaphore_mem>>) src(%arg17 : memref<512xf32, #tpu.memory_space<vmem>>) dst(%dma_wait3A_541 : memref<512xf32, #tpu.memory_space<hbm>>)
    %dma_wait3A_542 = tpu.memref_slice %arg8[%mul3A_2] : memref<16384xf32, #tpu.memory_space<hbm>> -> memref<512xf32, #tpu.memory_space<hbm>>
    %dma_wait3A_543 = tpu.memref_slice %arg8[%mul3A_2] : memref<16384xf32, #tpu.memory_space<hbm>> -> memref<512xf32, #tpu.memory_space<hbm>>
    tpu.wait_dma2 semaphore(%arg23 : memref<!tpu.dma_semaphore, #tpu.memory_space<semaphore_mem>>) src(%arg18 : memref<512xf32, #tpu.memory_space<vmem>>) dst(%dma_wait3A_543 : memref<512xf32, #tpu.memory_space<hbm>>)
    %dma_wait3A_544 = tpu.memref_slice %arg9[%mul3A_2] : memref<16384xf32, #tpu.memory_space<hbm>> -> memref<512xf32, #tpu.memory_space<hbm>>
    %dma_wait3A_545 = tpu.memref_slice %arg9[%mul3A_2] : memref<16384xf32, #tpu.memory_space<hbm>> -> memref<512xf32, #tpu.memory_space<hbm>>
    tpu.wait_dma2 semaphore(%arg23 : memref<!tpu.dma_semaphore, #tpu.memory_space<semaphore_mem>>) src(%arg19 : memref<512xf32, #tpu.memory_space<vmem>>) dst(%dma_wait3A_545 : memref<512xf32, #tpu.memory_space<hbm>>)
    %dma_wait3A_546 = tpu.memref_slice %arg10[%mul3A_2] : memref<16384xf32, #tpu.memory_space<hbm>> -> memref<512xf32, #tpu.memory_space<hbm>>
    %dma_wait3A_547 = tpu.memref_slice %arg10[%mul3A_2] : memref<16384xf32, #tpu.memory_space<hbm>> -> memref<512xf32, #tpu.memory_space<hbm>>
    tpu.wait_dma2 semaphore(%arg23 : memref<!tpu.dma_semaphore, #tpu.memory_space<semaphore_mem>>) src(%arg20 : memref<512xf32, #tpu.memory_space<vmem>>) dst(%dma_wait3A_547 : memref<512xf32, #tpu.memory_space<hbm>>)
    %dma_wait3A_548 = tpu.memref_slice %arg11[%mul3A_2] : memref<16384xf32, #tpu.memory_space<hbm>> -> memref<512xf32, #tpu.memory_space<hbm>>
    %dma_wait3A_549 = tpu.memref_slice %arg11[%mul3A_2] : memref<16384xf32, #tpu.memory_space<hbm>> -> memref<512xf32, #tpu.memory_space<hbm>>
    tpu.wait_dma2 semaphore(%arg23 : memref<!tpu.dma_semaphore, #tpu.memory_space<semaphore_mem>>) src(%arg21 : memref<512xf32, #tpu.memory_space<vmem>>) dst(%dma_wait3A_549 : memref<512xf32, #tpu.memory_space<hbm>>)
    return
  }
}

module attributes {stable_mosaic.version = 14 : i64} {
  func.func @_split_body(%arg0: i32, %arg1: memref<8x50048xf32, #tpu.memory_space<vmem>>, %arg2: memref<400384xf32, #tpu.memory_space<vmem>>) attributes {dimension_semantics = [#tpu.dimension_semantics<arbitrary>], iteration_bounds = array<i64: 2>, scalar_prefetch = 0 : i64, scratch_operands = 0 : i64, tpu.core_type = #tpu.core_type<tc>, window_params = [{transform_indices = @transform_0, window_bounds = array<i64: 8, 50048>}, {transform_indices = @transform_1, window_bounds = array<i64: 400384>}]} {
    %get3A = arith.constant 0 : index
    %get3A_0 = arith.constant 0 : index
    %get3A_1 = vector.load %arg1[%get3A, %get3A_0] : memref<8x50048xf32, #tpu.memory_space<vmem>>, vector<8x128xf32>
    %reshape3A = vector.shape_cast %get3A_1 : vector<8x128xf32> to vector<1024xf32>
    %swap3A = arith.constant 0 : index
    %swap3A_2 = vector.load %arg2[%swap3A] : memref<400384xf32, #tpu.memory_space<vmem>>, vector<1024xf32>
    tpu.vector_store %arg2[%swap3A], %reshape3A {strides = array<i32>} : memref<400384xf32, #tpu.memory_space<vmem>>, vector<1024xf32>,
    %get3A_3 = arith.constant 0 : index
    %get3A_4 = arith.constant 128 : index
    %get3A_5 = vector.load %arg1[%get3A_3, %get3A_4] : memref<8x50048xf32, #tpu.memory_space<vmem>>, vector<8x128xf32>
    %reshape3A_6 = vector.shape_cast %get3A_5 : vector<8x128xf32> to vector<1024xf32>
    %swap3A_7 = arith.constant 1024 : index
    %swap3A_8 = vector.load %arg2[%swap3A_7] : memref<400384xf32, #tpu.memory_space<vmem>>, vector<1024xf32>
    tpu.vector_store %arg2[%swap3A_7], %reshape3A_6 {strides = array<i32>} : memref<400384xf32, #tpu.memory_space<vmem>>, vector<1024xf32>,
    %get3A_9 = arith.constant 0 : index
    %get3A_10 = arith.constant 256 : index
    %get3A_11 = vector.load %arg1[%get3A_9, %get3A_10] : memref<8x50048xf32, #tpu.memory_space<vmem>>, vector<8x128xf32>
    %reshape3A_12 = vector.shape_cast %get3A_11 : vector<8x128xf32> to vector<1024xf32>
    %swap3A_13 = arith.constant 2048 : index
    %swap3A_14 = vector.load %arg2[%swap3A_13] : memref<400384xf32, #tpu.memory_space<vmem>>, vector<1024xf32>
    tpu.vector_store %arg2[%swap3A_13], %reshape3A_12 {strides = array<i32>} : memref<400384xf32, #tpu.memory_space<vmem>>, vector<1024xf32>,
    %get3A_15 = arith.constant 0 : index
    %get3A_16 = arith.constant 384 : index
    %get3A_17 = vector.load %arg1[%get3A_15, %get3A_16] : memref<8x50048xf32, #tpu.memory_space<vmem>>, vector<8x128xf32>
    %reshape3A_18 = vector.shape_cast %get3A_17 : vector<8x128xf32> to vector<1024xf32>
    %swap3A_19 = arith.constant 3072 : index
    %swap3A_20 = vector.load %arg2[%swap3A_19] : memref<400384xf32, #tpu.memory_space<vmem>>, vector<1024xf32>
    tpu.vector_store %arg2[%swap3A_19], %reshape3A_18 {strides = array<i32>} : memref<400384xf32, #tpu.memory_space<vmem>>, vector<1024xf32>,
    %get3A_21 = arith.constant 0 : index
    %get3A_22 = arith.constant 512 : index
    %get3A_23 = vector.load %arg1[%get3A_21, %get3A_22] : memref<8x50048xf32, #tpu.memory_space<vmem>>, vector<8x128xf32>
    %reshape3A_24 = vector.shape_cast %get3A_23 : vector<8x128xf32> to vector<1024xf32>
    %swap3A_25 = arith.constant 4096 : index
    %swap3A_26 = vector.load %arg2[%swap3A_25] : memref<400384xf32, #tpu.memory_space<vmem>>, vector<1024xf32>
    tpu.vector_store %arg2[%swap3A_25], %reshape3A_24 {strides = array<i32>} : memref<400384xf32, #tpu.memory_space<vmem>>, vector<1024xf32>,
    %get3A_27 = arith.constant 0 : index
    %get3A_28 = arith.constant 640 : index
    %get3A_29 = vector.load %arg1[%get3A_27, %get3A_28] : memref<8x50048xf32, #tpu.memory_space<vmem>>, vector<8x128xf32>
    %reshape3A_30 = vector.shape_cast %get3A_29 : vector<8x128xf32> to vector<1024xf32>
    %swap3A_31 = arith.constant 5120 : index
    %swap3A_32 = vector.load %arg2[%swap3A_31] : memref<400384xf32, #tpu.memory_space<vmem>>, vector<1024xf32>
    tpu.vector_store %arg2[%swap3A_31], %reshape3A_30 {strides = array<i32>} : memref<400384xf32, #tpu.memory_space<vmem>>, vector<1024xf32>,
    %get3A_33 = arith.constant 0 : index
    %get3A_34 = arith.constant 768 : index
    %get3A_35 = vector.load %arg1[%get3A_33, %get3A_34] : memref<8x50048xf32, #tpu.memory_space<vmem>>, vector<8x128xf32>
    %reshape3A_36 = vector.shape_cast %get3A_35 : vector<8x128xf32> to vector<1024xf32>
    %swap3A_37 = arith.constant 6144 : index
    %swap3A_38 = vector.load %arg2[%swap3A_37] : memref<400384xf32, #tpu.memory_space<vmem>>, vector<1024xf32>
    tpu.vector_store %arg2[%swap3A_37], %reshape3A_36 {strides = array<i32>} : memref<400384xf32, #tpu.memory_space<vmem>>, vector<1024xf32>,
    %get3A_39 = arith.constant 0 : index
    %get3A_40 = arith.constant 896 : index
    %get3A_41 = vector.load %arg1[%get3A_39, %get3A_40] : memref<8x50048xf32, #tpu.memory_space<vmem>>, vector<8x128xf32>
    %reshape3A_42 = vector.shape_cast %get3A_41 : vector<8x128xf32> to vector<1024xf32>
    %swap3A_43 = arith.constant 7168 : index
    %swap3A_44 = vector.load %arg2[%swap3A_43] : memref<400384xf32, #tpu.memory_space<vmem>>, vector<1024xf32>
    tpu.vector_store %arg2[%swap3A_43], %reshape3A_42 {strides = array<i32>} : memref<400384xf32, #tpu.memory_space<vmem>>, vector<1024xf32>,
    %get3A_45 = arith.constant 0 : index
    %get3A_46 = arith.constant 1024 : index
    %get3A_47 = vector.load %arg1[%get3A_45, %get3A_46] : memref<8x50048xf32, #tpu.memory_space<vmem>>, vector<8x128xf32>
    %reshape3A_48 = vector.shape_cast %get3A_47 : vector<8x128xf32> to vector<1024xf32>
    %swap3A_49 = arith.constant 8192 : index
    %swap3A_50 = vector.load %arg2[%swap3A_49] : memref<400384xf32, #tpu.memory_space<vmem>>, vector<1024xf32>
    tpu.vector_store %arg2[%swap3A_49], %reshape3A_48 {strides = array<i32>} : memref<400384xf32, #tpu.memory_space<vmem>>, vector<1024xf32>,
    %get3A_51 = arith.constant 0 : index
    %get3A_52 = arith.constant 1152 : index
    %get3A_53 = vector.load %arg1[%get3A_51, %get3A_52] : memref<8x50048xf32, #tpu.memory_space<vmem>>, vector<8x128xf32>
    %reshape3A_54 = vector.shape_cast %get3A_53 : vector<8x128xf32> to vector<1024xf32>
    %swap3A_55 = arith.constant 9216 : index
    %swap3A_56 = vector.load %arg2[%swap3A_55] : memref<400384xf32, #tpu.memory_space<vmem>>, vector<1024xf32>
    tpu.vector_store %arg2[%swap3A_55], %reshape3A_54 {strides = array<i32>} : memref<400384xf32, #tpu.memory_space<vmem>>, vector<1024xf32>,
    %get3A_57 = arith.constant 0 : index
    %get3A_58 = arith.constant 1280 : index
    %get3A_59 = vector.load %arg1[%get3A_57, %get3A_58] : memref<8x50048xf32, #tpu.memory_space<vmem>>, vector<8x128xf32>
    %reshape3A_60 = vector.shape_cast %get3A_59 : vector<8x128xf32> to vector<1024xf32>
    %swap3A_61 = arith.constant 10240 : index
    %swap3A_62 = vector.load %arg2[%swap3A_61] : memref<400384xf32, #tpu.memory_space<vmem>>, vector<1024xf32>
    tpu.vector_store %arg2[%swap3A_61], %reshape3A_60 {strides = array<i32>} : memref<400384xf32, #tpu.memory_space<vmem>>, vector<1024xf32>,
    %get3A_63 = arith.constant 0 : index
    %get3A_64 = arith.constant 1408 : index
    %get3A_65 = vector.load %arg1[%get3A_63, %get3A_64] : memref<8x50048xf32, #tpu.memory_space<vmem>>, vector<8x128xf32>
    %reshape3A_66 = vector.shape_cast %get3A_65 : vector<8x128xf32> to vector<1024xf32>
    %swap3A_67 = arith.constant 11264 : index
    %swap3A_68 = vector.load %arg2[%swap3A_67] : memref<400384xf32, #tpu.memory_space<vmem>>, vector<1024xf32>
    tpu.vector_store %arg2[%swap3A_67], %reshape3A_66 {strides = array<i32>} : memref<400384xf32, #tpu.memory_space<vmem>>, vector<1024xf32>,
    %get3A_69 = arith.constant 0 : index
    %get3A_70 = arith.constant 1536 : index
    %get3A_71 = vector.load %arg1[%get3A_69, %get3A_70] : memref<8x50048xf32, #tpu.memory_space<vmem>>, vector<8x128xf32>
    %reshape3A_72 = vector.shape_cast %get3A_71 : vector<8x128xf32> to vector<1024xf32>
    %swap3A_73 = arith.constant 12288 : index
    %swap3A_74 = vector.load %arg2[%swap3A_73] : memref<400384xf32, #tpu.memory_space<vmem>>, vector<1024xf32>
    tpu.vector_store %arg2[%swap3A_73], %reshape3A_72 {strides = array<i32>} : memref<400384xf32, #tpu.memory_space<vmem>>, vector<1024xf32>,
    %get3A_75 = arith.constant 0 : index
    %get3A_76 = arith.constant 1664 : index
    %get3A_77 = vector.load %arg1[%get3A_75, %get3A_76] : memref<8x50048xf32, #tpu.memory_space<vmem>>, vector<8x128xf32>
    %reshape3A_78 = vector.shape_cast %get3A_77 : vector<8x128xf32> to vector<1024xf32>
    %swap3A_79 = arith.constant 13312 : index
    %swap3A_80 = vector.load %arg2[%swap3A_79] : memref<400384xf32, #tpu.memory_space<vmem>>, vector<1024xf32>
    tpu.vector_store %arg2[%swap3A_79], %reshape3A_78 {strides = array<i32>} : memref<400384xf32, #tpu.memory_space<vmem>>, vector<1024xf32>,
    %get3A_81 = arith.constant 0 : index
    %get3A_82 = arith.constant 1792 : index
    %get3A_83 = vector.load %arg1[%get3A_81, %get3A_82] : memref<8x50048xf32, #tpu.memory_space<vmem>>, vector<8x128xf32>
    %reshape3A_84 = vector.shape_cast %get3A_83 : vector<8x128xf32> to vector<1024xf32>
    %swap3A_85 = arith.constant 14336 : index
    %swap3A_86 = vector.load %arg2[%swap3A_85] : memref<400384xf32, #tpu.memory_space<vmem>>, vector<1024xf32>
    tpu.vector_store %arg2[%swap3A_85], %reshape3A_84 {strides = array<i32>} : memref<400384xf32, #tpu.memory_space<vmem>>, vector<1024xf32>,
    %get3A_87 = arith.constant 0 : index
    %get3A_88 = arith.constant 1920 : index
    %get3A_89 = vector.load %arg1[%get3A_87, %get3A_88] : memref<8x50048xf32, #tpu.memory_space<vmem>>, vector<8x128xf32>
    %reshape3A_90 = vector.shape_cast %get3A_89 : vector<8x128xf32> to vector<1024xf32>
    %swap3A_91 = arith.constant 15360 : index
    %swap3A_92 = vector.load %arg2[%swap3A_91] : memref<400384xf32, #tpu.memory_space<vmem>>, vector<1024xf32>
    tpu.vector_store %arg2[%swap3A_91], %reshape3A_90 {strides = array<i32>} : memref<400384xf32, #tpu.memory_space<vmem>>, vector<1024xf32>,
    %get3A_93 = arith.constant 0 : index
    %get3A_94 = arith.constant 2048 : index
    %get3A_95 = vector.load %arg1[%get3A_93, %get3A_94] : memref<8x50048xf32, #tpu.memory_space<vmem>>, vector<8x128xf32>
    %reshape3A_96 = vector.shape_cast %get3A_95 : vector<8x128xf32> to vector<1024xf32>
    %swap3A_97 = arith.constant 16384 : index
    %swap3A_98 = vector.load %arg2[%swap3A_97] : memref<400384xf32, #tpu.memory_space<vmem>>, vector<1024xf32>
    tpu.vector_store %arg2[%swap3A_97], %reshape3A_96 {strides = array<i32>} : memref<400384xf32, #tpu.memory_space<vmem>>, vector<1024xf32>,
    %get3A_99 = arith.constant 0 : index
    %get3A_100 = arith.constant 2176 : index
    %get3A_101 = vector.load %arg1[%get3A_99, %get3A_100] : memref<8x50048xf32, #tpu.memory_space<vmem>>, vector<8x128xf32>
    %reshape3A_102 = vector.shape_cast %get3A_101 : vector<8x128xf32> to vector<1024xf32>
    %swap3A_103 = arith.constant 17408 : index
    %swap3A_104 = vector.load %arg2[%swap3A_103] : memref<400384xf32, #tpu.memory_space<vmem>>, vector<1024xf32>
    tpu.vector_store %arg2[%swap3A_103], %reshape3A_102 {strides = array<i32>} : memref<400384xf32, #tpu.memory_space<vmem>>, vector<1024xf32>,
    %get3A_105 = arith.constant 0 : index
    %get3A_106 = arith.constant 2304 : index
    %get3A_107 = vector.load %arg1[%get3A_105, %get3A_106] : memref<8x50048xf32, #tpu.memory_space<vmem>>, vector<8x128xf32>
    %reshape3A_108 = vector.shape_cast %get3A_107 : vector<8x128xf32> to vector<1024xf32>
    %swap3A_109 = arith.constant 18432 : index
    %swap3A_110 = vector.load %arg2[%swap3A_109] : memref<400384xf32, #tpu.memory_space<vmem>>, vector<1024xf32>
    tpu.vector_store %arg2[%swap3A_109], %reshape3A_108 {strides = array<i32>} : memref<400384xf32, #tpu.memory_space<vmem>>, vector<1024xf32>,
    %get3A_111 = arith.constant 0 : index
    %get3A_112 = arith.constant 2432 : index
    %get3A_113 = vector.load %arg1[%get3A_111, %get3A_112] : memref<8x50048xf32, #tpu.memory_space<vmem>>, vector<8x128xf32>
    %reshape3A_114 = vector.shape_cast %get3A_113 : vector<8x128xf32> to vector<1024xf32>
    %swap3A_115 = arith.constant 19456 : index
    %swap3A_116 = vector.load %arg2[%swap3A_115] : memref<400384xf32, #tpu.memory_space<vmem>>, vector<1024xf32>
    tpu.vector_store %arg2[%swap3A_115], %reshape3A_114 {strides = array<i32>} : memref<400384xf32, #tpu.memory_space<vmem>>, vector<1024xf32>,
    %get3A_117 = arith.constant 0 : index
    %get3A_118 = arith.constant 2560 : index
    %get3A_119 = vector.load %arg1[%get3A_117, %get3A_118] : memref<8x50048xf32, #tpu.memory_space<vmem>>, vector<8x128xf32>
    %reshape3A_120 = vector.shape_cast %get3A_119 : vector<8x128xf32> to vector<1024xf32>
    %swap3A_121 = arith.constant 20480 : index
    %swap3A_122 = vector.load %arg2[%swap3A_121] : memref<400384xf32, #tpu.memory_space<vmem>>, vector<1024xf32>
    tpu.vector_store %arg2[%swap3A_121], %reshape3A_120 {strides = array<i32>} : memref<400384xf32, #tpu.memory_space<vmem>>, vector<1024xf32>,
    %get3A_123 = arith.constant 0 : index
    %get3A_124 = arith.constant 2688 : index
    %get3A_125 = vector.load %arg1[%get3A_123, %get3A_124] : memref<8x50048xf32, #tpu.memory_space<vmem>>, vector<8x128xf32>
    %reshape3A_126 = vector.shape_cast %get3A_125 : vector<8x128xf32> to vector<1024xf32>
    %swap3A_127 = arith.constant 21504 : index
    %swap3A_128 = vector.load %arg2[%swap3A_127] : memref<400384xf32, #tpu.memory_space<vmem>>, vector<1024xf32>
    tpu.vector_store %arg2[%swap3A_127], %reshape3A_126 {strides = array<i32>} : memref<400384xf32, #tpu.memory_space<vmem>>, vector<1024xf32>,
    %get3A_129 = arith.constant 0 : index
    %get3A_130 = arith.constant 2816 : index
    %get3A_131 = vector.load %arg1[%get3A_129, %get3A_130] : memref<8x50048xf32, #tpu.memory_space<vmem>>, vector<8x128xf32>
    %reshape3A_132 = vector.shape_cast %get3A_131 : vector<8x128xf32> to vector<1024xf32>
    %swap3A_133 = arith.constant 22528 : index
    %swap3A_134 = vector.load %arg2[%swap3A_133] : memref<400384xf32, #tpu.memory_space<vmem>>, vector<1024xf32>
    tpu.vector_store %arg2[%swap3A_133], %reshape3A_132 {strides = array<i32>} : memref<400384xf32, #tpu.memory_space<vmem>>, vector<1024xf32>,
    %get3A_135 = arith.constant 0 : index
    %get3A_136 = arith.constant 2944 : index
    %get3A_137 = vector.load %arg1[%get3A_135, %get3A_136] : memref<8x50048xf32, #tpu.memory_space<vmem>>, vector<8x128xf32>
    %reshape3A_138 = vector.shape_cast %get3A_137 : vector<8x128xf32> to vector<1024xf32>
    %swap3A_139 = arith.constant 23552 : index
    %swap3A_140 = vector.load %arg2[%swap3A_139] : memref<400384xf32, #tpu.memory_space<vmem>>, vector<1024xf32>
    tpu.vector_store %arg2[%swap3A_139], %reshape3A_138 {strides = array<i32>} : memref<400384xf32, #tpu.memory_space<vmem>>, vector<1024xf32>,
    %get3A_141 = arith.constant 0 : index
    %get3A_142 = arith.constant 3072 : index
    %get3A_143 = vector.load %arg1[%get3A_141, %get3A_142] : memref<8x50048xf32, #tpu.memory_space<vmem>>, vector<8x128xf32>
    %reshape3A_144 = vector.shape_cast %get3A_143 : vector<8x128xf32> to vector<1024xf32>
    %swap3A_145 = arith.constant 24576 : index
    %swap3A_146 = vector.load %arg2[%swap3A_145] : memref<400384xf32, #tpu.memory_space<vmem>>, vector<1024xf32>
    tpu.vector_store %arg2[%swap3A_145], %reshape3A_144 {strides = array<i32>} : memref<400384xf32, #tpu.memory_space<vmem>>, vector<1024xf32>,
    %get3A_147 = arith.constant 0 : index
    %get3A_148 = arith.constant 3200 : index
    %get3A_149 = vector.load %arg1[%get3A_147, %get3A_148] : memref<8x50048xf32, #tpu.memory_space<vmem>>, vector<8x128xf32>
    %reshape3A_150 = vector.shape_cast %get3A_149 : vector<8x128xf32> to vector<1024xf32>
    %swap3A_151 = arith.constant 25600 : index
    %swap3A_152 = vector.load %arg2[%swap3A_151] : memref<400384xf32, #tpu.memory_space<vmem>>, vector<1024xf32>
    tpu.vector_store %arg2[%swap3A_151], %reshape3A_150 {strides = array<i32>} : memref<400384xf32, #tpu.memory_space<vmem>>, vector<1024xf32>,
    %get3A_153 = arith.constant 0 : index
    %get3A_154 = arith.constant 3328 : index
    %get3A_155 = vector.load %arg1[%get3A_153, %get3A_154] : memref<8x50048xf32, #tpu.memory_space<vmem>>, vector<8x128xf32>
    %reshape3A_156 = vector.shape_cast %get3A_155 : vector<8x128xf32> to vector<1024xf32>
    %swap3A_157 = arith.constant 26624 : index
    %swap3A_158 = vector.load %arg2[%swap3A_157] : memref<400384xf32, #tpu.memory_space<vmem>>, vector<1024xf32>
    tpu.vector_store %arg2[%swap3A_157], %reshape3A_156 {strides = array<i32>} : memref<400384xf32, #tpu.memory_space<vmem>>, vector<1024xf32>,
    %get3A_159 = arith.constant 0 : index
    %get3A_160 = arith.constant 3456 : index
    %get3A_161 = vector.load %arg1[%get3A_159, %get3A_160] : memref<8x50048xf32, #tpu.memory_space<vmem>>, vector<8x128xf32>
    %reshape3A_162 = vector.shape_cast %get3A_161 : vector<8x128xf32> to vector<1024xf32>
    %swap3A_163 = arith.constant 27648 : index
    %swap3A_164 = vector.load %arg2[%swap3A_163] : memref<400384xf32, #tpu.memory_space<vmem>>, vector<1024xf32>
    tpu.vector_store %arg2[%swap3A_163], %reshape3A_162 {strides = array<i32>} : memref<400384xf32, #tpu.memory_space<vmem>>, vector<1024xf32>,
    %get3A_165 = arith.constant 0 : index
    %get3A_166 = arith.constant 3584 : index
    %get3A_167 = vector.load %arg1[%get3A_165, %get3A_166] : memref<8x50048xf32, #tpu.memory_space<vmem>>, vector<8x128xf32>
    %reshape3A_168 = vector.shape_cast %get3A_167 : vector<8x128xf32> to vector<1024xf32>
    %swap3A_169 = arith.constant 28672 : index
    %swap3A_170 = vector.load %arg2[%swap3A_169] : memref<400384xf32, #tpu.memory_space<vmem>>, vector<1024xf32>
    tpu.vector_store %arg2[%swap3A_169], %reshape3A_168 {strides = array<i32>} : memref<400384xf32, #tpu.memory_space<vmem>>, vector<1024xf32>,
    %get3A_171 = arith.constant 0 : index
    %get3A_172 = arith.constant 3712 : index
    %get3A_173 = vector.load %arg1[%get3A_171, %get3A_172] : memref<8x50048xf32, #tpu.memory_space<vmem>>, vector<8x128xf32>
    %reshape3A_174 = vector.shape_cast %get3A_173 : vector<8x128xf32> to vector<1024xf32>
    %swap3A_175 = arith.constant 29696 : index
    %swap3A_176 = vector.load %arg2[%swap3A_175] : memref<400384xf32, #tpu.memory_space<vmem>>, vector<1024xf32>
    tpu.vector_store %arg2[%swap3A_175], %reshape3A_174 {strides = array<i32>} : memref<400384xf32, #tpu.memory_space<vmem>>, vector<1024xf32>,
    %get3A_177 = arith.constant 0 : index
    %get3A_178 = arith.constant 3840 : index
    %get3A_179 = vector.load %arg1[%get3A_177, %get3A_178] : memref<8x50048xf32, #tpu.memory_space<vmem>>, vector<8x128xf32>
    %reshape3A_180 = vector.shape_cast %get3A_179 : vector<8x128xf32> to vector<1024xf32>
    %swap3A_181 = arith.constant 30720 : index
    %swap3A_182 = vector.load %arg2[%swap3A_181] : memref<400384xf32, #tpu.memory_space<vmem>>, vector<1024xf32>
    tpu.vector_store %arg2[%swap3A_181], %reshape3A_180 {strides = array<i32>} : memref<400384xf32, #tpu.memory_space<vmem>>, vector<1024xf32>,
    %get3A_183 = arith.constant 0 : index
    %get3A_184 = arith.constant 3968 : index
    %get3A_185 = vector.load %arg1[%get3A_183, %get3A_184] : memref<8x50048xf32, #tpu.memory_space<vmem>>, vector<8x128xf32>
    %reshape3A_186 = vector.shape_cast %get3A_185 : vector<8x128xf32> to vector<1024xf32>
    %swap3A_187 = arith.constant 31744 : index
    %swap3A_188 = vector.load %arg2[%swap3A_187] : memref<400384xf32, #tpu.memory_space<vmem>>, vector<1024xf32>
    tpu.vector_store %arg2[%swap3A_187], %reshape3A_186 {strides = array<i32>} : memref<400384xf32, #tpu.memory_space<vmem>>, vector<1024xf32>,
    %get3A_189 = arith.constant 0 : index
    %get3A_190 = arith.constant 4096 : index
    %get3A_191 = vector.load %arg1[%get3A_189, %get3A_190] : memref<8x50048xf32, #tpu.memory_space<vmem>>, vector<8x128xf32>
    %reshape3A_192 = vector.shape_cast %get3A_191 : vector<8x128xf32> to vector<1024xf32>
    %swap3A_193 = arith.constant 32768 : index
    %swap3A_194 = vector.load %arg2[%swap3A_193] : memref<400384xf32, #tpu.memory_space<vmem>>, vector<1024xf32>
    tpu.vector_store %arg2[%swap3A_193], %reshape3A_192 {strides = array<i32>} : memref<400384xf32, #tpu.memory_space<vmem>>, vector<1024xf32>,
    %get3A_195 = arith.constant 0 : index
    %get3A_196 = arith.constant 4224 : index
    %get3A_197 = vector.load %arg1[%get3A_195, %get3A_196] : memref<8x50048xf32, #tpu.memory_space<vmem>>, vector<8x128xf32>
    %reshape3A_198 = vector.shape_cast %get3A_197 : vector<8x128xf32> to vector<1024xf32>
    %swap3A_199 = arith.constant 33792 : index
    %swap3A_200 = vector.load %arg2[%swap3A_199] : memref<400384xf32, #tpu.memory_space<vmem>>, vector<1024xf32>
    tpu.vector_store %arg2[%swap3A_199], %reshape3A_198 {strides = array<i32>} : memref<400384xf32, #tpu.memory_space<vmem>>, vector<1024xf32>,
    %get3A_201 = arith.constant 0 : index
    %get3A_202 = arith.constant 4352 : index
    %get3A_203 = vector.load %arg1[%get3A_201, %get3A_202] : memref<8x50048xf32, #tpu.memory_space<vmem>>, vector<8x128xf32>
    %reshape3A_204 = vector.shape_cast %get3A_203 : vector<8x128xf32> to vector<1024xf32>
    %swap3A_205 = arith.constant 34816 : index
    %swap3A_206 = vector.load %arg2[%swap3A_205] : memref<400384xf32, #tpu.memory_space<vmem>>, vector<1024xf32>
    tpu.vector_store %arg2[%swap3A_205], %reshape3A_204 {strides = array<i32>} : memref<400384xf32, #tpu.memory_space<vmem>>, vector<1024xf32>,
    %get3A_207 = arith.constant 0 : index
    %get3A_208 = arith.constant 4480 : index
    %get3A_209 = vector.load %arg1[%get3A_207, %get3A_208] : memref<8x50048xf32, #tpu.memory_space<vmem>>, vector<8x128xf32>
    %reshape3A_210 = vector.shape_cast %get3A_209 : vector<8x128xf32> to vector<1024xf32>
    %swap3A_211 = arith.constant 35840 : index
    %swap3A_212 = vector.load %arg2[%swap3A_211] : memref<400384xf32, #tpu.memory_space<vmem>>, vector<1024xf32>
    tpu.vector_store %arg2[%swap3A_211], %reshape3A_210 {strides = array<i32>} : memref<400384xf32, #tpu.memory_space<vmem>>, vector<1024xf32>,
    %get3A_213 = arith.constant 0 : index
    %get3A_214 = arith.constant 4608 : index
    %get3A_215 = vector.load %arg1[%get3A_213, %get3A_214] : memref<8x50048xf32, #tpu.memory_space<vmem>>, vector<8x128xf32>
    %reshape3A_216 = vector.shape_cast %get3A_215 : vector<8x128xf32> to vector<1024xf32>
    %swap3A_217 = arith.constant 36864 : index
    %swap3A_218 = vector.load %arg2[%swap3A_217] : memref<400384xf32, #tpu.memory_space<vmem>>, vector<1024xf32>
    tpu.vector_store %arg2[%swap3A_217], %reshape3A_216 {strides = array<i32>} : memref<400384xf32, #tpu.memory_space<vmem>>, vector<1024xf32>,
    %get3A_219 = arith.constant 0 : index
    %get3A_220 = arith.constant 4736 : index
    %get3A_221 = vector.load %arg1[%get3A_219, %get3A_220] : memref<8x50048xf32, #tpu.memory_space<vmem>>, vector<8x128xf32>
    %reshape3A_222 = vector.shape_cast %get3A_221 : vector<8x128xf32> to vector<1024xf32>
    %swap3A_223 = arith.constant 37888 : index
    %swap3A_224 = vector.load %arg2[%swap3A_223] : memref<400384xf32, #tpu.memory_space<vmem>>, vector<1024xf32>
    tpu.vector_store %arg2[%swap3A_223], %reshape3A_222 {strides = array<i32>} : memref<400384xf32, #tpu.memory_space<vmem>>, vector<1024xf32>,
    %get3A_225 = arith.constant 0 : index
    %get3A_226 = arith.constant 4864 : index
    %get3A_227 = vector.load %arg1[%get3A_225, %get3A_226] : memref<8x50048xf32, #tpu.memory_space<vmem>>, vector<8x128xf32>
    %reshape3A_228 = vector.shape_cast %get3A_227 : vector<8x128xf32> to vector<1024xf32>
    %swap3A_229 = arith.constant 38912 : index
    %swap3A_230 = vector.load %arg2[%swap3A_229] : memref<400384xf32, #tpu.memory_space<vmem>>, vector<1024xf32>
    tpu.vector_store %arg2[%swap3A_229], %reshape3A_228 {strides = array<i32>} : memref<400384xf32, #tpu.memory_space<vmem>>, vector<1024xf32>,
    %get3A_231 = arith.constant 0 : index
    %get3A_232 = arith.constant 4992 : index
    %get3A_233 = vector.load %arg1[%get3A_231, %get3A_232] : memref<8x50048xf32, #tpu.memory_space<vmem>>, vector<8x128xf32>
    %reshape3A_234 = vector.shape_cast %get3A_233 : vector<8x128xf32> to vector<1024xf32>
    %swap3A_235 = arith.constant 39936 : index
    %swap3A_236 = vector.load %arg2[%swap3A_235] : memref<400384xf32, #tpu.memory_space<vmem>>, vector<1024xf32>
    tpu.vector_store %arg2[%swap3A_235], %reshape3A_234 {strides = array<i32>} : memref<400384xf32, #tpu.memory_space<vmem>>, vector<1024xf32>,
    %get3A_237 = arith.constant 0 : index
    %get3A_238 = arith.constant 5120 : index
    %get3A_239 = vector.load %arg1[%get3A_237, %get3A_238] : memref<8x50048xf32, #tpu.memory_space<vmem>>, vector<8x128xf32>
    %reshape3A_240 = vector.shape_cast %get3A_239 : vector<8x128xf32> to vector<1024xf32>
    %swap3A_241 = arith.constant 40960 : index
    %swap3A_242 = vector.load %arg2[%swap3A_241] : memref<400384xf32, #tpu.memory_space<vmem>>, vector<1024xf32>
    tpu.vector_store %arg2[%swap3A_241], %reshape3A_240 {strides = array<i32>} : memref<400384xf32, #tpu.memory_space<vmem>>, vector<1024xf32>,
    %get3A_243 = arith.constant 0 : index
    %get3A_244 = arith.constant 5248 : index
    %get3A_245 = vector.load %arg1[%get3A_243, %get3A_244] : memref<8x50048xf32, #tpu.memory_space<vmem>>, vector<8x128xf32>
    %reshape3A_246 = vector.shape_cast %get3A_245 : vector<8x128xf32> to vector<1024xf32>
    %swap3A_247 = arith.constant 41984 : index
    %swap3A_248 = vector.load %arg2[%swap3A_247] : memref<400384xf32, #tpu.memory_space<vmem>>, vector<1024xf32>
    tpu.vector_store %arg2[%swap3A_247], %reshape3A_246 {strides = array<i32>} : memref<400384xf32, #tpu.memory_space<vmem>>, vector<1024xf32>,
    %get3A_249 = arith.constant 0 : index
    %get3A_250 = arith.constant 5376 : index
    %get3A_251 = vector.load %arg1[%get3A_249, %get3A_250] : memref<8x50048xf32, #tpu.memory_space<vmem>>, vector<8x128xf32>
    %reshape3A_252 = vector.shape_cast %get3A_251 : vector<8x128xf32> to vector<1024xf32>
    %swap3A_253 = arith.constant 43008 : index
    %swap3A_254 = vector.load %arg2[%swap3A_253] : memref<400384xf32, #tpu.memory_space<vmem>>, vector<1024xf32>
    tpu.vector_store %arg2[%swap3A_253], %reshape3A_252 {strides = array<i32>} : memref<400384xf32, #tpu.memory_space<vmem>>, vector<1024xf32>,
    %get3A_255 = arith.constant 0 : index
    %get3A_256 = arith.constant 5504 : index
    %get3A_257 = vector.load %arg1[%get3A_255, %get3A_256] : memref<8x50048xf32, #tpu.memory_space<vmem>>, vector<8x128xf32>
    %reshape3A_258 = vector.shape_cast %get3A_257 : vector<8x128xf32> to vector<1024xf32>
    %swap3A_259 = arith.constant 44032 : index
    %swap3A_260 = vector.load %arg2[%swap3A_259] : memref<400384xf32, #tpu.memory_space<vmem>>, vector<1024xf32>
    tpu.vector_store %arg2[%swap3A_259], %reshape3A_258 {strides = array<i32>} : memref<400384xf32, #tpu.memory_space<vmem>>, vector<1024xf32>,
    %get3A_261 = arith.constant 0 : index
    %get3A_262 = arith.constant 5632 : index
    %get3A_263 = vector.load %arg1[%get3A_261, %get3A_262] : memref<8x50048xf32, #tpu.memory_space<vmem>>, vector<8x128xf32>
    %reshape3A_264 = vector.shape_cast %get3A_263 : vector<8x128xf32> to vector<1024xf32>
    %swap3A_265 = arith.constant 45056 : index
    %swap3A_266 = vector.load %arg2[%swap3A_265] : memref<400384xf32, #tpu.memory_space<vmem>>, vector<1024xf32>
    tpu.vector_store %arg2[%swap3A_265], %reshape3A_264 {strides = array<i32>} : memref<400384xf32, #tpu.memory_space<vmem>>, vector<1024xf32>,
    %get3A_267 = arith.constant 0 : index
    %get3A_268 = arith.constant 5760 : index
    %get3A_269 = vector.load %arg1[%get3A_267, %get3A_268] : memref<8x50048xf32, #tpu.memory_space<vmem>>, vector<8x128xf32>
    %reshape3A_270 = vector.shape_cast %get3A_269 : vector<8x128xf32> to vector<1024xf32>
    %swap3A_271 = arith.constant 46080 : index
    %swap3A_272 = vector.load %arg2[%swap3A_271] : memref<400384xf32, #tpu.memory_space<vmem>>, vector<1024xf32>
    tpu.vector_store %arg2[%swap3A_271], %reshape3A_270 {strides = array<i32>} : memref<400384xf32, #tpu.memory_space<vmem>>, vector<1024xf32>,
    %get3A_273 = arith.constant 0 : index
    %get3A_274 = arith.constant 5888 : index
    %get3A_275 = vector.load %arg1[%get3A_273, %get3A_274] : memref<8x50048xf32, #tpu.memory_space<vmem>>, vector<8x128xf32>
    %reshape3A_276 = vector.shape_cast %get3A_275 : vector<8x128xf32> to vector<1024xf32>
    %swap3A_277 = arith.constant 47104 : index
    %swap3A_278 = vector.load %arg2[%swap3A_277] : memref<400384xf32, #tpu.memory_space<vmem>>, vector<1024xf32>
    tpu.vector_store %arg2[%swap3A_277], %reshape3A_276 {strides = array<i32>} : memref<400384xf32, #tpu.memory_space<vmem>>, vector<1024xf32>,
    %get3A_279 = arith.constant 0 : index
    %get3A_280 = arith.constant 6016 : index
    %get3A_281 = vector.load %arg1[%get3A_279, %get3A_280] : memref<8x50048xf32, #tpu.memory_space<vmem>>, vector<8x128xf32>
    %reshape3A_282 = vector.shape_cast %get3A_281 : vector<8x128xf32> to vector<1024xf32>
    %swap3A_283 = arith.constant 48128 : index
    %swap3A_284 = vector.load %arg2[%swap3A_283] : memref<400384xf32, #tpu.memory_space<vmem>>, vector<1024xf32>
    tpu.vector_store %arg2[%swap3A_283], %reshape3A_282 {strides = array<i32>} : memref<400384xf32, #tpu.memory_space<vmem>>, vector<1024xf32>,
    %get3A_285 = arith.constant 0 : index
    %get3A_286 = arith.constant 6144 : index
    %get3A_287 = vector.load %arg1[%get3A_285, %get3A_286] : memref<8x50048xf32, #tpu.memory_space<vmem>>, vector<8x128xf32>
    %reshape3A_288 = vector.shape_cast %get3A_287 : vector<8x128xf32> to vector<1024xf32>
    %swap3A_289 = arith.constant 49152 : index
    %swap3A_290 = vector.load %arg2[%swap3A_289] : memref<400384xf32, #tpu.memory_space<vmem>>, vector<1024xf32>
    tpu.vector_store %arg2[%swap3A_289], %reshape3A_288 {strides = array<i32>} : memref<400384xf32, #tpu.memory_space<vmem>>, vector<1024xf32>,
    %get3A_291 = arith.constant 0 : index
    %get3A_292 = arith.constant 6272 : index
    %get3A_293 = vector.load %arg1[%get3A_291, %get3A_292] : memref<8x50048xf32, #tpu.memory_space<vmem>>, vector<8x128xf32>
    %reshape3A_294 = vector.shape_cast %get3A_293 : vector<8x128xf32> to vector<1024xf32>
    %swap3A_295 = arith.constant 50176 : index
    %swap3A_296 = vector.load %arg2[%swap3A_295] : memref<400384xf32, #tpu.memory_space<vmem>>, vector<1024xf32>
    tpu.vector_store %arg2[%swap3A_295], %reshape3A_294 {strides = array<i32>} : memref<400384xf32, #tpu.memory_space<vmem>>, vector<1024xf32>,
    %get3A_297 = arith.constant 0 : index
    %get3A_298 = arith.constant 6400 : index
    %get3A_299 = vector.load %arg1[%get3A_297, %get3A_298] : memref<8x50048xf32, #tpu.memory_space<vmem>>, vector<8x128xf32>
    %reshape3A_300 = vector.shape_cast %get3A_299 : vector<8x128xf32> to vector<1024xf32>
    %swap3A_301 = arith.constant 51200 : index
    %swap3A_302 = vector.load %arg2[%swap3A_301] : memref<400384xf32, #tpu.memory_space<vmem>>, vector<1024xf32>
    tpu.vector_store %arg2[%swap3A_301], %reshape3A_300 {strides = array<i32>} : memref<400384xf32, #tpu.memory_space<vmem>>, vector<1024xf32>,
    %get3A_303 = arith.constant 0 : index
    %get3A_304 = arith.constant 6528 : index
    %get3A_305 = vector.load %arg1[%get3A_303, %get3A_304] : memref<8x50048xf32, #tpu.memory_space<vmem>>, vector<8x128xf32>
    %reshape3A_306 = vector.shape_cast %get3A_305 : vector<8x128xf32> to vector<1024xf32>
    %swap3A_307 = arith.constant 52224 : index
    %swap3A_308 = vector.load %arg2[%swap3A_307] : memref<400384xf32, #tpu.memory_space<vmem>>, vector<1024xf32>
    tpu.vector_store %arg2[%swap3A_307], %reshape3A_306 {strides = array<i32>} : memref<400384xf32, #tpu.memory_space<vmem>>, vector<1024xf32>,
    %get3A_309 = arith.constant 0 : index
    %get3A_310 = arith.constant 6656 : index
    %get3A_311 = vector.load %arg1[%get3A_309, %get3A_310] : memref<8x50048xf32, #tpu.memory_space<vmem>>, vector<8x128xf32>
    %reshape3A_312 = vector.shape_cast %get3A_311 : vector<8x128xf32> to vector<1024xf32>
    %swap3A_313 = arith.constant 53248 : index
    %swap3A_314 = vector.load %arg2[%swap3A_313] : memref<400384xf32, #tpu.memory_space<vmem>>, vector<1024xf32>
    tpu.vector_store %arg2[%swap3A_313], %reshape3A_312 {strides = array<i32>} : memref<400384xf32, #tpu.memory_space<vmem>>, vector<1024xf32>,
    %get3A_315 = arith.constant 0 : index
    %get3A_316 = arith.constant 6784 : index
    %get3A_317 = vector.load %arg1[%get3A_315, %get3A_316] : memref<8x50048xf32, #tpu.memory_space<vmem>>, vector<8x128xf32>
    %reshape3A_318 = vector.shape_cast %get3A_317 : vector<8x128xf32> to vector<1024xf32>
    %swap3A_319 = arith.constant 54272 : index
    %swap3A_320 = vector.load %arg2[%swap3A_319] : memref<400384xf32, #tpu.memory_space<vmem>>, vector<1024xf32>
    tpu.vector_store %arg2[%swap3A_319], %reshape3A_318 {strides = array<i32>} : memref<400384xf32, #tpu.memory_space<vmem>>, vector<1024xf32>,
    %get3A_321 = arith.constant 0 : index
    %get3A_322 = arith.constant 6912 : index
    %get3A_323 = vector.load %arg1[%get3A_321, %get3A_322] : memref<8x50048xf32, #tpu.memory_space<vmem>>, vector<8x128xf32>
    %reshape3A_324 = vector.shape_cast %get3A_323 : vector<8x128xf32> to vector<1024xf32>
    %swap3A_325 = arith.constant 55296 : index
    %swap3A_326 = vector.load %arg2[%swap3A_325] : memref<400384xf32, #tpu.memory_space<vmem>>, vector<1024xf32>
    tpu.vector_store %arg2[%swap3A_325], %reshape3A_324 {strides = array<i32>} : memref<400384xf32, #tpu.memory_space<vmem>>, vector<1024xf32>,
    %get3A_327 = arith.constant 0 : index
    %get3A_328 = arith.constant 7040 : index
    %get3A_329 = vector.load %arg1[%get3A_327, %get3A_328] : memref<8x50048xf32, #tpu.memory_space<vmem>>, vector<8x128xf32>
    %reshape3A_330 = vector.shape_cast %get3A_329 : vector<8x128xf32> to vector<1024xf32>
    %swap3A_331 = arith.constant 56320 : index
    %swap3A_332 = vector.load %arg2[%swap3A_331] : memref<400384xf32, #tpu.memory_space<vmem>>, vector<1024xf32>
    tpu.vector_store %arg2[%swap3A_331], %reshape3A_330 {strides = array<i32>} : memref<400384xf32, #tpu.memory_space<vmem>>, vector<1024xf32>,
    %get3A_333 = arith.constant 0 : index
    %get3A_334 = arith.constant 7168 : index
    %get3A_335 = vector.load %arg1[%get3A_333, %get3A_334] : memref<8x50048xf32, #tpu.memory_space<vmem>>, vector<8x128xf32>
    %reshape3A_336 = vector.shape_cast %get3A_335 : vector<8x128xf32> to vector<1024xf32>
    %swap3A_337 = arith.constant 57344 : index
    %swap3A_338 = vector.load %arg2[%swap3A_337] : memref<400384xf32, #tpu.memory_space<vmem>>, vector<1024xf32>
    tpu.vector_store %arg2[%swap3A_337], %reshape3A_336 {strides = array<i32>} : memref<400384xf32, #tpu.memory_space<vmem>>, vector<1024xf32>,
    %get3A_339 = arith.constant 0 : index
    %get3A_340 = arith.constant 7296 : index
    %get3A_341 = vector.load %arg1[%get3A_339, %get3A_340] : memref<8x50048xf32, #tpu.memory_space<vmem>>, vector<8x128xf32>
    %reshape3A_342 = vector.shape_cast %get3A_341 : vector<8x128xf32> to vector<1024xf32>
    %swap3A_343 = arith.constant 58368 : index
    %swap3A_344 = vector.load %arg2[%swap3A_343] : memref<400384xf32, #tpu.memory_space<vmem>>, vector<1024xf32>
    tpu.vector_store %arg2[%swap3A_343], %reshape3A_342 {strides = array<i32>} : memref<400384xf32, #tpu.memory_space<vmem>>, vector<1024xf32>,
    %get3A_345 = arith.constant 0 : index
    %get3A_346 = arith.constant 7424 : index
    %get3A_347 = vector.load %arg1[%get3A_345, %get3A_346] : memref<8x50048xf32, #tpu.memory_space<vmem>>, vector<8x128xf32>
    %reshape3A_348 = vector.shape_cast %get3A_347 : vector<8x128xf32> to vector<1024xf32>
    %swap3A_349 = arith.constant 59392 : index
    %swap3A_350 = vector.load %arg2[%swap3A_349] : memref<400384xf32, #tpu.memory_space<vmem>>, vector<1024xf32>
    tpu.vector_store %arg2[%swap3A_349], %reshape3A_348 {strides = array<i32>} : memref<400384xf32, #tpu.memory_space<vmem>>, vector<1024xf32>,
    %get3A_351 = arith.constant 0 : index
    %get3A_352 = arith.constant 7552 : index
    %get3A_353 = vector.load %arg1[%get3A_351, %get3A_352] : memref<8x50048xf32, #tpu.memory_space<vmem>>, vector<8x128xf32>
    %reshape3A_354 = vector.shape_cast %get3A_353 : vector<8x128xf32> to vector<1024xf32>
    %swap3A_355 = arith.constant 60416 : index
    %swap3A_356 = vector.load %arg2[%swap3A_355] : memref<400384xf32, #tpu.memory_space<vmem>>, vector<1024xf32>
    tpu.vector_store %arg2[%swap3A_355], %reshape3A_354 {strides = array<i32>} : memref<400384xf32, #tpu.memory_space<vmem>>, vector<1024xf32>,
    %get3A_357 = arith.constant 0 : index
    %get3A_358 = arith.constant 7680 : index
    %get3A_359 = vector.load %arg1[%get3A_357, %get3A_358] : memref<8x50048xf32, #tpu.memory_space<vmem>>, vector<8x128xf32>
    %reshape3A_360 = vector.shape_cast %get3A_359 : vector<8x128xf32> to vector<1024xf32>
    %swap3A_361 = arith.constant 61440 : index
    %swap3A_362 = vector.load %arg2[%swap3A_361] : memref<400384xf32, #tpu.memory_space<vmem>>, vector<1024xf32>
    tpu.vector_store %arg2[%swap3A_361], %reshape3A_360 {strides = array<i32>} : memref<400384xf32, #tpu.memory_space<vmem>>, vector<1024xf32>,
    %get3A_363 = arith.constant 0 : index
    %get3A_364 = arith.constant 7808 : index
    %get3A_365 = vector.load %arg1[%get3A_363, %get3A_364] : memref<8x50048xf32, #tpu.memory_space<vmem>>, vector<8x128xf32>
    %reshape3A_366 = vector.shape_cast %get3A_365 : vector<8x128xf32> to vector<1024xf32>
    %swap3A_367 = arith.constant 62464 : index
    %swap3A_368 = vector.load %arg2[%swap3A_367] : memref<400384xf32, #tpu.memory_space<vmem>>, vector<1024xf32>
    tpu.vector_store %arg2[%swap3A_367], %reshape3A_366 {strides = array<i32>} : memref<400384xf32, #tpu.memory_space<vmem>>, vector<1024xf32>,
    %get3A_369 = arith.constant 0 : index
    %get3A_370 = arith.constant 7936 : index
    %get3A_371 = vector.load %arg1[%get3A_369, %get3A_370] : memref<8x50048xf32, #tpu.memory_space<vmem>>, vector<8x128xf32>
    %reshape3A_372 = vector.shape_cast %get3A_371 : vector<8x128xf32> to vector<1024xf32>
    %swap3A_373 = arith.constant 63488 : index
    %swap3A_374 = vector.load %arg2[%swap3A_373] : memref<400384xf32, #tpu.memory_space<vmem>>, vector<1024xf32>
    tpu.vector_store %arg2[%swap3A_373], %reshape3A_372 {strides = array<i32>} : memref<400384xf32, #tpu.memory_space<vmem>>, vector<1024xf32>,
    %get3A_375 = arith.constant 0 : index
    %get3A_376 = arith.constant 8064 : index
    %get3A_377 = vector.load %arg1[%get3A_375, %get3A_376] : memref<8x50048xf32, #tpu.memory_space<vmem>>, vector<8x128xf32>
    %reshape3A_378 = vector.shape_cast %get3A_377 : vector<8x128xf32> to vector<1024xf32>
    %swap3A_379 = arith.constant 64512 : index
    %swap3A_380 = vector.load %arg2[%swap3A_379] : memref<400384xf32, #tpu.memory_space<vmem>>, vector<1024xf32>
    tpu.vector_store %arg2[%swap3A_379], %reshape3A_378 {strides = array<i32>} : memref<400384xf32, #tpu.memory_space<vmem>>, vector<1024xf32>,
    %get3A_381 = arith.constant 0 : index
    %get3A_382 = arith.constant 8192 : index
    %get3A_383 = vector.load %arg1[%get3A_381, %get3A_382] : memref<8x50048xf32, #tpu.memory_space<vmem>>, vector<8x128xf32>
    %reshape3A_384 = vector.shape_cast %get3A_383 : vector<8x128xf32> to vector<1024xf32>
    %swap3A_385 = arith.constant 65536 : index
    %swap3A_386 = vector.load %arg2[%swap3A_385] : memref<400384xf32, #tpu.memory_space<vmem>>, vector<1024xf32>
    tpu.vector_store %arg2[%swap3A_385], %reshape3A_384 {strides = array<i32>} : memref<400384xf32, #tpu.memory_space<vmem>>, vector<1024xf32>,
    %get3A_387 = arith.constant 0 : index
    %get3A_388 = arith.constant 8320 : index
    %get3A_389 = vector.load %arg1[%get3A_387, %get3A_388] : memref<8x50048xf32, #tpu.memory_space<vmem>>, vector<8x128xf32>
    %reshape3A_390 = vector.shape_cast %get3A_389 : vector<8x128xf32> to vector<1024xf32>
    %swap3A_391 = arith.constant 66560 : index
    %swap3A_392 = vector.load %arg2[%swap3A_391] : memref<400384xf32, #tpu.memory_space<vmem>>, vector<1024xf32>
    tpu.vector_store %arg2[%swap3A_391], %reshape3A_390 {strides = array<i32>} : memref<400384xf32, #tpu.memory_space<vmem>>, vector<1024xf32>,
    %get3A_393 = arith.constant 0 : index
    %get3A_394 = arith.constant 8448 : index
    %get3A_395 = vector.load %arg1[%get3A_393, %get3A_394] : memref<8x50048xf32, #tpu.memory_space<vmem>>, vector<8x128xf32>
    %reshape3A_396 = vector.shape_cast %get3A_395 : vector<8x128xf32> to vector<1024xf32>
    %swap3A_397 = arith.constant 67584 : index
    %swap3A_398 = vector.load %arg2[%swap3A_397] : memref<400384xf32, #tpu.memory_space<vmem>>, vector<1024xf32>
    tpu.vector_store %arg2[%swap3A_397], %reshape3A_396 {strides = array<i32>} : memref<400384xf32, #tpu.memory_space<vmem>>, vector<1024xf32>,
    %get3A_399 = arith.constant 0 : index
    %get3A_400 = arith.constant 8576 : index
    %get3A_401 = vector.load %arg1[%get3A_399, %get3A_400] : memref<8x50048xf32, #tpu.memory_space<vmem>>, vector<8x128xf32>
    %reshape3A_402 = vector.shape_cast %get3A_401 : vector<8x128xf32> to vector<1024xf32>
    %swap3A_403 = arith.constant 68608 : index
    %swap3A_404 = vector.load %arg2[%swap3A_403] : memref<400384xf32, #tpu.memory_space<vmem>>, vector<1024xf32>
    tpu.vector_store %arg2[%swap3A_403], %reshape3A_402 {strides = array<i32>} : memref<400384xf32, #tpu.memory_space<vmem>>, vector<1024xf32>,
    %get3A_405 = arith.constant 0 : index
    %get3A_406 = arith.constant 8704 : index
    %get3A_407 = vector.load %arg1[%get3A_405, %get3A_406] : memref<8x50048xf32, #tpu.memory_space<vmem>>, vector<8x128xf32>
    %reshape3A_408 = vector.shape_cast %get3A_407 : vector<8x128xf32> to vector<1024xf32>
    %swap3A_409 = arith.constant 69632 : index
    %swap3A_410 = vector.load %arg2[%swap3A_409] : memref<400384xf32, #tpu.memory_space<vmem>>, vector<1024xf32>
    tpu.vector_store %arg2[%swap3A_409], %reshape3A_408 {strides = array<i32>} : memref<400384xf32, #tpu.memory_space<vmem>>, vector<1024xf32>,
    %get3A_411 = arith.constant 0 : index
    %get3A_412 = arith.constant 8832 : index
    %get3A_413 = vector.load %arg1[%get3A_411, %get3A_412] : memref<8x50048xf32, #tpu.memory_space<vmem>>, vector<8x128xf32>
    %reshape3A_414 = vector.shape_cast %get3A_413 : vector<8x128xf32> to vector<1024xf32>
    %swap3A_415 = arith.constant 70656 : index
    %swap3A_416 = vector.load %arg2[%swap3A_415] : memref<400384xf32, #tpu.memory_space<vmem>>, vector<1024xf32>
    tpu.vector_store %arg2[%swap3A_415], %reshape3A_414 {strides = array<i32>} : memref<400384xf32, #tpu.memory_space<vmem>>, vector<1024xf32>,
    %get3A_417 = arith.constant 0 : index
    %get3A_418 = arith.constant 8960 : index
    %get3A_419 = vector.load %arg1[%get3A_417, %get3A_418] : memref<8x50048xf32, #tpu.memory_space<vmem>>, vector<8x128xf32>
    %reshape3A_420 = vector.shape_cast %get3A_419 : vector<8x128xf32> to vector<1024xf32>
    %swap3A_421 = arith.constant 71680 : index
    %swap3A_422 = vector.load %arg2[%swap3A_421] : memref<400384xf32, #tpu.memory_space<vmem>>, vector<1024xf32>
    tpu.vector_store %arg2[%swap3A_421], %reshape3A_420 {strides = array<i32>} : memref<400384xf32, #tpu.memory_space<vmem>>, vector<1024xf32>,
    %get3A_423 = arith.constant 0 : index
    %get3A_424 = arith.constant 9088 : index
    %get3A_425 = vector.load %arg1[%get3A_423, %get3A_424] : memref<8x50048xf32, #tpu.memory_space<vmem>>, vector<8x128xf32>
    %reshape3A_426 = vector.shape_cast %get3A_425 : vector<8x128xf32> to vector<1024xf32>
    %swap3A_427 = arith.constant 72704 : index
    %swap3A_428 = vector.load %arg2[%swap3A_427] : memref<400384xf32, #tpu.memory_space<vmem>>, vector<1024xf32>
    tpu.vector_store %arg2[%swap3A_427], %reshape3A_426 {strides = array<i32>} : memref<400384xf32, #tpu.memory_space<vmem>>, vector<1024xf32>,
    %get3A_429 = arith.constant 0 : index
    %get3A_430 = arith.constant 9216 : index
    %get3A_431 = vector.load %arg1[%get3A_429, %get3A_430] : memref<8x50048xf32, #tpu.memory_space<vmem>>, vector<8x128xf32>
    %reshape3A_432 = vector.shape_cast %get3A_431 : vector<8x128xf32> to vector<1024xf32>
    %swap3A_433 = arith.constant 73728 : index
    %swap3A_434 = vector.load %arg2[%swap3A_433] : memref<400384xf32, #tpu.memory_space<vmem>>, vector<1024xf32>
    tpu.vector_store %arg2[%swap3A_433], %reshape3A_432 {strides = array<i32>} : memref<400384xf32, #tpu.memory_space<vmem>>, vector<1024xf32>,
    %get3A_435 = arith.constant 0 : index
    %get3A_436 = arith.constant 9344 : index
    %get3A_437 = vector.load %arg1[%get3A_435, %get3A_436] : memref<8x50048xf32, #tpu.memory_space<vmem>>, vector<8x128xf32>
    %reshape3A_438 = vector.shape_cast %get3A_437 : vector<8x128xf32> to vector<1024xf32>
    %swap3A_439 = arith.constant 74752 : index
    %swap3A_440 = vector.load %arg2[%swap3A_439] : memref<400384xf32, #tpu.memory_space<vmem>>, vector<1024xf32>
    tpu.vector_store %arg2[%swap3A_439], %reshape3A_438 {strides = array<i32>} : memref<400384xf32, #tpu.memory_space<vmem>>, vector<1024xf32>,
    %get3A_441 = arith.constant 0 : index
    %get3A_442 = arith.constant 9472 : index
    %get3A_443 = vector.load %arg1[%get3A_441, %get3A_442] : memref<8x50048xf32, #tpu.memory_space<vmem>>, vector<8x128xf32>
    %reshape3A_444 = vector.shape_cast %get3A_443 : vector<8x128xf32> to vector<1024xf32>
    %swap3A_445 = arith.constant 75776 : index
    %swap3A_446 = vector.load %arg2[%swap3A_445] : memref<400384xf32, #tpu.memory_space<vmem>>, vector<1024xf32>
    tpu.vector_store %arg2[%swap3A_445], %reshape3A_444 {strides = array<i32>} : memref<400384xf32, #tpu.memory_space<vmem>>, vector<1024xf32>,
    %get3A_447 = arith.constant 0 : index
    %get3A_448 = arith.constant 9600 : index
    %get3A_449 = vector.load %arg1[%get3A_447, %get3A_448] : memref<8x50048xf32, #tpu.memory_space<vmem>>, vector<8x128xf32>
    %reshape3A_450 = vector.shape_cast %get3A_449 : vector<8x128xf32> to vector<1024xf32>
    %swap3A_451 = arith.constant 76800 : index
    %swap3A_452 = vector.load %arg2[%swap3A_451] : memref<400384xf32, #tpu.memory_space<vmem>>, vector<1024xf32>
    tpu.vector_store %arg2[%swap3A_451], %reshape3A_450 {strides = array<i32>} : memref<400384xf32, #tpu.memory_space<vmem>>, vector<1024xf32>,
    %get3A_453 = arith.constant 0 : index
    %get3A_454 = arith.constant 9728 : index
    %get3A_455 = vector.load %arg1[%get3A_453, %get3A_454] : memref<8x50048xf32, #tpu.memory_space<vmem>>, vector<8x128xf32>
    %reshape3A_456 = vector.shape_cast %get3A_455 : vector<8x128xf32> to vector<1024xf32>
    %swap3A_457 = arith.constant 77824 : index
    %swap3A_458 = vector.load %arg2[%swap3A_457] : memref<400384xf32, #tpu.memory_space<vmem>>, vector<1024xf32>
    tpu.vector_store %arg2[%swap3A_457], %reshape3A_456 {strides = array<i32>} : memref<400384xf32, #tpu.memory_space<vmem>>, vector<1024xf32>,
    %get3A_459 = arith.constant 0 : index
    %get3A_460 = arith.constant 9856 : index
    %get3A_461 = vector.load %arg1[%get3A_459, %get3A_460] : memref<8x50048xf32, #tpu.memory_space<vmem>>, vector<8x128xf32>
    %reshape3A_462 = vector.shape_cast %get3A_461 : vector<8x128xf32> to vector<1024xf32>
    %swap3A_463 = arith.constant 78848 : index
    %swap3A_464 = vector.load %arg2[%swap3A_463] : memref<400384xf32, #tpu.memory_space<vmem>>, vector<1024xf32>
    tpu.vector_store %arg2[%swap3A_463], %reshape3A_462 {strides = array<i32>} : memref<400384xf32, #tpu.memory_space<vmem>>, vector<1024xf32>,
    %get3A_465 = arith.constant 0 : index
    %get3A_466 = arith.constant 9984 : index
    %get3A_467 = vector.load %arg1[%get3A_465, %get3A_466] : memref<8x50048xf32, #tpu.memory_space<vmem>>, vector<8x128xf32>
    %reshape3A_468 = vector.shape_cast %get3A_467 : vector<8x128xf32> to vector<1024xf32>
    %swap3A_469 = arith.constant 79872 : index
    %swap3A_470 = vector.load %arg2[%swap3A_469] : memref<400384xf32, #tpu.memory_space<vmem>>, vector<1024xf32>
    tpu.vector_store %arg2[%swap3A_469], %reshape3A_468 {strides = array<i32>} : memref<400384xf32, #tpu.memory_space<vmem>>, vector<1024xf32>,
    %get3A_471 = arith.constant 0 : index
    %get3A_472 = arith.constant 10112 : index
    %get3A_473 = vector.load %arg1[%get3A_471, %get3A_472] : memref<8x50048xf32, #tpu.memory_space<vmem>>, vector<8x128xf32>
    %reshape3A_474 = vector.shape_cast %get3A_473 : vector<8x128xf32> to vector<1024xf32>
    %swap3A_475 = arith.constant 80896 : index
    %swap3A_476 = vector.load %arg2[%swap3A_475] : memref<400384xf32, #tpu.memory_space<vmem>>, vector<1024xf32>
    tpu.vector_store %arg2[%swap3A_475], %reshape3A_474 {strides = array<i32>} : memref<400384xf32, #tpu.memory_space<vmem>>, vector<1024xf32>,
    %get3A_477 = arith.constant 0 : index
    %get3A_478 = arith.constant 10240 : index
    %get3A_479 = vector.load %arg1[%get3A_477, %get3A_478] : memref<8x50048xf32, #tpu.memory_space<vmem>>, vector<8x128xf32>
    %reshape3A_480 = vector.shape_cast %get3A_479 : vector<8x128xf32> to vector<1024xf32>
    %swap3A_481 = arith.constant 81920 : index
    %swap3A_482 = vector.load %arg2[%swap3A_481] : memref<400384xf32, #tpu.memory_space<vmem>>, vector<1024xf32>
    tpu.vector_store %arg2[%swap3A_481], %reshape3A_480 {strides = array<i32>} : memref<400384xf32, #tpu.memory_space<vmem>>, vector<1024xf32>,
    %get3A_483 = arith.constant 0 : index
    %get3A_484 = arith.constant 10368 : index
    %get3A_485 = vector.load %arg1[%get3A_483, %get3A_484] : memref<8x50048xf32, #tpu.memory_space<vmem>>, vector<8x128xf32>
    %reshape3A_486 = vector.shape_cast %get3A_485 : vector<8x128xf32> to vector<1024xf32>
    %swap3A_487 = arith.constant 82944 : index
    %swap3A_488 = vector.load %arg2[%swap3A_487] : memref<400384xf32, #tpu.memory_space<vmem>>, vector<1024xf32>
    tpu.vector_store %arg2[%swap3A_487], %reshape3A_486 {strides = array<i32>} : memref<400384xf32, #tpu.memory_space<vmem>>, vector<1024xf32>,
    %get3A_489 = arith.constant 0 : index
    %get3A_490 = arith.constant 10496 : index
    %get3A_491 = vector.load %arg1[%get3A_489, %get3A_490] : memref<8x50048xf32, #tpu.memory_space<vmem>>, vector<8x128xf32>
    %reshape3A_492 = vector.shape_cast %get3A_491 : vector<8x128xf32> to vector<1024xf32>
    %swap3A_493 = arith.constant 83968 : index
    %swap3A_494 = vector.load %arg2[%swap3A_493] : memref<400384xf32, #tpu.memory_space<vmem>>, vector<1024xf32>
    tpu.vector_store %arg2[%swap3A_493], %reshape3A_492 {strides = array<i32>} : memref<400384xf32, #tpu.memory_space<vmem>>, vector<1024xf32>,
    %get3A_495 = arith.constant 0 : index
    %get3A_496 = arith.constant 10624 : index
    %get3A_497 = vector.load %arg1[%get3A_495, %get3A_496] : memref<8x50048xf32, #tpu.memory_space<vmem>>, vector<8x128xf32>
    %reshape3A_498 = vector.shape_cast %get3A_497 : vector<8x128xf32> to vector<1024xf32>
    %swap3A_499 = arith.constant 84992 : index
    %swap3A_500 = vector.load %arg2[%swap3A_499] : memref<400384xf32, #tpu.memory_space<vmem>>, vector<1024xf32>
    tpu.vector_store %arg2[%swap3A_499], %reshape3A_498 {strides = array<i32>} : memref<400384xf32, #tpu.memory_space<vmem>>, vector<1024xf32>,
    %get3A_501 = arith.constant 0 : index
    %get3A_502 = arith.constant 10752 : index
    %get3A_503 = vector.load %arg1[%get3A_501, %get3A_502] : memref<8x50048xf32, #tpu.memory_space<vmem>>, vector<8x128xf32>
    %reshape3A_504 = vector.shape_cast %get3A_503 : vector<8x128xf32> to vector<1024xf32>
    %swap3A_505 = arith.constant 86016 : index
    %swap3A_506 = vector.load %arg2[%swap3A_505] : memref<400384xf32, #tpu.memory_space<vmem>>, vector<1024xf32>
    tpu.vector_store %arg2[%swap3A_505], %reshape3A_504 {strides = array<i32>} : memref<400384xf32, #tpu.memory_space<vmem>>, vector<1024xf32>,
    %get3A_507 = arith.constant 0 : index
    %get3A_508 = arith.constant 10880 : index
    %get3A_509 = vector.load %arg1[%get3A_507, %get3A_508] : memref<8x50048xf32, #tpu.memory_space<vmem>>, vector<8x128xf32>
    %reshape3A_510 = vector.shape_cast %get3A_509 : vector<8x128xf32> to vector<1024xf32>
    %swap3A_511 = arith.constant 87040 : index
    %swap3A_512 = vector.load %arg2[%swap3A_511] : memref<400384xf32, #tpu.memory_space<vmem>>, vector<1024xf32>
    tpu.vector_store %arg2[%swap3A_511], %reshape3A_510 {strides = array<i32>} : memref<400384xf32, #tpu.memory_space<vmem>>, vector<1024xf32>,
    %get3A_513 = arith.constant 0 : index
    %get3A_514 = arith.constant 11008 : index
    %get3A_515 = vector.load %arg1[%get3A_513, %get3A_514] : memref<8x50048xf32, #tpu.memory_space<vmem>>, vector<8x128xf32>
    %reshape3A_516 = vector.shape_cast %get3A_515 : vector<8x128xf32> to vector<1024xf32>
    %swap3A_517 = arith.constant 88064 : index
    %swap3A_518 = vector.load %arg2[%swap3A_517] : memref<400384xf32, #tpu.memory_space<vmem>>, vector<1024xf32>
    tpu.vector_store %arg2[%swap3A_517], %reshape3A_516 {strides = array<i32>} : memref<400384xf32, #tpu.memory_space<vmem>>, vector<1024xf32>,
    %get3A_519 = arith.constant 0 : index
    %get3A_520 = arith.constant 11136 : index
    %get3A_521 = vector.load %arg1[%get3A_519, %get3A_520] : memref<8x50048xf32, #tpu.memory_space<vmem>>, vector<8x128xf32>
    %reshape3A_522 = vector.shape_cast %get3A_521 : vector<8x128xf32> to vector<1024xf32>
    %swap3A_523 = arith.constant 89088 : index
    %swap3A_524 = vector.load %arg2[%swap3A_523] : memref<400384xf32, #tpu.memory_space<vmem>>, vector<1024xf32>
    tpu.vector_store %arg2[%swap3A_523], %reshape3A_522 {strides = array<i32>} : memref<400384xf32, #tpu.memory_space<vmem>>, vector<1024xf32>,
    %get3A_525 = arith.constant 0 : index
    %get3A_526 = arith.constant 11264 : index
    %get3A_527 = vector.load %arg1[%get3A_525, %get3A_526] : memref<8x50048xf32, #tpu.memory_space<vmem>>, vector<8x128xf32>
    %reshape3A_528 = vector.shape_cast %get3A_527 : vector<8x128xf32> to vector<1024xf32>
    %swap3A_529 = arith.constant 90112 : index
    %swap3A_530 = vector.load %arg2[%swap3A_529] : memref<400384xf32, #tpu.memory_space<vmem>>, vector<1024xf32>
    tpu.vector_store %arg2[%swap3A_529], %reshape3A_528 {strides = array<i32>} : memref<400384xf32, #tpu.memory_space<vmem>>, vector<1024xf32>,
    %get3A_531 = arith.constant 0 : index
    %get3A_532 = arith.constant 11392 : index
    %get3A_533 = vector.load %arg1[%get3A_531, %get3A_532] : memref<8x50048xf32, #tpu.memory_space<vmem>>, vector<8x128xf32>
    %reshape3A_534 = vector.shape_cast %get3A_533 : vector<8x128xf32> to vector<1024xf32>
    %swap3A_535 = arith.constant 91136 : index
    %swap3A_536 = vector.load %arg2[%swap3A_535] : memref<400384xf32, #tpu.memory_space<vmem>>, vector<1024xf32>
    tpu.vector_store %arg2[%swap3A_535], %reshape3A_534 {strides = array<i32>} : memref<400384xf32, #tpu.memory_space<vmem>>, vector<1024xf32>,
    %get3A_537 = arith.constant 0 : index
    %get3A_538 = arith.constant 11520 : index
    %get3A_539 = vector.load %arg1[%get3A_537, %get3A_538] : memref<8x50048xf32, #tpu.memory_space<vmem>>, vector<8x128xf32>
    %reshape3A_540 = vector.shape_cast %get3A_539 : vector<8x128xf32> to vector<1024xf32>
    %swap3A_541 = arith.constant 92160 : index
    %swap3A_542 = vector.load %arg2[%swap3A_541] : memref<400384xf32, #tpu.memory_space<vmem>>, vector<1024xf32>
    tpu.vector_store %arg2[%swap3A_541], %reshape3A_540 {strides = array<i32>} : memref<400384xf32, #tpu.memory_space<vmem>>, vector<1024xf32>,
    %get3A_543 = arith.constant 0 : index
    %get3A_544 = arith.constant 11648 : index
    %get3A_545 = vector.load %arg1[%get3A_543, %get3A_544] : memref<8x50048xf32, #tpu.memory_space<vmem>>, vector<8x128xf32>
    %reshape3A_546 = vector.shape_cast %get3A_545 : vector<8x128xf32> to vector<1024xf32>
    %swap3A_547 = arith.constant 93184 : index
    %swap3A_548 = vector.load %arg2[%swap3A_547] : memref<400384xf32, #tpu.memory_space<vmem>>, vector<1024xf32>
    tpu.vector_store %arg2[%swap3A_547], %reshape3A_546 {strides = array<i32>} : memref<400384xf32, #tpu.memory_space<vmem>>, vector<1024xf32>,
    %get3A_549 = arith.constant 0 : index
    %get3A_550 = arith.constant 11776 : index
    %get3A_551 = vector.load %arg1[%get3A_549, %get3A_550] : memref<8x50048xf32, #tpu.memory_space<vmem>>, vector<8x128xf32>
    %reshape3A_552 = vector.shape_cast %get3A_551 : vector<8x128xf32> to vector<1024xf32>
    %swap3A_553 = arith.constant 94208 : index
    %swap3A_554 = vector.load %arg2[%swap3A_553] : memref<400384xf32, #tpu.memory_space<vmem>>, vector<1024xf32>
    tpu.vector_store %arg2[%swap3A_553], %reshape3A_552 {strides = array<i32>} : memref<400384xf32, #tpu.memory_space<vmem>>, vector<1024xf32>,
    %get3A_555 = arith.constant 0 : index
    %get3A_556 = arith.constant 11904 : index
    %get3A_557 = vector.load %arg1[%get3A_555, %get3A_556] : memref<8x50048xf32, #tpu.memory_space<vmem>>, vector<8x128xf32>
    %reshape3A_558 = vector.shape_cast %get3A_557 : vector<8x128xf32> to vector<1024xf32>
    %swap3A_559 = arith.constant 95232 : index
    %swap3A_560 = vector.load %arg2[%swap3A_559] : memref<400384xf32, #tpu.memory_space<vmem>>, vector<1024xf32>
    tpu.vector_store %arg2[%swap3A_559], %reshape3A_558 {strides = array<i32>} : memref<400384xf32, #tpu.memory_space<vmem>>, vector<1024xf32>,
    %get3A_561 = arith.constant 0 : index
    %get3A_562 = arith.constant 12032 : index
    %get3A_563 = vector.load %arg1[%get3A_561, %get3A_562] : memref<8x50048xf32, #tpu.memory_space<vmem>>, vector<8x128xf32>
    %reshape3A_564 = vector.shape_cast %get3A_563 : vector<8x128xf32> to vector<1024xf32>
    %swap3A_565 = arith.constant 96256 : index
    %swap3A_566 = vector.load %arg2[%swap3A_565] : memref<400384xf32, #tpu.memory_space<vmem>>, vector<1024xf32>
    tpu.vector_store %arg2[%swap3A_565], %reshape3A_564 {strides = array<i32>} : memref<400384xf32, #tpu.memory_space<vmem>>, vector<1024xf32>,
    %get3A_567 = arith.constant 0 : index
    %get3A_568 = arith.constant 12160 : index
    %get3A_569 = vector.load %arg1[%get3A_567, %get3A_568] : memref<8x50048xf32, #tpu.memory_space<vmem>>, vector<8x128xf32>
    %reshape3A_570 = vector.shape_cast %get3A_569 : vector<8x128xf32> to vector<1024xf32>
    %swap3A_571 = arith.constant 97280 : index
    %swap3A_572 = vector.load %arg2[%swap3A_571] : memref<400384xf32, #tpu.memory_space<vmem>>, vector<1024xf32>
    tpu.vector_store %arg2[%swap3A_571], %reshape3A_570 {strides = array<i32>} : memref<400384xf32, #tpu.memory_space<vmem>>, vector<1024xf32>,
    %get3A_573 = arith.constant 0 : index
    %get3A_574 = arith.constant 12288 : index
    %get3A_575 = vector.load %arg1[%get3A_573, %get3A_574] : memref<8x50048xf32, #tpu.memory_space<vmem>>, vector<8x128xf32>
    %reshape3A_576 = vector.shape_cast %get3A_575 : vector<8x128xf32> to vector<1024xf32>
    %swap3A_577 = arith.constant 98304 : index
    %swap3A_578 = vector.load %arg2[%swap3A_577] : memref<400384xf32, #tpu.memory_space<vmem>>, vector<1024xf32>
    tpu.vector_store %arg2[%swap3A_577], %reshape3A_576 {strides = array<i32>} : memref<400384xf32, #tpu.memory_space<vmem>>, vector<1024xf32>,
    %get3A_579 = arith.constant 0 : index
    %get3A_580 = arith.constant 12416 : index
    %get3A_581 = vector.load %arg1[%get3A_579, %get3A_580] : memref<8x50048xf32, #tpu.memory_space<vmem>>, vector<8x128xf32>
    %reshape3A_582 = vector.shape_cast %get3A_581 : vector<8x128xf32> to vector<1024xf32>
    %swap3A_583 = arith.constant 99328 : index
    %swap3A_584 = vector.load %arg2[%swap3A_583] : memref<400384xf32, #tpu.memory_space<vmem>>, vector<1024xf32>
    tpu.vector_store %arg2[%swap3A_583], %reshape3A_582 {strides = array<i32>} : memref<400384xf32, #tpu.memory_space<vmem>>, vector<1024xf32>,
    %get3A_585 = arith.constant 0 : index
    %get3A_586 = arith.constant 12544 : index
    %get3A_587 = vector.load %arg1[%get3A_585, %get3A_586] : memref<8x50048xf32, #tpu.memory_space<vmem>>, vector<8x128xf32>
    %reshape3A_588 = vector.shape_cast %get3A_587 : vector<8x128xf32> to vector<1024xf32>
    %swap3A_589 = arith.constant 100352 : index
    %swap3A_590 = vector.load %arg2[%swap3A_589] : memref<400384xf32, #tpu.memory_space<vmem>>, vector<1024xf32>
    tpu.vector_store %arg2[%swap3A_589], %reshape3A_588 {strides = array<i32>} : memref<400384xf32, #tpu.memory_space<vmem>>, vector<1024xf32>,
    %get3A_591 = arith.constant 0 : index
    %get3A_592 = arith.constant 12672 : index
    %get3A_593 = vector.load %arg1[%get3A_591, %get3A_592] : memref<8x50048xf32, #tpu.memory_space<vmem>>, vector<8x128xf32>
    %reshape3A_594 = vector.shape_cast %get3A_593 : vector<8x128xf32> to vector<1024xf32>
    %swap3A_595 = arith.constant 101376 : index
    %swap3A_596 = vector.load %arg2[%swap3A_595] : memref<400384xf32, #tpu.memory_space<vmem>>, vector<1024xf32>
    tpu.vector_store %arg2[%swap3A_595], %reshape3A_594 {strides = array<i32>} : memref<400384xf32, #tpu.memory_space<vmem>>, vector<1024xf32>,
    %get3A_597 = arith.constant 0 : index
    %get3A_598 = arith.constant 12800 : index
    %get3A_599 = vector.load %arg1[%get3A_597, %get3A_598] : memref<8x50048xf32, #tpu.memory_space<vmem>>, vector<8x128xf32>
    %reshape3A_600 = vector.shape_cast %get3A_599 : vector<8x128xf32> to vector<1024xf32>
    %swap3A_601 = arith.constant 102400 : index
    %swap3A_602 = vector.load %arg2[%swap3A_601] : memref<400384xf32, #tpu.memory_space<vmem>>, vector<1024xf32>
    tpu.vector_store %arg2[%swap3A_601], %reshape3A_600 {strides = array<i32>} : memref<400384xf32, #tpu.memory_space<vmem>>, vector<1024xf32>,
    %get3A_603 = arith.constant 0 : index
    %get3A_604 = arith.constant 12928 : index
    %get3A_605 = vector.load %arg1[%get3A_603, %get3A_604] : memref<8x50048xf32, #tpu.memory_space<vmem>>, vector<8x128xf32>
    %reshape3A_606 = vector.shape_cast %get3A_605 : vector<8x128xf32> to vector<1024xf32>
    %swap3A_607 = arith.constant 103424 : index
    %swap3A_608 = vector.load %arg2[%swap3A_607] : memref<400384xf32, #tpu.memory_space<vmem>>, vector<1024xf32>
    tpu.vector_store %arg2[%swap3A_607], %reshape3A_606 {strides = array<i32>} : memref<400384xf32, #tpu.memory_space<vmem>>, vector<1024xf32>,
    %get3A_609 = arith.constant 0 : index
    %get3A_610 = arith.constant 13056 : index
    %get3A_611 = vector.load %arg1[%get3A_609, %get3A_610] : memref<8x50048xf32, #tpu.memory_space<vmem>>, vector<8x128xf32>
    %reshape3A_612 = vector.shape_cast %get3A_611 : vector<8x128xf32> to vector<1024xf32>
    %swap3A_613 = arith.constant 104448 : index
    %swap3A_614 = vector.load %arg2[%swap3A_613] : memref<400384xf32, #tpu.memory_space<vmem>>, vector<1024xf32>
    tpu.vector_store %arg2[%swap3A_613], %reshape3A_612 {strides = array<i32>} : memref<400384xf32, #tpu.memory_space<vmem>>, vector<1024xf32>,
    %get3A_615 = arith.constant 0 : index
    %get3A_616 = arith.constant 13184 : index
    %get3A_617 = vector.load %arg1[%get3A_615, %get3A_616] : memref<8x50048xf32, #tpu.memory_space<vmem>>, vector<8x128xf32>
    %reshape3A_618 = vector.shape_cast %get3A_617 : vector<8x128xf32> to vector<1024xf32>
    %swap3A_619 = arith.constant 105472 : index
    %swap3A_620 = vector.load %arg2[%swap3A_619] : memref<400384xf32, #tpu.memory_space<vmem>>, vector<1024xf32>
    tpu.vector_store %arg2[%swap3A_619], %reshape3A_618 {strides = array<i32>} : memref<400384xf32, #tpu.memory_space<vmem>>, vector<1024xf32>,
    %get3A_621 = arith.constant 0 : index
    %get3A_622 = arith.constant 13312 : index
    %get3A_623 = vector.load %arg1[%get3A_621, %get3A_622] : memref<8x50048xf32, #tpu.memory_space<vmem>>, vector<8x128xf32>
    %reshape3A_624 = vector.shape_cast %get3A_623 : vector<8x128xf32> to vector<1024xf32>
    %swap3A_625 = arith.constant 106496 : index
    %swap3A_626 = vector.load %arg2[%swap3A_625] : memref<400384xf32, #tpu.memory_space<vmem>>, vector<1024xf32>
    tpu.vector_store %arg2[%swap3A_625], %reshape3A_624 {strides = array<i32>} : memref<400384xf32, #tpu.memory_space<vmem>>, vector<1024xf32>,
    %get3A_627 = arith.constant 0 : index
    %get3A_628 = arith.constant 13440 : index
    %get3A_629 = vector.load %arg1[%get3A_627, %get3A_628] : memref<8x50048xf32, #tpu.memory_space<vmem>>, vector<8x128xf32>
    %reshape3A_630 = vector.shape_cast %get3A_629 : vector<8x128xf32> to vector<1024xf32>
    %swap3A_631 = arith.constant 107520 : index
    %swap3A_632 = vector.load %arg2[%swap3A_631] : memref<400384xf32, #tpu.memory_space<vmem>>, vector<1024xf32>
    tpu.vector_store %arg2[%swap3A_631], %reshape3A_630 {strides = array<i32>} : memref<400384xf32, #tpu.memory_space<vmem>>, vector<1024xf32>,
    %get3A_633 = arith.constant 0 : index
    %get3A_634 = arith.constant 13568 : index
    %get3A_635 = vector.load %arg1[%get3A_633, %get3A_634] : memref<8x50048xf32, #tpu.memory_space<vmem>>, vector<8x128xf32>
    %reshape3A_636 = vector.shape_cast %get3A_635 : vector<8x128xf32> to vector<1024xf32>
    %swap3A_637 = arith.constant 108544 : index
    %swap3A_638 = vector.load %arg2[%swap3A_637] : memref<400384xf32, #tpu.memory_space<vmem>>, vector<1024xf32>
    tpu.vector_store %arg2[%swap3A_637], %reshape3A_636 {strides = array<i32>} : memref<400384xf32, #tpu.memory_space<vmem>>, vector<1024xf32>,
    %get3A_639 = arith.constant 0 : index
    %get3A_640 = arith.constant 13696 : index
    %get3A_641 = vector.load %arg1[%get3A_639, %get3A_640] : memref<8x50048xf32, #tpu.memory_space<vmem>>, vector<8x128xf32>
    %reshape3A_642 = vector.shape_cast %get3A_641 : vector<8x128xf32> to vector<1024xf32>
    %swap3A_643 = arith.constant 109568 : index
    %swap3A_644 = vector.load %arg2[%swap3A_643] : memref<400384xf32, #tpu.memory_space<vmem>>, vector<1024xf32>
    tpu.vector_store %arg2[%swap3A_643], %reshape3A_642 {strides = array<i32>} : memref<400384xf32, #tpu.memory_space<vmem>>, vector<1024xf32>,
    %get3A_645 = arith.constant 0 : index
    %get3A_646 = arith.constant 13824 : index
    %get3A_647 = vector.load %arg1[%get3A_645, %get3A_646] : memref<8x50048xf32, #tpu.memory_space<vmem>>, vector<8x128xf32>
    %reshape3A_648 = vector.shape_cast %get3A_647 : vector<8x128xf32> to vector<1024xf32>
    %swap3A_649 = arith.constant 110592 : index
    %swap3A_650 = vector.load %arg2[%swap3A_649] : memref<400384xf32, #tpu.memory_space<vmem>>, vector<1024xf32>
    tpu.vector_store %arg2[%swap3A_649], %reshape3A_648 {strides = array<i32>} : memref<400384xf32, #tpu.memory_space<vmem>>, vector<1024xf32>,
    %get3A_651 = arith.constant 0 : index
    %get3A_652 = arith.constant 13952 : index
    %get3A_653 = vector.load %arg1[%get3A_651, %get3A_652] : memref<8x50048xf32, #tpu.memory_space<vmem>>, vector<8x128xf32>
    %reshape3A_654 = vector.shape_cast %get3A_653 : vector<8x128xf32> to vector<1024xf32>
    %swap3A_655 = arith.constant 111616 : index
    %swap3A_656 = vector.load %arg2[%swap3A_655] : memref<400384xf32, #tpu.memory_space<vmem>>, vector<1024xf32>
    tpu.vector_store %arg2[%swap3A_655], %reshape3A_654 {strides = array<i32>} : memref<400384xf32, #tpu.memory_space<vmem>>, vector<1024xf32>,
    %get3A_657 = arith.constant 0 : index
    %get3A_658 = arith.constant 14080 : index
    %get3A_659 = vector.load %arg1[%get3A_657, %get3A_658] : memref<8x50048xf32, #tpu.memory_space<vmem>>, vector<8x128xf32>
    %reshape3A_660 = vector.shape_cast %get3A_659 : vector<8x128xf32> to vector<1024xf32>
    %swap3A_661 = arith.constant 112640 : index
    %swap3A_662 = vector.load %arg2[%swap3A_661] : memref<400384xf32, #tpu.memory_space<vmem>>, vector<1024xf32>
    tpu.vector_store %arg2[%swap3A_661], %reshape3A_660 {strides = array<i32>} : memref<400384xf32, #tpu.memory_space<vmem>>, vector<1024xf32>,
    %get3A_663 = arith.constant 0 : index
    %get3A_664 = arith.constant 14208 : index
    %get3A_665 = vector.load %arg1[%get3A_663, %get3A_664] : memref<8x50048xf32, #tpu.memory_space<vmem>>, vector<8x128xf32>
    %reshape3A_666 = vector.shape_cast %get3A_665 : vector<8x128xf32> to vector<1024xf32>
    %swap3A_667 = arith.constant 113664 : index
    %swap3A_668 = vector.load %arg2[%swap3A_667] : memref<400384xf32, #tpu.memory_space<vmem>>, vector<1024xf32>
    tpu.vector_store %arg2[%swap3A_667], %reshape3A_666 {strides = array<i32>} : memref<400384xf32, #tpu.memory_space<vmem>>, vector<1024xf32>,
    %get3A_669 = arith.constant 0 : index
    %get3A_670 = arith.constant 14336 : index
    %get3A_671 = vector.load %arg1[%get3A_669, %get3A_670] : memref<8x50048xf32, #tpu.memory_space<vmem>>, vector<8x128xf32>
    %reshape3A_672 = vector.shape_cast %get3A_671 : vector<8x128xf32> to vector<1024xf32>
    %swap3A_673 = arith.constant 114688 : index
    %swap3A_674 = vector.load %arg2[%swap3A_673] : memref<400384xf32, #tpu.memory_space<vmem>>, vector<1024xf32>
    tpu.vector_store %arg2[%swap3A_673], %reshape3A_672 {strides = array<i32>} : memref<400384xf32, #tpu.memory_space<vmem>>, vector<1024xf32>,
    %get3A_675 = arith.constant 0 : index
    %get3A_676 = arith.constant 14464 : index
    %get3A_677 = vector.load %arg1[%get3A_675, %get3A_676] : memref<8x50048xf32, #tpu.memory_space<vmem>>, vector<8x128xf32>
    %reshape3A_678 = vector.shape_cast %get3A_677 : vector<8x128xf32> to vector<1024xf32>
    %swap3A_679 = arith.constant 115712 : index
    %swap3A_680 = vector.load %arg2[%swap3A_679] : memref<400384xf32, #tpu.memory_space<vmem>>, vector<1024xf32>
    tpu.vector_store %arg2[%swap3A_679], %reshape3A_678 {strides = array<i32>} : memref<400384xf32, #tpu.memory_space<vmem>>, vector<1024xf32>,
    %get3A_681 = arith.constant 0 : index
    %get3A_682 = arith.constant 14592 : index
    %get3A_683 = vector.load %arg1[%get3A_681, %get3A_682] : memref<8x50048xf32, #tpu.memory_space<vmem>>, vector<8x128xf32>
    %reshape3A_684 = vector.shape_cast %get3A_683 : vector<8x128xf32> to vector<1024xf32>
    %swap3A_685 = arith.constant 116736 : index
    %swap3A_686 = vector.load %arg2[%swap3A_685] : memref<400384xf32, #tpu.memory_space<vmem>>, vector<1024xf32>
    tpu.vector_store %arg2[%swap3A_685], %reshape3A_684 {strides = array<i32>} : memref<400384xf32, #tpu.memory_space<vmem>>, vector<1024xf32>,
    %get3A_687 = arith.constant 0 : index
    %get3A_688 = arith.constant 14720 : index
    %get3A_689 = vector.load %arg1[%get3A_687, %get3A_688] : memref<8x50048xf32, #tpu.memory_space<vmem>>, vector<8x128xf32>
    %reshape3A_690 = vector.shape_cast %get3A_689 : vector<8x128xf32> to vector<1024xf32>
    %swap3A_691 = arith.constant 117760 : index
    %swap3A_692 = vector.load %arg2[%swap3A_691] : memref<400384xf32, #tpu.memory_space<vmem>>, vector<1024xf32>
    tpu.vector_store %arg2[%swap3A_691], %reshape3A_690 {strides = array<i32>} : memref<400384xf32, #tpu.memory_space<vmem>>, vector<1024xf32>,
    %get3A_693 = arith.constant 0 : index
    %get3A_694 = arith.constant 14848 : index
    %get3A_695 = vector.load %arg1[%get3A_693, %get3A_694] : memref<8x50048xf32, #tpu.memory_space<vmem>>, vector<8x128xf32>
    %reshape3A_696 = vector.shape_cast %get3A_695 : vector<8x128xf32> to vector<1024xf32>
    %swap3A_697 = arith.constant 118784 : index
    %swap3A_698 = vector.load %arg2[%swap3A_697] : memref<400384xf32, #tpu.memory_space<vmem>>, vector<1024xf32>
    tpu.vector_store %arg2[%swap3A_697], %reshape3A_696 {strides = array<i32>} : memref<400384xf32, #tpu.memory_space<vmem>>, vector<1024xf32>,
    %get3A_699 = arith.constant 0 : index
    %get3A_700 = arith.constant 14976 : index
    %get3A_701 = vector.load %arg1[%get3A_699, %get3A_700] : memref<8x50048xf32, #tpu.memory_space<vmem>>, vector<8x128xf32>
    %reshape3A_702 = vector.shape_cast %get3A_701 : vector<8x128xf32> to vector<1024xf32>
    %swap3A_703 = arith.constant 119808 : index
    %swap3A_704 = vector.load %arg2[%swap3A_703] : memref<400384xf32, #tpu.memory_space<vmem>>, vector<1024xf32>
    tpu.vector_store %arg2[%swap3A_703], %reshape3A_702 {strides = array<i32>} : memref<400384xf32, #tpu.memory_space<vmem>>, vector<1024xf32>,
    %get3A_705 = arith.constant 0 : index
    %get3A_706 = arith.constant 15104 : index
    %get3A_707 = vector.load %arg1[%get3A_705, %get3A_706] : memref<8x50048xf32, #tpu.memory_space<vmem>>, vector<8x128xf32>
    %reshape3A_708 = vector.shape_cast %get3A_707 : vector<8x128xf32> to vector<1024xf32>
    %swap3A_709 = arith.constant 120832 : index
    %swap3A_710 = vector.load %arg2[%swap3A_709] : memref<400384xf32, #tpu.memory_space<vmem>>, vector<1024xf32>
    tpu.vector_store %arg2[%swap3A_709], %reshape3A_708 {strides = array<i32>} : memref<400384xf32, #tpu.memory_space<vmem>>, vector<1024xf32>,
    %get3A_711 = arith.constant 0 : index
    %get3A_712 = arith.constant 15232 : index
    %get3A_713 = vector.load %arg1[%get3A_711, %get3A_712] : memref<8x50048xf32, #tpu.memory_space<vmem>>, vector<8x128xf32>
    %reshape3A_714 = vector.shape_cast %get3A_713 : vector<8x128xf32> to vector<1024xf32>
    %swap3A_715 = arith.constant 121856 : index
    %swap3A_716 = vector.load %arg2[%swap3A_715] : memref<400384xf32, #tpu.memory_space<vmem>>, vector<1024xf32>
    tpu.vector_store %arg2[%swap3A_715], %reshape3A_714 {strides = array<i32>} : memref<400384xf32, #tpu.memory_space<vmem>>, vector<1024xf32>,
    %get3A_717 = arith.constant 0 : index
    %get3A_718 = arith.constant 15360 : index
    %get3A_719 = vector.load %arg1[%get3A_717, %get3A_718] : memref<8x50048xf32, #tpu.memory_space<vmem>>, vector<8x128xf32>
    %reshape3A_720 = vector.shape_cast %get3A_719 : vector<8x128xf32> to vector<1024xf32>
    %swap3A_721 = arith.constant 122880 : index
    %swap3A_722 = vector.load %arg2[%swap3A_721] : memref<400384xf32, #tpu.memory_space<vmem>>, vector<1024xf32>
    tpu.vector_store %arg2[%swap3A_721], %reshape3A_720 {strides = array<i32>} : memref<400384xf32, #tpu.memory_space<vmem>>, vector<1024xf32>,
    %get3A_723 = arith.constant 0 : index
    %get3A_724 = arith.constant 15488 : index
    %get3A_725 = vector.load %arg1[%get3A_723, %get3A_724] : memref<8x50048xf32, #tpu.memory_space<vmem>>, vector<8x128xf32>
    %reshape3A_726 = vector.shape_cast %get3A_725 : vector<8x128xf32> to vector<1024xf32>
    %swap3A_727 = arith.constant 123904 : index
    %swap3A_728 = vector.load %arg2[%swap3A_727] : memref<400384xf32, #tpu.memory_space<vmem>>, vector<1024xf32>
    tpu.vector_store %arg2[%swap3A_727], %reshape3A_726 {strides = array<i32>} : memref<400384xf32, #tpu.memory_space<vmem>>, vector<1024xf32>,
    %get3A_729 = arith.constant 0 : index
    %get3A_730 = arith.constant 15616 : index
    %get3A_731 = vector.load %arg1[%get3A_729, %get3A_730] : memref<8x50048xf32, #tpu.memory_space<vmem>>, vector<8x128xf32>
    %reshape3A_732 = vector.shape_cast %get3A_731 : vector<8x128xf32> to vector<1024xf32>
    %swap3A_733 = arith.constant 124928 : index
    %swap3A_734 = vector.load %arg2[%swap3A_733] : memref<400384xf32, #tpu.memory_space<vmem>>, vector<1024xf32>
    tpu.vector_store %arg2[%swap3A_733], %reshape3A_732 {strides = array<i32>} : memref<400384xf32, #tpu.memory_space<vmem>>, vector<1024xf32>,
    %get3A_735 = arith.constant 0 : index
    %get3A_736 = arith.constant 15744 : index
    %get3A_737 = vector.load %arg1[%get3A_735, %get3A_736] : memref<8x50048xf32, #tpu.memory_space<vmem>>, vector<8x128xf32>
    %reshape3A_738 = vector.shape_cast %get3A_737 : vector<8x128xf32> to vector<1024xf32>
    %swap3A_739 = arith.constant 125952 : index
    %swap3A_740 = vector.load %arg2[%swap3A_739] : memref<400384xf32, #tpu.memory_space<vmem>>, vector<1024xf32>
    tpu.vector_store %arg2[%swap3A_739], %reshape3A_738 {strides = array<i32>} : memref<400384xf32, #tpu.memory_space<vmem>>, vector<1024xf32>,
    %get3A_741 = arith.constant 0 : index
    %get3A_742 = arith.constant 15872 : index
    %get3A_743 = vector.load %arg1[%get3A_741, %get3A_742] : memref<8x50048xf32, #tpu.memory_space<vmem>>, vector<8x128xf32>
    %reshape3A_744 = vector.shape_cast %get3A_743 : vector<8x128xf32> to vector<1024xf32>
    %swap3A_745 = arith.constant 126976 : index
    %swap3A_746 = vector.load %arg2[%swap3A_745] : memref<400384xf32, #tpu.memory_space<vmem>>, vector<1024xf32>
    tpu.vector_store %arg2[%swap3A_745], %reshape3A_744 {strides = array<i32>} : memref<400384xf32, #tpu.memory_space<vmem>>, vector<1024xf32>,
    %get3A_747 = arith.constant 0 : index
    %get3A_748 = arith.constant 16000 : index
    %get3A_749 = vector.load %arg1[%get3A_747, %get3A_748] : memref<8x50048xf32, #tpu.memory_space<vmem>>, vector<8x128xf32>
    %reshape3A_750 = vector.shape_cast %get3A_749 : vector<8x128xf32> to vector<1024xf32>
    %swap3A_751 = arith.constant 128000 : index
    %swap3A_752 = vector.load %arg2[%swap3A_751] : memref<400384xf32, #tpu.memory_space<vmem>>, vector<1024xf32>
    tpu.vector_store %arg2[%swap3A_751], %reshape3A_750 {strides = array<i32>} : memref<400384xf32, #tpu.memory_space<vmem>>, vector<1024xf32>,
    %get3A_753 = arith.constant 0 : index
    %get3A_754 = arith.constant 16128 : index
    %get3A_755 = vector.load %arg1[%get3A_753, %get3A_754] : memref<8x50048xf32, #tpu.memory_space<vmem>>, vector<8x128xf32>
    %reshape3A_756 = vector.shape_cast %get3A_755 : vector<8x128xf32> to vector<1024xf32>
    %swap3A_757 = arith.constant 129024 : index
    %swap3A_758 = vector.load %arg2[%swap3A_757] : memref<400384xf32, #tpu.memory_space<vmem>>, vector<1024xf32>
    tpu.vector_store %arg2[%swap3A_757], %reshape3A_756 {strides = array<i32>} : memref<400384xf32, #tpu.memory_space<vmem>>, vector<1024xf32>,
    %get3A_759 = arith.constant 0 : index
    %get3A_760 = arith.constant 16256 : index
    %get3A_761 = vector.load %arg1[%get3A_759, %get3A_760] : memref<8x50048xf32, #tpu.memory_space<vmem>>, vector<8x128xf32>
    %reshape3A_762 = vector.shape_cast %get3A_761 : vector<8x128xf32> to vector<1024xf32>
    %swap3A_763 = arith.constant 130048 : index
    %swap3A_764 = vector.load %arg2[%swap3A_763] : memref<400384xf32, #tpu.memory_space<vmem>>, vector<1024xf32>
    tpu.vector_store %arg2[%swap3A_763], %reshape3A_762 {strides = array<i32>} : memref<400384xf32, #tpu.memory_space<vmem>>, vector<1024xf32>,
    %get3A_765 = arith.constant 0 : index
    %get3A_766 = arith.constant 16384 : index
    %get3A_767 = vector.load %arg1[%get3A_765, %get3A_766] : memref<8x50048xf32, #tpu.memory_space<vmem>>, vector<8x128xf32>
    %reshape3A_768 = vector.shape_cast %get3A_767 : vector<8x128xf32> to vector<1024xf32>
    %swap3A_769 = arith.constant 131072 : index
    %swap3A_770 = vector.load %arg2[%swap3A_769] : memref<400384xf32, #tpu.memory_space<vmem>>, vector<1024xf32>
    tpu.vector_store %arg2[%swap3A_769], %reshape3A_768 {strides = array<i32>} : memref<400384xf32, #tpu.memory_space<vmem>>, vector<1024xf32>,
    %get3A_771 = arith.constant 0 : index
    %get3A_772 = arith.constant 16512 : index
    %get3A_773 = vector.load %arg1[%get3A_771, %get3A_772] : memref<8x50048xf32, #tpu.memory_space<vmem>>, vector<8x128xf32>
    %reshape3A_774 = vector.shape_cast %get3A_773 : vector<8x128xf32> to vector<1024xf32>
    %swap3A_775 = arith.constant 132096 : index
    %swap3A_776 = vector.load %arg2[%swap3A_775] : memref<400384xf32, #tpu.memory_space<vmem>>, vector<1024xf32>
    tpu.vector_store %arg2[%swap3A_775], %reshape3A_774 {strides = array<i32>} : memref<400384xf32, #tpu.memory_space<vmem>>, vector<1024xf32>,
    %get3A_777 = arith.constant 0 : index
    %get3A_778 = arith.constant 16640 : index
    %get3A_779 = vector.load %arg1[%get3A_777, %get3A_778] : memref<8x50048xf32, #tpu.memory_space<vmem>>, vector<8x128xf32>
    %reshape3A_780 = vector.shape_cast %get3A_779 : vector<8x128xf32> to vector<1024xf32>
    %swap3A_781 = arith.constant 133120 : index
    %swap3A_782 = vector.load %arg2[%swap3A_781] : memref<400384xf32, #tpu.memory_space<vmem>>, vector<1024xf32>
    tpu.vector_store %arg2[%swap3A_781], %reshape3A_780 {strides = array<i32>} : memref<400384xf32, #tpu.memory_space<vmem>>, vector<1024xf32>,
    %get3A_783 = arith.constant 0 : index
    %get3A_784 = arith.constant 16768 : index
    %get3A_785 = vector.load %arg1[%get3A_783, %get3A_784] : memref<8x50048xf32, #tpu.memory_space<vmem>>, vector<8x128xf32>
    %reshape3A_786 = vector.shape_cast %get3A_785 : vector<8x128xf32> to vector<1024xf32>
    %swap3A_787 = arith.constant 134144 : index
    %swap3A_788 = vector.load %arg2[%swap3A_787] : memref<400384xf32, #tpu.memory_space<vmem>>, vector<1024xf32>
    tpu.vector_store %arg2[%swap3A_787], %reshape3A_786 {strides = array<i32>} : memref<400384xf32, #tpu.memory_space<vmem>>, vector<1024xf32>,
    %get3A_789 = arith.constant 0 : index
    %get3A_790 = arith.constant 16896 : index
    %get3A_791 = vector.load %arg1[%get3A_789, %get3A_790] : memref<8x50048xf32, #tpu.memory_space<vmem>>, vector<8x128xf32>
    %reshape3A_792 = vector.shape_cast %get3A_791 : vector<8x128xf32> to vector<1024xf32>
    %swap3A_793 = arith.constant 135168 : index
    %swap3A_794 = vector.load %arg2[%swap3A_793] : memref<400384xf32, #tpu.memory_space<vmem>>, vector<1024xf32>
    tpu.vector_store %arg2[%swap3A_793], %reshape3A_792 {strides = array<i32>} : memref<400384xf32, #tpu.memory_space<vmem>>, vector<1024xf32>,
    %get3A_795 = arith.constant 0 : index
    %get3A_796 = arith.constant 17024 : index
    %get3A_797 = vector.load %arg1[%get3A_795, %get3A_796] : memref<8x50048xf32, #tpu.memory_space<vmem>>, vector<8x128xf32>
    %reshape3A_798 = vector.shape_cast %get3A_797 : vector<8x128xf32> to vector<1024xf32>
    %swap3A_799 = arith.constant 136192 : index
    %swap3A_800 = vector.load %arg2[%swap3A_799] : memref<400384xf32, #tpu.memory_space<vmem>>, vector<1024xf32>
    tpu.vector_store %arg2[%swap3A_799], %reshape3A_798 {strides = array<i32>} : memref<400384xf32, #tpu.memory_space<vmem>>, vector<1024xf32>,
    %get3A_801 = arith.constant 0 : index
    %get3A_802 = arith.constant 17152 : index
    %get3A_803 = vector.load %arg1[%get3A_801, %get3A_802] : memref<8x50048xf32, #tpu.memory_space<vmem>>, vector<8x128xf32>
    %reshape3A_804 = vector.shape_cast %get3A_803 : vector<8x128xf32> to vector<1024xf32>
    %swap3A_805 = arith.constant 137216 : index
    %swap3A_806 = vector.load %arg2[%swap3A_805] : memref<400384xf32, #tpu.memory_space<vmem>>, vector<1024xf32>
    tpu.vector_store %arg2[%swap3A_805], %reshape3A_804 {strides = array<i32>} : memref<400384xf32, #tpu.memory_space<vmem>>, vector<1024xf32>,
    %get3A_807 = arith.constant 0 : index
    %get3A_808 = arith.constant 17280 : index
    %get3A_809 = vector.load %arg1[%get3A_807, %get3A_808] : memref<8x50048xf32, #tpu.memory_space<vmem>>, vector<8x128xf32>
    %reshape3A_810 = vector.shape_cast %get3A_809 : vector<8x128xf32> to vector<1024xf32>
    %swap3A_811 = arith.constant 138240 : index
    %swap3A_812 = vector.load %arg2[%swap3A_811] : memref<400384xf32, #tpu.memory_space<vmem>>, vector<1024xf32>
    tpu.vector_store %arg2[%swap3A_811], %reshape3A_810 {strides = array<i32>} : memref<400384xf32, #tpu.memory_space<vmem>>, vector<1024xf32>,
    %get3A_813 = arith.constant 0 : index
    %get3A_814 = arith.constant 17408 : index
    %get3A_815 = vector.load %arg1[%get3A_813, %get3A_814] : memref<8x50048xf32, #tpu.memory_space<vmem>>, vector<8x128xf32>
    %reshape3A_816 = vector.shape_cast %get3A_815 : vector<8x128xf32> to vector<1024xf32>
    %swap3A_817 = arith.constant 139264 : index
    %swap3A_818 = vector.load %arg2[%swap3A_817] : memref<400384xf32, #tpu.memory_space<vmem>>, vector<1024xf32>
    tpu.vector_store %arg2[%swap3A_817], %reshape3A_816 {strides = array<i32>} : memref<400384xf32, #tpu.memory_space<vmem>>, vector<1024xf32>,
    %get3A_819 = arith.constant 0 : index
    %get3A_820 = arith.constant 17536 : index
    %get3A_821 = vector.load %arg1[%get3A_819, %get3A_820] : memref<8x50048xf32, #tpu.memory_space<vmem>>, vector<8x128xf32>
    %reshape3A_822 = vector.shape_cast %get3A_821 : vector<8x128xf32> to vector<1024xf32>
    %swap3A_823 = arith.constant 140288 : index
    %swap3A_824 = vector.load %arg2[%swap3A_823] : memref<400384xf32, #tpu.memory_space<vmem>>, vector<1024xf32>
    tpu.vector_store %arg2[%swap3A_823], %reshape3A_822 {strides = array<i32>} : memref<400384xf32, #tpu.memory_space<vmem>>, vector<1024xf32>,
    %get3A_825 = arith.constant 0 : index
    %get3A_826 = arith.constant 17664 : index
    %get3A_827 = vector.load %arg1[%get3A_825, %get3A_826] : memref<8x50048xf32, #tpu.memory_space<vmem>>, vector<8x128xf32>
    %reshape3A_828 = vector.shape_cast %get3A_827 : vector<8x128xf32> to vector<1024xf32>
    %swap3A_829 = arith.constant 141312 : index
    %swap3A_830 = vector.load %arg2[%swap3A_829] : memref<400384xf32, #tpu.memory_space<vmem>>, vector<1024xf32>
    tpu.vector_store %arg2[%swap3A_829], %reshape3A_828 {strides = array<i32>} : memref<400384xf32, #tpu.memory_space<vmem>>, vector<1024xf32>,
    %get3A_831 = arith.constant 0 : index
    %get3A_832 = arith.constant 17792 : index
    %get3A_833 = vector.load %arg1[%get3A_831, %get3A_832] : memref<8x50048xf32, #tpu.memory_space<vmem>>, vector<8x128xf32>
    %reshape3A_834 = vector.shape_cast %get3A_833 : vector<8x128xf32> to vector<1024xf32>
    %swap3A_835 = arith.constant 142336 : index
    %swap3A_836 = vector.load %arg2[%swap3A_835] : memref<400384xf32, #tpu.memory_space<vmem>>, vector<1024xf32>
    tpu.vector_store %arg2[%swap3A_835], %reshape3A_834 {strides = array<i32>} : memref<400384xf32, #tpu.memory_space<vmem>>, vector<1024xf32>,
    %get3A_837 = arith.constant 0 : index
    %get3A_838 = arith.constant 17920 : index
    %get3A_839 = vector.load %arg1[%get3A_837, %get3A_838] : memref<8x50048xf32, #tpu.memory_space<vmem>>, vector<8x128xf32>
    %reshape3A_840 = vector.shape_cast %get3A_839 : vector<8x128xf32> to vector<1024xf32>
    %swap3A_841 = arith.constant 143360 : index
    %swap3A_842 = vector.load %arg2[%swap3A_841] : memref<400384xf32, #tpu.memory_space<vmem>>, vector<1024xf32>
    tpu.vector_store %arg2[%swap3A_841], %reshape3A_840 {strides = array<i32>} : memref<400384xf32, #tpu.memory_space<vmem>>, vector<1024xf32>,
    %get3A_843 = arith.constant 0 : index
    %get3A_844 = arith.constant 18048 : index
    %get3A_845 = vector.load %arg1[%get3A_843, %get3A_844] : memref<8x50048xf32, #tpu.memory_space<vmem>>, vector<8x128xf32>
    %reshape3A_846 = vector.shape_cast %get3A_845 : vector<8x128xf32> to vector<1024xf32>
    %swap3A_847 = arith.constant 144384 : index
    %swap3A_848 = vector.load %arg2[%swap3A_847] : memref<400384xf32, #tpu.memory_space<vmem>>, vector<1024xf32>
    tpu.vector_store %arg2[%swap3A_847], %reshape3A_846 {strides = array<i32>} : memref<400384xf32, #tpu.memory_space<vmem>>, vector<1024xf32>,
    %get3A_849 = arith.constant 0 : index
    %get3A_850 = arith.constant 18176 : index
    %get3A_851 = vector.load %arg1[%get3A_849, %get3A_850] : memref<8x50048xf32, #tpu.memory_space<vmem>>, vector<8x128xf32>
    %reshape3A_852 = vector.shape_cast %get3A_851 : vector<8x128xf32> to vector<1024xf32>
    %swap3A_853 = arith.constant 145408 : index
    %swap3A_854 = vector.load %arg2[%swap3A_853] : memref<400384xf32, #tpu.memory_space<vmem>>, vector<1024xf32>
    tpu.vector_store %arg2[%swap3A_853], %reshape3A_852 {strides = array<i32>} : memref<400384xf32, #tpu.memory_space<vmem>>, vector<1024xf32>,
    %get3A_855 = arith.constant 0 : index
    %get3A_856 = arith.constant 18304 : index
    %get3A_857 = vector.load %arg1[%get3A_855, %get3A_856] : memref<8x50048xf32, #tpu.memory_space<vmem>>, vector<8x128xf32>
    %reshape3A_858 = vector.shape_cast %get3A_857 : vector<8x128xf32> to vector<1024xf32>
    %swap3A_859 = arith.constant 146432 : index
    %swap3A_860 = vector.load %arg2[%swap3A_859] : memref<400384xf32, #tpu.memory_space<vmem>>, vector<1024xf32>
    tpu.vector_store %arg2[%swap3A_859], %reshape3A_858 {strides = array<i32>} : memref<400384xf32, #tpu.memory_space<vmem>>, vector<1024xf32>,
    %get3A_861 = arith.constant 0 : index
    %get3A_862 = arith.constant 18432 : index
    %get3A_863 = vector.load %arg1[%get3A_861, %get3A_862] : memref<8x50048xf32, #tpu.memory_space<vmem>>, vector<8x128xf32>
    %reshape3A_864 = vector.shape_cast %get3A_863 : vector<8x128xf32> to vector<1024xf32>
    %swap3A_865 = arith.constant 147456 : index
    %swap3A_866 = vector.load %arg2[%swap3A_865] : memref<400384xf32, #tpu.memory_space<vmem>>, vector<1024xf32>
    tpu.vector_store %arg2[%swap3A_865], %reshape3A_864 {strides = array<i32>} : memref<400384xf32, #tpu.memory_space<vmem>>, vector<1024xf32>,
    %get3A_867 = arith.constant 0 : index
    %get3A_868 = arith.constant 18560 : index
    %get3A_869 = vector.load %arg1[%get3A_867, %get3A_868] : memref<8x50048xf32, #tpu.memory_space<vmem>>, vector<8x128xf32>
    %reshape3A_870 = vector.shape_cast %get3A_869 : vector<8x128xf32> to vector<1024xf32>
    %swap3A_871 = arith.constant 148480 : index
    %swap3A_872 = vector.load %arg2[%swap3A_871] : memref<400384xf32, #tpu.memory_space<vmem>>, vector<1024xf32>
    tpu.vector_store %arg2[%swap3A_871], %reshape3A_870 {strides = array<i32>} : memref<400384xf32, #tpu.memory_space<vmem>>, vector<1024xf32>,
    %get3A_873 = arith.constant 0 : index
    %get3A_874 = arith.constant 18688 : index
    %get3A_875 = vector.load %arg1[%get3A_873, %get3A_874] : memref<8x50048xf32, #tpu.memory_space<vmem>>, vector<8x128xf32>
    %reshape3A_876 = vector.shape_cast %get3A_875 : vector<8x128xf32> to vector<1024xf32>
    %swap3A_877 = arith.constant 149504 : index
    %swap3A_878 = vector.load %arg2[%swap3A_877] : memref<400384xf32, #tpu.memory_space<vmem>>, vector<1024xf32>
    tpu.vector_store %arg2[%swap3A_877], %reshape3A_876 {strides = array<i32>} : memref<400384xf32, #tpu.memory_space<vmem>>, vector<1024xf32>,
    %get3A_879 = arith.constant 0 : index
    %get3A_880 = arith.constant 18816 : index
    %get3A_881 = vector.load %arg1[%get3A_879, %get3A_880] : memref<8x50048xf32, #tpu.memory_space<vmem>>, vector<8x128xf32>
    %reshape3A_882 = vector.shape_cast %get3A_881 : vector<8x128xf32> to vector<1024xf32>
    %swap3A_883 = arith.constant 150528 : index
    %swap3A_884 = vector.load %arg2[%swap3A_883] : memref<400384xf32, #tpu.memory_space<vmem>>, vector<1024xf32>
    tpu.vector_store %arg2[%swap3A_883], %reshape3A_882 {strides = array<i32>} : memref<400384xf32, #tpu.memory_space<vmem>>, vector<1024xf32>,
    %get3A_885 = arith.constant 0 : index
    %get3A_886 = arith.constant 18944 : index
    %get3A_887 = vector.load %arg1[%get3A_885, %get3A_886] : memref<8x50048xf32, #tpu.memory_space<vmem>>, vector<8x128xf32>
    %reshape3A_888 = vector.shape_cast %get3A_887 : vector<8x128xf32> to vector<1024xf32>
    %swap3A_889 = arith.constant 151552 : index
    %swap3A_890 = vector.load %arg2[%swap3A_889] : memref<400384xf32, #tpu.memory_space<vmem>>, vector<1024xf32>
    tpu.vector_store %arg2[%swap3A_889], %reshape3A_888 {strides = array<i32>} : memref<400384xf32, #tpu.memory_space<vmem>>, vector<1024xf32>,
    %get3A_891 = arith.constant 0 : index
    %get3A_892 = arith.constant 19072 : index
    %get3A_893 = vector.load %arg1[%get3A_891, %get3A_892] : memref<8x50048xf32, #tpu.memory_space<vmem>>, vector<8x128xf32>
    %reshape3A_894 = vector.shape_cast %get3A_893 : vector<8x128xf32> to vector<1024xf32>
    %swap3A_895 = arith.constant 152576 : index
    %swap3A_896 = vector.load %arg2[%swap3A_895] : memref<400384xf32, #tpu.memory_space<vmem>>, vector<1024xf32>
    tpu.vector_store %arg2[%swap3A_895], %reshape3A_894 {strides = array<i32>} : memref<400384xf32, #tpu.memory_space<vmem>>, vector<1024xf32>,
    %get3A_897 = arith.constant 0 : index
    %get3A_898 = arith.constant 19200 : index
    %get3A_899 = vector.load %arg1[%get3A_897, %get3A_898] : memref<8x50048xf32, #tpu.memory_space<vmem>>, vector<8x128xf32>
    %reshape3A_900 = vector.shape_cast %get3A_899 : vector<8x128xf32> to vector<1024xf32>
    %swap3A_901 = arith.constant 153600 : index
    %swap3A_902 = vector.load %arg2[%swap3A_901] : memref<400384xf32, #tpu.memory_space<vmem>>, vector<1024xf32>
    tpu.vector_store %arg2[%swap3A_901], %reshape3A_900 {strides = array<i32>} : memref<400384xf32, #tpu.memory_space<vmem>>, vector<1024xf32>,
    %get3A_903 = arith.constant 0 : index
    %get3A_904 = arith.constant 19328 : index
    %get3A_905 = vector.load %arg1[%get3A_903, %get3A_904] : memref<8x50048xf32, #tpu.memory_space<vmem>>, vector<8x128xf32>
    %reshape3A_906 = vector.shape_cast %get3A_905 : vector<8x128xf32> to vector<1024xf32>
    %swap3A_907 = arith.constant 154624 : index
    %swap3A_908 = vector.load %arg2[%swap3A_907] : memref<400384xf32, #tpu.memory_space<vmem>>, vector<1024xf32>
    tpu.vector_store %arg2[%swap3A_907], %reshape3A_906 {strides = array<i32>} : memref<400384xf32, #tpu.memory_space<vmem>>, vector<1024xf32>,
    %get3A_909 = arith.constant 0 : index
    %get3A_910 = arith.constant 19456 : index
    %get3A_911 = vector.load %arg1[%get3A_909, %get3A_910] : memref<8x50048xf32, #tpu.memory_space<vmem>>, vector<8x128xf32>
    %reshape3A_912 = vector.shape_cast %get3A_911 : vector<8x128xf32> to vector<1024xf32>
    %swap3A_913 = arith.constant 155648 : index
    %swap3A_914 = vector.load %arg2[%swap3A_913] : memref<400384xf32, #tpu.memory_space<vmem>>, vector<1024xf32>
    tpu.vector_store %arg2[%swap3A_913], %reshape3A_912 {strides = array<i32>} : memref<400384xf32, #tpu.memory_space<vmem>>, vector<1024xf32>,
    %get3A_915 = arith.constant 0 : index
    %get3A_916 = arith.constant 19584 : index
    %get3A_917 = vector.load %arg1[%get3A_915, %get3A_916] : memref<8x50048xf32, #tpu.memory_space<vmem>>, vector<8x128xf32>
    %reshape3A_918 = vector.shape_cast %get3A_917 : vector<8x128xf32> to vector<1024xf32>
    %swap3A_919 = arith.constant 156672 : index
    %swap3A_920 = vector.load %arg2[%swap3A_919] : memref<400384xf32, #tpu.memory_space<vmem>>, vector<1024xf32>
    tpu.vector_store %arg2[%swap3A_919], %reshape3A_918 {strides = array<i32>} : memref<400384xf32, #tpu.memory_space<vmem>>, vector<1024xf32>,
    %get3A_921 = arith.constant 0 : index
    %get3A_922 = arith.constant 19712 : index
    %get3A_923 = vector.load %arg1[%get3A_921, %get3A_922] : memref<8x50048xf32, #tpu.memory_space<vmem>>, vector<8x128xf32>
    %reshape3A_924 = vector.shape_cast %get3A_923 : vector<8x128xf32> to vector<1024xf32>
    %swap3A_925 = arith.constant 157696 : index
    %swap3A_926 = vector.load %arg2[%swap3A_925] : memref<400384xf32, #tpu.memory_space<vmem>>, vector<1024xf32>
    tpu.vector_store %arg2[%swap3A_925], %reshape3A_924 {strides = array<i32>} : memref<400384xf32, #tpu.memory_space<vmem>>, vector<1024xf32>,
    %get3A_927 = arith.constant 0 : index
    %get3A_928 = arith.constant 19840 : index
    %get3A_929 = vector.load %arg1[%get3A_927, %get3A_928] : memref<8x50048xf32, #tpu.memory_space<vmem>>, vector<8x128xf32>
    %reshape3A_930 = vector.shape_cast %get3A_929 : vector<8x128xf32> to vector<1024xf32>
    %swap3A_931 = arith.constant 158720 : index
    %swap3A_932 = vector.load %arg2[%swap3A_931] : memref<400384xf32, #tpu.memory_space<vmem>>, vector<1024xf32>
    tpu.vector_store %arg2[%swap3A_931], %reshape3A_930 {strides = array<i32>} : memref<400384xf32, #tpu.memory_space<vmem>>, vector<1024xf32>,
    %get3A_933 = arith.constant 0 : index
    %get3A_934 = arith.constant 19968 : index
    %get3A_935 = vector.load %arg1[%get3A_933, %get3A_934] : memref<8x50048xf32, #tpu.memory_space<vmem>>, vector<8x128xf32>
    %reshape3A_936 = vector.shape_cast %get3A_935 : vector<8x128xf32> to vector<1024xf32>
    %swap3A_937 = arith.constant 159744 : index
    %swap3A_938 = vector.load %arg2[%swap3A_937] : memref<400384xf32, #tpu.memory_space<vmem>>, vector<1024xf32>
    tpu.vector_store %arg2[%swap3A_937], %reshape3A_936 {strides = array<i32>} : memref<400384xf32, #tpu.memory_space<vmem>>, vector<1024xf32>,
    %get3A_939 = arith.constant 0 : index
    %get3A_940 = arith.constant 20096 : index
    %get3A_941 = vector.load %arg1[%get3A_939, %get3A_940] : memref<8x50048xf32, #tpu.memory_space<vmem>>, vector<8x128xf32>
    %reshape3A_942 = vector.shape_cast %get3A_941 : vector<8x128xf32> to vector<1024xf32>
    %swap3A_943 = arith.constant 160768 : index
    %swap3A_944 = vector.load %arg2[%swap3A_943] : memref<400384xf32, #tpu.memory_space<vmem>>, vector<1024xf32>
    tpu.vector_store %arg2[%swap3A_943], %reshape3A_942 {strides = array<i32>} : memref<400384xf32, #tpu.memory_space<vmem>>, vector<1024xf32>,
    %get3A_945 = arith.constant 0 : index
    %get3A_946 = arith.constant 20224 : index
    %get3A_947 = vector.load %arg1[%get3A_945, %get3A_946] : memref<8x50048xf32, #tpu.memory_space<vmem>>, vector<8x128xf32>
    %reshape3A_948 = vector.shape_cast %get3A_947 : vector<8x128xf32> to vector<1024xf32>
    %swap3A_949 = arith.constant 161792 : index
    %swap3A_950 = vector.load %arg2[%swap3A_949] : memref<400384xf32, #tpu.memory_space<vmem>>, vector<1024xf32>
    tpu.vector_store %arg2[%swap3A_949], %reshape3A_948 {strides = array<i32>} : memref<400384xf32, #tpu.memory_space<vmem>>, vector<1024xf32>,
    %get3A_951 = arith.constant 0 : index
    %get3A_952 = arith.constant 20352 : index
    %get3A_953 = vector.load %arg1[%get3A_951, %get3A_952] : memref<8x50048xf32, #tpu.memory_space<vmem>>, vector<8x128xf32>
    %reshape3A_954 = vector.shape_cast %get3A_953 : vector<8x128xf32> to vector<1024xf32>
    %swap3A_955 = arith.constant 162816 : index
    %swap3A_956 = vector.load %arg2[%swap3A_955] : memref<400384xf32, #tpu.memory_space<vmem>>, vector<1024xf32>
    tpu.vector_store %arg2[%swap3A_955], %reshape3A_954 {strides = array<i32>} : memref<400384xf32, #tpu.memory_space<vmem>>, vector<1024xf32>,
    %get3A_957 = arith.constant 0 : index
    %get3A_958 = arith.constant 20480 : index
    %get3A_959 = vector.load %arg1[%get3A_957, %get3A_958] : memref<8x50048xf32, #tpu.memory_space<vmem>>, vector<8x128xf32>
    %reshape3A_960 = vector.shape_cast %get3A_959 : vector<8x128xf32> to vector<1024xf32>
    %swap3A_961 = arith.constant 163840 : index
    %swap3A_962 = vector.load %arg2[%swap3A_961] : memref<400384xf32, #tpu.memory_space<vmem>>, vector<1024xf32>
    tpu.vector_store %arg2[%swap3A_961], %reshape3A_960 {strides = array<i32>} : memref<400384xf32, #tpu.memory_space<vmem>>, vector<1024xf32>,
    %get3A_963 = arith.constant 0 : index
    %get3A_964 = arith.constant 20608 : index
    %get3A_965 = vector.load %arg1[%get3A_963, %get3A_964] : memref<8x50048xf32, #tpu.memory_space<vmem>>, vector<8x128xf32>
    %reshape3A_966 = vector.shape_cast %get3A_965 : vector<8x128xf32> to vector<1024xf32>
    %swap3A_967 = arith.constant 164864 : index
    %swap3A_968 = vector.load %arg2[%swap3A_967] : memref<400384xf32, #tpu.memory_space<vmem>>, vector<1024xf32>
    tpu.vector_store %arg2[%swap3A_967], %reshape3A_966 {strides = array<i32>} : memref<400384xf32, #tpu.memory_space<vmem>>, vector<1024xf32>,
    %get3A_969 = arith.constant 0 : index
    %get3A_970 = arith.constant 20736 : index
    %get3A_971 = vector.load %arg1[%get3A_969, %get3A_970] : memref<8x50048xf32, #tpu.memory_space<vmem>>, vector<8x128xf32>
    %reshape3A_972 = vector.shape_cast %get3A_971 : vector<8x128xf32> to vector<1024xf32>
    %swap3A_973 = arith.constant 165888 : index
    %swap3A_974 = vector.load %arg2[%swap3A_973] : memref<400384xf32, #tpu.memory_space<vmem>>, vector<1024xf32>
    tpu.vector_store %arg2[%swap3A_973], %reshape3A_972 {strides = array<i32>} : memref<400384xf32, #tpu.memory_space<vmem>>, vector<1024xf32>,
    %get3A_975 = arith.constant 0 : index
    %get3A_976 = arith.constant 20864 : index
    %get3A_977 = vector.load %arg1[%get3A_975, %get3A_976] : memref<8x50048xf32, #tpu.memory_space<vmem>>, vector<8x128xf32>
    %reshape3A_978 = vector.shape_cast %get3A_977 : vector<8x128xf32> to vector<1024xf32>
    %swap3A_979 = arith.constant 166912 : index
    %swap3A_980 = vector.load %arg2[%swap3A_979] : memref<400384xf32, #tpu.memory_space<vmem>>, vector<1024xf32>
    tpu.vector_store %arg2[%swap3A_979], %reshape3A_978 {strides = array<i32>} : memref<400384xf32, #tpu.memory_space<vmem>>, vector<1024xf32>,
    %get3A_981 = arith.constant 0 : index
    %get3A_982 = arith.constant 20992 : index
    %get3A_983 = vector.load %arg1[%get3A_981, %get3A_982] : memref<8x50048xf32, #tpu.memory_space<vmem>>, vector<8x128xf32>
    %reshape3A_984 = vector.shape_cast %get3A_983 : vector<8x128xf32> to vector<1024xf32>
    %swap3A_985 = arith.constant 167936 : index
    %swap3A_986 = vector.load %arg2[%swap3A_985] : memref<400384xf32, #tpu.memory_space<vmem>>, vector<1024xf32>
    tpu.vector_store %arg2[%swap3A_985], %reshape3A_984 {strides = array<i32>} : memref<400384xf32, #tpu.memory_space<vmem>>, vector<1024xf32>,
    %get3A_987 = arith.constant 0 : index
    %get3A_988 = arith.constant 21120 : index
    %get3A_989 = vector.load %arg1[%get3A_987, %get3A_988] : memref<8x50048xf32, #tpu.memory_space<vmem>>, vector<8x128xf32>
    %reshape3A_990 = vector.shape_cast %get3A_989 : vector<8x128xf32> to vector<1024xf32>
    %swap3A_991 = arith.constant 168960 : index
    %swap3A_992 = vector.load %arg2[%swap3A_991] : memref<400384xf32, #tpu.memory_space<vmem>>, vector<1024xf32>
    tpu.vector_store %arg2[%swap3A_991], %reshape3A_990 {strides = array<i32>} : memref<400384xf32, #tpu.memory_space<vmem>>, vector<1024xf32>,
    %get3A_993 = arith.constant 0 : index
    %get3A_994 = arith.constant 21248 : index
    %get3A_995 = vector.load %arg1[%get3A_993, %get3A_994] : memref<8x50048xf32, #tpu.memory_space<vmem>>, vector<8x128xf32>
    %reshape3A_996 = vector.shape_cast %get3A_995 : vector<8x128xf32> to vector<1024xf32>
    %swap3A_997 = arith.constant 169984 : index
    %swap3A_998 = vector.load %arg2[%swap3A_997] : memref<400384xf32, #tpu.memory_space<vmem>>, vector<1024xf32>
    tpu.vector_store %arg2[%swap3A_997], %reshape3A_996 {strides = array<i32>} : memref<400384xf32, #tpu.memory_space<vmem>>, vector<1024xf32>,
    %get3A_999 = arith.constant 0 : index
    %get3A_1000 = arith.constant 21376 : index
    %get3A_1001 = vector.load %arg1[%get3A_999, %get3A_1000] : memref<8x50048xf32, #tpu.memory_space<vmem>>, vector<8x128xf32>
    %reshape3A_1002 = vector.shape_cast %get3A_1001 : vector<8x128xf32> to vector<1024xf32>
    %swap3A_1003 = arith.constant 171008 : index
    %swap3A_1004 = vector.load %arg2[%swap3A_1003] : memref<400384xf32, #tpu.memory_space<vmem>>, vector<1024xf32>
    tpu.vector_store %arg2[%swap3A_1003], %reshape3A_1002 {strides = array<i32>} : memref<400384xf32, #tpu.memory_space<vmem>>, vector<1024xf32>,
    %get3A_1005 = arith.constant 0 : index
    %get3A_1006 = arith.constant 21504 : index
    %get3A_1007 = vector.load %arg1[%get3A_1005, %get3A_1006] : memref<8x50048xf32, #tpu.memory_space<vmem>>, vector<8x128xf32>
    %reshape3A_1008 = vector.shape_cast %get3A_1007 : vector<8x128xf32> to vector<1024xf32>
    %swap3A_1009 = arith.constant 172032 : index
    %swap3A_1010 = vector.load %arg2[%swap3A_1009] : memref<400384xf32, #tpu.memory_space<vmem>>, vector<1024xf32>
    tpu.vector_store %arg2[%swap3A_1009], %reshape3A_1008 {strides = array<i32>} : memref<400384xf32, #tpu.memory_space<vmem>>, vector<1024xf32>,
    %get3A_1011 = arith.constant 0 : index
    %get3A_1012 = arith.constant 21632 : index
    %get3A_1013 = vector.load %arg1[%get3A_1011, %get3A_1012] : memref<8x50048xf32, #tpu.memory_space<vmem>>, vector<8x128xf32>
    %reshape3A_1014 = vector.shape_cast %get3A_1013 : vector<8x128xf32> to vector<1024xf32>
    %swap3A_1015 = arith.constant 173056 : index
    %swap3A_1016 = vector.load %arg2[%swap3A_1015] : memref<400384xf32, #tpu.memory_space<vmem>>, vector<1024xf32>
    tpu.vector_store %arg2[%swap3A_1015], %reshape3A_1014 {strides = array<i32>} : memref<400384xf32, #tpu.memory_space<vmem>>, vector<1024xf32>,
    %get3A_1017 = arith.constant 0 : index
    %get3A_1018 = arith.constant 21760 : index
    %get3A_1019 = vector.load %arg1[%get3A_1017, %get3A_1018] : memref<8x50048xf32, #tpu.memory_space<vmem>>, vector<8x128xf32>
    %reshape3A_1020 = vector.shape_cast %get3A_1019 : vector<8x128xf32> to vector<1024xf32>
    %swap3A_1021 = arith.constant 174080 : index
    %swap3A_1022 = vector.load %arg2[%swap3A_1021] : memref<400384xf32, #tpu.memory_space<vmem>>, vector<1024xf32>
    tpu.vector_store %arg2[%swap3A_1021], %reshape3A_1020 {strides = array<i32>} : memref<400384xf32, #tpu.memory_space<vmem>>, vector<1024xf32>,
    %get3A_1023 = arith.constant 0 : index
    %get3A_1024 = arith.constant 21888 : index
    %get3A_1025 = vector.load %arg1[%get3A_1023, %get3A_1024] : memref<8x50048xf32, #tpu.memory_space<vmem>>, vector<8x128xf32>
    %reshape3A_1026 = vector.shape_cast %get3A_1025 : vector<8x128xf32> to vector<1024xf32>
    %swap3A_1027 = arith.constant 175104 : index
    %swap3A_1028 = vector.load %arg2[%swap3A_1027] : memref<400384xf32, #tpu.memory_space<vmem>>, vector<1024xf32>
    tpu.vector_store %arg2[%swap3A_1027], %reshape3A_1026 {strides = array<i32>} : memref<400384xf32, #tpu.memory_space<vmem>>, vector<1024xf32>,
    %get3A_1029 = arith.constant 0 : index
    %get3A_1030 = arith.constant 22016 : index
    %get3A_1031 = vector.load %arg1[%get3A_1029, %get3A_1030] : memref<8x50048xf32, #tpu.memory_space<vmem>>, vector<8x128xf32>
    %reshape3A_1032 = vector.shape_cast %get3A_1031 : vector<8x128xf32> to vector<1024xf32>
    %swap3A_1033 = arith.constant 176128 : index
    %swap3A_1034 = vector.load %arg2[%swap3A_1033] : memref<400384xf32, #tpu.memory_space<vmem>>, vector<1024xf32>
    tpu.vector_store %arg2[%swap3A_1033], %reshape3A_1032 {strides = array<i32>} : memref<400384xf32, #tpu.memory_space<vmem>>, vector<1024xf32>,
    %get3A_1035 = arith.constant 0 : index
    %get3A_1036 = arith.constant 22144 : index
    %get3A_1037 = vector.load %arg1[%get3A_1035, %get3A_1036] : memref<8x50048xf32, #tpu.memory_space<vmem>>, vector<8x128xf32>
    %reshape3A_1038 = vector.shape_cast %get3A_1037 : vector<8x128xf32> to vector<1024xf32>
    %swap3A_1039 = arith.constant 177152 : index
    %swap3A_1040 = vector.load %arg2[%swap3A_1039] : memref<400384xf32, #tpu.memory_space<vmem>>, vector<1024xf32>
    tpu.vector_store %arg2[%swap3A_1039], %reshape3A_1038 {strides = array<i32>} : memref<400384xf32, #tpu.memory_space<vmem>>, vector<1024xf32>,
    %get3A_1041 = arith.constant 0 : index
    %get3A_1042 = arith.constant 22272 : index
    %get3A_1043 = vector.load %arg1[%get3A_1041, %get3A_1042] : memref<8x50048xf32, #tpu.memory_space<vmem>>, vector<8x128xf32>
    %reshape3A_1044 = vector.shape_cast %get3A_1043 : vector<8x128xf32> to vector<1024xf32>
    %swap3A_1045 = arith.constant 178176 : index
    %swap3A_1046 = vector.load %arg2[%swap3A_1045] : memref<400384xf32, #tpu.memory_space<vmem>>, vector<1024xf32>
    tpu.vector_store %arg2[%swap3A_1045], %reshape3A_1044 {strides = array<i32>} : memref<400384xf32, #tpu.memory_space<vmem>>, vector<1024xf32>,
    %get3A_1047 = arith.constant 0 : index
    %get3A_1048 = arith.constant 22400 : index
    %get3A_1049 = vector.load %arg1[%get3A_1047, %get3A_1048] : memref<8x50048xf32, #tpu.memory_space<vmem>>, vector<8x128xf32>
    %reshape3A_1050 = vector.shape_cast %get3A_1049 : vector<8x128xf32> to vector<1024xf32>
    %swap3A_1051 = arith.constant 179200 : index
    %swap3A_1052 = vector.load %arg2[%swap3A_1051] : memref<400384xf32, #tpu.memory_space<vmem>>, vector<1024xf32>
    tpu.vector_store %arg2[%swap3A_1051], %reshape3A_1050 {strides = array<i32>} : memref<400384xf32, #tpu.memory_space<vmem>>, vector<1024xf32>,
    %get3A_1053 = arith.constant 0 : index
    %get3A_1054 = arith.constant 22528 : index
    %get3A_1055 = vector.load %arg1[%get3A_1053, %get3A_1054] : memref<8x50048xf32, #tpu.memory_space<vmem>>, vector<8x128xf32>
    %reshape3A_1056 = vector.shape_cast %get3A_1055 : vector<8x128xf32> to vector<1024xf32>
    %swap3A_1057 = arith.constant 180224 : index
    %swap3A_1058 = vector.load %arg2[%swap3A_1057] : memref<400384xf32, #tpu.memory_space<vmem>>, vector<1024xf32>
    tpu.vector_store %arg2[%swap3A_1057], %reshape3A_1056 {strides = array<i32>} : memref<400384xf32, #tpu.memory_space<vmem>>, vector<1024xf32>,
    %get3A_1059 = arith.constant 0 : index
    %get3A_1060 = arith.constant 22656 : index
    %get3A_1061 = vector.load %arg1[%get3A_1059, %get3A_1060] : memref<8x50048xf32, #tpu.memory_space<vmem>>, vector<8x128xf32>
    %reshape3A_1062 = vector.shape_cast %get3A_1061 : vector<8x128xf32> to vector<1024xf32>
    %swap3A_1063 = arith.constant 181248 : index
    %swap3A_1064 = vector.load %arg2[%swap3A_1063] : memref<400384xf32, #tpu.memory_space<vmem>>, vector<1024xf32>
    tpu.vector_store %arg2[%swap3A_1063], %reshape3A_1062 {strides = array<i32>} : memref<400384xf32, #tpu.memory_space<vmem>>, vector<1024xf32>,
    %get3A_1065 = arith.constant 0 : index
    %get3A_1066 = arith.constant 22784 : index
    %get3A_1067 = vector.load %arg1[%get3A_1065, %get3A_1066] : memref<8x50048xf32, #tpu.memory_space<vmem>>, vector<8x128xf32>
    %reshape3A_1068 = vector.shape_cast %get3A_1067 : vector<8x128xf32> to vector<1024xf32>
    %swap3A_1069 = arith.constant 182272 : index
    %swap3A_1070 = vector.load %arg2[%swap3A_1069] : memref<400384xf32, #tpu.memory_space<vmem>>, vector<1024xf32>
    tpu.vector_store %arg2[%swap3A_1069], %reshape3A_1068 {strides = array<i32>} : memref<400384xf32, #tpu.memory_space<vmem>>, vector<1024xf32>,
    %get3A_1071 = arith.constant 0 : index
    %get3A_1072 = arith.constant 22912 : index
    %get3A_1073 = vector.load %arg1[%get3A_1071, %get3A_1072] : memref<8x50048xf32, #tpu.memory_space<vmem>>, vector<8x128xf32>
    %reshape3A_1074 = vector.shape_cast %get3A_1073 : vector<8x128xf32> to vector<1024xf32>
    %swap3A_1075 = arith.constant 183296 : index
    %swap3A_1076 = vector.load %arg2[%swap3A_1075] : memref<400384xf32, #tpu.memory_space<vmem>>, vector<1024xf32>
    tpu.vector_store %arg2[%swap3A_1075], %reshape3A_1074 {strides = array<i32>} : memref<400384xf32, #tpu.memory_space<vmem>>, vector<1024xf32>,
    %get3A_1077 = arith.constant 0 : index
    %get3A_1078 = arith.constant 23040 : index
    %get3A_1079 = vector.load %arg1[%get3A_1077, %get3A_1078] : memref<8x50048xf32, #tpu.memory_space<vmem>>, vector<8x128xf32>
    %reshape3A_1080 = vector.shape_cast %get3A_1079 : vector<8x128xf32> to vector<1024xf32>
    %swap3A_1081 = arith.constant 184320 : index
    %swap3A_1082 = vector.load %arg2[%swap3A_1081] : memref<400384xf32, #tpu.memory_space<vmem>>, vector<1024xf32>
    tpu.vector_store %arg2[%swap3A_1081], %reshape3A_1080 {strides = array<i32>} : memref<400384xf32, #tpu.memory_space<vmem>>, vector<1024xf32>,
    %get3A_1083 = arith.constant 0 : index
    %get3A_1084 = arith.constant 23168 : index
    %get3A_1085 = vector.load %arg1[%get3A_1083, %get3A_1084] : memref<8x50048xf32, #tpu.memory_space<vmem>>, vector<8x128xf32>
    %reshape3A_1086 = vector.shape_cast %get3A_1085 : vector<8x128xf32> to vector<1024xf32>
    %swap3A_1087 = arith.constant 185344 : index
    %swap3A_1088 = vector.load %arg2[%swap3A_1087] : memref<400384xf32, #tpu.memory_space<vmem>>, vector<1024xf32>
    tpu.vector_store %arg2[%swap3A_1087], %reshape3A_1086 {strides = array<i32>} : memref<400384xf32, #tpu.memory_space<vmem>>, vector<1024xf32>,
    %get3A_1089 = arith.constant 0 : index
    %get3A_1090 = arith.constant 23296 : index
    %get3A_1091 = vector.load %arg1[%get3A_1089, %get3A_1090] : memref<8x50048xf32, #tpu.memory_space<vmem>>, vector<8x128xf32>
    %reshape3A_1092 = vector.shape_cast %get3A_1091 : vector<8x128xf32> to vector<1024xf32>
    %swap3A_1093 = arith.constant 186368 : index
    %swap3A_1094 = vector.load %arg2[%swap3A_1093] : memref<400384xf32, #tpu.memory_space<vmem>>, vector<1024xf32>
    tpu.vector_store %arg2[%swap3A_1093], %reshape3A_1092 {strides = array<i32>} : memref<400384xf32, #tpu.memory_space<vmem>>, vector<1024xf32>,
    %get3A_1095 = arith.constant 0 : index
    %get3A_1096 = arith.constant 23424 : index
    %get3A_1097 = vector.load %arg1[%get3A_1095, %get3A_1096] : memref<8x50048xf32, #tpu.memory_space<vmem>>, vector<8x128xf32>
    %reshape3A_1098 = vector.shape_cast %get3A_1097 : vector<8x128xf32> to vector<1024xf32>
    %swap3A_1099 = arith.constant 187392 : index
    %swap3A_1100 = vector.load %arg2[%swap3A_1099] : memref<400384xf32, #tpu.memory_space<vmem>>, vector<1024xf32>
    tpu.vector_store %arg2[%swap3A_1099], %reshape3A_1098 {strides = array<i32>} : memref<400384xf32, #tpu.memory_space<vmem>>, vector<1024xf32>,
    %get3A_1101 = arith.constant 0 : index
    %get3A_1102 = arith.constant 23552 : index
    %get3A_1103 = vector.load %arg1[%get3A_1101, %get3A_1102] : memref<8x50048xf32, #tpu.memory_space<vmem>>, vector<8x128xf32>
    %reshape3A_1104 = vector.shape_cast %get3A_1103 : vector<8x128xf32> to vector<1024xf32>
    %swap3A_1105 = arith.constant 188416 : index
    %swap3A_1106 = vector.load %arg2[%swap3A_1105] : memref<400384xf32, #tpu.memory_space<vmem>>, vector<1024xf32>
    tpu.vector_store %arg2[%swap3A_1105], %reshape3A_1104 {strides = array<i32>} : memref<400384xf32, #tpu.memory_space<vmem>>, vector<1024xf32>,
    %get3A_1107 = arith.constant 0 : index
    %get3A_1108 = arith.constant 23680 : index
    %get3A_1109 = vector.load %arg1[%get3A_1107, %get3A_1108] : memref<8x50048xf32, #tpu.memory_space<vmem>>, vector<8x128xf32>
    %reshape3A_1110 = vector.shape_cast %get3A_1109 : vector<8x128xf32> to vector<1024xf32>
    %swap3A_1111 = arith.constant 189440 : index
    %swap3A_1112 = vector.load %arg2[%swap3A_1111] : memref<400384xf32, #tpu.memory_space<vmem>>, vector<1024xf32>
    tpu.vector_store %arg2[%swap3A_1111], %reshape3A_1110 {strides = array<i32>} : memref<400384xf32, #tpu.memory_space<vmem>>, vector<1024xf32>,
    %get3A_1113 = arith.constant 0 : index
    %get3A_1114 = arith.constant 23808 : index
    %get3A_1115 = vector.load %arg1[%get3A_1113, %get3A_1114] : memref<8x50048xf32, #tpu.memory_space<vmem>>, vector<8x128xf32>
    %reshape3A_1116 = vector.shape_cast %get3A_1115 : vector<8x128xf32> to vector<1024xf32>
    %swap3A_1117 = arith.constant 190464 : index
    %swap3A_1118 = vector.load %arg2[%swap3A_1117] : memref<400384xf32, #tpu.memory_space<vmem>>, vector<1024xf32>
    tpu.vector_store %arg2[%swap3A_1117], %reshape3A_1116 {strides = array<i32>} : memref<400384xf32, #tpu.memory_space<vmem>>, vector<1024xf32>,
    %get3A_1119 = arith.constant 0 : index
    %get3A_1120 = arith.constant 23936 : index
    %get3A_1121 = vector.load %arg1[%get3A_1119, %get3A_1120] : memref<8x50048xf32, #tpu.memory_space<vmem>>, vector<8x128xf32>
    %reshape3A_1122 = vector.shape_cast %get3A_1121 : vector<8x128xf32> to vector<1024xf32>
    %swap3A_1123 = arith.constant 191488 : index
    %swap3A_1124 = vector.load %arg2[%swap3A_1123] : memref<400384xf32, #tpu.memory_space<vmem>>, vector<1024xf32>
    tpu.vector_store %arg2[%swap3A_1123], %reshape3A_1122 {strides = array<i32>} : memref<400384xf32, #tpu.memory_space<vmem>>, vector<1024xf32>,
    %get3A_1125 = arith.constant 0 : index
    %get3A_1126 = arith.constant 24064 : index
    %get3A_1127 = vector.load %arg1[%get3A_1125, %get3A_1126] : memref<8x50048xf32, #tpu.memory_space<vmem>>, vector<8x128xf32>
    %reshape3A_1128 = vector.shape_cast %get3A_1127 : vector<8x128xf32> to vector<1024xf32>
    %swap3A_1129 = arith.constant 192512 : index
    %swap3A_1130 = vector.load %arg2[%swap3A_1129] : memref<400384xf32, #tpu.memory_space<vmem>>, vector<1024xf32>
    tpu.vector_store %arg2[%swap3A_1129], %reshape3A_1128 {strides = array<i32>} : memref<400384xf32, #tpu.memory_space<vmem>>, vector<1024xf32>,
    %get3A_1131 = arith.constant 0 : index
    %get3A_1132 = arith.constant 24192 : index
    %get3A_1133 = vector.load %arg1[%get3A_1131, %get3A_1132] : memref<8x50048xf32, #tpu.memory_space<vmem>>, vector<8x128xf32>
    %reshape3A_1134 = vector.shape_cast %get3A_1133 : vector<8x128xf32> to vector<1024xf32>
    %swap3A_1135 = arith.constant 193536 : index
    %swap3A_1136 = vector.load %arg2[%swap3A_1135] : memref<400384xf32, #tpu.memory_space<vmem>>, vector<1024xf32>
    tpu.vector_store %arg2[%swap3A_1135], %reshape3A_1134 {strides = array<i32>} : memref<400384xf32, #tpu.memory_space<vmem>>, vector<1024xf32>,
    %get3A_1137 = arith.constant 0 : index
    %get3A_1138 = arith.constant 24320 : index
    %get3A_1139 = vector.load %arg1[%get3A_1137, %get3A_1138] : memref<8x50048xf32, #tpu.memory_space<vmem>>, vector<8x128xf32>
    %reshape3A_1140 = vector.shape_cast %get3A_1139 : vector<8x128xf32> to vector<1024xf32>
    %swap3A_1141 = arith.constant 194560 : index
    %swap3A_1142 = vector.load %arg2[%swap3A_1141] : memref<400384xf32, #tpu.memory_space<vmem>>, vector<1024xf32>
    tpu.vector_store %arg2[%swap3A_1141], %reshape3A_1140 {strides = array<i32>} : memref<400384xf32, #tpu.memory_space<vmem>>, vector<1024xf32>,
    %get3A_1143 = arith.constant 0 : index
    %get3A_1144 = arith.constant 24448 : index
    %get3A_1145 = vector.load %arg1[%get3A_1143, %get3A_1144] : memref<8x50048xf32, #tpu.memory_space<vmem>>, vector<8x128xf32>
    %reshape3A_1146 = vector.shape_cast %get3A_1145 : vector<8x128xf32> to vector<1024xf32>
    %swap3A_1147 = arith.constant 195584 : index
    %swap3A_1148 = vector.load %arg2[%swap3A_1147] : memref<400384xf32, #tpu.memory_space<vmem>>, vector<1024xf32>
    tpu.vector_store %arg2[%swap3A_1147], %reshape3A_1146 {strides = array<i32>} : memref<400384xf32, #tpu.memory_space<vmem>>, vector<1024xf32>,
    %get3A_1149 = arith.constant 0 : index
    %get3A_1150 = arith.constant 24576 : index
    %get3A_1151 = vector.load %arg1[%get3A_1149, %get3A_1150] : memref<8x50048xf32, #tpu.memory_space<vmem>>, vector<8x128xf32>
    %reshape3A_1152 = vector.shape_cast %get3A_1151 : vector<8x128xf32> to vector<1024xf32>
    %swap3A_1153 = arith.constant 196608 : index
    %swap3A_1154 = vector.load %arg2[%swap3A_1153] : memref<400384xf32, #tpu.memory_space<vmem>>, vector<1024xf32>
    tpu.vector_store %arg2[%swap3A_1153], %reshape3A_1152 {strides = array<i32>} : memref<400384xf32, #tpu.memory_space<vmem>>, vector<1024xf32>,
    %get3A_1155 = arith.constant 0 : index
    %get3A_1156 = arith.constant 24704 : index
    %get3A_1157 = vector.load %arg1[%get3A_1155, %get3A_1156] : memref<8x50048xf32, #tpu.memory_space<vmem>>, vector<8x128xf32>
    %reshape3A_1158 = vector.shape_cast %get3A_1157 : vector<8x128xf32> to vector<1024xf32>
    %swap3A_1159 = arith.constant 197632 : index
    %swap3A_1160 = vector.load %arg2[%swap3A_1159] : memref<400384xf32, #tpu.memory_space<vmem>>, vector<1024xf32>
    tpu.vector_store %arg2[%swap3A_1159], %reshape3A_1158 {strides = array<i32>} : memref<400384xf32, #tpu.memory_space<vmem>>, vector<1024xf32>,
    %get3A_1161 = arith.constant 0 : index
    %get3A_1162 = arith.constant 24832 : index
    %get3A_1163 = vector.load %arg1[%get3A_1161, %get3A_1162] : memref<8x50048xf32, #tpu.memory_space<vmem>>, vector<8x128xf32>
    %reshape3A_1164 = vector.shape_cast %get3A_1163 : vector<8x128xf32> to vector<1024xf32>
    %swap3A_1165 = arith.constant 198656 : index
    %swap3A_1166 = vector.load %arg2[%swap3A_1165] : memref<400384xf32, #tpu.memory_space<vmem>>, vector<1024xf32>
    tpu.vector_store %arg2[%swap3A_1165], %reshape3A_1164 {strides = array<i32>} : memref<400384xf32, #tpu.memory_space<vmem>>, vector<1024xf32>,
    %get3A_1167 = arith.constant 0 : index
    %get3A_1168 = arith.constant 24960 : index
    %get3A_1169 = vector.load %arg1[%get3A_1167, %get3A_1168] : memref<8x50048xf32, #tpu.memory_space<vmem>>, vector<8x128xf32>
    %reshape3A_1170 = vector.shape_cast %get3A_1169 : vector<8x128xf32> to vector<1024xf32>
    %swap3A_1171 = arith.constant 199680 : index
    %swap3A_1172 = vector.load %arg2[%swap3A_1171] : memref<400384xf32, #tpu.memory_space<vmem>>, vector<1024xf32>
    tpu.vector_store %arg2[%swap3A_1171], %reshape3A_1170 {strides = array<i32>} : memref<400384xf32, #tpu.memory_space<vmem>>, vector<1024xf32>,
    %get3A_1173 = arith.constant 0 : index
    %get3A_1174 = arith.constant 25088 : index
    %get3A_1175 = vector.load %arg1[%get3A_1173, %get3A_1174] : memref<8x50048xf32, #tpu.memory_space<vmem>>, vector<8x128xf32>
    %reshape3A_1176 = vector.shape_cast %get3A_1175 : vector<8x128xf32> to vector<1024xf32>
    %swap3A_1177 = arith.constant 200704 : index
    %swap3A_1178 = vector.load %arg2[%swap3A_1177] : memref<400384xf32, #tpu.memory_space<vmem>>, vector<1024xf32>
    tpu.vector_store %arg2[%swap3A_1177], %reshape3A_1176 {strides = array<i32>} : memref<400384xf32, #tpu.memory_space<vmem>>, vector<1024xf32>,
    %get3A_1179 = arith.constant 0 : index
    %get3A_1180 = arith.constant 25216 : index
    %get3A_1181 = vector.load %arg1[%get3A_1179, %get3A_1180] : memref<8x50048xf32, #tpu.memory_space<vmem>>, vector<8x128xf32>
    %reshape3A_1182 = vector.shape_cast %get3A_1181 : vector<8x128xf32> to vector<1024xf32>
    %swap3A_1183 = arith.constant 201728 : index
    %swap3A_1184 = vector.load %arg2[%swap3A_1183] : memref<400384xf32, #tpu.memory_space<vmem>>, vector<1024xf32>
    tpu.vector_store %arg2[%swap3A_1183], %reshape3A_1182 {strides = array<i32>} : memref<400384xf32, #tpu.memory_space<vmem>>, vector<1024xf32>,
    %get3A_1185 = arith.constant 0 : index
    %get3A_1186 = arith.constant 25344 : index
    %get3A_1187 = vector.load %arg1[%get3A_1185, %get3A_1186] : memref<8x50048xf32, #tpu.memory_space<vmem>>, vector<8x128xf32>
    %reshape3A_1188 = vector.shape_cast %get3A_1187 : vector<8x128xf32> to vector<1024xf32>
    %swap3A_1189 = arith.constant 202752 : index
    %swap3A_1190 = vector.load %arg2[%swap3A_1189] : memref<400384xf32, #tpu.memory_space<vmem>>, vector<1024xf32>
    tpu.vector_store %arg2[%swap3A_1189], %reshape3A_1188 {strides = array<i32>} : memref<400384xf32, #tpu.memory_space<vmem>>, vector<1024xf32>,
    %get3A_1191 = arith.constant 0 : index
    %get3A_1192 = arith.constant 25472 : index
    %get3A_1193 = vector.load %arg1[%get3A_1191, %get3A_1192] : memref<8x50048xf32, #tpu.memory_space<vmem>>, vector<8x128xf32>
    %reshape3A_1194 = vector.shape_cast %get3A_1193 : vector<8x128xf32> to vector<1024xf32>
    %swap3A_1195 = arith.constant 203776 : index
    %swap3A_1196 = vector.load %arg2[%swap3A_1195] : memref<400384xf32, #tpu.memory_space<vmem>>, vector<1024xf32>
    tpu.vector_store %arg2[%swap3A_1195], %reshape3A_1194 {strides = array<i32>} : memref<400384xf32, #tpu.memory_space<vmem>>, vector<1024xf32>,
    %get3A_1197 = arith.constant 0 : index
    %get3A_1198 = arith.constant 25600 : index
    %get3A_1199 = vector.load %arg1[%get3A_1197, %get3A_1198] : memref<8x50048xf32, #tpu.memory_space<vmem>>, vector<8x128xf32>
    %reshape3A_1200 = vector.shape_cast %get3A_1199 : vector<8x128xf32> to vector<1024xf32>
    %swap3A_1201 = arith.constant 204800 : index
    %swap3A_1202 = vector.load %arg2[%swap3A_1201] : memref<400384xf32, #tpu.memory_space<vmem>>, vector<1024xf32>
    tpu.vector_store %arg2[%swap3A_1201], %reshape3A_1200 {strides = array<i32>} : memref<400384xf32, #tpu.memory_space<vmem>>, vector<1024xf32>,
    %get3A_1203 = arith.constant 0 : index
    %get3A_1204 = arith.constant 25728 : index
    %get3A_1205 = vector.load %arg1[%get3A_1203, %get3A_1204] : memref<8x50048xf32, #tpu.memory_space<vmem>>, vector<8x128xf32>
    %reshape3A_1206 = vector.shape_cast %get3A_1205 : vector<8x128xf32> to vector<1024xf32>
    %swap3A_1207 = arith.constant 205824 : index
    %swap3A_1208 = vector.load %arg2[%swap3A_1207] : memref<400384xf32, #tpu.memory_space<vmem>>, vector<1024xf32>
    tpu.vector_store %arg2[%swap3A_1207], %reshape3A_1206 {strides = array<i32>} : memref<400384xf32, #tpu.memory_space<vmem>>, vector<1024xf32>,
    %get3A_1209 = arith.constant 0 : index
    %get3A_1210 = arith.constant 25856 : index
    %get3A_1211 = vector.load %arg1[%get3A_1209, %get3A_1210] : memref<8x50048xf32, #tpu.memory_space<vmem>>, vector<8x128xf32>
    %reshape3A_1212 = vector.shape_cast %get3A_1211 : vector<8x128xf32> to vector<1024xf32>
    %swap3A_1213 = arith.constant 206848 : index
    %swap3A_1214 = vector.load %arg2[%swap3A_1213] : memref<400384xf32, #tpu.memory_space<vmem>>, vector<1024xf32>
    tpu.vector_store %arg2[%swap3A_1213], %reshape3A_1212 {strides = array<i32>} : memref<400384xf32, #tpu.memory_space<vmem>>, vector<1024xf32>,
    %get3A_1215 = arith.constant 0 : index
    %get3A_1216 = arith.constant 25984 : index
    %get3A_1217 = vector.load %arg1[%get3A_1215, %get3A_1216] : memref<8x50048xf32, #tpu.memory_space<vmem>>, vector<8x128xf32>
    %reshape3A_1218 = vector.shape_cast %get3A_1217 : vector<8x128xf32> to vector<1024xf32>
    %swap3A_1219 = arith.constant 207872 : index
    %swap3A_1220 = vector.load %arg2[%swap3A_1219] : memref<400384xf32, #tpu.memory_space<vmem>>, vector<1024xf32>
    tpu.vector_store %arg2[%swap3A_1219], %reshape3A_1218 {strides = array<i32>} : memref<400384xf32, #tpu.memory_space<vmem>>, vector<1024xf32>,
    %get3A_1221 = arith.constant 0 : index
    %get3A_1222 = arith.constant 26112 : index
    %get3A_1223 = vector.load %arg1[%get3A_1221, %get3A_1222] : memref<8x50048xf32, #tpu.memory_space<vmem>>, vector<8x128xf32>
    %reshape3A_1224 = vector.shape_cast %get3A_1223 : vector<8x128xf32> to vector<1024xf32>
    %swap3A_1225 = arith.constant 208896 : index
    %swap3A_1226 = vector.load %arg2[%swap3A_1225] : memref<400384xf32, #tpu.memory_space<vmem>>, vector<1024xf32>
    tpu.vector_store %arg2[%swap3A_1225], %reshape3A_1224 {strides = array<i32>} : memref<400384xf32, #tpu.memory_space<vmem>>, vector<1024xf32>,
    %get3A_1227 = arith.constant 0 : index
    %get3A_1228 = arith.constant 26240 : index
    %get3A_1229 = vector.load %arg1[%get3A_1227, %get3A_1228] : memref<8x50048xf32, #tpu.memory_space<vmem>>, vector<8x128xf32>
    %reshape3A_1230 = vector.shape_cast %get3A_1229 : vector<8x128xf32> to vector<1024xf32>
    %swap3A_1231 = arith.constant 209920 : index
    %swap3A_1232 = vector.load %arg2[%swap3A_1231] : memref<400384xf32, #tpu.memory_space<vmem>>, vector<1024xf32>
    tpu.vector_store %arg2[%swap3A_1231], %reshape3A_1230 {strides = array<i32>} : memref<400384xf32, #tpu.memory_space<vmem>>, vector<1024xf32>,
    %get3A_1233 = arith.constant 0 : index
    %get3A_1234 = arith.constant 26368 : index
    %get3A_1235 = vector.load %arg1[%get3A_1233, %get3A_1234] : memref<8x50048xf32, #tpu.memory_space<vmem>>, vector<8x128xf32>
    %reshape3A_1236 = vector.shape_cast %get3A_1235 : vector<8x128xf32> to vector<1024xf32>
    %swap3A_1237 = arith.constant 210944 : index
    %swap3A_1238 = vector.load %arg2[%swap3A_1237] : memref<400384xf32, #tpu.memory_space<vmem>>, vector<1024xf32>
    tpu.vector_store %arg2[%swap3A_1237], %reshape3A_1236 {strides = array<i32>} : memref<400384xf32, #tpu.memory_space<vmem>>, vector<1024xf32>,
    %get3A_1239 = arith.constant 0 : index
    %get3A_1240 = arith.constant 26496 : index
    %get3A_1241 = vector.load %arg1[%get3A_1239, %get3A_1240] : memref<8x50048xf32, #tpu.memory_space<vmem>>, vector<8x128xf32>
    %reshape3A_1242 = vector.shape_cast %get3A_1241 : vector<8x128xf32> to vector<1024xf32>
    %swap3A_1243 = arith.constant 211968 : index
    %swap3A_1244 = vector.load %arg2[%swap3A_1243] : memref<400384xf32, #tpu.memory_space<vmem>>, vector<1024xf32>
    tpu.vector_store %arg2[%swap3A_1243], %reshape3A_1242 {strides = array<i32>} : memref<400384xf32, #tpu.memory_space<vmem>>, vector<1024xf32>,
    %get3A_1245 = arith.constant 0 : index
    %get3A_1246 = arith.constant 26624 : index
    %get3A_1247 = vector.load %arg1[%get3A_1245, %get3A_1246] : memref<8x50048xf32, #tpu.memory_space<vmem>>, vector<8x128xf32>
    %reshape3A_1248 = vector.shape_cast %get3A_1247 : vector<8x128xf32> to vector<1024xf32>
    %swap3A_1249 = arith.constant 212992 : index
    %swap3A_1250 = vector.load %arg2[%swap3A_1249] : memref<400384xf32, #tpu.memory_space<vmem>>, vector<1024xf32>
    tpu.vector_store %arg2[%swap3A_1249], %reshape3A_1248 {strides = array<i32>} : memref<400384xf32, #tpu.memory_space<vmem>>, vector<1024xf32>,
    %get3A_1251 = arith.constant 0 : index
    %get3A_1252 = arith.constant 26752 : index
    %get3A_1253 = vector.load %arg1[%get3A_1251, %get3A_1252] : memref<8x50048xf32, #tpu.memory_space<vmem>>, vector<8x128xf32>
    %reshape3A_1254 = vector.shape_cast %get3A_1253 : vector<8x128xf32> to vector<1024xf32>
    %swap3A_1255 = arith.constant 214016 : index
    %swap3A_1256 = vector.load %arg2[%swap3A_1255] : memref<400384xf32, #tpu.memory_space<vmem>>, vector<1024xf32>
    tpu.vector_store %arg2[%swap3A_1255], %reshape3A_1254 {strides = array<i32>} : memref<400384xf32, #tpu.memory_space<vmem>>, vector<1024xf32>,
    %get3A_1257 = arith.constant 0 : index
    %get3A_1258 = arith.constant 26880 : index
    %get3A_1259 = vector.load %arg1[%get3A_1257, %get3A_1258] : memref<8x50048xf32, #tpu.memory_space<vmem>>, vector<8x128xf32>
    %reshape3A_1260 = vector.shape_cast %get3A_1259 : vector<8x128xf32> to vector<1024xf32>
    %swap3A_1261 = arith.constant 215040 : index
    %swap3A_1262 = vector.load %arg2[%swap3A_1261] : memref<400384xf32, #tpu.memory_space<vmem>>, vector<1024xf32>
    tpu.vector_store %arg2[%swap3A_1261], %reshape3A_1260 {strides = array<i32>} : memref<400384xf32, #tpu.memory_space<vmem>>, vector<1024xf32>,
    %get3A_1263 = arith.constant 0 : index
    %get3A_1264 = arith.constant 27008 : index
    %get3A_1265 = vector.load %arg1[%get3A_1263, %get3A_1264] : memref<8x50048xf32, #tpu.memory_space<vmem>>, vector<8x128xf32>
    %reshape3A_1266 = vector.shape_cast %get3A_1265 : vector<8x128xf32> to vector<1024xf32>
    %swap3A_1267 = arith.constant 216064 : index
    %swap3A_1268 = vector.load %arg2[%swap3A_1267] : memref<400384xf32, #tpu.memory_space<vmem>>, vector<1024xf32>
    tpu.vector_store %arg2[%swap3A_1267], %reshape3A_1266 {strides = array<i32>} : memref<400384xf32, #tpu.memory_space<vmem>>, vector<1024xf32>,
    %get3A_1269 = arith.constant 0 : index
    %get3A_1270 = arith.constant 27136 : index
    %get3A_1271 = vector.load %arg1[%get3A_1269, %get3A_1270] : memref<8x50048xf32, #tpu.memory_space<vmem>>, vector<8x128xf32>
    %reshape3A_1272 = vector.shape_cast %get3A_1271 : vector<8x128xf32> to vector<1024xf32>
    %swap3A_1273 = arith.constant 217088 : index
    %swap3A_1274 = vector.load %arg2[%swap3A_1273] : memref<400384xf32, #tpu.memory_space<vmem>>, vector<1024xf32>
    tpu.vector_store %arg2[%swap3A_1273], %reshape3A_1272 {strides = array<i32>} : memref<400384xf32, #tpu.memory_space<vmem>>, vector<1024xf32>,
    %get3A_1275 = arith.constant 0 : index
    %get3A_1276 = arith.constant 27264 : index
    %get3A_1277 = vector.load %arg1[%get3A_1275, %get3A_1276] : memref<8x50048xf32, #tpu.memory_space<vmem>>, vector<8x128xf32>
    %reshape3A_1278 = vector.shape_cast %get3A_1277 : vector<8x128xf32> to vector<1024xf32>
    %swap3A_1279 = arith.constant 218112 : index
    %swap3A_1280 = vector.load %arg2[%swap3A_1279] : memref<400384xf32, #tpu.memory_space<vmem>>, vector<1024xf32>
    tpu.vector_store %arg2[%swap3A_1279], %reshape3A_1278 {strides = array<i32>} : memref<400384xf32, #tpu.memory_space<vmem>>, vector<1024xf32>,
    %get3A_1281 = arith.constant 0 : index
    %get3A_1282 = arith.constant 27392 : index
    %get3A_1283 = vector.load %arg1[%get3A_1281, %get3A_1282] : memref<8x50048xf32, #tpu.memory_space<vmem>>, vector<8x128xf32>
    %reshape3A_1284 = vector.shape_cast %get3A_1283 : vector<8x128xf32> to vector<1024xf32>
    %swap3A_1285 = arith.constant 219136 : index
    %swap3A_1286 = vector.load %arg2[%swap3A_1285] : memref<400384xf32, #tpu.memory_space<vmem>>, vector<1024xf32>
    tpu.vector_store %arg2[%swap3A_1285], %reshape3A_1284 {strides = array<i32>} : memref<400384xf32, #tpu.memory_space<vmem>>, vector<1024xf32>,
    %get3A_1287 = arith.constant 0 : index
    %get3A_1288 = arith.constant 27520 : index
    %get3A_1289 = vector.load %arg1[%get3A_1287, %get3A_1288] : memref<8x50048xf32, #tpu.memory_space<vmem>>, vector<8x128xf32>
    %reshape3A_1290 = vector.shape_cast %get3A_1289 : vector<8x128xf32> to vector<1024xf32>
    %swap3A_1291 = arith.constant 220160 : index
    %swap3A_1292 = vector.load %arg2[%swap3A_1291] : memref<400384xf32, #tpu.memory_space<vmem>>, vector<1024xf32>
    tpu.vector_store %arg2[%swap3A_1291], %reshape3A_1290 {strides = array<i32>} : memref<400384xf32, #tpu.memory_space<vmem>>, vector<1024xf32>,
    %get3A_1293 = arith.constant 0 : index
    %get3A_1294 = arith.constant 27648 : index
    %get3A_1295 = vector.load %arg1[%get3A_1293, %get3A_1294] : memref<8x50048xf32, #tpu.memory_space<vmem>>, vector<8x128xf32>
    %reshape3A_1296 = vector.shape_cast %get3A_1295 : vector<8x128xf32> to vector<1024xf32>
    %swap3A_1297 = arith.constant 221184 : index
    %swap3A_1298 = vector.load %arg2[%swap3A_1297] : memref<400384xf32, #tpu.memory_space<vmem>>, vector<1024xf32>
    tpu.vector_store %arg2[%swap3A_1297], %reshape3A_1296 {strides = array<i32>} : memref<400384xf32, #tpu.memory_space<vmem>>, vector<1024xf32>,
    %get3A_1299 = arith.constant 0 : index
    %get3A_1300 = arith.constant 27776 : index
    %get3A_1301 = vector.load %arg1[%get3A_1299, %get3A_1300] : memref<8x50048xf32, #tpu.memory_space<vmem>>, vector<8x128xf32>
    %reshape3A_1302 = vector.shape_cast %get3A_1301 : vector<8x128xf32> to vector<1024xf32>
    %swap3A_1303 = arith.constant 222208 : index
    %swap3A_1304 = vector.load %arg2[%swap3A_1303] : memref<400384xf32, #tpu.memory_space<vmem>>, vector<1024xf32>
    tpu.vector_store %arg2[%swap3A_1303], %reshape3A_1302 {strides = array<i32>} : memref<400384xf32, #tpu.memory_space<vmem>>, vector<1024xf32>,
    %get3A_1305 = arith.constant 0 : index
    %get3A_1306 = arith.constant 27904 : index
    %get3A_1307 = vector.load %arg1[%get3A_1305, %get3A_1306] : memref<8x50048xf32, #tpu.memory_space<vmem>>, vector<8x128xf32>
    %reshape3A_1308 = vector.shape_cast %get3A_1307 : vector<8x128xf32> to vector<1024xf32>
    %swap3A_1309 = arith.constant 223232 : index
    %swap3A_1310 = vector.load %arg2[%swap3A_1309] : memref<400384xf32, #tpu.memory_space<vmem>>, vector<1024xf32>
    tpu.vector_store %arg2[%swap3A_1309], %reshape3A_1308 {strides = array<i32>} : memref<400384xf32, #tpu.memory_space<vmem>>, vector<1024xf32>,
    %get3A_1311 = arith.constant 0 : index
    %get3A_1312 = arith.constant 28032 : index
    %get3A_1313 = vector.load %arg1[%get3A_1311, %get3A_1312] : memref<8x50048xf32, #tpu.memory_space<vmem>>, vector<8x128xf32>
    %reshape3A_1314 = vector.shape_cast %get3A_1313 : vector<8x128xf32> to vector<1024xf32>
    %swap3A_1315 = arith.constant 224256 : index
    %swap3A_1316 = vector.load %arg2[%swap3A_1315] : memref<400384xf32, #tpu.memory_space<vmem>>, vector<1024xf32>
    tpu.vector_store %arg2[%swap3A_1315], %reshape3A_1314 {strides = array<i32>} : memref<400384xf32, #tpu.memory_space<vmem>>, vector<1024xf32>,
    %get3A_1317 = arith.constant 0 : index
    %get3A_1318 = arith.constant 28160 : index
    %get3A_1319 = vector.load %arg1[%get3A_1317, %get3A_1318] : memref<8x50048xf32, #tpu.memory_space<vmem>>, vector<8x128xf32>
    %reshape3A_1320 = vector.shape_cast %get3A_1319 : vector<8x128xf32> to vector<1024xf32>
    %swap3A_1321 = arith.constant 225280 : index
    %swap3A_1322 = vector.load %arg2[%swap3A_1321] : memref<400384xf32, #tpu.memory_space<vmem>>, vector<1024xf32>
    tpu.vector_store %arg2[%swap3A_1321], %reshape3A_1320 {strides = array<i32>} : memref<400384xf32, #tpu.memory_space<vmem>>, vector<1024xf32>,
    %get3A_1323 = arith.constant 0 : index
    %get3A_1324 = arith.constant 28288 : index
    %get3A_1325 = vector.load %arg1[%get3A_1323, %get3A_1324] : memref<8x50048xf32, #tpu.memory_space<vmem>>, vector<8x128xf32>
    %reshape3A_1326 = vector.shape_cast %get3A_1325 : vector<8x128xf32> to vector<1024xf32>
    %swap3A_1327 = arith.constant 226304 : index
    %swap3A_1328 = vector.load %arg2[%swap3A_1327] : memref<400384xf32, #tpu.memory_space<vmem>>, vector<1024xf32>
    tpu.vector_store %arg2[%swap3A_1327], %reshape3A_1326 {strides = array<i32>} : memref<400384xf32, #tpu.memory_space<vmem>>, vector<1024xf32>,
    %get3A_1329 = arith.constant 0 : index
    %get3A_1330 = arith.constant 28416 : index
    %get3A_1331 = vector.load %arg1[%get3A_1329, %get3A_1330] : memref<8x50048xf32, #tpu.memory_space<vmem>>, vector<8x128xf32>
    %reshape3A_1332 = vector.shape_cast %get3A_1331 : vector<8x128xf32> to vector<1024xf32>
    %swap3A_1333 = arith.constant 227328 : index
    %swap3A_1334 = vector.load %arg2[%swap3A_1333] : memref<400384xf32, #tpu.memory_space<vmem>>, vector<1024xf32>
    tpu.vector_store %arg2[%swap3A_1333], %reshape3A_1332 {strides = array<i32>} : memref<400384xf32, #tpu.memory_space<vmem>>, vector<1024xf32>,
    %get3A_1335 = arith.constant 0 : index
    %get3A_1336 = arith.constant 28544 : index
    %get3A_1337 = vector.load %arg1[%get3A_1335, %get3A_1336] : memref<8x50048xf32, #tpu.memory_space<vmem>>, vector<8x128xf32>
    %reshape3A_1338 = vector.shape_cast %get3A_1337 : vector<8x128xf32> to vector<1024xf32>
    %swap3A_1339 = arith.constant 228352 : index
    %swap3A_1340 = vector.load %arg2[%swap3A_1339] : memref<400384xf32, #tpu.memory_space<vmem>>, vector<1024xf32>
    tpu.vector_store %arg2[%swap3A_1339], %reshape3A_1338 {strides = array<i32>} : memref<400384xf32, #tpu.memory_space<vmem>>, vector<1024xf32>,
    %get3A_1341 = arith.constant 0 : index
    %get3A_1342 = arith.constant 28672 : index
    %get3A_1343 = vector.load %arg1[%get3A_1341, %get3A_1342] : memref<8x50048xf32, #tpu.memory_space<vmem>>, vector<8x128xf32>
    %reshape3A_1344 = vector.shape_cast %get3A_1343 : vector<8x128xf32> to vector<1024xf32>
    %swap3A_1345 = arith.constant 229376 : index
    %swap3A_1346 = vector.load %arg2[%swap3A_1345] : memref<400384xf32, #tpu.memory_space<vmem>>, vector<1024xf32>
    tpu.vector_store %arg2[%swap3A_1345], %reshape3A_1344 {strides = array<i32>} : memref<400384xf32, #tpu.memory_space<vmem>>, vector<1024xf32>,
    %get3A_1347 = arith.constant 0 : index
    %get3A_1348 = arith.constant 28800 : index
    %get3A_1349 = vector.load %arg1[%get3A_1347, %get3A_1348] : memref<8x50048xf32, #tpu.memory_space<vmem>>, vector<8x128xf32>
    %reshape3A_1350 = vector.shape_cast %get3A_1349 : vector<8x128xf32> to vector<1024xf32>
    %swap3A_1351 = arith.constant 230400 : index
    %swap3A_1352 = vector.load %arg2[%swap3A_1351] : memref<400384xf32, #tpu.memory_space<vmem>>, vector<1024xf32>
    tpu.vector_store %arg2[%swap3A_1351], %reshape3A_1350 {strides = array<i32>} : memref<400384xf32, #tpu.memory_space<vmem>>, vector<1024xf32>,
    %get3A_1353 = arith.constant 0 : index
    %get3A_1354 = arith.constant 28928 : index
    %get3A_1355 = vector.load %arg1[%get3A_1353, %get3A_1354] : memref<8x50048xf32, #tpu.memory_space<vmem>>, vector<8x128xf32>
    %reshape3A_1356 = vector.shape_cast %get3A_1355 : vector<8x128xf32> to vector<1024xf32>
    %swap3A_1357 = arith.constant 231424 : index
    %swap3A_1358 = vector.load %arg2[%swap3A_1357] : memref<400384xf32, #tpu.memory_space<vmem>>, vector<1024xf32>
    tpu.vector_store %arg2[%swap3A_1357], %reshape3A_1356 {strides = array<i32>} : memref<400384xf32, #tpu.memory_space<vmem>>, vector<1024xf32>,
    %get3A_1359 = arith.constant 0 : index
    %get3A_1360 = arith.constant 29056 : index
    %get3A_1361 = vector.load %arg1[%get3A_1359, %get3A_1360] : memref<8x50048xf32, #tpu.memory_space<vmem>>, vector<8x128xf32>
    %reshape3A_1362 = vector.shape_cast %get3A_1361 : vector<8x128xf32> to vector<1024xf32>
    %swap3A_1363 = arith.constant 232448 : index
    %swap3A_1364 = vector.load %arg2[%swap3A_1363] : memref<400384xf32, #tpu.memory_space<vmem>>, vector<1024xf32>
    tpu.vector_store %arg2[%swap3A_1363], %reshape3A_1362 {strides = array<i32>} : memref<400384xf32, #tpu.memory_space<vmem>>, vector<1024xf32>,
    %get3A_1365 = arith.constant 0 : index
    %get3A_1366 = arith.constant 29184 : index
    %get3A_1367 = vector.load %arg1[%get3A_1365, %get3A_1366] : memref<8x50048xf32, #tpu.memory_space<vmem>>, vector<8x128xf32>
    %reshape3A_1368 = vector.shape_cast %get3A_1367 : vector<8x128xf32> to vector<1024xf32>
    %swap3A_1369 = arith.constant 233472 : index
    %swap3A_1370 = vector.load %arg2[%swap3A_1369] : memref<400384xf32, #tpu.memory_space<vmem>>, vector<1024xf32>
    tpu.vector_store %arg2[%swap3A_1369], %reshape3A_1368 {strides = array<i32>} : memref<400384xf32, #tpu.memory_space<vmem>>, vector<1024xf32>,
    %get3A_1371 = arith.constant 0 : index
    %get3A_1372 = arith.constant 29312 : index
    %get3A_1373 = vector.load %arg1[%get3A_1371, %get3A_1372] : memref<8x50048xf32, #tpu.memory_space<vmem>>, vector<8x128xf32>
    %reshape3A_1374 = vector.shape_cast %get3A_1373 : vector<8x128xf32> to vector<1024xf32>
    %swap3A_1375 = arith.constant 234496 : index
    %swap3A_1376 = vector.load %arg2[%swap3A_1375] : memref<400384xf32, #tpu.memory_space<vmem>>, vector<1024xf32>
    tpu.vector_store %arg2[%swap3A_1375], %reshape3A_1374 {strides = array<i32>} : memref<400384xf32, #tpu.memory_space<vmem>>, vector<1024xf32>,
    %get3A_1377 = arith.constant 0 : index
    %get3A_1378 = arith.constant 29440 : index
    %get3A_1379 = vector.load %arg1[%get3A_1377, %get3A_1378] : memref<8x50048xf32, #tpu.memory_space<vmem>>, vector<8x128xf32>
    %reshape3A_1380 = vector.shape_cast %get3A_1379 : vector<8x128xf32> to vector<1024xf32>
    %swap3A_1381 = arith.constant 235520 : index
    %swap3A_1382 = vector.load %arg2[%swap3A_1381] : memref<400384xf32, #tpu.memory_space<vmem>>, vector<1024xf32>
    tpu.vector_store %arg2[%swap3A_1381], %reshape3A_1380 {strides = array<i32>} : memref<400384xf32, #tpu.memory_space<vmem>>, vector<1024xf32>,
    %get3A_1383 = arith.constant 0 : index
    %get3A_1384 = arith.constant 29568 : index
    %get3A_1385 = vector.load %arg1[%get3A_1383, %get3A_1384] : memref<8x50048xf32, #tpu.memory_space<vmem>>, vector<8x128xf32>
    %reshape3A_1386 = vector.shape_cast %get3A_1385 : vector<8x128xf32> to vector<1024xf32>
    %swap3A_1387 = arith.constant 236544 : index
    %swap3A_1388 = vector.load %arg2[%swap3A_1387] : memref<400384xf32, #tpu.memory_space<vmem>>, vector<1024xf32>
    tpu.vector_store %arg2[%swap3A_1387], %reshape3A_1386 {strides = array<i32>} : memref<400384xf32, #tpu.memory_space<vmem>>, vector<1024xf32>,
    %get3A_1389 = arith.constant 0 : index
    %get3A_1390 = arith.constant 29696 : index
    %get3A_1391 = vector.load %arg1[%get3A_1389, %get3A_1390] : memref<8x50048xf32, #tpu.memory_space<vmem>>, vector<8x128xf32>
    %reshape3A_1392 = vector.shape_cast %get3A_1391 : vector<8x128xf32> to vector<1024xf32>
    %swap3A_1393 = arith.constant 237568 : index
    %swap3A_1394 = vector.load %arg2[%swap3A_1393] : memref<400384xf32, #tpu.memory_space<vmem>>, vector<1024xf32>
    tpu.vector_store %arg2[%swap3A_1393], %reshape3A_1392 {strides = array<i32>} : memref<400384xf32, #tpu.memory_space<vmem>>, vector<1024xf32>,
    %get3A_1395 = arith.constant 0 : index
    %get3A_1396 = arith.constant 29824 : index
    %get3A_1397 = vector.load %arg1[%get3A_1395, %get3A_1396] : memref<8x50048xf32, #tpu.memory_space<vmem>>, vector<8x128xf32>
    %reshape3A_1398 = vector.shape_cast %get3A_1397 : vector<8x128xf32> to vector<1024xf32>
    %swap3A_1399 = arith.constant 238592 : index
    %swap3A_1400 = vector.load %arg2[%swap3A_1399] : memref<400384xf32, #tpu.memory_space<vmem>>, vector<1024xf32>
    tpu.vector_store %arg2[%swap3A_1399], %reshape3A_1398 {strides = array<i32>} : memref<400384xf32, #tpu.memory_space<vmem>>, vector<1024xf32>,
    %get3A_1401 = arith.constant 0 : index
    %get3A_1402 = arith.constant 29952 : index
    %get3A_1403 = vector.load %arg1[%get3A_1401, %get3A_1402] : memref<8x50048xf32, #tpu.memory_space<vmem>>, vector<8x128xf32>
    %reshape3A_1404 = vector.shape_cast %get3A_1403 : vector<8x128xf32> to vector<1024xf32>
    %swap3A_1405 = arith.constant 239616 : index
    %swap3A_1406 = vector.load %arg2[%swap3A_1405] : memref<400384xf32, #tpu.memory_space<vmem>>, vector<1024xf32>
    tpu.vector_store %arg2[%swap3A_1405], %reshape3A_1404 {strides = array<i32>} : memref<400384xf32, #tpu.memory_space<vmem>>, vector<1024xf32>,
    %get3A_1407 = arith.constant 0 : index
    %get3A_1408 = arith.constant 30080 : index
    %get3A_1409 = vector.load %arg1[%get3A_1407, %get3A_1408] : memref<8x50048xf32, #tpu.memory_space<vmem>>, vector<8x128xf32>
    %reshape3A_1410 = vector.shape_cast %get3A_1409 : vector<8x128xf32> to vector<1024xf32>
    %swap3A_1411 = arith.constant 240640 : index
    %swap3A_1412 = vector.load %arg2[%swap3A_1411] : memref<400384xf32, #tpu.memory_space<vmem>>, vector<1024xf32>
    tpu.vector_store %arg2[%swap3A_1411], %reshape3A_1410 {strides = array<i32>} : memref<400384xf32, #tpu.memory_space<vmem>>, vector<1024xf32>,
    %get3A_1413 = arith.constant 0 : index
    %get3A_1414 = arith.constant 30208 : index
    %get3A_1415 = vector.load %arg1[%get3A_1413, %get3A_1414] : memref<8x50048xf32, #tpu.memory_space<vmem>>, vector<8x128xf32>
    %reshape3A_1416 = vector.shape_cast %get3A_1415 : vector<8x128xf32> to vector<1024xf32>
    %swap3A_1417 = arith.constant 241664 : index
    %swap3A_1418 = vector.load %arg2[%swap3A_1417] : memref<400384xf32, #tpu.memory_space<vmem>>, vector<1024xf32>
    tpu.vector_store %arg2[%swap3A_1417], %reshape3A_1416 {strides = array<i32>} : memref<400384xf32, #tpu.memory_space<vmem>>, vector<1024xf32>,
    %get3A_1419 = arith.constant 0 : index
    %get3A_1420 = arith.constant 30336 : index
    %get3A_1421 = vector.load %arg1[%get3A_1419, %get3A_1420] : memref<8x50048xf32, #tpu.memory_space<vmem>>, vector<8x128xf32>
    %reshape3A_1422 = vector.shape_cast %get3A_1421 : vector<8x128xf32> to vector<1024xf32>
    %swap3A_1423 = arith.constant 242688 : index
    %swap3A_1424 = vector.load %arg2[%swap3A_1423] : memref<400384xf32, #tpu.memory_space<vmem>>, vector<1024xf32>
    tpu.vector_store %arg2[%swap3A_1423], %reshape3A_1422 {strides = array<i32>} : memref<400384xf32, #tpu.memory_space<vmem>>, vector<1024xf32>,
    %get3A_1425 = arith.constant 0 : index
    %get3A_1426 = arith.constant 30464 : index
    %get3A_1427 = vector.load %arg1[%get3A_1425, %get3A_1426] : memref<8x50048xf32, #tpu.memory_space<vmem>>, vector<8x128xf32>
    %reshape3A_1428 = vector.shape_cast %get3A_1427 : vector<8x128xf32> to vector<1024xf32>
    %swap3A_1429 = arith.constant 243712 : index
    %swap3A_1430 = vector.load %arg2[%swap3A_1429] : memref<400384xf32, #tpu.memory_space<vmem>>, vector<1024xf32>
    tpu.vector_store %arg2[%swap3A_1429], %reshape3A_1428 {strides = array<i32>} : memref<400384xf32, #tpu.memory_space<vmem>>, vector<1024xf32>,
    %get3A_1431 = arith.constant 0 : index
    %get3A_1432 = arith.constant 30592 : index
    %get3A_1433 = vector.load %arg1[%get3A_1431, %get3A_1432] : memref<8x50048xf32, #tpu.memory_space<vmem>>, vector<8x128xf32>
    %reshape3A_1434 = vector.shape_cast %get3A_1433 : vector<8x128xf32> to vector<1024xf32>
    %swap3A_1435 = arith.constant 244736 : index
    %swap3A_1436 = vector.load %arg2[%swap3A_1435] : memref<400384xf32, #tpu.memory_space<vmem>>, vector<1024xf32>
    tpu.vector_store %arg2[%swap3A_1435], %reshape3A_1434 {strides = array<i32>} : memref<400384xf32, #tpu.memory_space<vmem>>, vector<1024xf32>,
    %get3A_1437 = arith.constant 0 : index
    %get3A_1438 = arith.constant 30720 : index
    %get3A_1439 = vector.load %arg1[%get3A_1437, %get3A_1438] : memref<8x50048xf32, #tpu.memory_space<vmem>>, vector<8x128xf32>
    %reshape3A_1440 = vector.shape_cast %get3A_1439 : vector<8x128xf32> to vector<1024xf32>
    %swap3A_1441 = arith.constant 245760 : index
    %swap3A_1442 = vector.load %arg2[%swap3A_1441] : memref<400384xf32, #tpu.memory_space<vmem>>, vector<1024xf32>
    tpu.vector_store %arg2[%swap3A_1441], %reshape3A_1440 {strides = array<i32>} : memref<400384xf32, #tpu.memory_space<vmem>>, vector<1024xf32>,
    %get3A_1443 = arith.constant 0 : index
    %get3A_1444 = arith.constant 30848 : index
    %get3A_1445 = vector.load %arg1[%get3A_1443, %get3A_1444] : memref<8x50048xf32, #tpu.memory_space<vmem>>, vector<8x128xf32>
    %reshape3A_1446 = vector.shape_cast %get3A_1445 : vector<8x128xf32> to vector<1024xf32>
    %swap3A_1447 = arith.constant 246784 : index
    %swap3A_1448 = vector.load %arg2[%swap3A_1447] : memref<400384xf32, #tpu.memory_space<vmem>>, vector<1024xf32>
    tpu.vector_store %arg2[%swap3A_1447], %reshape3A_1446 {strides = array<i32>} : memref<400384xf32, #tpu.memory_space<vmem>>, vector<1024xf32>,
    %get3A_1449 = arith.constant 0 : index
    %get3A_1450 = arith.constant 30976 : index
    %get3A_1451 = vector.load %arg1[%get3A_1449, %get3A_1450] : memref<8x50048xf32, #tpu.memory_space<vmem>>, vector<8x128xf32>
    %reshape3A_1452 = vector.shape_cast %get3A_1451 : vector<8x128xf32> to vector<1024xf32>
    %swap3A_1453 = arith.constant 247808 : index
    %swap3A_1454 = vector.load %arg2[%swap3A_1453] : memref<400384xf32, #tpu.memory_space<vmem>>, vector<1024xf32>
    tpu.vector_store %arg2[%swap3A_1453], %reshape3A_1452 {strides = array<i32>} : memref<400384xf32, #tpu.memory_space<vmem>>, vector<1024xf32>,
    %get3A_1455 = arith.constant 0 : index
    %get3A_1456 = arith.constant 31104 : index
    %get3A_1457 = vector.load %arg1[%get3A_1455, %get3A_1456] : memref<8x50048xf32, #tpu.memory_space<vmem>>, vector<8x128xf32>
    %reshape3A_1458 = vector.shape_cast %get3A_1457 : vector<8x128xf32> to vector<1024xf32>
    %swap3A_1459 = arith.constant 248832 : index
    %swap3A_1460 = vector.load %arg2[%swap3A_1459] : memref<400384xf32, #tpu.memory_space<vmem>>, vector<1024xf32>
    tpu.vector_store %arg2[%swap3A_1459], %reshape3A_1458 {strides = array<i32>} : memref<400384xf32, #tpu.memory_space<vmem>>, vector<1024xf32>,
    %get3A_1461 = arith.constant 0 : index
    %get3A_1462 = arith.constant 31232 : index
    %get3A_1463 = vector.load %arg1[%get3A_1461, %get3A_1462] : memref<8x50048xf32, #tpu.memory_space<vmem>>, vector<8x128xf32>
    %reshape3A_1464 = vector.shape_cast %get3A_1463 : vector<8x128xf32> to vector<1024xf32>
    %swap3A_1465 = arith.constant 249856 : index
    %swap3A_1466 = vector.load %arg2[%swap3A_1465] : memref<400384xf32, #tpu.memory_space<vmem>>, vector<1024xf32>
    tpu.vector_store %arg2[%swap3A_1465], %reshape3A_1464 {strides = array<i32>} : memref<400384xf32, #tpu.memory_space<vmem>>, vector<1024xf32>,
    %get3A_1467 = arith.constant 0 : index
    %get3A_1468 = arith.constant 31360 : index
    %get3A_1469 = vector.load %arg1[%get3A_1467, %get3A_1468] : memref<8x50048xf32, #tpu.memory_space<vmem>>, vector<8x128xf32>
    %reshape3A_1470 = vector.shape_cast %get3A_1469 : vector<8x128xf32> to vector<1024xf32>
    %swap3A_1471 = arith.constant 250880 : index
    %swap3A_1472 = vector.load %arg2[%swap3A_1471] : memref<400384xf32, #tpu.memory_space<vmem>>, vector<1024xf32>
    tpu.vector_store %arg2[%swap3A_1471], %reshape3A_1470 {strides = array<i32>} : memref<400384xf32, #tpu.memory_space<vmem>>, vector<1024xf32>,
    %get3A_1473 = arith.constant 0 : index
    %get3A_1474 = arith.constant 31488 : index
    %get3A_1475 = vector.load %arg1[%get3A_1473, %get3A_1474] : memref<8x50048xf32, #tpu.memory_space<vmem>>, vector<8x128xf32>
    %reshape3A_1476 = vector.shape_cast %get3A_1475 : vector<8x128xf32> to vector<1024xf32>
    %swap3A_1477 = arith.constant 251904 : index
    %swap3A_1478 = vector.load %arg2[%swap3A_1477] : memref<400384xf32, #tpu.memory_space<vmem>>, vector<1024xf32>
    tpu.vector_store %arg2[%swap3A_1477], %reshape3A_1476 {strides = array<i32>} : memref<400384xf32, #tpu.memory_space<vmem>>, vector<1024xf32>,
    %get3A_1479 = arith.constant 0 : index
    %get3A_1480 = arith.constant 31616 : index
    %get3A_1481 = vector.load %arg1[%get3A_1479, %get3A_1480] : memref<8x50048xf32, #tpu.memory_space<vmem>>, vector<8x128xf32>
    %reshape3A_1482 = vector.shape_cast %get3A_1481 : vector<8x128xf32> to vector<1024xf32>
    %swap3A_1483 = arith.constant 252928 : index
    %swap3A_1484 = vector.load %arg2[%swap3A_1483] : memref<400384xf32, #tpu.memory_space<vmem>>, vector<1024xf32>
    tpu.vector_store %arg2[%swap3A_1483], %reshape3A_1482 {strides = array<i32>} : memref<400384xf32, #tpu.memory_space<vmem>>, vector<1024xf32>,
    %get3A_1485 = arith.constant 0 : index
    %get3A_1486 = arith.constant 31744 : index
    %get3A_1487 = vector.load %arg1[%get3A_1485, %get3A_1486] : memref<8x50048xf32, #tpu.memory_space<vmem>>, vector<8x128xf32>
    %reshape3A_1488 = vector.shape_cast %get3A_1487 : vector<8x128xf32> to vector<1024xf32>
    %swap3A_1489 = arith.constant 253952 : index
    %swap3A_1490 = vector.load %arg2[%swap3A_1489] : memref<400384xf32, #tpu.memory_space<vmem>>, vector<1024xf32>
    tpu.vector_store %arg2[%swap3A_1489], %reshape3A_1488 {strides = array<i32>} : memref<400384xf32, #tpu.memory_space<vmem>>, vector<1024xf32>,
    %get3A_1491 = arith.constant 0 : index
    %get3A_1492 = arith.constant 31872 : index
    %get3A_1493 = vector.load %arg1[%get3A_1491, %get3A_1492] : memref<8x50048xf32, #tpu.memory_space<vmem>>, vector<8x128xf32>
    %reshape3A_1494 = vector.shape_cast %get3A_1493 : vector<8x128xf32> to vector<1024xf32>
    %swap3A_1495 = arith.constant 254976 : index
    %swap3A_1496 = vector.load %arg2[%swap3A_1495] : memref<400384xf32, #tpu.memory_space<vmem>>, vector<1024xf32>
    tpu.vector_store %arg2[%swap3A_1495], %reshape3A_1494 {strides = array<i32>} : memref<400384xf32, #tpu.memory_space<vmem>>, vector<1024xf32>,
    %get3A_1497 = arith.constant 0 : index
    %get3A_1498 = arith.constant 32000 : index
    %get3A_1499 = vector.load %arg1[%get3A_1497, %get3A_1498] : memref<8x50048xf32, #tpu.memory_space<vmem>>, vector<8x128xf32>
    %reshape3A_1500 = vector.shape_cast %get3A_1499 : vector<8x128xf32> to vector<1024xf32>
    %swap3A_1501 = arith.constant 256000 : index
    %swap3A_1502 = vector.load %arg2[%swap3A_1501] : memref<400384xf32, #tpu.memory_space<vmem>>, vector<1024xf32>
    tpu.vector_store %arg2[%swap3A_1501], %reshape3A_1500 {strides = array<i32>} : memref<400384xf32, #tpu.memory_space<vmem>>, vector<1024xf32>,
    %get3A_1503 = arith.constant 0 : index
    %get3A_1504 = arith.constant 32128 : index
    %get3A_1505 = vector.load %arg1[%get3A_1503, %get3A_1504] : memref<8x50048xf32, #tpu.memory_space<vmem>>, vector<8x128xf32>
    %reshape3A_1506 = vector.shape_cast %get3A_1505 : vector<8x128xf32> to vector<1024xf32>
    %swap3A_1507 = arith.constant 257024 : index
    %swap3A_1508 = vector.load %arg2[%swap3A_1507] : memref<400384xf32, #tpu.memory_space<vmem>>, vector<1024xf32>
    tpu.vector_store %arg2[%swap3A_1507], %reshape3A_1506 {strides = array<i32>} : memref<400384xf32, #tpu.memory_space<vmem>>, vector<1024xf32>,
    %get3A_1509 = arith.constant 0 : index
    %get3A_1510 = arith.constant 32256 : index
    %get3A_1511 = vector.load %arg1[%get3A_1509, %get3A_1510] : memref<8x50048xf32, #tpu.memory_space<vmem>>, vector<8x128xf32>
    %reshape3A_1512 = vector.shape_cast %get3A_1511 : vector<8x128xf32> to vector<1024xf32>
    %swap3A_1513 = arith.constant 258048 : index
    %swap3A_1514 = vector.load %arg2[%swap3A_1513] : memref<400384xf32, #tpu.memory_space<vmem>>, vector<1024xf32>
    tpu.vector_store %arg2[%swap3A_1513], %reshape3A_1512 {strides = array<i32>} : memref<400384xf32, #tpu.memory_space<vmem>>, vector<1024xf32>,
    %get3A_1515 = arith.constant 0 : index
    %get3A_1516 = arith.constant 32384 : index
    %get3A_1517 = vector.load %arg1[%get3A_1515, %get3A_1516] : memref<8x50048xf32, #tpu.memory_space<vmem>>, vector<8x128xf32>
    %reshape3A_1518 = vector.shape_cast %get3A_1517 : vector<8x128xf32> to vector<1024xf32>
    %swap3A_1519 = arith.constant 259072 : index
    %swap3A_1520 = vector.load %arg2[%swap3A_1519] : memref<400384xf32, #tpu.memory_space<vmem>>, vector<1024xf32>
    tpu.vector_store %arg2[%swap3A_1519], %reshape3A_1518 {strides = array<i32>} : memref<400384xf32, #tpu.memory_space<vmem>>, vector<1024xf32>,
    %get3A_1521 = arith.constant 0 : index
    %get3A_1522 = arith.constant 32512 : index
    %get3A_1523 = vector.load %arg1[%get3A_1521, %get3A_1522] : memref<8x50048xf32, #tpu.memory_space<vmem>>, vector<8x128xf32>
    %reshape3A_1524 = vector.shape_cast %get3A_1523 : vector<8x128xf32> to vector<1024xf32>
    %swap3A_1525 = arith.constant 260096 : index
    %swap3A_1526 = vector.load %arg2[%swap3A_1525] : memref<400384xf32, #tpu.memory_space<vmem>>, vector<1024xf32>
    tpu.vector_store %arg2[%swap3A_1525], %reshape3A_1524 {strides = array<i32>} : memref<400384xf32, #tpu.memory_space<vmem>>, vector<1024xf32>,
    %get3A_1527 = arith.constant 0 : index
    %get3A_1528 = arith.constant 32640 : index
    %get3A_1529 = vector.load %arg1[%get3A_1527, %get3A_1528] : memref<8x50048xf32, #tpu.memory_space<vmem>>, vector<8x128xf32>
    %reshape3A_1530 = vector.shape_cast %get3A_1529 : vector<8x128xf32> to vector<1024xf32>
    %swap3A_1531 = arith.constant 261120 : index
    %swap3A_1532 = vector.load %arg2[%swap3A_1531] : memref<400384xf32, #tpu.memory_space<vmem>>, vector<1024xf32>
    tpu.vector_store %arg2[%swap3A_1531], %reshape3A_1530 {strides = array<i32>} : memref<400384xf32, #tpu.memory_space<vmem>>, vector<1024xf32>,
    %get3A_1533 = arith.constant 0 : index
    %get3A_1534 = arith.constant 32768 : index
    %get3A_1535 = vector.load %arg1[%get3A_1533, %get3A_1534] : memref<8x50048xf32, #tpu.memory_space<vmem>>, vector<8x128xf32>
    %reshape3A_1536 = vector.shape_cast %get3A_1535 : vector<8x128xf32> to vector<1024xf32>
    %swap3A_1537 = arith.constant 262144 : index
    %swap3A_1538 = vector.load %arg2[%swap3A_1537] : memref<400384xf32, #tpu.memory_space<vmem>>, vector<1024xf32>
    tpu.vector_store %arg2[%swap3A_1537], %reshape3A_1536 {strides = array<i32>} : memref<400384xf32, #tpu.memory_space<vmem>>, vector<1024xf32>,
    %get3A_1539 = arith.constant 0 : index
    %get3A_1540 = arith.constant 32896 : index
    %get3A_1541 = vector.load %arg1[%get3A_1539, %get3A_1540] : memref<8x50048xf32, #tpu.memory_space<vmem>>, vector<8x128xf32>
    %reshape3A_1542 = vector.shape_cast %get3A_1541 : vector<8x128xf32> to vector<1024xf32>
    %swap3A_1543 = arith.constant 263168 : index
    %swap3A_1544 = vector.load %arg2[%swap3A_1543] : memref<400384xf32, #tpu.memory_space<vmem>>, vector<1024xf32>
    tpu.vector_store %arg2[%swap3A_1543], %reshape3A_1542 {strides = array<i32>} : memref<400384xf32, #tpu.memory_space<vmem>>, vector<1024xf32>,
    %get3A_1545 = arith.constant 0 : index
    %get3A_1546 = arith.constant 33024 : index
    %get3A_1547 = vector.load %arg1[%get3A_1545, %get3A_1546] : memref<8x50048xf32, #tpu.memory_space<vmem>>, vector<8x128xf32>
    %reshape3A_1548 = vector.shape_cast %get3A_1547 : vector<8x128xf32> to vector<1024xf32>
    %swap3A_1549 = arith.constant 264192 : index
    %swap3A_1550 = vector.load %arg2[%swap3A_1549] : memref<400384xf32, #tpu.memory_space<vmem>>, vector<1024xf32>
    tpu.vector_store %arg2[%swap3A_1549], %reshape3A_1548 {strides = array<i32>} : memref<400384xf32, #tpu.memory_space<vmem>>, vector<1024xf32>,
    %get3A_1551 = arith.constant 0 : index
    %get3A_1552 = arith.constant 33152 : index
    %get3A_1553 = vector.load %arg1[%get3A_1551, %get3A_1552] : memref<8x50048xf32, #tpu.memory_space<vmem>>, vector<8x128xf32>
    %reshape3A_1554 = vector.shape_cast %get3A_1553 : vector<8x128xf32> to vector<1024xf32>
    %swap3A_1555 = arith.constant 265216 : index
    %swap3A_1556 = vector.load %arg2[%swap3A_1555] : memref<400384xf32, #tpu.memory_space<vmem>>, vector<1024xf32>
    tpu.vector_store %arg2[%swap3A_1555], %reshape3A_1554 {strides = array<i32>} : memref<400384xf32, #tpu.memory_space<vmem>>, vector<1024xf32>,
    %get3A_1557 = arith.constant 0 : index
    %get3A_1558 = arith.constant 33280 : index
    %get3A_1559 = vector.load %arg1[%get3A_1557, %get3A_1558] : memref<8x50048xf32, #tpu.memory_space<vmem>>, vector<8x128xf32>
    %reshape3A_1560 = vector.shape_cast %get3A_1559 : vector<8x128xf32> to vector<1024xf32>
    %swap3A_1561 = arith.constant 266240 : index
    %swap3A_1562 = vector.load %arg2[%swap3A_1561] : memref<400384xf32, #tpu.memory_space<vmem>>, vector<1024xf32>
    tpu.vector_store %arg2[%swap3A_1561], %reshape3A_1560 {strides = array<i32>} : memref<400384xf32, #tpu.memory_space<vmem>>, vector<1024xf32>,
    %get3A_1563 = arith.constant 0 : index
    %get3A_1564 = arith.constant 33408 : index
    %get3A_1565 = vector.load %arg1[%get3A_1563, %get3A_1564] : memref<8x50048xf32, #tpu.memory_space<vmem>>, vector<8x128xf32>
    %reshape3A_1566 = vector.shape_cast %get3A_1565 : vector<8x128xf32> to vector<1024xf32>
    %swap3A_1567 = arith.constant 267264 : index
    %swap3A_1568 = vector.load %arg2[%swap3A_1567] : memref<400384xf32, #tpu.memory_space<vmem>>, vector<1024xf32>
    tpu.vector_store %arg2[%swap3A_1567], %reshape3A_1566 {strides = array<i32>} : memref<400384xf32, #tpu.memory_space<vmem>>, vector<1024xf32>,
    %get3A_1569 = arith.constant 0 : index
    %get3A_1570 = arith.constant 33536 : index
    %get3A_1571 = vector.load %arg1[%get3A_1569, %get3A_1570] : memref<8x50048xf32, #tpu.memory_space<vmem>>, vector<8x128xf32>
    %reshape3A_1572 = vector.shape_cast %get3A_1571 : vector<8x128xf32> to vector<1024xf32>
    %swap3A_1573 = arith.constant 268288 : index
    %swap3A_1574 = vector.load %arg2[%swap3A_1573] : memref<400384xf32, #tpu.memory_space<vmem>>, vector<1024xf32>
    tpu.vector_store %arg2[%swap3A_1573], %reshape3A_1572 {strides = array<i32>} : memref<400384xf32, #tpu.memory_space<vmem>>, vector<1024xf32>,
    %get3A_1575 = arith.constant 0 : index
    %get3A_1576 = arith.constant 33664 : index
    %get3A_1577 = vector.load %arg1[%get3A_1575, %get3A_1576] : memref<8x50048xf32, #tpu.memory_space<vmem>>, vector<8x128xf32>
    %reshape3A_1578 = vector.shape_cast %get3A_1577 : vector<8x128xf32> to vector<1024xf32>
    %swap3A_1579 = arith.constant 269312 : index
    %swap3A_1580 = vector.load %arg2[%swap3A_1579] : memref<400384xf32, #tpu.memory_space<vmem>>, vector<1024xf32>
    tpu.vector_store %arg2[%swap3A_1579], %reshape3A_1578 {strides = array<i32>} : memref<400384xf32, #tpu.memory_space<vmem>>, vector<1024xf32>,
    %get3A_1581 = arith.constant 0 : index
    %get3A_1582 = arith.constant 33792 : index
    %get3A_1583 = vector.load %arg1[%get3A_1581, %get3A_1582] : memref<8x50048xf32, #tpu.memory_space<vmem>>, vector<8x128xf32>
    %reshape3A_1584 = vector.shape_cast %get3A_1583 : vector<8x128xf32> to vector<1024xf32>
    %swap3A_1585 = arith.constant 270336 : index
    %swap3A_1586 = vector.load %arg2[%swap3A_1585] : memref<400384xf32, #tpu.memory_space<vmem>>, vector<1024xf32>
    tpu.vector_store %arg2[%swap3A_1585], %reshape3A_1584 {strides = array<i32>} : memref<400384xf32, #tpu.memory_space<vmem>>, vector<1024xf32>,
    %get3A_1587 = arith.constant 0 : index
    %get3A_1588 = arith.constant 33920 : index
    %get3A_1589 = vector.load %arg1[%get3A_1587, %get3A_1588] : memref<8x50048xf32, #tpu.memory_space<vmem>>, vector<8x128xf32>
    %reshape3A_1590 = vector.shape_cast %get3A_1589 : vector<8x128xf32> to vector<1024xf32>
    %swap3A_1591 = arith.constant 271360 : index
    %swap3A_1592 = vector.load %arg2[%swap3A_1591] : memref<400384xf32, #tpu.memory_space<vmem>>, vector<1024xf32>
    tpu.vector_store %arg2[%swap3A_1591], %reshape3A_1590 {strides = array<i32>} : memref<400384xf32, #tpu.memory_space<vmem>>, vector<1024xf32>,
    %get3A_1593 = arith.constant 0 : index
    %get3A_1594 = arith.constant 34048 : index
    %get3A_1595 = vector.load %arg1[%get3A_1593, %get3A_1594] : memref<8x50048xf32, #tpu.memory_space<vmem>>, vector<8x128xf32>
    %reshape3A_1596 = vector.shape_cast %get3A_1595 : vector<8x128xf32> to vector<1024xf32>
    %swap3A_1597 = arith.constant 272384 : index
    %swap3A_1598 = vector.load %arg2[%swap3A_1597] : memref<400384xf32, #tpu.memory_space<vmem>>, vector<1024xf32>
    tpu.vector_store %arg2[%swap3A_1597], %reshape3A_1596 {strides = array<i32>} : memref<400384xf32, #tpu.memory_space<vmem>>, vector<1024xf32>,
    %get3A_1599 = arith.constant 0 : index
    %get3A_1600 = arith.constant 34176 : index
    %get3A_1601 = vector.load %arg1[%get3A_1599, %get3A_1600] : memref<8x50048xf32, #tpu.memory_space<vmem>>, vector<8x128xf32>
    %reshape3A_1602 = vector.shape_cast %get3A_1601 : vector<8x128xf32> to vector<1024xf32>
    %swap3A_1603 = arith.constant 273408 : index
    %swap3A_1604 = vector.load %arg2[%swap3A_1603] : memref<400384xf32, #tpu.memory_space<vmem>>, vector<1024xf32>
    tpu.vector_store %arg2[%swap3A_1603], %reshape3A_1602 {strides = array<i32>} : memref<400384xf32, #tpu.memory_space<vmem>>, vector<1024xf32>,
    %get3A_1605 = arith.constant 0 : index
    %get3A_1606 = arith.constant 34304 : index
    %get3A_1607 = vector.load %arg1[%get3A_1605, %get3A_1606] : memref<8x50048xf32, #tpu.memory_space<vmem>>, vector<8x128xf32>
    %reshape3A_1608 = vector.shape_cast %get3A_1607 : vector<8x128xf32> to vector<1024xf32>
    %swap3A_1609 = arith.constant 274432 : index
    %swap3A_1610 = vector.load %arg2[%swap3A_1609] : memref<400384xf32, #tpu.memory_space<vmem>>, vector<1024xf32>
    tpu.vector_store %arg2[%swap3A_1609], %reshape3A_1608 {strides = array<i32>} : memref<400384xf32, #tpu.memory_space<vmem>>, vector<1024xf32>,
    %get3A_1611 = arith.constant 0 : index
    %get3A_1612 = arith.constant 34432 : index
    %get3A_1613 = vector.load %arg1[%get3A_1611, %get3A_1612] : memref<8x50048xf32, #tpu.memory_space<vmem>>, vector<8x128xf32>
    %reshape3A_1614 = vector.shape_cast %get3A_1613 : vector<8x128xf32> to vector<1024xf32>
    %swap3A_1615 = arith.constant 275456 : index
    %swap3A_1616 = vector.load %arg2[%swap3A_1615] : memref<400384xf32, #tpu.memory_space<vmem>>, vector<1024xf32>
    tpu.vector_store %arg2[%swap3A_1615], %reshape3A_1614 {strides = array<i32>} : memref<400384xf32, #tpu.memory_space<vmem>>, vector<1024xf32>,
    %get3A_1617 = arith.constant 0 : index
    %get3A_1618 = arith.constant 34560 : index
    %get3A_1619 = vector.load %arg1[%get3A_1617, %get3A_1618] : memref<8x50048xf32, #tpu.memory_space<vmem>>, vector<8x128xf32>
    %reshape3A_1620 = vector.shape_cast %get3A_1619 : vector<8x128xf32> to vector<1024xf32>
    %swap3A_1621 = arith.constant 276480 : index
    %swap3A_1622 = vector.load %arg2[%swap3A_1621] : memref<400384xf32, #tpu.memory_space<vmem>>, vector<1024xf32>
    tpu.vector_store %arg2[%swap3A_1621], %reshape3A_1620 {strides = array<i32>} : memref<400384xf32, #tpu.memory_space<vmem>>, vector<1024xf32>,
    %get3A_1623 = arith.constant 0 : index
    %get3A_1624 = arith.constant 34688 : index
    %get3A_1625 = vector.load %arg1[%get3A_1623, %get3A_1624] : memref<8x50048xf32, #tpu.memory_space<vmem>>, vector<8x128xf32>
    %reshape3A_1626 = vector.shape_cast %get3A_1625 : vector<8x128xf32> to vector<1024xf32>
    %swap3A_1627 = arith.constant 277504 : index
    %swap3A_1628 = vector.load %arg2[%swap3A_1627] : memref<400384xf32, #tpu.memory_space<vmem>>, vector<1024xf32>
    tpu.vector_store %arg2[%swap3A_1627], %reshape3A_1626 {strides = array<i32>} : memref<400384xf32, #tpu.memory_space<vmem>>, vector<1024xf32>,
    %get3A_1629 = arith.constant 0 : index
    %get3A_1630 = arith.constant 34816 : index
    %get3A_1631 = vector.load %arg1[%get3A_1629, %get3A_1630] : memref<8x50048xf32, #tpu.memory_space<vmem>>, vector<8x128xf32>
    %reshape3A_1632 = vector.shape_cast %get3A_1631 : vector<8x128xf32> to vector<1024xf32>
    %swap3A_1633 = arith.constant 278528 : index
    %swap3A_1634 = vector.load %arg2[%swap3A_1633] : memref<400384xf32, #tpu.memory_space<vmem>>, vector<1024xf32>
    tpu.vector_store %arg2[%swap3A_1633], %reshape3A_1632 {strides = array<i32>} : memref<400384xf32, #tpu.memory_space<vmem>>, vector<1024xf32>,
    %get3A_1635 = arith.constant 0 : index
    %get3A_1636 = arith.constant 34944 : index
    %get3A_1637 = vector.load %arg1[%get3A_1635, %get3A_1636] : memref<8x50048xf32, #tpu.memory_space<vmem>>, vector<8x128xf32>
    %reshape3A_1638 = vector.shape_cast %get3A_1637 : vector<8x128xf32> to vector<1024xf32>
    %swap3A_1639 = arith.constant 279552 : index
    %swap3A_1640 = vector.load %arg2[%swap3A_1639] : memref<400384xf32, #tpu.memory_space<vmem>>, vector<1024xf32>
    tpu.vector_store %arg2[%swap3A_1639], %reshape3A_1638 {strides = array<i32>} : memref<400384xf32, #tpu.memory_space<vmem>>, vector<1024xf32>,
    %get3A_1641 = arith.constant 0 : index
    %get3A_1642 = arith.constant 35072 : index
    %get3A_1643 = vector.load %arg1[%get3A_1641, %get3A_1642] : memref<8x50048xf32, #tpu.memory_space<vmem>>, vector<8x128xf32>
    %reshape3A_1644 = vector.shape_cast %get3A_1643 : vector<8x128xf32> to vector<1024xf32>
    %swap3A_1645 = arith.constant 280576 : index
    %swap3A_1646 = vector.load %arg2[%swap3A_1645] : memref<400384xf32, #tpu.memory_space<vmem>>, vector<1024xf32>
    tpu.vector_store %arg2[%swap3A_1645], %reshape3A_1644 {strides = array<i32>} : memref<400384xf32, #tpu.memory_space<vmem>>, vector<1024xf32>,
    %get3A_1647 = arith.constant 0 : index
    %get3A_1648 = arith.constant 35200 : index
    %get3A_1649 = vector.load %arg1[%get3A_1647, %get3A_1648] : memref<8x50048xf32, #tpu.memory_space<vmem>>, vector<8x128xf32>
    %reshape3A_1650 = vector.shape_cast %get3A_1649 : vector<8x128xf32> to vector<1024xf32>
    %swap3A_1651 = arith.constant 281600 : index
    %swap3A_1652 = vector.load %arg2[%swap3A_1651] : memref<400384xf32, #tpu.memory_space<vmem>>, vector<1024xf32>
    tpu.vector_store %arg2[%swap3A_1651], %reshape3A_1650 {strides = array<i32>} : memref<400384xf32, #tpu.memory_space<vmem>>, vector<1024xf32>,
    %get3A_1653 = arith.constant 0 : index
    %get3A_1654 = arith.constant 35328 : index
    %get3A_1655 = vector.load %arg1[%get3A_1653, %get3A_1654] : memref<8x50048xf32, #tpu.memory_space<vmem>>, vector<8x128xf32>
    %reshape3A_1656 = vector.shape_cast %get3A_1655 : vector<8x128xf32> to vector<1024xf32>
    %swap3A_1657 = arith.constant 282624 : index
    %swap3A_1658 = vector.load %arg2[%swap3A_1657] : memref<400384xf32, #tpu.memory_space<vmem>>, vector<1024xf32>
    tpu.vector_store %arg2[%swap3A_1657], %reshape3A_1656 {strides = array<i32>} : memref<400384xf32, #tpu.memory_space<vmem>>, vector<1024xf32>,
    %get3A_1659 = arith.constant 0 : index
    %get3A_1660 = arith.constant 35456 : index
    %get3A_1661 = vector.load %arg1[%get3A_1659, %get3A_1660] : memref<8x50048xf32, #tpu.memory_space<vmem>>, vector<8x128xf32>
    %reshape3A_1662 = vector.shape_cast %get3A_1661 : vector<8x128xf32> to vector<1024xf32>
    %swap3A_1663 = arith.constant 283648 : index
    %swap3A_1664 = vector.load %arg2[%swap3A_1663] : memref<400384xf32, #tpu.memory_space<vmem>>, vector<1024xf32>
    tpu.vector_store %arg2[%swap3A_1663], %reshape3A_1662 {strides = array<i32>} : memref<400384xf32, #tpu.memory_space<vmem>>, vector<1024xf32>,
    %get3A_1665 = arith.constant 0 : index
    %get3A_1666 = arith.constant 35584 : index
    %get3A_1667 = vector.load %arg1[%get3A_1665, %get3A_1666] : memref<8x50048xf32, #tpu.memory_space<vmem>>, vector<8x128xf32>
    %reshape3A_1668 = vector.shape_cast %get3A_1667 : vector<8x128xf32> to vector<1024xf32>
    %swap3A_1669 = arith.constant 284672 : index
    %swap3A_1670 = vector.load %arg2[%swap3A_1669] : memref<400384xf32, #tpu.memory_space<vmem>>, vector<1024xf32>
    tpu.vector_store %arg2[%swap3A_1669], %reshape3A_1668 {strides = array<i32>} : memref<400384xf32, #tpu.memory_space<vmem>>, vector<1024xf32>,
    %get3A_1671 = arith.constant 0 : index
    %get3A_1672 = arith.constant 35712 : index
    %get3A_1673 = vector.load %arg1[%get3A_1671, %get3A_1672] : memref<8x50048xf32, #tpu.memory_space<vmem>>, vector<8x128xf32>
    %reshape3A_1674 = vector.shape_cast %get3A_1673 : vector<8x128xf32> to vector<1024xf32>
    %swap3A_1675 = arith.constant 285696 : index
    %swap3A_1676 = vector.load %arg2[%swap3A_1675] : memref<400384xf32, #tpu.memory_space<vmem>>, vector<1024xf32>
    tpu.vector_store %arg2[%swap3A_1675], %reshape3A_1674 {strides = array<i32>} : memref<400384xf32, #tpu.memory_space<vmem>>, vector<1024xf32>,
    %get3A_1677 = arith.constant 0 : index
    %get3A_1678 = arith.constant 35840 : index
    %get3A_1679 = vector.load %arg1[%get3A_1677, %get3A_1678] : memref<8x50048xf32, #tpu.memory_space<vmem>>, vector<8x128xf32>
    %reshape3A_1680 = vector.shape_cast %get3A_1679 : vector<8x128xf32> to vector<1024xf32>
    %swap3A_1681 = arith.constant 286720 : index
    %swap3A_1682 = vector.load %arg2[%swap3A_1681] : memref<400384xf32, #tpu.memory_space<vmem>>, vector<1024xf32>
    tpu.vector_store %arg2[%swap3A_1681], %reshape3A_1680 {strides = array<i32>} : memref<400384xf32, #tpu.memory_space<vmem>>, vector<1024xf32>,
    %get3A_1683 = arith.constant 0 : index
    %get3A_1684 = arith.constant 35968 : index
    %get3A_1685 = vector.load %arg1[%get3A_1683, %get3A_1684] : memref<8x50048xf32, #tpu.memory_space<vmem>>, vector<8x128xf32>
    %reshape3A_1686 = vector.shape_cast %get3A_1685 : vector<8x128xf32> to vector<1024xf32>
    %swap3A_1687 = arith.constant 287744 : index
    %swap3A_1688 = vector.load %arg2[%swap3A_1687] : memref<400384xf32, #tpu.memory_space<vmem>>, vector<1024xf32>
    tpu.vector_store %arg2[%swap3A_1687], %reshape3A_1686 {strides = array<i32>} : memref<400384xf32, #tpu.memory_space<vmem>>, vector<1024xf32>,
    %get3A_1689 = arith.constant 0 : index
    %get3A_1690 = arith.constant 36096 : index
    %get3A_1691 = vector.load %arg1[%get3A_1689, %get3A_1690] : memref<8x50048xf32, #tpu.memory_space<vmem>>, vector<8x128xf32>
    %reshape3A_1692 = vector.shape_cast %get3A_1691 : vector<8x128xf32> to vector<1024xf32>
    %swap3A_1693 = arith.constant 288768 : index
    %swap3A_1694 = vector.load %arg2[%swap3A_1693] : memref<400384xf32, #tpu.memory_space<vmem>>, vector<1024xf32>
    tpu.vector_store %arg2[%swap3A_1693], %reshape3A_1692 {strides = array<i32>} : memref<400384xf32, #tpu.memory_space<vmem>>, vector<1024xf32>,
    %get3A_1695 = arith.constant 0 : index
    %get3A_1696 = arith.constant 36224 : index
    %get3A_1697 = vector.load %arg1[%get3A_1695, %get3A_1696] : memref<8x50048xf32, #tpu.memory_space<vmem>>, vector<8x128xf32>
    %reshape3A_1698 = vector.shape_cast %get3A_1697 : vector<8x128xf32> to vector<1024xf32>
    %swap3A_1699 = arith.constant 289792 : index
    %swap3A_1700 = vector.load %arg2[%swap3A_1699] : memref<400384xf32, #tpu.memory_space<vmem>>, vector<1024xf32>
    tpu.vector_store %arg2[%swap3A_1699], %reshape3A_1698 {strides = array<i32>} : memref<400384xf32, #tpu.memory_space<vmem>>, vector<1024xf32>,
    %get3A_1701 = arith.constant 0 : index
    %get3A_1702 = arith.constant 36352 : index
    %get3A_1703 = vector.load %arg1[%get3A_1701, %get3A_1702] : memref<8x50048xf32, #tpu.memory_space<vmem>>, vector<8x128xf32>
    %reshape3A_1704 = vector.shape_cast %get3A_1703 : vector<8x128xf32> to vector<1024xf32>
    %swap3A_1705 = arith.constant 290816 : index
    %swap3A_1706 = vector.load %arg2[%swap3A_1705] : memref<400384xf32, #tpu.memory_space<vmem>>, vector<1024xf32>
    tpu.vector_store %arg2[%swap3A_1705], %reshape3A_1704 {strides = array<i32>} : memref<400384xf32, #tpu.memory_space<vmem>>, vector<1024xf32>,
    %get3A_1707 = arith.constant 0 : index
    %get3A_1708 = arith.constant 36480 : index
    %get3A_1709 = vector.load %arg1[%get3A_1707, %get3A_1708] : memref<8x50048xf32, #tpu.memory_space<vmem>>, vector<8x128xf32>
    %reshape3A_1710 = vector.shape_cast %get3A_1709 : vector<8x128xf32> to vector<1024xf32>
    %swap3A_1711 = arith.constant 291840 : index
    %swap3A_1712 = vector.load %arg2[%swap3A_1711] : memref<400384xf32, #tpu.memory_space<vmem>>, vector<1024xf32>
    tpu.vector_store %arg2[%swap3A_1711], %reshape3A_1710 {strides = array<i32>} : memref<400384xf32, #tpu.memory_space<vmem>>, vector<1024xf32>,
    %get3A_1713 = arith.constant 0 : index
    %get3A_1714 = arith.constant 36608 : index
    %get3A_1715 = vector.load %arg1[%get3A_1713, %get3A_1714] : memref<8x50048xf32, #tpu.memory_space<vmem>>, vector<8x128xf32>
    %reshape3A_1716 = vector.shape_cast %get3A_1715 : vector<8x128xf32> to vector<1024xf32>
    %swap3A_1717 = arith.constant 292864 : index
    %swap3A_1718 = vector.load %arg2[%swap3A_1717] : memref<400384xf32, #tpu.memory_space<vmem>>, vector<1024xf32>
    tpu.vector_store %arg2[%swap3A_1717], %reshape3A_1716 {strides = array<i32>} : memref<400384xf32, #tpu.memory_space<vmem>>, vector<1024xf32>,
    %get3A_1719 = arith.constant 0 : index
    %get3A_1720 = arith.constant 36736 : index
    %get3A_1721 = vector.load %arg1[%get3A_1719, %get3A_1720] : memref<8x50048xf32, #tpu.memory_space<vmem>>, vector<8x128xf32>
    %reshape3A_1722 = vector.shape_cast %get3A_1721 : vector<8x128xf32> to vector<1024xf32>
    %swap3A_1723 = arith.constant 293888 : index
    %swap3A_1724 = vector.load %arg2[%swap3A_1723] : memref<400384xf32, #tpu.memory_space<vmem>>, vector<1024xf32>
    tpu.vector_store %arg2[%swap3A_1723], %reshape3A_1722 {strides = array<i32>} : memref<400384xf32, #tpu.memory_space<vmem>>, vector<1024xf32>,
    %get3A_1725 = arith.constant 0 : index
    %get3A_1726 = arith.constant 36864 : index
    %get3A_1727 = vector.load %arg1[%get3A_1725, %get3A_1726] : memref<8x50048xf32, #tpu.memory_space<vmem>>, vector<8x128xf32>
    %reshape3A_1728 = vector.shape_cast %get3A_1727 : vector<8x128xf32> to vector<1024xf32>
    %swap3A_1729 = arith.constant 294912 : index
    %swap3A_1730 = vector.load %arg2[%swap3A_1729] : memref<400384xf32, #tpu.memory_space<vmem>>, vector<1024xf32>
    tpu.vector_store %arg2[%swap3A_1729], %reshape3A_1728 {strides = array<i32>} : memref<400384xf32, #tpu.memory_space<vmem>>, vector<1024xf32>,
    %get3A_1731 = arith.constant 0 : index
    %get3A_1732 = arith.constant 36992 : index
    %get3A_1733 = vector.load %arg1[%get3A_1731, %get3A_1732] : memref<8x50048xf32, #tpu.memory_space<vmem>>, vector<8x128xf32>
    %reshape3A_1734 = vector.shape_cast %get3A_1733 : vector<8x128xf32> to vector<1024xf32>
    %swap3A_1735 = arith.constant 295936 : index
    %swap3A_1736 = vector.load %arg2[%swap3A_1735] : memref<400384xf32, #tpu.memory_space<vmem>>, vector<1024xf32>
    tpu.vector_store %arg2[%swap3A_1735], %reshape3A_1734 {strides = array<i32>} : memref<400384xf32, #tpu.memory_space<vmem>>, vector<1024xf32>,
    %get3A_1737 = arith.constant 0 : index
    %get3A_1738 = arith.constant 37120 : index
    %get3A_1739 = vector.load %arg1[%get3A_1737, %get3A_1738] : memref<8x50048xf32, #tpu.memory_space<vmem>>, vector<8x128xf32>
    %reshape3A_1740 = vector.shape_cast %get3A_1739 : vector<8x128xf32> to vector<1024xf32>
    %swap3A_1741 = arith.constant 296960 : index
    %swap3A_1742 = vector.load %arg2[%swap3A_1741] : memref<400384xf32, #tpu.memory_space<vmem>>, vector<1024xf32>
    tpu.vector_store %arg2[%swap3A_1741], %reshape3A_1740 {strides = array<i32>} : memref<400384xf32, #tpu.memory_space<vmem>>, vector<1024xf32>,
    %get3A_1743 = arith.constant 0 : index
    %get3A_1744 = arith.constant 37248 : index
    %get3A_1745 = vector.load %arg1[%get3A_1743, %get3A_1744] : memref<8x50048xf32, #tpu.memory_space<vmem>>, vector<8x128xf32>
    %reshape3A_1746 = vector.shape_cast %get3A_1745 : vector<8x128xf32> to vector<1024xf32>
    %swap3A_1747 = arith.constant 297984 : index
    %swap3A_1748 = vector.load %arg2[%swap3A_1747] : memref<400384xf32, #tpu.memory_space<vmem>>, vector<1024xf32>
    tpu.vector_store %arg2[%swap3A_1747], %reshape3A_1746 {strides = array<i32>} : memref<400384xf32, #tpu.memory_space<vmem>>, vector<1024xf32>,
    %get3A_1749 = arith.constant 0 : index
    %get3A_1750 = arith.constant 37376 : index
    %get3A_1751 = vector.load %arg1[%get3A_1749, %get3A_1750] : memref<8x50048xf32, #tpu.memory_space<vmem>>, vector<8x128xf32>
    %reshape3A_1752 = vector.shape_cast %get3A_1751 : vector<8x128xf32> to vector<1024xf32>
    %swap3A_1753 = arith.constant 299008 : index
    %swap3A_1754 = vector.load %arg2[%swap3A_1753] : memref<400384xf32, #tpu.memory_space<vmem>>, vector<1024xf32>
    tpu.vector_store %arg2[%swap3A_1753], %reshape3A_1752 {strides = array<i32>} : memref<400384xf32, #tpu.memory_space<vmem>>, vector<1024xf32>,
    %get3A_1755 = arith.constant 0 : index
    %get3A_1756 = arith.constant 37504 : index
    %get3A_1757 = vector.load %arg1[%get3A_1755, %get3A_1756] : memref<8x50048xf32, #tpu.memory_space<vmem>>, vector<8x128xf32>
    %reshape3A_1758 = vector.shape_cast %get3A_1757 : vector<8x128xf32> to vector<1024xf32>
    %swap3A_1759 = arith.constant 300032 : index
    %swap3A_1760 = vector.load %arg2[%swap3A_1759] : memref<400384xf32, #tpu.memory_space<vmem>>, vector<1024xf32>
    tpu.vector_store %arg2[%swap3A_1759], %reshape3A_1758 {strides = array<i32>} : memref<400384xf32, #tpu.memory_space<vmem>>, vector<1024xf32>,
    %get3A_1761 = arith.constant 0 : index
    %get3A_1762 = arith.constant 37632 : index
    %get3A_1763 = vector.load %arg1[%get3A_1761, %get3A_1762] : memref<8x50048xf32, #tpu.memory_space<vmem>>, vector<8x128xf32>
    %reshape3A_1764 = vector.shape_cast %get3A_1763 : vector<8x128xf32> to vector<1024xf32>
    %swap3A_1765 = arith.constant 301056 : index
    %swap3A_1766 = vector.load %arg2[%swap3A_1765] : memref<400384xf32, #tpu.memory_space<vmem>>, vector<1024xf32>
    tpu.vector_store %arg2[%swap3A_1765], %reshape3A_1764 {strides = array<i32>} : memref<400384xf32, #tpu.memory_space<vmem>>, vector<1024xf32>,
    %get3A_1767 = arith.constant 0 : index
    %get3A_1768 = arith.constant 37760 : index
    %get3A_1769 = vector.load %arg1[%get3A_1767, %get3A_1768] : memref<8x50048xf32, #tpu.memory_space<vmem>>, vector<8x128xf32>
    %reshape3A_1770 = vector.shape_cast %get3A_1769 : vector<8x128xf32> to vector<1024xf32>
    %swap3A_1771 = arith.constant 302080 : index
    %swap3A_1772 = vector.load %arg2[%swap3A_1771] : memref<400384xf32, #tpu.memory_space<vmem>>, vector<1024xf32>
    tpu.vector_store %arg2[%swap3A_1771], %reshape3A_1770 {strides = array<i32>} : memref<400384xf32, #tpu.memory_space<vmem>>, vector<1024xf32>,
    %get3A_1773 = arith.constant 0 : index
    %get3A_1774 = arith.constant 37888 : index
    %get3A_1775 = vector.load %arg1[%get3A_1773, %get3A_1774] : memref<8x50048xf32, #tpu.memory_space<vmem>>, vector<8x128xf32>
    %reshape3A_1776 = vector.shape_cast %get3A_1775 : vector<8x128xf32> to vector<1024xf32>
    %swap3A_1777 = arith.constant 303104 : index
    %swap3A_1778 = vector.load %arg2[%swap3A_1777] : memref<400384xf32, #tpu.memory_space<vmem>>, vector<1024xf32>
    tpu.vector_store %arg2[%swap3A_1777], %reshape3A_1776 {strides = array<i32>} : memref<400384xf32, #tpu.memory_space<vmem>>, vector<1024xf32>,
    %get3A_1779 = arith.constant 0 : index
    %get3A_1780 = arith.constant 38016 : index
    %get3A_1781 = vector.load %arg1[%get3A_1779, %get3A_1780] : memref<8x50048xf32, #tpu.memory_space<vmem>>, vector<8x128xf32>
    %reshape3A_1782 = vector.shape_cast %get3A_1781 : vector<8x128xf32> to vector<1024xf32>
    %swap3A_1783 = arith.constant 304128 : index
    %swap3A_1784 = vector.load %arg2[%swap3A_1783] : memref<400384xf32, #tpu.memory_space<vmem>>, vector<1024xf32>
    tpu.vector_store %arg2[%swap3A_1783], %reshape3A_1782 {strides = array<i32>} : memref<400384xf32, #tpu.memory_space<vmem>>, vector<1024xf32>,
    %get3A_1785 = arith.constant 0 : index
    %get3A_1786 = arith.constant 38144 : index
    %get3A_1787 = vector.load %arg1[%get3A_1785, %get3A_1786] : memref<8x50048xf32, #tpu.memory_space<vmem>>, vector<8x128xf32>
    %reshape3A_1788 = vector.shape_cast %get3A_1787 : vector<8x128xf32> to vector<1024xf32>
    %swap3A_1789 = arith.constant 305152 : index
    %swap3A_1790 = vector.load %arg2[%swap3A_1789] : memref<400384xf32, #tpu.memory_space<vmem>>, vector<1024xf32>
    tpu.vector_store %arg2[%swap3A_1789], %reshape3A_1788 {strides = array<i32>} : memref<400384xf32, #tpu.memory_space<vmem>>, vector<1024xf32>,
    %get3A_1791 = arith.constant 0 : index
    %get3A_1792 = arith.constant 38272 : index
    %get3A_1793 = vector.load %arg1[%get3A_1791, %get3A_1792] : memref<8x50048xf32, #tpu.memory_space<vmem>>, vector<8x128xf32>
    %reshape3A_1794 = vector.shape_cast %get3A_1793 : vector<8x128xf32> to vector<1024xf32>
    %swap3A_1795 = arith.constant 306176 : index
    %swap3A_1796 = vector.load %arg2[%swap3A_1795] : memref<400384xf32, #tpu.memory_space<vmem>>, vector<1024xf32>
    tpu.vector_store %arg2[%swap3A_1795], %reshape3A_1794 {strides = array<i32>} : memref<400384xf32, #tpu.memory_space<vmem>>, vector<1024xf32>,
    %get3A_1797 = arith.constant 0 : index
    %get3A_1798 = arith.constant 38400 : index
    %get3A_1799 = vector.load %arg1[%get3A_1797, %get3A_1798] : memref<8x50048xf32, #tpu.memory_space<vmem>>, vector<8x128xf32>
    %reshape3A_1800 = vector.shape_cast %get3A_1799 : vector<8x128xf32> to vector<1024xf32>
    %swap3A_1801 = arith.constant 307200 : index
    %swap3A_1802 = vector.load %arg2[%swap3A_1801] : memref<400384xf32, #tpu.memory_space<vmem>>, vector<1024xf32>
    tpu.vector_store %arg2[%swap3A_1801], %reshape3A_1800 {strides = array<i32>} : memref<400384xf32, #tpu.memory_space<vmem>>, vector<1024xf32>,
    %get3A_1803 = arith.constant 0 : index
    %get3A_1804 = arith.constant 38528 : index
    %get3A_1805 = vector.load %arg1[%get3A_1803, %get3A_1804] : memref<8x50048xf32, #tpu.memory_space<vmem>>, vector<8x128xf32>
    %reshape3A_1806 = vector.shape_cast %get3A_1805 : vector<8x128xf32> to vector<1024xf32>
    %swap3A_1807 = arith.constant 308224 : index
    %swap3A_1808 = vector.load %arg2[%swap3A_1807] : memref<400384xf32, #tpu.memory_space<vmem>>, vector<1024xf32>
    tpu.vector_store %arg2[%swap3A_1807], %reshape3A_1806 {strides = array<i32>} : memref<400384xf32, #tpu.memory_space<vmem>>, vector<1024xf32>,
    %get3A_1809 = arith.constant 0 : index
    %get3A_1810 = arith.constant 38656 : index
    %get3A_1811 = vector.load %arg1[%get3A_1809, %get3A_1810] : memref<8x50048xf32, #tpu.memory_space<vmem>>, vector<8x128xf32>
    %reshape3A_1812 = vector.shape_cast %get3A_1811 : vector<8x128xf32> to vector<1024xf32>
    %swap3A_1813 = arith.constant 309248 : index
    %swap3A_1814 = vector.load %arg2[%swap3A_1813] : memref<400384xf32, #tpu.memory_space<vmem>>, vector<1024xf32>
    tpu.vector_store %arg2[%swap3A_1813], %reshape3A_1812 {strides = array<i32>} : memref<400384xf32, #tpu.memory_space<vmem>>, vector<1024xf32>,
    %get3A_1815 = arith.constant 0 : index
    %get3A_1816 = arith.constant 38784 : index
    %get3A_1817 = vector.load %arg1[%get3A_1815, %get3A_1816] : memref<8x50048xf32, #tpu.memory_space<vmem>>, vector<8x128xf32>
    %reshape3A_1818 = vector.shape_cast %get3A_1817 : vector<8x128xf32> to vector<1024xf32>
    %swap3A_1819 = arith.constant 310272 : index
    %swap3A_1820 = vector.load %arg2[%swap3A_1819] : memref<400384xf32, #tpu.memory_space<vmem>>, vector<1024xf32>
    tpu.vector_store %arg2[%swap3A_1819], %reshape3A_1818 {strides = array<i32>} : memref<400384xf32, #tpu.memory_space<vmem>>, vector<1024xf32>,
    %get3A_1821 = arith.constant 0 : index
    %get3A_1822 = arith.constant 38912 : index
    %get3A_1823 = vector.load %arg1[%get3A_1821, %get3A_1822] : memref<8x50048xf32, #tpu.memory_space<vmem>>, vector<8x128xf32>
    %reshape3A_1824 = vector.shape_cast %get3A_1823 : vector<8x128xf32> to vector<1024xf32>
    %swap3A_1825 = arith.constant 311296 : index
    %swap3A_1826 = vector.load %arg2[%swap3A_1825] : memref<400384xf32, #tpu.memory_space<vmem>>, vector<1024xf32>
    tpu.vector_store %arg2[%swap3A_1825], %reshape3A_1824 {strides = array<i32>} : memref<400384xf32, #tpu.memory_space<vmem>>, vector<1024xf32>,
    %get3A_1827 = arith.constant 0 : index
    %get3A_1828 = arith.constant 39040 : index
    %get3A_1829 = vector.load %arg1[%get3A_1827, %get3A_1828] : memref<8x50048xf32, #tpu.memory_space<vmem>>, vector<8x128xf32>
    %reshape3A_1830 = vector.shape_cast %get3A_1829 : vector<8x128xf32> to vector<1024xf32>
    %swap3A_1831 = arith.constant 312320 : index
    %swap3A_1832 = vector.load %arg2[%swap3A_1831] : memref<400384xf32, #tpu.memory_space<vmem>>, vector<1024xf32>
    tpu.vector_store %arg2[%swap3A_1831], %reshape3A_1830 {strides = array<i32>} : memref<400384xf32, #tpu.memory_space<vmem>>, vector<1024xf32>,
    %get3A_1833 = arith.constant 0 : index
    %get3A_1834 = arith.constant 39168 : index
    %get3A_1835 = vector.load %arg1[%get3A_1833, %get3A_1834] : memref<8x50048xf32, #tpu.memory_space<vmem>>, vector<8x128xf32>
    %reshape3A_1836 = vector.shape_cast %get3A_1835 : vector<8x128xf32> to vector<1024xf32>
    %swap3A_1837 = arith.constant 313344 : index
    %swap3A_1838 = vector.load %arg2[%swap3A_1837] : memref<400384xf32, #tpu.memory_space<vmem>>, vector<1024xf32>
    tpu.vector_store %arg2[%swap3A_1837], %reshape3A_1836 {strides = array<i32>} : memref<400384xf32, #tpu.memory_space<vmem>>, vector<1024xf32>,
    %get3A_1839 = arith.constant 0 : index
    %get3A_1840 = arith.constant 39296 : index
    %get3A_1841 = vector.load %arg1[%get3A_1839, %get3A_1840] : memref<8x50048xf32, #tpu.memory_space<vmem>>, vector<8x128xf32>
    %reshape3A_1842 = vector.shape_cast %get3A_1841 : vector<8x128xf32> to vector<1024xf32>
    %swap3A_1843 = arith.constant 314368 : index
    %swap3A_1844 = vector.load %arg2[%swap3A_1843] : memref<400384xf32, #tpu.memory_space<vmem>>, vector<1024xf32>
    tpu.vector_store %arg2[%swap3A_1843], %reshape3A_1842 {strides = array<i32>} : memref<400384xf32, #tpu.memory_space<vmem>>, vector<1024xf32>,
    %get3A_1845 = arith.constant 0 : index
    %get3A_1846 = arith.constant 39424 : index
    %get3A_1847 = vector.load %arg1[%get3A_1845, %get3A_1846] : memref<8x50048xf32, #tpu.memory_space<vmem>>, vector<8x128xf32>
    %reshape3A_1848 = vector.shape_cast %get3A_1847 : vector<8x128xf32> to vector<1024xf32>
    %swap3A_1849 = arith.constant 315392 : index
    %swap3A_1850 = vector.load %arg2[%swap3A_1849] : memref<400384xf32, #tpu.memory_space<vmem>>, vector<1024xf32>
    tpu.vector_store %arg2[%swap3A_1849], %reshape3A_1848 {strides = array<i32>} : memref<400384xf32, #tpu.memory_space<vmem>>, vector<1024xf32>,
    %get3A_1851 = arith.constant 0 : index
    %get3A_1852 = arith.constant 39552 : index
    %get3A_1853 = vector.load %arg1[%get3A_1851, %get3A_1852] : memref<8x50048xf32, #tpu.memory_space<vmem>>, vector<8x128xf32>
    %reshape3A_1854 = vector.shape_cast %get3A_1853 : vector<8x128xf32> to vector<1024xf32>
    %swap3A_1855 = arith.constant 316416 : index
    %swap3A_1856 = vector.load %arg2[%swap3A_1855] : memref<400384xf32, #tpu.memory_space<vmem>>, vector<1024xf32>
    tpu.vector_store %arg2[%swap3A_1855], %reshape3A_1854 {strides = array<i32>} : memref<400384xf32, #tpu.memory_space<vmem>>, vector<1024xf32>,
    %get3A_1857 = arith.constant 0 : index
    %get3A_1858 = arith.constant 39680 : index
    %get3A_1859 = vector.load %arg1[%get3A_1857, %get3A_1858] : memref<8x50048xf32, #tpu.memory_space<vmem>>, vector<8x128xf32>
    %reshape3A_1860 = vector.shape_cast %get3A_1859 : vector<8x128xf32> to vector<1024xf32>
    %swap3A_1861 = arith.constant 317440 : index
    %swap3A_1862 = vector.load %arg2[%swap3A_1861] : memref<400384xf32, #tpu.memory_space<vmem>>, vector<1024xf32>
    tpu.vector_store %arg2[%swap3A_1861], %reshape3A_1860 {strides = array<i32>} : memref<400384xf32, #tpu.memory_space<vmem>>, vector<1024xf32>,
    %get3A_1863 = arith.constant 0 : index
    %get3A_1864 = arith.constant 39808 : index
    %get3A_1865 = vector.load %arg1[%get3A_1863, %get3A_1864] : memref<8x50048xf32, #tpu.memory_space<vmem>>, vector<8x128xf32>
    %reshape3A_1866 = vector.shape_cast %get3A_1865 : vector<8x128xf32> to vector<1024xf32>
    %swap3A_1867 = arith.constant 318464 : index
    %swap3A_1868 = vector.load %arg2[%swap3A_1867] : memref<400384xf32, #tpu.memory_space<vmem>>, vector<1024xf32>
    tpu.vector_store %arg2[%swap3A_1867], %reshape3A_1866 {strides = array<i32>} : memref<400384xf32, #tpu.memory_space<vmem>>, vector<1024xf32>,
    %get3A_1869 = arith.constant 0 : index
    %get3A_1870 = arith.constant 39936 : index
    %get3A_1871 = vector.load %arg1[%get3A_1869, %get3A_1870] : memref<8x50048xf32, #tpu.memory_space<vmem>>, vector<8x128xf32>
    %reshape3A_1872 = vector.shape_cast %get3A_1871 : vector<8x128xf32> to vector<1024xf32>
    %swap3A_1873 = arith.constant 319488 : index
    %swap3A_1874 = vector.load %arg2[%swap3A_1873] : memref<400384xf32, #tpu.memory_space<vmem>>, vector<1024xf32>
    tpu.vector_store %arg2[%swap3A_1873], %reshape3A_1872 {strides = array<i32>} : memref<400384xf32, #tpu.memory_space<vmem>>, vector<1024xf32>,
    %get3A_1875 = arith.constant 0 : index
    %get3A_1876 = arith.constant 40064 : index
    %get3A_1877 = vector.load %arg1[%get3A_1875, %get3A_1876] : memref<8x50048xf32, #tpu.memory_space<vmem>>, vector<8x128xf32>
    %reshape3A_1878 = vector.shape_cast %get3A_1877 : vector<8x128xf32> to vector<1024xf32>
    %swap3A_1879 = arith.constant 320512 : index
    %swap3A_1880 = vector.load %arg2[%swap3A_1879] : memref<400384xf32, #tpu.memory_space<vmem>>, vector<1024xf32>
    tpu.vector_store %arg2[%swap3A_1879], %reshape3A_1878 {strides = array<i32>} : memref<400384xf32, #tpu.memory_space<vmem>>, vector<1024xf32>,
    %get3A_1881 = arith.constant 0 : index
    %get3A_1882 = arith.constant 40192 : index
    %get3A_1883 = vector.load %arg1[%get3A_1881, %get3A_1882] : memref<8x50048xf32, #tpu.memory_space<vmem>>, vector<8x128xf32>
    %reshape3A_1884 = vector.shape_cast %get3A_1883 : vector<8x128xf32> to vector<1024xf32>
    %swap3A_1885 = arith.constant 321536 : index
    %swap3A_1886 = vector.load %arg2[%swap3A_1885] : memref<400384xf32, #tpu.memory_space<vmem>>, vector<1024xf32>
    tpu.vector_store %arg2[%swap3A_1885], %reshape3A_1884 {strides = array<i32>} : memref<400384xf32, #tpu.memory_space<vmem>>, vector<1024xf32>,
    %get3A_1887 = arith.constant 0 : index
    %get3A_1888 = arith.constant 40320 : index
    %get3A_1889 = vector.load %arg1[%get3A_1887, %get3A_1888] : memref<8x50048xf32, #tpu.memory_space<vmem>>, vector<8x128xf32>
    %reshape3A_1890 = vector.shape_cast %get3A_1889 : vector<8x128xf32> to vector<1024xf32>
    %swap3A_1891 = arith.constant 322560 : index
    %swap3A_1892 = vector.load %arg2[%swap3A_1891] : memref<400384xf32, #tpu.memory_space<vmem>>, vector<1024xf32>
    tpu.vector_store %arg2[%swap3A_1891], %reshape3A_1890 {strides = array<i32>} : memref<400384xf32, #tpu.memory_space<vmem>>, vector<1024xf32>,
    %get3A_1893 = arith.constant 0 : index
    %get3A_1894 = arith.constant 40448 : index
    %get3A_1895 = vector.load %arg1[%get3A_1893, %get3A_1894] : memref<8x50048xf32, #tpu.memory_space<vmem>>, vector<8x128xf32>
    %reshape3A_1896 = vector.shape_cast %get3A_1895 : vector<8x128xf32> to vector<1024xf32>
    %swap3A_1897 = arith.constant 323584 : index
    %swap3A_1898 = vector.load %arg2[%swap3A_1897] : memref<400384xf32, #tpu.memory_space<vmem>>, vector<1024xf32>
    tpu.vector_store %arg2[%swap3A_1897], %reshape3A_1896 {strides = array<i32>} : memref<400384xf32, #tpu.memory_space<vmem>>, vector<1024xf32>,
    %get3A_1899 = arith.constant 0 : index
    %get3A_1900 = arith.constant 40576 : index
    %get3A_1901 = vector.load %arg1[%get3A_1899, %get3A_1900] : memref<8x50048xf32, #tpu.memory_space<vmem>>, vector<8x128xf32>
    %reshape3A_1902 = vector.shape_cast %get3A_1901 : vector<8x128xf32> to vector<1024xf32>
    %swap3A_1903 = arith.constant 324608 : index
    %swap3A_1904 = vector.load %arg2[%swap3A_1903] : memref<400384xf32, #tpu.memory_space<vmem>>, vector<1024xf32>
    tpu.vector_store %arg2[%swap3A_1903], %reshape3A_1902 {strides = array<i32>} : memref<400384xf32, #tpu.memory_space<vmem>>, vector<1024xf32>,
    %get3A_1905 = arith.constant 0 : index
    %get3A_1906 = arith.constant 40704 : index
    %get3A_1907 = vector.load %arg1[%get3A_1905, %get3A_1906] : memref<8x50048xf32, #tpu.memory_space<vmem>>, vector<8x128xf32>
    %reshape3A_1908 = vector.shape_cast %get3A_1907 : vector<8x128xf32> to vector<1024xf32>
    %swap3A_1909 = arith.constant 325632 : index
    %swap3A_1910 = vector.load %arg2[%swap3A_1909] : memref<400384xf32, #tpu.memory_space<vmem>>, vector<1024xf32>
    tpu.vector_store %arg2[%swap3A_1909], %reshape3A_1908 {strides = array<i32>} : memref<400384xf32, #tpu.memory_space<vmem>>, vector<1024xf32>,
    %get3A_1911 = arith.constant 0 : index
    %get3A_1912 = arith.constant 40832 : index
    %get3A_1913 = vector.load %arg1[%get3A_1911, %get3A_1912] : memref<8x50048xf32, #tpu.memory_space<vmem>>, vector<8x128xf32>
    %reshape3A_1914 = vector.shape_cast %get3A_1913 : vector<8x128xf32> to vector<1024xf32>
    %swap3A_1915 = arith.constant 326656 : index
    %swap3A_1916 = vector.load %arg2[%swap3A_1915] : memref<400384xf32, #tpu.memory_space<vmem>>, vector<1024xf32>
    tpu.vector_store %arg2[%swap3A_1915], %reshape3A_1914 {strides = array<i32>} : memref<400384xf32, #tpu.memory_space<vmem>>, vector<1024xf32>,
    %get3A_1917 = arith.constant 0 : index
    %get3A_1918 = arith.constant 40960 : index
    %get3A_1919 = vector.load %arg1[%get3A_1917, %get3A_1918] : memref<8x50048xf32, #tpu.memory_space<vmem>>, vector<8x128xf32>
    %reshape3A_1920 = vector.shape_cast %get3A_1919 : vector<8x128xf32> to vector<1024xf32>
    %swap3A_1921 = arith.constant 327680 : index
    %swap3A_1922 = vector.load %arg2[%swap3A_1921] : memref<400384xf32, #tpu.memory_space<vmem>>, vector<1024xf32>
    tpu.vector_store %arg2[%swap3A_1921], %reshape3A_1920 {strides = array<i32>} : memref<400384xf32, #tpu.memory_space<vmem>>, vector<1024xf32>,
    %get3A_1923 = arith.constant 0 : index
    %get3A_1924 = arith.constant 41088 : index
    %get3A_1925 = vector.load %arg1[%get3A_1923, %get3A_1924] : memref<8x50048xf32, #tpu.memory_space<vmem>>, vector<8x128xf32>
    %reshape3A_1926 = vector.shape_cast %get3A_1925 : vector<8x128xf32> to vector<1024xf32>
    %swap3A_1927 = arith.constant 328704 : index
    %swap3A_1928 = vector.load %arg2[%swap3A_1927] : memref<400384xf32, #tpu.memory_space<vmem>>, vector<1024xf32>
    tpu.vector_store %arg2[%swap3A_1927], %reshape3A_1926 {strides = array<i32>} : memref<400384xf32, #tpu.memory_space<vmem>>, vector<1024xf32>,
    %get3A_1929 = arith.constant 0 : index
    %get3A_1930 = arith.constant 41216 : index
    %get3A_1931 = vector.load %arg1[%get3A_1929, %get3A_1930] : memref<8x50048xf32, #tpu.memory_space<vmem>>, vector<8x128xf32>
    %reshape3A_1932 = vector.shape_cast %get3A_1931 : vector<8x128xf32> to vector<1024xf32>
    %swap3A_1933 = arith.constant 329728 : index
    %swap3A_1934 = vector.load %arg2[%swap3A_1933] : memref<400384xf32, #tpu.memory_space<vmem>>, vector<1024xf32>
    tpu.vector_store %arg2[%swap3A_1933], %reshape3A_1932 {strides = array<i32>} : memref<400384xf32, #tpu.memory_space<vmem>>, vector<1024xf32>,
    %get3A_1935 = arith.constant 0 : index
    %get3A_1936 = arith.constant 41344 : index
    %get3A_1937 = vector.load %arg1[%get3A_1935, %get3A_1936] : memref<8x50048xf32, #tpu.memory_space<vmem>>, vector<8x128xf32>
    %reshape3A_1938 = vector.shape_cast %get3A_1937 : vector<8x128xf32> to vector<1024xf32>
    %swap3A_1939 = arith.constant 330752 : index
    %swap3A_1940 = vector.load %arg2[%swap3A_1939] : memref<400384xf32, #tpu.memory_space<vmem>>, vector<1024xf32>
    tpu.vector_store %arg2[%swap3A_1939], %reshape3A_1938 {strides = array<i32>} : memref<400384xf32, #tpu.memory_space<vmem>>, vector<1024xf32>,
    %get3A_1941 = arith.constant 0 : index
    %get3A_1942 = arith.constant 41472 : index
    %get3A_1943 = vector.load %arg1[%get3A_1941, %get3A_1942] : memref<8x50048xf32, #tpu.memory_space<vmem>>, vector<8x128xf32>
    %reshape3A_1944 = vector.shape_cast %get3A_1943 : vector<8x128xf32> to vector<1024xf32>
    %swap3A_1945 = arith.constant 331776 : index
    %swap3A_1946 = vector.load %arg2[%swap3A_1945] : memref<400384xf32, #tpu.memory_space<vmem>>, vector<1024xf32>
    tpu.vector_store %arg2[%swap3A_1945], %reshape3A_1944 {strides = array<i32>} : memref<400384xf32, #tpu.memory_space<vmem>>, vector<1024xf32>,
    %get3A_1947 = arith.constant 0 : index
    %get3A_1948 = arith.constant 41600 : index
    %get3A_1949 = vector.load %arg1[%get3A_1947, %get3A_1948] : memref<8x50048xf32, #tpu.memory_space<vmem>>, vector<8x128xf32>
    %reshape3A_1950 = vector.shape_cast %get3A_1949 : vector<8x128xf32> to vector<1024xf32>
    %swap3A_1951 = arith.constant 332800 : index
    %swap3A_1952 = vector.load %arg2[%swap3A_1951] : memref<400384xf32, #tpu.memory_space<vmem>>, vector<1024xf32>
    tpu.vector_store %arg2[%swap3A_1951], %reshape3A_1950 {strides = array<i32>} : memref<400384xf32, #tpu.memory_space<vmem>>, vector<1024xf32>,
    %get3A_1953 = arith.constant 0 : index
    %get3A_1954 = arith.constant 41728 : index
    %get3A_1955 = vector.load %arg1[%get3A_1953, %get3A_1954] : memref<8x50048xf32, #tpu.memory_space<vmem>>, vector<8x128xf32>
    %reshape3A_1956 = vector.shape_cast %get3A_1955 : vector<8x128xf32> to vector<1024xf32>
    %swap3A_1957 = arith.constant 333824 : index
    %swap3A_1958 = vector.load %arg2[%swap3A_1957] : memref<400384xf32, #tpu.memory_space<vmem>>, vector<1024xf32>
    tpu.vector_store %arg2[%swap3A_1957], %reshape3A_1956 {strides = array<i32>} : memref<400384xf32, #tpu.memory_space<vmem>>, vector<1024xf32>,
    %get3A_1959 = arith.constant 0 : index
    %get3A_1960 = arith.constant 41856 : index
    %get3A_1961 = vector.load %arg1[%get3A_1959, %get3A_1960] : memref<8x50048xf32, #tpu.memory_space<vmem>>, vector<8x128xf32>
    %reshape3A_1962 = vector.shape_cast %get3A_1961 : vector<8x128xf32> to vector<1024xf32>
    %swap3A_1963 = arith.constant 334848 : index
    %swap3A_1964 = vector.load %arg2[%swap3A_1963] : memref<400384xf32, #tpu.memory_space<vmem>>, vector<1024xf32>
    tpu.vector_store %arg2[%swap3A_1963], %reshape3A_1962 {strides = array<i32>} : memref<400384xf32, #tpu.memory_space<vmem>>, vector<1024xf32>,
    %get3A_1965 = arith.constant 0 : index
    %get3A_1966 = arith.constant 41984 : index
    %get3A_1967 = vector.load %arg1[%get3A_1965, %get3A_1966] : memref<8x50048xf32, #tpu.memory_space<vmem>>, vector<8x128xf32>
    %reshape3A_1968 = vector.shape_cast %get3A_1967 : vector<8x128xf32> to vector<1024xf32>
    %swap3A_1969 = arith.constant 335872 : index
    %swap3A_1970 = vector.load %arg2[%swap3A_1969] : memref<400384xf32, #tpu.memory_space<vmem>>, vector<1024xf32>
    tpu.vector_store %arg2[%swap3A_1969], %reshape3A_1968 {strides = array<i32>} : memref<400384xf32, #tpu.memory_space<vmem>>, vector<1024xf32>,
    %get3A_1971 = arith.constant 0 : index
    %get3A_1972 = arith.constant 42112 : index
    %get3A_1973 = vector.load %arg1[%get3A_1971, %get3A_1972] : memref<8x50048xf32, #tpu.memory_space<vmem>>, vector<8x128xf32>
    %reshape3A_1974 = vector.shape_cast %get3A_1973 : vector<8x128xf32> to vector<1024xf32>
    %swap3A_1975 = arith.constant 336896 : index
    %swap3A_1976 = vector.load %arg2[%swap3A_1975] : memref<400384xf32, #tpu.memory_space<vmem>>, vector<1024xf32>
    tpu.vector_store %arg2[%swap3A_1975], %reshape3A_1974 {strides = array<i32>} : memref<400384xf32, #tpu.memory_space<vmem>>, vector<1024xf32>,
    %get3A_1977 = arith.constant 0 : index
    %get3A_1978 = arith.constant 42240 : index
    %get3A_1979 = vector.load %arg1[%get3A_1977, %get3A_1978] : memref<8x50048xf32, #tpu.memory_space<vmem>>, vector<8x128xf32>
    %reshape3A_1980 = vector.shape_cast %get3A_1979 : vector<8x128xf32> to vector<1024xf32>
    %swap3A_1981 = arith.constant 337920 : index
    %swap3A_1982 = vector.load %arg2[%swap3A_1981] : memref<400384xf32, #tpu.memory_space<vmem>>, vector<1024xf32>
    tpu.vector_store %arg2[%swap3A_1981], %reshape3A_1980 {strides = array<i32>} : memref<400384xf32, #tpu.memory_space<vmem>>, vector<1024xf32>,
    %get3A_1983 = arith.constant 0 : index
    %get3A_1984 = arith.constant 42368 : index
    %get3A_1985 = vector.load %arg1[%get3A_1983, %get3A_1984] : memref<8x50048xf32, #tpu.memory_space<vmem>>, vector<8x128xf32>
    %reshape3A_1986 = vector.shape_cast %get3A_1985 : vector<8x128xf32> to vector<1024xf32>
    %swap3A_1987 = arith.constant 338944 : index
    %swap3A_1988 = vector.load %arg2[%swap3A_1987] : memref<400384xf32, #tpu.memory_space<vmem>>, vector<1024xf32>
    tpu.vector_store %arg2[%swap3A_1987], %reshape3A_1986 {strides = array<i32>} : memref<400384xf32, #tpu.memory_space<vmem>>, vector<1024xf32>,
    %get3A_1989 = arith.constant 0 : index
    %get3A_1990 = arith.constant 42496 : index
    %get3A_1991 = vector.load %arg1[%get3A_1989, %get3A_1990] : memref<8x50048xf32, #tpu.memory_space<vmem>>, vector<8x128xf32>
    %reshape3A_1992 = vector.shape_cast %get3A_1991 : vector<8x128xf32> to vector<1024xf32>
    %swap3A_1993 = arith.constant 339968 : index
    %swap3A_1994 = vector.load %arg2[%swap3A_1993] : memref<400384xf32, #tpu.memory_space<vmem>>, vector<1024xf32>
    tpu.vector_store %arg2[%swap3A_1993], %reshape3A_1992 {strides = array<i32>} : memref<400384xf32, #tpu.memory_space<vmem>>, vector<1024xf32>,
    %get3A_1995 = arith.constant 0 : index
    %get3A_1996 = arith.constant 42624 : index
    %get3A_1997 = vector.load %arg1[%get3A_1995, %get3A_1996] : memref<8x50048xf32, #tpu.memory_space<vmem>>, vector<8x128xf32>
    %reshape3A_1998 = vector.shape_cast %get3A_1997 : vector<8x128xf32> to vector<1024xf32>
    %swap3A_1999 = arith.constant 340992 : index
    %swap3A_2000 = vector.load %arg2[%swap3A_1999] : memref<400384xf32, #tpu.memory_space<vmem>>, vector<1024xf32>
    tpu.vector_store %arg2[%swap3A_1999], %reshape3A_1998 {strides = array<i32>} : memref<400384xf32, #tpu.memory_space<vmem>>, vector<1024xf32>,
    %get3A_2001 = arith.constant 0 : index
    %get3A_2002 = arith.constant 42752 : index
    %get3A_2003 = vector.load %arg1[%get3A_2001, %get3A_2002] : memref<8x50048xf32, #tpu.memory_space<vmem>>, vector<8x128xf32>
    %reshape3A_2004 = vector.shape_cast %get3A_2003 : vector<8x128xf32> to vector<1024xf32>
    %swap3A_2005 = arith.constant 342016 : index
    %swap3A_2006 = vector.load %arg2[%swap3A_2005] : memref<400384xf32, #tpu.memory_space<vmem>>, vector<1024xf32>
    tpu.vector_store %arg2[%swap3A_2005], %reshape3A_2004 {strides = array<i32>} : memref<400384xf32, #tpu.memory_space<vmem>>, vector<1024xf32>,
    %get3A_2007 = arith.constant 0 : index
    %get3A_2008 = arith.constant 42880 : index
    %get3A_2009 = vector.load %arg1[%get3A_2007, %get3A_2008] : memref<8x50048xf32, #tpu.memory_space<vmem>>, vector<8x128xf32>
    %reshape3A_2010 = vector.shape_cast %get3A_2009 : vector<8x128xf32> to vector<1024xf32>
    %swap3A_2011 = arith.constant 343040 : index
    %swap3A_2012 = vector.load %arg2[%swap3A_2011] : memref<400384xf32, #tpu.memory_space<vmem>>, vector<1024xf32>
    tpu.vector_store %arg2[%swap3A_2011], %reshape3A_2010 {strides = array<i32>} : memref<400384xf32, #tpu.memory_space<vmem>>, vector<1024xf32>,
    %get3A_2013 = arith.constant 0 : index
    %get3A_2014 = arith.constant 43008 : index
    %get3A_2015 = vector.load %arg1[%get3A_2013, %get3A_2014] : memref<8x50048xf32, #tpu.memory_space<vmem>>, vector<8x128xf32>
    %reshape3A_2016 = vector.shape_cast %get3A_2015 : vector<8x128xf32> to vector<1024xf32>
    %swap3A_2017 = arith.constant 344064 : index
    %swap3A_2018 = vector.load %arg2[%swap3A_2017] : memref<400384xf32, #tpu.memory_space<vmem>>, vector<1024xf32>
    tpu.vector_store %arg2[%swap3A_2017], %reshape3A_2016 {strides = array<i32>} : memref<400384xf32, #tpu.memory_space<vmem>>, vector<1024xf32>,
    %get3A_2019 = arith.constant 0 : index
    %get3A_2020 = arith.constant 43136 : index
    %get3A_2021 = vector.load %arg1[%get3A_2019, %get3A_2020] : memref<8x50048xf32, #tpu.memory_space<vmem>>, vector<8x128xf32>
    %reshape3A_2022 = vector.shape_cast %get3A_2021 : vector<8x128xf32> to vector<1024xf32>
    %swap3A_2023 = arith.constant 345088 : index
    %swap3A_2024 = vector.load %arg2[%swap3A_2023] : memref<400384xf32, #tpu.memory_space<vmem>>, vector<1024xf32>
    tpu.vector_store %arg2[%swap3A_2023], %reshape3A_2022 {strides = array<i32>} : memref<400384xf32, #tpu.memory_space<vmem>>, vector<1024xf32>,
    %get3A_2025 = arith.constant 0 : index
    %get3A_2026 = arith.constant 43264 : index
    %get3A_2027 = vector.load %arg1[%get3A_2025, %get3A_2026] : memref<8x50048xf32, #tpu.memory_space<vmem>>, vector<8x128xf32>
    %reshape3A_2028 = vector.shape_cast %get3A_2027 : vector<8x128xf32> to vector<1024xf32>
    %swap3A_2029 = arith.constant 346112 : index
    %swap3A_2030 = vector.load %arg2[%swap3A_2029] : memref<400384xf32, #tpu.memory_space<vmem>>, vector<1024xf32>
    tpu.vector_store %arg2[%swap3A_2029], %reshape3A_2028 {strides = array<i32>} : memref<400384xf32, #tpu.memory_space<vmem>>, vector<1024xf32>,
    %get3A_2031 = arith.constant 0 : index
    %get3A_2032 = arith.constant 43392 : index
    %get3A_2033 = vector.load %arg1[%get3A_2031, %get3A_2032] : memref<8x50048xf32, #tpu.memory_space<vmem>>, vector<8x128xf32>
    %reshape3A_2034 = vector.shape_cast %get3A_2033 : vector<8x128xf32> to vector<1024xf32>
    %swap3A_2035 = arith.constant 347136 : index
    %swap3A_2036 = vector.load %arg2[%swap3A_2035] : memref<400384xf32, #tpu.memory_space<vmem>>, vector<1024xf32>
    tpu.vector_store %arg2[%swap3A_2035], %reshape3A_2034 {strides = array<i32>} : memref<400384xf32, #tpu.memory_space<vmem>>, vector<1024xf32>,
    %get3A_2037 = arith.constant 0 : index
    %get3A_2038 = arith.constant 43520 : index
    %get3A_2039 = vector.load %arg1[%get3A_2037, %get3A_2038] : memref<8x50048xf32, #tpu.memory_space<vmem>>, vector<8x128xf32>
    %reshape3A_2040 = vector.shape_cast %get3A_2039 : vector<8x128xf32> to vector<1024xf32>
    %swap3A_2041 = arith.constant 348160 : index
    %swap3A_2042 = vector.load %arg2[%swap3A_2041] : memref<400384xf32, #tpu.memory_space<vmem>>, vector<1024xf32>
    tpu.vector_store %arg2[%swap3A_2041], %reshape3A_2040 {strides = array<i32>} : memref<400384xf32, #tpu.memory_space<vmem>>, vector<1024xf32>,
    %get3A_2043 = arith.constant 0 : index
    %get3A_2044 = arith.constant 43648 : index
    %get3A_2045 = vector.load %arg1[%get3A_2043, %get3A_2044] : memref<8x50048xf32, #tpu.memory_space<vmem>>, vector<8x128xf32>
    %reshape3A_2046 = vector.shape_cast %get3A_2045 : vector<8x128xf32> to vector<1024xf32>
    %swap3A_2047 = arith.constant 349184 : index
    %swap3A_2048 = vector.load %arg2[%swap3A_2047] : memref<400384xf32, #tpu.memory_space<vmem>>, vector<1024xf32>
    tpu.vector_store %arg2[%swap3A_2047], %reshape3A_2046 {strides = array<i32>} : memref<400384xf32, #tpu.memory_space<vmem>>, vector<1024xf32>,
    %get3A_2049 = arith.constant 0 : index
    %get3A_2050 = arith.constant 43776 : index
    %get3A_2051 = vector.load %arg1[%get3A_2049, %get3A_2050] : memref<8x50048xf32, #tpu.memory_space<vmem>>, vector<8x128xf32>
    %reshape3A_2052 = vector.shape_cast %get3A_2051 : vector<8x128xf32> to vector<1024xf32>
    %swap3A_2053 = arith.constant 350208 : index
    %swap3A_2054 = vector.load %arg2[%swap3A_2053] : memref<400384xf32, #tpu.memory_space<vmem>>, vector<1024xf32>
    tpu.vector_store %arg2[%swap3A_2053], %reshape3A_2052 {strides = array<i32>} : memref<400384xf32, #tpu.memory_space<vmem>>, vector<1024xf32>,
    %get3A_2055 = arith.constant 0 : index
    %get3A_2056 = arith.constant 43904 : index
    %get3A_2057 = vector.load %arg1[%get3A_2055, %get3A_2056] : memref<8x50048xf32, #tpu.memory_space<vmem>>, vector<8x128xf32>
    %reshape3A_2058 = vector.shape_cast %get3A_2057 : vector<8x128xf32> to vector<1024xf32>
    %swap3A_2059 = arith.constant 351232 : index
    %swap3A_2060 = vector.load %arg2[%swap3A_2059] : memref<400384xf32, #tpu.memory_space<vmem>>, vector<1024xf32>
    tpu.vector_store %arg2[%swap3A_2059], %reshape3A_2058 {strides = array<i32>} : memref<400384xf32, #tpu.memory_space<vmem>>, vector<1024xf32>,
    %get3A_2061 = arith.constant 0 : index
    %get3A_2062 = arith.constant 44032 : index
    %get3A_2063 = vector.load %arg1[%get3A_2061, %get3A_2062] : memref<8x50048xf32, #tpu.memory_space<vmem>>, vector<8x128xf32>
    %reshape3A_2064 = vector.shape_cast %get3A_2063 : vector<8x128xf32> to vector<1024xf32>
    %swap3A_2065 = arith.constant 352256 : index
    %swap3A_2066 = vector.load %arg2[%swap3A_2065] : memref<400384xf32, #tpu.memory_space<vmem>>, vector<1024xf32>
    tpu.vector_store %arg2[%swap3A_2065], %reshape3A_2064 {strides = array<i32>} : memref<400384xf32, #tpu.memory_space<vmem>>, vector<1024xf32>,
    %get3A_2067 = arith.constant 0 : index
    %get3A_2068 = arith.constant 44160 : index
    %get3A_2069 = vector.load %arg1[%get3A_2067, %get3A_2068] : memref<8x50048xf32, #tpu.memory_space<vmem>>, vector<8x128xf32>
    %reshape3A_2070 = vector.shape_cast %get3A_2069 : vector<8x128xf32> to vector<1024xf32>
    %swap3A_2071 = arith.constant 353280 : index
    %swap3A_2072 = vector.load %arg2[%swap3A_2071] : memref<400384xf32, #tpu.memory_space<vmem>>, vector<1024xf32>
    tpu.vector_store %arg2[%swap3A_2071], %reshape3A_2070 {strides = array<i32>} : memref<400384xf32, #tpu.memory_space<vmem>>, vector<1024xf32>,
    %get3A_2073 = arith.constant 0 : index
    %get3A_2074 = arith.constant 44288 : index
    %get3A_2075 = vector.load %arg1[%get3A_2073, %get3A_2074] : memref<8x50048xf32, #tpu.memory_space<vmem>>, vector<8x128xf32>
    %reshape3A_2076 = vector.shape_cast %get3A_2075 : vector<8x128xf32> to vector<1024xf32>
    %swap3A_2077 = arith.constant 354304 : index
    %swap3A_2078 = vector.load %arg2[%swap3A_2077] : memref<400384xf32, #tpu.memory_space<vmem>>, vector<1024xf32>
    tpu.vector_store %arg2[%swap3A_2077], %reshape3A_2076 {strides = array<i32>} : memref<400384xf32, #tpu.memory_space<vmem>>, vector<1024xf32>,
    %get3A_2079 = arith.constant 0 : index
    %get3A_2080 = arith.constant 44416 : index
    %get3A_2081 = vector.load %arg1[%get3A_2079, %get3A_2080] : memref<8x50048xf32, #tpu.memory_space<vmem>>, vector<8x128xf32>
    %reshape3A_2082 = vector.shape_cast %get3A_2081 : vector<8x128xf32> to vector<1024xf32>
    %swap3A_2083 = arith.constant 355328 : index
    %swap3A_2084 = vector.load %arg2[%swap3A_2083] : memref<400384xf32, #tpu.memory_space<vmem>>, vector<1024xf32>
    tpu.vector_store %arg2[%swap3A_2083], %reshape3A_2082 {strides = array<i32>} : memref<400384xf32, #tpu.memory_space<vmem>>, vector<1024xf32>,
    %get3A_2085 = arith.constant 0 : index
    %get3A_2086 = arith.constant 44544 : index
    %get3A_2087 = vector.load %arg1[%get3A_2085, %get3A_2086] : memref<8x50048xf32, #tpu.memory_space<vmem>>, vector<8x128xf32>
    %reshape3A_2088 = vector.shape_cast %get3A_2087 : vector<8x128xf32> to vector<1024xf32>
    %swap3A_2089 = arith.constant 356352 : index
    %swap3A_2090 = vector.load %arg2[%swap3A_2089] : memref<400384xf32, #tpu.memory_space<vmem>>, vector<1024xf32>
    tpu.vector_store %arg2[%swap3A_2089], %reshape3A_2088 {strides = array<i32>} : memref<400384xf32, #tpu.memory_space<vmem>>, vector<1024xf32>,
    %get3A_2091 = arith.constant 0 : index
    %get3A_2092 = arith.constant 44672 : index
    %get3A_2093 = vector.load %arg1[%get3A_2091, %get3A_2092] : memref<8x50048xf32, #tpu.memory_space<vmem>>, vector<8x128xf32>
    %reshape3A_2094 = vector.shape_cast %get3A_2093 : vector<8x128xf32> to vector<1024xf32>
    %swap3A_2095 = arith.constant 357376 : index
    %swap3A_2096 = vector.load %arg2[%swap3A_2095] : memref<400384xf32, #tpu.memory_space<vmem>>, vector<1024xf32>
    tpu.vector_store %arg2[%swap3A_2095], %reshape3A_2094 {strides = array<i32>} : memref<400384xf32, #tpu.memory_space<vmem>>, vector<1024xf32>,
    %get3A_2097 = arith.constant 0 : index
    %get3A_2098 = arith.constant 44800 : index
    %get3A_2099 = vector.load %arg1[%get3A_2097, %get3A_2098] : memref<8x50048xf32, #tpu.memory_space<vmem>>, vector<8x128xf32>
    %reshape3A_2100 = vector.shape_cast %get3A_2099 : vector<8x128xf32> to vector<1024xf32>
    %swap3A_2101 = arith.constant 358400 : index
    %swap3A_2102 = vector.load %arg2[%swap3A_2101] : memref<400384xf32, #tpu.memory_space<vmem>>, vector<1024xf32>
    tpu.vector_store %arg2[%swap3A_2101], %reshape3A_2100 {strides = array<i32>} : memref<400384xf32, #tpu.memory_space<vmem>>, vector<1024xf32>,
    %get3A_2103 = arith.constant 0 : index
    %get3A_2104 = arith.constant 44928 : index
    %get3A_2105 = vector.load %arg1[%get3A_2103, %get3A_2104] : memref<8x50048xf32, #tpu.memory_space<vmem>>, vector<8x128xf32>
    %reshape3A_2106 = vector.shape_cast %get3A_2105 : vector<8x128xf32> to vector<1024xf32>
    %swap3A_2107 = arith.constant 359424 : index
    %swap3A_2108 = vector.load %arg2[%swap3A_2107] : memref<400384xf32, #tpu.memory_space<vmem>>, vector<1024xf32>
    tpu.vector_store %arg2[%swap3A_2107], %reshape3A_2106 {strides = array<i32>} : memref<400384xf32, #tpu.memory_space<vmem>>, vector<1024xf32>,
    %get3A_2109 = arith.constant 0 : index
    %get3A_2110 = arith.constant 45056 : index
    %get3A_2111 = vector.load %arg1[%get3A_2109, %get3A_2110] : memref<8x50048xf32, #tpu.memory_space<vmem>>, vector<8x128xf32>
    %reshape3A_2112 = vector.shape_cast %get3A_2111 : vector<8x128xf32> to vector<1024xf32>
    %swap3A_2113 = arith.constant 360448 : index
    %swap3A_2114 = vector.load %arg2[%swap3A_2113] : memref<400384xf32, #tpu.memory_space<vmem>>, vector<1024xf32>
    tpu.vector_store %arg2[%swap3A_2113], %reshape3A_2112 {strides = array<i32>} : memref<400384xf32, #tpu.memory_space<vmem>>, vector<1024xf32>,
    %get3A_2115 = arith.constant 0 : index
    %get3A_2116 = arith.constant 45184 : index
    %get3A_2117 = vector.load %arg1[%get3A_2115, %get3A_2116] : memref<8x50048xf32, #tpu.memory_space<vmem>>, vector<8x128xf32>
    %reshape3A_2118 = vector.shape_cast %get3A_2117 : vector<8x128xf32> to vector<1024xf32>
    %swap3A_2119 = arith.constant 361472 : index
    %swap3A_2120 = vector.load %arg2[%swap3A_2119] : memref<400384xf32, #tpu.memory_space<vmem>>, vector<1024xf32>
    tpu.vector_store %arg2[%swap3A_2119], %reshape3A_2118 {strides = array<i32>} : memref<400384xf32, #tpu.memory_space<vmem>>, vector<1024xf32>,
    %get3A_2121 = arith.constant 0 : index
    %get3A_2122 = arith.constant 45312 : index
    %get3A_2123 = vector.load %arg1[%get3A_2121, %get3A_2122] : memref<8x50048xf32, #tpu.memory_space<vmem>>, vector<8x128xf32>
    %reshape3A_2124 = vector.shape_cast %get3A_2123 : vector<8x128xf32> to vector<1024xf32>
    %swap3A_2125 = arith.constant 362496 : index
    %swap3A_2126 = vector.load %arg2[%swap3A_2125] : memref<400384xf32, #tpu.memory_space<vmem>>, vector<1024xf32>
    tpu.vector_store %arg2[%swap3A_2125], %reshape3A_2124 {strides = array<i32>} : memref<400384xf32, #tpu.memory_space<vmem>>, vector<1024xf32>,
    %get3A_2127 = arith.constant 0 : index
    %get3A_2128 = arith.constant 45440 : index
    %get3A_2129 = vector.load %arg1[%get3A_2127, %get3A_2128] : memref<8x50048xf32, #tpu.memory_space<vmem>>, vector<8x128xf32>
    %reshape3A_2130 = vector.shape_cast %get3A_2129 : vector<8x128xf32> to vector<1024xf32>
    %swap3A_2131 = arith.constant 363520 : index
    %swap3A_2132 = vector.load %arg2[%swap3A_2131] : memref<400384xf32, #tpu.memory_space<vmem>>, vector<1024xf32>
    tpu.vector_store %arg2[%swap3A_2131], %reshape3A_2130 {strides = array<i32>} : memref<400384xf32, #tpu.memory_space<vmem>>, vector<1024xf32>,
    %get3A_2133 = arith.constant 0 : index
    %get3A_2134 = arith.constant 45568 : index
    %get3A_2135 = vector.load %arg1[%get3A_2133, %get3A_2134] : memref<8x50048xf32, #tpu.memory_space<vmem>>, vector<8x128xf32>
    %reshape3A_2136 = vector.shape_cast %get3A_2135 : vector<8x128xf32> to vector<1024xf32>
    %swap3A_2137 = arith.constant 364544 : index
    %swap3A_2138 = vector.load %arg2[%swap3A_2137] : memref<400384xf32, #tpu.memory_space<vmem>>, vector<1024xf32>
    tpu.vector_store %arg2[%swap3A_2137], %reshape3A_2136 {strides = array<i32>} : memref<400384xf32, #tpu.memory_space<vmem>>, vector<1024xf32>,
    %get3A_2139 = arith.constant 0 : index
    %get3A_2140 = arith.constant 45696 : index
    %get3A_2141 = vector.load %arg1[%get3A_2139, %get3A_2140] : memref<8x50048xf32, #tpu.memory_space<vmem>>, vector<8x128xf32>
    %reshape3A_2142 = vector.shape_cast %get3A_2141 : vector<8x128xf32> to vector<1024xf32>
    %swap3A_2143 = arith.constant 365568 : index
    %swap3A_2144 = vector.load %arg2[%swap3A_2143] : memref<400384xf32, #tpu.memory_space<vmem>>, vector<1024xf32>
    tpu.vector_store %arg2[%swap3A_2143], %reshape3A_2142 {strides = array<i32>} : memref<400384xf32, #tpu.memory_space<vmem>>, vector<1024xf32>,
    %get3A_2145 = arith.constant 0 : index
    %get3A_2146 = arith.constant 45824 : index
    %get3A_2147 = vector.load %arg1[%get3A_2145, %get3A_2146] : memref<8x50048xf32, #tpu.memory_space<vmem>>, vector<8x128xf32>
    %reshape3A_2148 = vector.shape_cast %get3A_2147 : vector<8x128xf32> to vector<1024xf32>
    %swap3A_2149 = arith.constant 366592 : index
    %swap3A_2150 = vector.load %arg2[%swap3A_2149] : memref<400384xf32, #tpu.memory_space<vmem>>, vector<1024xf32>
    tpu.vector_store %arg2[%swap3A_2149], %reshape3A_2148 {strides = array<i32>} : memref<400384xf32, #tpu.memory_space<vmem>>, vector<1024xf32>,
    %get3A_2151 = arith.constant 0 : index
    %get3A_2152 = arith.constant 45952 : index
    %get3A_2153 = vector.load %arg1[%get3A_2151, %get3A_2152] : memref<8x50048xf32, #tpu.memory_space<vmem>>, vector<8x128xf32>
    %reshape3A_2154 = vector.shape_cast %get3A_2153 : vector<8x128xf32> to vector<1024xf32>
    %swap3A_2155 = arith.constant 367616 : index
    %swap3A_2156 = vector.load %arg2[%swap3A_2155] : memref<400384xf32, #tpu.memory_space<vmem>>, vector<1024xf32>
    tpu.vector_store %arg2[%swap3A_2155], %reshape3A_2154 {strides = array<i32>} : memref<400384xf32, #tpu.memory_space<vmem>>, vector<1024xf32>,
    %get3A_2157 = arith.constant 0 : index
    %get3A_2158 = arith.constant 46080 : index
    %get3A_2159 = vector.load %arg1[%get3A_2157, %get3A_2158] : memref<8x50048xf32, #tpu.memory_space<vmem>>, vector<8x128xf32>
    %reshape3A_2160 = vector.shape_cast %get3A_2159 : vector<8x128xf32> to vector<1024xf32>
    %swap3A_2161 = arith.constant 368640 : index
    %swap3A_2162 = vector.load %arg2[%swap3A_2161] : memref<400384xf32, #tpu.memory_space<vmem>>, vector<1024xf32>
    tpu.vector_store %arg2[%swap3A_2161], %reshape3A_2160 {strides = array<i32>} : memref<400384xf32, #tpu.memory_space<vmem>>, vector<1024xf32>,
    %get3A_2163 = arith.constant 0 : index
    %get3A_2164 = arith.constant 46208 : index
    %get3A_2165 = vector.load %arg1[%get3A_2163, %get3A_2164] : memref<8x50048xf32, #tpu.memory_space<vmem>>, vector<8x128xf32>
    %reshape3A_2166 = vector.shape_cast %get3A_2165 : vector<8x128xf32> to vector<1024xf32>
    %swap3A_2167 = arith.constant 369664 : index
    %swap3A_2168 = vector.load %arg2[%swap3A_2167] : memref<400384xf32, #tpu.memory_space<vmem>>, vector<1024xf32>
    tpu.vector_store %arg2[%swap3A_2167], %reshape3A_2166 {strides = array<i32>} : memref<400384xf32, #tpu.memory_space<vmem>>, vector<1024xf32>,
    %get3A_2169 = arith.constant 0 : index
    %get3A_2170 = arith.constant 46336 : index
    %get3A_2171 = vector.load %arg1[%get3A_2169, %get3A_2170] : memref<8x50048xf32, #tpu.memory_space<vmem>>, vector<8x128xf32>
    %reshape3A_2172 = vector.shape_cast %get3A_2171 : vector<8x128xf32> to vector<1024xf32>
    %swap3A_2173 = arith.constant 370688 : index
    %swap3A_2174 = vector.load %arg2[%swap3A_2173] : memref<400384xf32, #tpu.memory_space<vmem>>, vector<1024xf32>
    tpu.vector_store %arg2[%swap3A_2173], %reshape3A_2172 {strides = array<i32>} : memref<400384xf32, #tpu.memory_space<vmem>>, vector<1024xf32>,
    %get3A_2175 = arith.constant 0 : index
    %get3A_2176 = arith.constant 46464 : index
    %get3A_2177 = vector.load %arg1[%get3A_2175, %get3A_2176] : memref<8x50048xf32, #tpu.memory_space<vmem>>, vector<8x128xf32>
    %reshape3A_2178 = vector.shape_cast %get3A_2177 : vector<8x128xf32> to vector<1024xf32>
    %swap3A_2179 = arith.constant 371712 : index
    %swap3A_2180 = vector.load %arg2[%swap3A_2179] : memref<400384xf32, #tpu.memory_space<vmem>>, vector<1024xf32>
    tpu.vector_store %arg2[%swap3A_2179], %reshape3A_2178 {strides = array<i32>} : memref<400384xf32, #tpu.memory_space<vmem>>, vector<1024xf32>,
    %get3A_2181 = arith.constant 0 : index
    %get3A_2182 = arith.constant 46592 : index
    %get3A_2183 = vector.load %arg1[%get3A_2181, %get3A_2182] : memref<8x50048xf32, #tpu.memory_space<vmem>>, vector<8x128xf32>
    %reshape3A_2184 = vector.shape_cast %get3A_2183 : vector<8x128xf32> to vector<1024xf32>
    %swap3A_2185 = arith.constant 372736 : index
    %swap3A_2186 = vector.load %arg2[%swap3A_2185] : memref<400384xf32, #tpu.memory_space<vmem>>, vector<1024xf32>
    tpu.vector_store %arg2[%swap3A_2185], %reshape3A_2184 {strides = array<i32>} : memref<400384xf32, #tpu.memory_space<vmem>>, vector<1024xf32>,
    %get3A_2187 = arith.constant 0 : index
    %get3A_2188 = arith.constant 46720 : index
    %get3A_2189 = vector.load %arg1[%get3A_2187, %get3A_2188] : memref<8x50048xf32, #tpu.memory_space<vmem>>, vector<8x128xf32>
    %reshape3A_2190 = vector.shape_cast %get3A_2189 : vector<8x128xf32> to vector<1024xf32>
    %swap3A_2191 = arith.constant 373760 : index
    %swap3A_2192 = vector.load %arg2[%swap3A_2191] : memref<400384xf32, #tpu.memory_space<vmem>>, vector<1024xf32>
    tpu.vector_store %arg2[%swap3A_2191], %reshape3A_2190 {strides = array<i32>} : memref<400384xf32, #tpu.memory_space<vmem>>, vector<1024xf32>,
    %get3A_2193 = arith.constant 0 : index
    %get3A_2194 = arith.constant 46848 : index
    %get3A_2195 = vector.load %arg1[%get3A_2193, %get3A_2194] : memref<8x50048xf32, #tpu.memory_space<vmem>>, vector<8x128xf32>
    %reshape3A_2196 = vector.shape_cast %get3A_2195 : vector<8x128xf32> to vector<1024xf32>
    %swap3A_2197 = arith.constant 374784 : index
    %swap3A_2198 = vector.load %arg2[%swap3A_2197] : memref<400384xf32, #tpu.memory_space<vmem>>, vector<1024xf32>
    tpu.vector_store %arg2[%swap3A_2197], %reshape3A_2196 {strides = array<i32>} : memref<400384xf32, #tpu.memory_space<vmem>>, vector<1024xf32>,
    %get3A_2199 = arith.constant 0 : index
    %get3A_2200 = arith.constant 46976 : index
    %get3A_2201 = vector.load %arg1[%get3A_2199, %get3A_2200] : memref<8x50048xf32, #tpu.memory_space<vmem>>, vector<8x128xf32>
    %reshape3A_2202 = vector.shape_cast %get3A_2201 : vector<8x128xf32> to vector<1024xf32>
    %swap3A_2203 = arith.constant 375808 : index
    %swap3A_2204 = vector.load %arg2[%swap3A_2203] : memref<400384xf32, #tpu.memory_space<vmem>>, vector<1024xf32>
    tpu.vector_store %arg2[%swap3A_2203], %reshape3A_2202 {strides = array<i32>} : memref<400384xf32, #tpu.memory_space<vmem>>, vector<1024xf32>,
    %get3A_2205 = arith.constant 0 : index
    %get3A_2206 = arith.constant 47104 : index
    %get3A_2207 = vector.load %arg1[%get3A_2205, %get3A_2206] : memref<8x50048xf32, #tpu.memory_space<vmem>>, vector<8x128xf32>
    %reshape3A_2208 = vector.shape_cast %get3A_2207 : vector<8x128xf32> to vector<1024xf32>
    %swap3A_2209 = arith.constant 376832 : index
    %swap3A_2210 = vector.load %arg2[%swap3A_2209] : memref<400384xf32, #tpu.memory_space<vmem>>, vector<1024xf32>
    tpu.vector_store %arg2[%swap3A_2209], %reshape3A_2208 {strides = array<i32>} : memref<400384xf32, #tpu.memory_space<vmem>>, vector<1024xf32>,
    %get3A_2211 = arith.constant 0 : index
    %get3A_2212 = arith.constant 47232 : index
    %get3A_2213 = vector.load %arg1[%get3A_2211, %get3A_2212] : memref<8x50048xf32, #tpu.memory_space<vmem>>, vector<8x128xf32>
    %reshape3A_2214 = vector.shape_cast %get3A_2213 : vector<8x128xf32> to vector<1024xf32>
    %swap3A_2215 = arith.constant 377856 : index
    %swap3A_2216 = vector.load %arg2[%swap3A_2215] : memref<400384xf32, #tpu.memory_space<vmem>>, vector<1024xf32>
    tpu.vector_store %arg2[%swap3A_2215], %reshape3A_2214 {strides = array<i32>} : memref<400384xf32, #tpu.memory_space<vmem>>, vector<1024xf32>,
    %get3A_2217 = arith.constant 0 : index
    %get3A_2218 = arith.constant 47360 : index
    %get3A_2219 = vector.load %arg1[%get3A_2217, %get3A_2218] : memref<8x50048xf32, #tpu.memory_space<vmem>>, vector<8x128xf32>
    %reshape3A_2220 = vector.shape_cast %get3A_2219 : vector<8x128xf32> to vector<1024xf32>
    %swap3A_2221 = arith.constant 378880 : index
    %swap3A_2222 = vector.load %arg2[%swap3A_2221] : memref<400384xf32, #tpu.memory_space<vmem>>, vector<1024xf32>
    tpu.vector_store %arg2[%swap3A_2221], %reshape3A_2220 {strides = array<i32>} : memref<400384xf32, #tpu.memory_space<vmem>>, vector<1024xf32>,
    %get3A_2223 = arith.constant 0 : index
    %get3A_2224 = arith.constant 47488 : index
    %get3A_2225 = vector.load %arg1[%get3A_2223, %get3A_2224] : memref<8x50048xf32, #tpu.memory_space<vmem>>, vector<8x128xf32>
    %reshape3A_2226 = vector.shape_cast %get3A_2225 : vector<8x128xf32> to vector<1024xf32>
    %swap3A_2227 = arith.constant 379904 : index
    %swap3A_2228 = vector.load %arg2[%swap3A_2227] : memref<400384xf32, #tpu.memory_space<vmem>>, vector<1024xf32>
    tpu.vector_store %arg2[%swap3A_2227], %reshape3A_2226 {strides = array<i32>} : memref<400384xf32, #tpu.memory_space<vmem>>, vector<1024xf32>,
    %get3A_2229 = arith.constant 0 : index
    %get3A_2230 = arith.constant 47616 : index
    %get3A_2231 = vector.load %arg1[%get3A_2229, %get3A_2230] : memref<8x50048xf32, #tpu.memory_space<vmem>>, vector<8x128xf32>
    %reshape3A_2232 = vector.shape_cast %get3A_2231 : vector<8x128xf32> to vector<1024xf32>
    %swap3A_2233 = arith.constant 380928 : index
    %swap3A_2234 = vector.load %arg2[%swap3A_2233] : memref<400384xf32, #tpu.memory_space<vmem>>, vector<1024xf32>
    tpu.vector_store %arg2[%swap3A_2233], %reshape3A_2232 {strides = array<i32>} : memref<400384xf32, #tpu.memory_space<vmem>>, vector<1024xf32>,
    %get3A_2235 = arith.constant 0 : index
    %get3A_2236 = arith.constant 47744 : index
    %get3A_2237 = vector.load %arg1[%get3A_2235, %get3A_2236] : memref<8x50048xf32, #tpu.memory_space<vmem>>, vector<8x128xf32>
    %reshape3A_2238 = vector.shape_cast %get3A_2237 : vector<8x128xf32> to vector<1024xf32>
    %swap3A_2239 = arith.constant 381952 : index
    %swap3A_2240 = vector.load %arg2[%swap3A_2239] : memref<400384xf32, #tpu.memory_space<vmem>>, vector<1024xf32>
    tpu.vector_store %arg2[%swap3A_2239], %reshape3A_2238 {strides = array<i32>} : memref<400384xf32, #tpu.memory_space<vmem>>, vector<1024xf32>,
    %get3A_2241 = arith.constant 0 : index
    %get3A_2242 = arith.constant 47872 : index
    %get3A_2243 = vector.load %arg1[%get3A_2241, %get3A_2242] : memref<8x50048xf32, #tpu.memory_space<vmem>>, vector<8x128xf32>
    %reshape3A_2244 = vector.shape_cast %get3A_2243 : vector<8x128xf32> to vector<1024xf32>
    %swap3A_2245 = arith.constant 382976 : index
    %swap3A_2246 = vector.load %arg2[%swap3A_2245] : memref<400384xf32, #tpu.memory_space<vmem>>, vector<1024xf32>
    tpu.vector_store %arg2[%swap3A_2245], %reshape3A_2244 {strides = array<i32>} : memref<400384xf32, #tpu.memory_space<vmem>>, vector<1024xf32>,
    %get3A_2247 = arith.constant 0 : index
    %get3A_2248 = arith.constant 48000 : index
    %get3A_2249 = vector.load %arg1[%get3A_2247, %get3A_2248] : memref<8x50048xf32, #tpu.memory_space<vmem>>, vector<8x128xf32>
    %reshape3A_2250 = vector.shape_cast %get3A_2249 : vector<8x128xf32> to vector<1024xf32>
    %swap3A_2251 = arith.constant 384000 : index
    %swap3A_2252 = vector.load %arg2[%swap3A_2251] : memref<400384xf32, #tpu.memory_space<vmem>>, vector<1024xf32>
    tpu.vector_store %arg2[%swap3A_2251], %reshape3A_2250 {strides = array<i32>} : memref<400384xf32, #tpu.memory_space<vmem>>, vector<1024xf32>,
    %get3A_2253 = arith.constant 0 : index
    %get3A_2254 = arith.constant 48128 : index
    %get3A_2255 = vector.load %arg1[%get3A_2253, %get3A_2254] : memref<8x50048xf32, #tpu.memory_space<vmem>>, vector<8x128xf32>
    %reshape3A_2256 = vector.shape_cast %get3A_2255 : vector<8x128xf32> to vector<1024xf32>
    %swap3A_2257 = arith.constant 385024 : index
    %swap3A_2258 = vector.load %arg2[%swap3A_2257] : memref<400384xf32, #tpu.memory_space<vmem>>, vector<1024xf32>
    tpu.vector_store %arg2[%swap3A_2257], %reshape3A_2256 {strides = array<i32>} : memref<400384xf32, #tpu.memory_space<vmem>>, vector<1024xf32>,
    %get3A_2259 = arith.constant 0 : index
    %get3A_2260 = arith.constant 48256 : index
    %get3A_2261 = vector.load %arg1[%get3A_2259, %get3A_2260] : memref<8x50048xf32, #tpu.memory_space<vmem>>, vector<8x128xf32>
    %reshape3A_2262 = vector.shape_cast %get3A_2261 : vector<8x128xf32> to vector<1024xf32>
    %swap3A_2263 = arith.constant 386048 : index
    %swap3A_2264 = vector.load %arg2[%swap3A_2263] : memref<400384xf32, #tpu.memory_space<vmem>>, vector<1024xf32>
    tpu.vector_store %arg2[%swap3A_2263], %reshape3A_2262 {strides = array<i32>} : memref<400384xf32, #tpu.memory_space<vmem>>, vector<1024xf32>,
    %get3A_2265 = arith.constant 0 : index
    %get3A_2266 = arith.constant 48384 : index
    %get3A_2267 = vector.load %arg1[%get3A_2265, %get3A_2266] : memref<8x50048xf32, #tpu.memory_space<vmem>>, vector<8x128xf32>
    %reshape3A_2268 = vector.shape_cast %get3A_2267 : vector<8x128xf32> to vector<1024xf32>
    %swap3A_2269 = arith.constant 387072 : index
    %swap3A_2270 = vector.load %arg2[%swap3A_2269] : memref<400384xf32, #tpu.memory_space<vmem>>, vector<1024xf32>
    tpu.vector_store %arg2[%swap3A_2269], %reshape3A_2268 {strides = array<i32>} : memref<400384xf32, #tpu.memory_space<vmem>>, vector<1024xf32>,
    %get3A_2271 = arith.constant 0 : index
    %get3A_2272 = arith.constant 48512 : index
    %get3A_2273 = vector.load %arg1[%get3A_2271, %get3A_2272] : memref<8x50048xf32, #tpu.memory_space<vmem>>, vector<8x128xf32>
    %reshape3A_2274 = vector.shape_cast %get3A_2273 : vector<8x128xf32> to vector<1024xf32>
    %swap3A_2275 = arith.constant 388096 : index
    %swap3A_2276 = vector.load %arg2[%swap3A_2275] : memref<400384xf32, #tpu.memory_space<vmem>>, vector<1024xf32>
    tpu.vector_store %arg2[%swap3A_2275], %reshape3A_2274 {strides = array<i32>} : memref<400384xf32, #tpu.memory_space<vmem>>, vector<1024xf32>,
    %get3A_2277 = arith.constant 0 : index
    %get3A_2278 = arith.constant 48640 : index
    %get3A_2279 = vector.load %arg1[%get3A_2277, %get3A_2278] : memref<8x50048xf32, #tpu.memory_space<vmem>>, vector<8x128xf32>
    %reshape3A_2280 = vector.shape_cast %get3A_2279 : vector<8x128xf32> to vector<1024xf32>
    %swap3A_2281 = arith.constant 389120 : index
    %swap3A_2282 = vector.load %arg2[%swap3A_2281] : memref<400384xf32, #tpu.memory_space<vmem>>, vector<1024xf32>
    tpu.vector_store %arg2[%swap3A_2281], %reshape3A_2280 {strides = array<i32>} : memref<400384xf32, #tpu.memory_space<vmem>>, vector<1024xf32>,
    %get3A_2283 = arith.constant 0 : index
    %get3A_2284 = arith.constant 48768 : index
    %get3A_2285 = vector.load %arg1[%get3A_2283, %get3A_2284] : memref<8x50048xf32, #tpu.memory_space<vmem>>, vector<8x128xf32>
    %reshape3A_2286 = vector.shape_cast %get3A_2285 : vector<8x128xf32> to vector<1024xf32>
    %swap3A_2287 = arith.constant 390144 : index
    %swap3A_2288 = vector.load %arg2[%swap3A_2287] : memref<400384xf32, #tpu.memory_space<vmem>>, vector<1024xf32>
    tpu.vector_store %arg2[%swap3A_2287], %reshape3A_2286 {strides = array<i32>} : memref<400384xf32, #tpu.memory_space<vmem>>, vector<1024xf32>,
    %get3A_2289 = arith.constant 0 : index
    %get3A_2290 = arith.constant 48896 : index
    %get3A_2291 = vector.load %arg1[%get3A_2289, %get3A_2290] : memref<8x50048xf32, #tpu.memory_space<vmem>>, vector<8x128xf32>
    %reshape3A_2292 = vector.shape_cast %get3A_2291 : vector<8x128xf32> to vector<1024xf32>
    %swap3A_2293 = arith.constant 391168 : index
    %swap3A_2294 = vector.load %arg2[%swap3A_2293] : memref<400384xf32, #tpu.memory_space<vmem>>, vector<1024xf32>
    tpu.vector_store %arg2[%swap3A_2293], %reshape3A_2292 {strides = array<i32>} : memref<400384xf32, #tpu.memory_space<vmem>>, vector<1024xf32>,
    %get3A_2295 = arith.constant 0 : index
    %get3A_2296 = arith.constant 49024 : index
    %get3A_2297 = vector.load %arg1[%get3A_2295, %get3A_2296] : memref<8x50048xf32, #tpu.memory_space<vmem>>, vector<8x128xf32>
    %reshape3A_2298 = vector.shape_cast %get3A_2297 : vector<8x128xf32> to vector<1024xf32>
    %swap3A_2299 = arith.constant 392192 : index
    %swap3A_2300 = vector.load %arg2[%swap3A_2299] : memref<400384xf32, #tpu.memory_space<vmem>>, vector<1024xf32>
    tpu.vector_store %arg2[%swap3A_2299], %reshape3A_2298 {strides = array<i32>} : memref<400384xf32, #tpu.memory_space<vmem>>, vector<1024xf32>,
    %get3A_2301 = arith.constant 0 : index
    %get3A_2302 = arith.constant 49152 : index
    %get3A_2303 = vector.load %arg1[%get3A_2301, %get3A_2302] : memref<8x50048xf32, #tpu.memory_space<vmem>>, vector<8x128xf32>
    %reshape3A_2304 = vector.shape_cast %get3A_2303 : vector<8x128xf32> to vector<1024xf32>
    %swap3A_2305 = arith.constant 393216 : index
    %swap3A_2306 = vector.load %arg2[%swap3A_2305] : memref<400384xf32, #tpu.memory_space<vmem>>, vector<1024xf32>
    tpu.vector_store %arg2[%swap3A_2305], %reshape3A_2304 {strides = array<i32>} : memref<400384xf32, #tpu.memory_space<vmem>>, vector<1024xf32>,
    %get3A_2307 = arith.constant 0 : index
    %get3A_2308 = arith.constant 49280 : index
    %get3A_2309 = vector.load %arg1[%get3A_2307, %get3A_2308] : memref<8x50048xf32, #tpu.memory_space<vmem>>, vector<8x128xf32>
    %reshape3A_2310 = vector.shape_cast %get3A_2309 : vector<8x128xf32> to vector<1024xf32>
    %swap3A_2311 = arith.constant 394240 : index
    %swap3A_2312 = vector.load %arg2[%swap3A_2311] : memref<400384xf32, #tpu.memory_space<vmem>>, vector<1024xf32>
    tpu.vector_store %arg2[%swap3A_2311], %reshape3A_2310 {strides = array<i32>} : memref<400384xf32, #tpu.memory_space<vmem>>, vector<1024xf32>,
    %get3A_2313 = arith.constant 0 : index
    %get3A_2314 = arith.constant 49408 : index
    %get3A_2315 = vector.load %arg1[%get3A_2313, %get3A_2314] : memref<8x50048xf32, #tpu.memory_space<vmem>>, vector<8x128xf32>
    %reshape3A_2316 = vector.shape_cast %get3A_2315 : vector<8x128xf32> to vector<1024xf32>
    %swap3A_2317 = arith.constant 395264 : index
    %swap3A_2318 = vector.load %arg2[%swap3A_2317] : memref<400384xf32, #tpu.memory_space<vmem>>, vector<1024xf32>
    tpu.vector_store %arg2[%swap3A_2317], %reshape3A_2316 {strides = array<i32>} : memref<400384xf32, #tpu.memory_space<vmem>>, vector<1024xf32>,
    %get3A_2319 = arith.constant 0 : index
    %get3A_2320 = arith.constant 49536 : index
    %get3A_2321 = vector.load %arg1[%get3A_2319, %get3A_2320] : memref<8x50048xf32, #tpu.memory_space<vmem>>, vector<8x128xf32>
    %reshape3A_2322 = vector.shape_cast %get3A_2321 : vector<8x128xf32> to vector<1024xf32>
    %swap3A_2323 = arith.constant 396288 : index
    %swap3A_2324 = vector.load %arg2[%swap3A_2323] : memref<400384xf32, #tpu.memory_space<vmem>>, vector<1024xf32>
    tpu.vector_store %arg2[%swap3A_2323], %reshape3A_2322 {strides = array<i32>} : memref<400384xf32, #tpu.memory_space<vmem>>, vector<1024xf32>,
    %get3A_2325 = arith.constant 0 : index
    %get3A_2326 = arith.constant 49664 : index
    %get3A_2327 = vector.load %arg1[%get3A_2325, %get3A_2326] : memref<8x50048xf32, #tpu.memory_space<vmem>>, vector<8x128xf32>
    %reshape3A_2328 = vector.shape_cast %get3A_2327 : vector<8x128xf32> to vector<1024xf32>
    %swap3A_2329 = arith.constant 397312 : index
    %swap3A_2330 = vector.load %arg2[%swap3A_2329] : memref<400384xf32, #tpu.memory_space<vmem>>, vector<1024xf32>
    tpu.vector_store %arg2[%swap3A_2329], %reshape3A_2328 {strides = array<i32>} : memref<400384xf32, #tpu.memory_space<vmem>>, vector<1024xf32>,
    %get3A_2331 = arith.constant 0 : index
    %get3A_2332 = arith.constant 49792 : index
    %get3A_2333 = vector.load %arg1[%get3A_2331, %get3A_2332] : memref<8x50048xf32, #tpu.memory_space<vmem>>, vector<8x128xf32>
    %reshape3A_2334 = vector.shape_cast %get3A_2333 : vector<8x128xf32> to vector<1024xf32>
    %swap3A_2335 = arith.constant 398336 : index
    %swap3A_2336 = vector.load %arg2[%swap3A_2335] : memref<400384xf32, #tpu.memory_space<vmem>>, vector<1024xf32>
    tpu.vector_store %arg2[%swap3A_2335], %reshape3A_2334 {strides = array<i32>} : memref<400384xf32, #tpu.memory_space<vmem>>, vector<1024xf32>,
    %get3A_2337 = arith.constant 0 : index
    %get3A_2338 = arith.constant 49920 : index
    %get3A_2339 = vector.load %arg1[%get3A_2337, %get3A_2338] : memref<8x50048xf32, #tpu.memory_space<vmem>>, vector<8x128xf32>
    %reshape3A_2340 = vector.shape_cast %get3A_2339 : vector<8x128xf32> to vector<1024xf32>
    %swap3A_2341 = arith.constant 399360 : index
    %swap3A_2342 = vector.load %arg2[%swap3A_2341] : memref<400384xf32, #tpu.memory_space<vmem>>, vector<1024xf32>
    tpu.vector_store %arg2[%swap3A_2341], %reshape3A_2340 {strides = array<i32>} : memref<400384xf32, #tpu.memory_space<vmem>>, vector<1024xf32>,
    return
  }
  func.func @transform_0(%arg0: i32) -> (i32, i32) {
    %c0_i32 = arith.constant 0 : i32
    %c0_i32_0 = arith.constant 0 : i32
    return %c0_i32, %arg0 : i32, i32
  }
  func.func @transform_1(%arg0: i32) -> i32 {
    %c0_i32 = arith.constant 0 : i32
    return %arg0 : i32
  }
}

module attributes {stable_mosaic.version = 14 : i64} {
  func.func @_assemble_body(%arg0: i32, %arg1: memref<8192xi32, #tpu.memory_space<vmem>>, %arg2: memref<7x8192xf32, #tpu.memory_space<vmem>>, %arg3: memref<21x8192xf32, #tpu.memory_space<vmem>>, %arg4: memref<8192xf32, #tpu.memory_space<vmem>>, %arg5: memref<8192xf32, #tpu.memory_space<vmem>>, %arg6: memref<8192xf32, #tpu.memory_space<vmem>>, %arg7: memref<8192xf32, #tpu.memory_space<vmem>>, %arg8: memref<8192xf32, #tpu.memory_space<vmem>>, %arg9: memref<8192xf32, #tpu.memory_space<vmem>>, %arg10: memref<8192xf32, #tpu.memory_space<vmem>>, %arg11: memref<8192xf32, #tpu.memory_space<vmem>>, %arg12: memref<37x8192xf32, #tpu.memory_space<vmem>>) attributes {dimension_semantics = [#tpu.dimension_semantics<arbitrary>], iteration_bounds = array<i64: 2>, scalar_prefetch = 0 : i64, scratch_operands = 0 : i64, tpu.core_type = #tpu.core_type<tc>, window_params = [{transform_indices = @transform_0, window_bounds = array<i64: 8192>}, {transform_indices = @transform_1, window_bounds = array<i64: 7, 8192>}, {transform_indices = @transform_2, window_bounds = array<i64: 21, 8192>}, {transform_indices = @transform_3, window_bounds = array<i64: 8192>}, {transform_indices = @transform_4, window_bounds = array<i64: 8192>}, {transform_indices = @transform_5, window_bounds = array<i64: 8192>}, {transform_indices = @transform_6, window_bounds = array<i64: 8192>}, {transform_indices = @transform_7, window_bounds = array<i64: 8192>}, {transform_indices = @transform_8, window_bounds = array<i64: 8192>}, {transform_indices = @transform_9, window_bounds = array<i64: 8192>}, {transform_indices = @transform_10, window_bounds = array<i64: 8192>}, {transform_indices = @transform_11, window_bounds = array<i64: 37, 8192>}]} {
    %get3A = arith.constant 0 : index
    %get3A_0 = vector.load %arg1[%get3A] : memref<8192xi32, #tpu.memory_space<vmem>>, vector<8192xi32>
    %convert_element_type3A = arith.sitofp %get3A_0 : vector<8192xi32> to vector<8192xf32>
    %swap3A = arith.constant 0 : index
    %swap3A_1 = arith.constant 0 : index
    %swap3A_2 = vector.load %arg12[%swap3A, %swap3A_1] : memref<37x8192xf32, #tpu.memory_space<vmem>>, vector<1x8192xf32>
    %swap3A_3 = vector.shape_cast %swap3A_2 : vector<1x8192xf32> to vector<8192xf32>
    %swap3A_4 = vector.shape_cast %convert_element_type3A : vector<8192xf32> to vector<1x8192xf32>
    tpu.vector_store %arg12[%swap3A, %swap3A_1], %swap3A_4 {strides = array<i32>} : memref<37x8192xf32, #tpu.memory_space<vmem>>, vector<1x8192xf32>,
    %get3A_5 = arith.constant 0 : index
    %get3A_6 = arith.constant 0 : index
    %get3A_7 = vector.load %arg2[%get3A_5, %get3A_6] : memref<7x8192xf32, #tpu.memory_space<vmem>>, vector<7x8192xf32>
    %swap3A_8 = arith.constant 1 : index
    %swap3A_9 = arith.constant 0 : index
    %swap3A_10 = vector.load %arg12[%swap3A_8, %swap3A_9] : memref<37x8192xf32, #tpu.memory_space<vmem>>, vector<7x8192xf32>
    tpu.vector_store %arg12[%swap3A_8, %swap3A_9], %get3A_7 {strides = array<i32>} : memref<37x8192xf32, #tpu.memory_space<vmem>>, vector<7x8192xf32>,
    %get3A_11 = arith.constant 0 : index
    %get3A_12 = arith.constant 0 : index
    %get3A_13 = vector.load %arg3[%get3A_11, %get3A_12] : memref<21x8192xf32, #tpu.memory_space<vmem>>, vector<21x8192xf32>
    %swap3A_14 = arith.constant 8 : index
    %swap3A_15 = arith.constant 0 : index
    %swap3A_16 = vector.load %arg12[%swap3A_14, %swap3A_15] : memref<37x8192xf32, #tpu.memory_space<vmem>>, vector<21x8192xf32>
    tpu.vector_store %arg12[%swap3A_14, %swap3A_15], %get3A_13 {strides = array<i32>} : memref<37x8192xf32, #tpu.memory_space<vmem>>, vector<21x8192xf32>,
    %get3A_17 = arith.constant 0 : index
    %get3A_18 = vector.load %arg4[%get3A_17] : memref<8192xf32, #tpu.memory_space<vmem>>, vector<8192xf32>
    %swap3A_19 = arith.constant 29 : index
    %swap3A_20 = arith.constant 0 : index
    %swap3A_21 = vector.load %arg12[%swap3A_19, %swap3A_20] : memref<37x8192xf32, #tpu.memory_space<vmem>>, vector<1x8192xf32>
    %swap3A_22 = vector.shape_cast %swap3A_21 : vector<1x8192xf32> to vector<8192xf32>
    %swap3A_23 = vector.shape_cast %get3A_18 : vector<8192xf32> to vector<1x8192xf32>
    tpu.vector_store %arg12[%swap3A_19, %swap3A_20], %swap3A_23 {strides = array<i32>} : memref<37x8192xf32, #tpu.memory_space<vmem>>, vector<1x8192xf32>,
    %get3A_24 = arith.constant 0 : index
    %get3A_25 = vector.load %arg5[%get3A_24] : memref<8192xf32, #tpu.memory_space<vmem>>, vector<8192xf32>
    %swap3A_26 = arith.constant 30 : index
    %swap3A_27 = arith.constant 0 : index
    %swap3A_28 = vector.load %arg12[%swap3A_26, %swap3A_27] : memref<37x8192xf32, #tpu.memory_space<vmem>>, vector<1x8192xf32>
    %swap3A_29 = vector.shape_cast %swap3A_28 : vector<1x8192xf32> to vector<8192xf32>
    %swap3A_30 = vector.shape_cast %get3A_25 : vector<8192xf32> to vector<1x8192xf32>
    tpu.vector_store %arg12[%swap3A_26, %swap3A_27], %swap3A_30 {strides = array<i32>} : memref<37x8192xf32, #tpu.memory_space<vmem>>, vector<1x8192xf32>,
    %get3A_31 = arith.constant 0 : index
    %get3A_32 = vector.load %arg6[%get3A_31] : memref<8192xf32, #tpu.memory_space<vmem>>, vector<8192xf32>
    %swap3A_33 = arith.constant 31 : index
    %swap3A_34 = arith.constant 0 : index
    %swap3A_35 = vector.load %arg12[%swap3A_33, %swap3A_34] : memref<37x8192xf32, #tpu.memory_space<vmem>>, vector<1x8192xf32>
    %swap3A_36 = vector.shape_cast %swap3A_35 : vector<1x8192xf32> to vector<8192xf32>
    %swap3A_37 = vector.shape_cast %get3A_32 : vector<8192xf32> to vector<1x8192xf32>
    tpu.vector_store %arg12[%swap3A_33, %swap3A_34], %swap3A_37 {strides = array<i32>} : memref<37x8192xf32, #tpu.memory_space<vmem>>, vector<1x8192xf32>,
    %get3A_38 = arith.constant 0 : index
    %get3A_39 = vector.load %arg7[%get3A_38] : memref<8192xf32, #tpu.memory_space<vmem>>, vector<8192xf32>
    %swap3A_40 = arith.constant 32 : index
    %swap3A_41 = arith.constant 0 : index
    %swap3A_42 = vector.load %arg12[%swap3A_40, %swap3A_41] : memref<37x8192xf32, #tpu.memory_space<vmem>>, vector<1x8192xf32>
    %swap3A_43 = vector.shape_cast %swap3A_42 : vector<1x8192xf32> to vector<8192xf32>
    %swap3A_44 = vector.shape_cast %get3A_39 : vector<8192xf32> to vector<1x8192xf32>
    tpu.vector_store %arg12[%swap3A_40, %swap3A_41], %swap3A_44 {strides = array<i32>} : memref<37x8192xf32, #tpu.memory_space<vmem>>, vector<1x8192xf32>,
    %get3A_45 = arith.constant 0 : index
    %get3A_46 = vector.load %arg8[%get3A_45] : memref<8192xf32, #tpu.memory_space<vmem>>, vector<8192xf32>
    %swap3A_47 = arith.constant 33 : index
    %swap3A_48 = arith.constant 0 : index
    %swap3A_49 = vector.load %arg12[%swap3A_47, %swap3A_48] : memref<37x8192xf32, #tpu.memory_space<vmem>>, vector<1x8192xf32>
    %swap3A_50 = vector.shape_cast %swap3A_49 : vector<1x8192xf32> to vector<8192xf32>
    %swap3A_51 = vector.shape_cast %get3A_46 : vector<8192xf32> to vector<1x8192xf32>
    tpu.vector_store %arg12[%swap3A_47, %swap3A_48], %swap3A_51 {strides = array<i32>} : memref<37x8192xf32, #tpu.memory_space<vmem>>, vector<1x8192xf32>,
    %get3A_52 = arith.constant 0 : index
    %get3A_53 = vector.load %arg9[%get3A_52] : memref<8192xf32, #tpu.memory_space<vmem>>, vector<8192xf32>
    %swap3A_54 = arith.constant 34 : index
    %swap3A_55 = arith.constant 0 : index
    %swap3A_56 = vector.load %arg12[%swap3A_54, %swap3A_55] : memref<37x8192xf32, #tpu.memory_space<vmem>>, vector<1x8192xf32>
    %swap3A_57 = vector.shape_cast %swap3A_56 : vector<1x8192xf32> to vector<8192xf32>
    %swap3A_58 = vector.shape_cast %get3A_53 : vector<8192xf32> to vector<1x8192xf32>
    tpu.vector_store %arg12[%swap3A_54, %swap3A_55], %swap3A_58 {strides = array<i32>} : memref<37x8192xf32, #tpu.memory_space<vmem>>, vector<1x8192xf32>,
    %get3A_59 = arith.constant 0 : index
    %get3A_60 = vector.load %arg10[%get3A_59] : memref<8192xf32, #tpu.memory_space<vmem>>, vector<8192xf32>
    %swap3A_61 = arith.constant 35 : index
    %swap3A_62 = arith.constant 0 : index
    %swap3A_63 = vector.load %arg12[%swap3A_61, %swap3A_62] : memref<37x8192xf32, #tpu.memory_space<vmem>>, vector<1x8192xf32>
    %swap3A_64 = vector.shape_cast %swap3A_63 : vector<1x8192xf32> to vector<8192xf32>
    %swap3A_65 = vector.shape_cast %get3A_60 : vector<8192xf32> to vector<1x8192xf32>
    tpu.vector_store %arg12[%swap3A_61, %swap3A_62], %swap3A_65 {strides = array<i32>} : memref<37x8192xf32, #tpu.memory_space<vmem>>, vector<1x8192xf32>,
    %get3A_66 = arith.constant 0 : index
    %get3A_67 = vector.load %arg11[%get3A_66] : memref<8192xf32, #tpu.memory_space<vmem>>, vector<8192xf32>
    %swap3A_68 = arith.constant 36 : index
    %swap3A_69 = arith.constant 0 : index
    %swap3A_70 = vector.load %arg12[%swap3A_68, %swap3A_69] : memref<37x8192xf32, #tpu.memory_space<vmem>>, vector<1x8192xf32>
    %swap3A_71 = vector.shape_cast %swap3A_70 : vector<1x8192xf32> to vector<8192xf32>
    %swap3A_72 = vector.shape_cast %get3A_67 : vector<8192xf32> to vector<1x8192xf32>
    tpu.vector_store %arg12[%swap3A_68, %swap3A_69], %swap3A_72 {strides = array<i32>} : memref<37x8192xf32, #tpu.memory_space<vmem>>, vector<1x8192xf32>,
    return
  }
  func.func @transform_0(%arg0: i32) -> i32 {
    %c0_i32 = arith.constant 0 : i32
    return %arg0 : i32
  }
  func.func @transform_1(%arg0: i32) -> (i32, i32) {
    %c0_i32 = arith.constant 0 : i32
    %c0_i32_0 = arith.constant 0 : i32
    return %c0_i32, %arg0 : i32, i32
  }
  func.func @transform_2(%arg0: i32) -> (i32, i32) {
    %c0_i32 = arith.constant 0 : i32
    %c0_i32_0 = arith.constant 0 : i32
    return %c0_i32, %arg0 : i32, i32
  }
  func.func @transform_3(%arg0: i32) -> i32 {
    %c0_i32 = arith.constant 0 : i32
    return %arg0 : i32
  }
  func.func @transform_4(%arg0: i32) -> i32 {
    %c0_i32 = arith.constant 0 : i32
    return %arg0 : i32
  }
  func.func @transform_5(%arg0: i32) -> i32 {
    %c0_i32 = arith.constant 0 : i32
    return %arg0 : i32
  }
  func.func @transform_6(%arg0: i32) -> i32 {
    %c0_i32 = arith.constant 0 : i32
    return %arg0 : i32
  }
  func.func @transform_7(%arg0: i32) -> i32 {
    %c0_i32 = arith.constant 0 : i32
    return %arg0 : i32
  }
  func.func @transform_8(%arg0: i32) -> i32 {
    %c0_i32 = arith.constant 0 : i32
    return %arg0 : i32
  }
  func.func @transform_9(%arg0: i32) -> i32 {
    %c0_i32 = arith.constant 0 : i32
    return %arg0 : i32
  }
  func.func @transform_10(%arg0: i32) -> i32 {
    %c0_i32 = arith.constant 0 : i32
    return %arg0 : i32
  }
  func.func @transform_11(%arg0: i32) -> (i32, i32) {
    %c0_i32 = arith.constant 0 : i32
    %c0_i32_0 = arith.constant 0 : i32
    return %c0_i32, %arg0 : i32, i32
  }
}

</mosaic_0001>

<sc_bundles>
// kernel: kernel.5.cloned.1.call-start
scs
__scs_entry_jumppad:
0x0: {  	(pc) =	sbr.rel $0x88, $3  }
0x1: {  	(tag) =	ssettag $0x0;
	lr =	simm.s32 $0x1  }
0x2: {  	[smem:$0x3F9C] =	sst lr;
	_ =	strace $0xD0000000  }
0x3: {  	_ = 	snop  }
0x4: {  	_ = 	snop  }
0x5: {  	_ = 	snop  }
0x6: {  	_ = 	snop  }
0x7: {  	_ = 	snop  }
__scs_overlays_trampoline_lowered:
0x8: {  	[smem:$0x3FAB] =	sst s0  }
0x9: {  	[smem:$0x3FAC] =	sst s1  }
0xa: {  	[smem:$0x3FAD] =	sst s2  }
0xb: {  	[smem:$0x3FAE] =	sst s3  }
0xc: {  	[smem:$0x3FAF] =	sst s4  }
0xd: {  	[smem:$0x3FB0] =	sst s5  }
0xe: {  	[smem:$0x3FB1] =	sst s6  }
0xf: {  	[smem:$0x3FB2] =	sst s7  }
0x10: {  	[smem:$0x3FB3] =	sst s8  }
0x11: {  	[smem:$0x3FB4] =	sst s9;
	s0 =	simm.s32 @!p0 $0x0  }
0x12: {  	s1 =	sld [smem:$0x3F9A];
	s0 =	simm.s32 @p0 $0x1  }
0x13: {  	[smem:$0x3FB5] =	sst s0;
	s0 =	simm.s32 @!p1 $0x0  }
0x14: {  	s2 =	sld [smem:$0x3F99];
	s0 =	simm.s32 @p1 $0x1  }
0x15: {  	[smem:$0x3FB6] =	sst s0;
	s0 =	simm.s32 @!p2 $0x0  }
0x16: {  	s3 =	sld [smem:$0x3FDB];
	s0 =	simm.s32 @p2 $0x1  }
0x17: {  	s4 =	simm.s32 $0x1BF5;
	[smem:$0x3FB8] =	sst s0  }
0x18: {  	s0 =	sld [smem:$0x3F9B];
	_ =	swait.ge [sflag:s4], $0x0  }
0x19: {  	s7 =	sld [smem:$0x3F9C]  }
0x1a: {  	s8 =	sadd.s32 $0xFFFFE003, lr  }
0x1b: {  	s9 =	sadd.s32 $0xFFFFFEF7, lr;
	s5 =	simm.s32 $0xFFFFFFFF;
	p2 =	slt.u32 s8, $0xFFFFF086  }
0x1c: {  	p1 =	slt.u32 s9, $0xF7A;
	s5 =	simm.s32 @!p2 $0x0  }
0x1d: {  	s5 =	simm.s32 @p1 $0x1;
	p0 =	seq.s32 s7, s2  }
0x1e: {  	s7 =	smul.u32 @!p0 $0xF7A, s2;
	p2 =	seq.s32 @!p0 s5, $0x0  }
0x1f: {  	s9 =	smul.u32 $0xF7A, s1;
	s8 =	simm.s32 @!p0 $0x1BF5;
	p2 =	por !p2, p0  }
0x20: {  	[sflag:s8] =	ssyncset.s32 @!p0 $0xFFFFF086;
	s6 =	sadd.s32 @!p0 s3, s7;
	s7 =	simm.s32 @!p0 $0x108  }
0x21: {  	s3 =	sadd.s32 s3, s9;
	s6 =	sadd.s32 @!p0 $0x88, s6;
	s7 =	simm.s32 @p2 $0x1082  }
0x22: {  	[simem:s7], [sflag:s8] =	dma.local @!p0 [hbm:s6], $0xF7A  }
0x23: {  	s9 =	sor.u32 $0xD0000000, s2;
	s6 =	simm.s32 $0x108;
	_ =	swait.ge @!p0 [sflag:s8], $0x0  }
0x24: {  	s3 =	sadd.s32 $0x88, s3;
	s6 =	simm.s32 @!p1 $0x1082;
	[sflag:s4] =	ssyncset.s32 $0xFFFFF086  }
0x25: {  	[simem:s6], [sflag:s4] =	dma.local [hbm:s3], $0xF7A  }
0x26: {  	[smem:$0x3F9C] =	sst s1;
	(tag) =	ssettag s2;
	_ =	strace s9  }
0x27: {  	s1 =	sld [smem:$0x3FAC]  }
0x28: {  	s2 =	sld [smem:$0x3FAD]  }
0x29: {  	s4 =	sld [smem:$0x3FAF]  }
0x2a: {  	p0 =	seq.s32 s5, $0x0;
	s5 =	sld [smem:$0x3FB0]  }
0x2b: {  	s6 =	sld [smem:$0x3FB1]  }
0x2c: {  	s7 =	sld [smem:$0x3FB2]  }
0x2d: {  	s3 =	simm.s32 $0x108;
	s8 =	sld [smem:$0x3FB3]  }
0x2e: {  	s3 =	simm.s32 @!p0 $0x1082;
	s9 =	sld [smem:$0x3FB4]  }
0x2f: {  	lr =	sadd.s32 s0, s3;
	s0 =	sld [smem:$0x3FAB]  }
0x30: {  	s3 =	sld [smem:$0x3FAE]  }
0x31: {  	[smem:$0x3FB7] =	sst s10  }
0x32: {  	s10 =	sld [smem:$0x3FB5];
	_ =	sdelay $0x3  }
0x33: {  	p0 =	seq.s32 s10, $0x1;
	s10 =	sld [smem:$0x3FB7];
	_ =	sdelay $0x3  }
0x34: {  	[smem:$0x3FB7] =	sst s10  }
0x35: {  	s10 =	sld [smem:$0x3FB6];
	_ =	sdelay $0x3  }
0x36: {  	p1 =	seq.s32 s10, $0x1;
	s10 =	sld [smem:$0x3FB7];
	_ =	sdelay $0x3  }
0x37: {  	[smem:$0x3FB7] =	sst s10  }
0x38: {  	s10 =	sld [smem:$0x3FB8]  }
0x39: {  	_ = 	snop;
	(pc) =	sbr.ind lr, $3  }
0x3a: {  	_ = 	snop  }
0x3b: {  	_ = 	snop  }
0x3c: {  	p2 =	seq.s32 s10, $0x1;
	s10 =	sld [smem:$0x3FB7]  }
0x3d: {  	_ =	shalt  }
0x3e: {  	_ =	shalt  }
0x3f: {  	_ =	shalt  }
0x40: {  	_ =	shalt  }
0x41: {  	_ =	shalt  }
0x42: {  	_ =	shalt  }
0x43: {  	_ =	shalt  }
0x44: {  	_ =	shalt  }
0x45: {  	_ =	shalt  }
0x46: {  	_ =	shalt  }
0x47: {  	_ =	shalt  }
0x48: {  	_ =	shalt  }
0x49: {  	_ =	shalt  }
0x4a: {  	_ =	shalt  }
0x4b: {  	_ =	shalt  }
0x4c: {  	_ =	shalt  }
0x4d: {  	_ =	shalt  }
0x4e: {  	_ =	shalt  }
0x4f: {  	_ =	shalt  }
0x50: {  	_ =	shalt  }
0x51: {  	_ =	shalt  }
0x52: {  	_ =	shalt  }
0x53: {  	_ =	shalt  }
0x54: {  	_ =	shalt  }
0x55: {  	_ =	shalt  }
0x56: {  	_ =	shalt  }
0x57: {  	_ =	shalt  }
0x58: {  	_ =	shalt  }
0x59: {  	_ =	shalt  }
0x5a: {  	_ =	shalt  }
0x5b: {  	_ =	shalt  }
0x5c: {  	_ =	shalt  }
0x5d: {  	_ =	shalt  }
0x5e: {  	_ =	shalt  }
0x5f: {  	_ =	shalt  }
0x60: {  	_ =	shalt  }
0x61: {  	_ =	shalt  }
0x62: {  	_ =	shalt  }
0x63: {  	_ =	shalt  }
0x64: {  	_ =	shalt  }
0x65: {  	_ =	shalt  }
0x66: {  	_ =	shalt  }
0x67: {  	_ =	shalt  }
0x68: {  	_ =	shalt  }
0x69: {  	_ =	shalt  }
0x6a: {  	_ =	shalt  }
0x6b: {  	_ =	shalt  }
0x6c: {  	_ =	shalt  }
0x6d: {  	_ =	shalt  }
0x6e: {  	_ =	shalt  }
0x6f: {  	_ =	shalt  }
0x70: {  	_ =	shalt  }
0x71: {  	_ =	shalt  }
0x72: {  	_ =	shalt  }
0x73: {  	_ =	shalt  }
0x74: {  	_ =	shalt  }
0x75: {  	_ =	shalt  }
0x76: {  	_ =	shalt  }
0x77: {  	_ =	shalt  }
0x78: {  	_ =	shalt  }
0x79: {  	_ =	shalt  }
0x7a: {  	_ =	shalt  }
0x7b: {  	_ =	shalt  }
0x7c: {  	_ =	shalt  }
0x7d: {  	_ =	shalt  }
0x7e: {  	_ =	shalt  }
0x7f: {  	_ =	shalt  }
0x80: {  	_ =	shalt  }
0x81: {  	_ =	shalt  }
0x82: {  	_ =	shalt  }
0x83: {  	_ =	shalt  }
0x84: {  	_ =	shalt  }
0x85: {  	_ =	shalt  }
0x86: {  	_ =	shalt  }
0x87: {  	_ =	shalt  }
.Lfunc_end0:
.L_simem_size_0:
called_computation_lowered:
.L_overlay_start_0:
0x88: {  	s2 =	sld [smem:$0x3FD9]  }
0x89: {  	s3 =	sld [smem:$0x3FFE];
	_ =	sdelay $0x1  }
0x8a: {  	s1 =	srdreg.scid  }
0x8b: {  	s0 =	sand.u32 $0x1, s1  }
0x8c: {  	s17 =	sshll.u32 s0, $0xA;
	s2 =	sadd.s32 s3, s2  }
0x8d: {  	s2 =	sadd.s32 s2, s17  }
0x8e: {  	[smem:$0x3FC3] =	sst s2  }
0x8f: {  	_ = 	snop  }
0x90: {  	s2 =	sld [smem:$0x3FC6]  }
0x91: {  	s18 =	sld [smem:$0x3FD0];
	(tm) =	ssettm $0x1  }
0x92: {  	s4 =	sld [smem:$0x3FFB];
	_ =	sdelay $0x3  }
0x93: {  	_ =	strace s4  }
0x94: {  	s4 =	sld [smem:$0x3FFC];
	_ =	sdelay $0x3  }
0x95: {  	_ =	strace s4  }
0x96: {  	s4 =	sld [smem:$0x3FFD];
	_ =	sdelay $0x3  }
0x97: {  	_ =	strace s4  }
0x98: {  	_ =	strace $0x8FFFFFFF  }
0x99: {  	s19 =	sld [smem:$0x3FDB];
	_ =	sdelay $0x1  }
0x9a: {  	s5 =	simm.s32 $_scs_section_size  }
0x9b: {  	s6 =	simm.s32 $_size__tile_overlayer_lowered;
	s7 =	simm.s32 $_tile_overlayer_lowered  }
0x9c: {  	s22 =	simm.s32 $0x1BFF;
	s21 =	sshll.u32 s7, $0x1;
	s4 =	sadd.s32 s5, s19  }
0x9d: {  	s8 =	simm.s32 $0x0;
	s20 =	sshll.u32 s6, $0x1;
	s6 =	sadd.s32 s21, s4  }
0x9e: {  	[timem:s8], [sflag:s22] =	dma.local [hbm:s6], s20  }
0x9f: {  	_ =	swait.ge [sflag:s22], s20  }
0xa0: {  	s5 =	ssub.s32 $0x0, s20;
	[sflag:s22] =	ssyncset.done $0x0  }
0xa1: {  	[sflag:s22] =	ssyncadd.s32 s5;
	_ =	sdelay $0x1  }
0xa2: {  	s23 =	simm.s32 $0x1B8B  }
0xa3: {  	_ =	swait.ge [sflag:s23], $0x1  }
0xa4: {  	[sflag:s23] =	ssyncset.done $0x0  }
0xa5: {  	s25 =	simm.s32 $0x1B8E;
	s24 =	sld [smem:$0x3FFE];
	[sflag:s23] =	ssyncadd.s32 $0xFFFFFFFF  }
0xa6: {  	s26 =	simm.s32 $execute0_lowered;
	[smem:$0x3FD2] =	sst s25  }
0xa7: {  	s6 =	sshll.u32 s26, $0x1;
	_ =	strace $0x80000046;
	[dreg:$0x1] =	wrdreg $0xFFFFFFFF  }
0xa8: {  	s28 =	simm.s32 $_size_execute0_lowered;
	s4 =	sadd.s32 s4, s6;
	[dreg:$0x0] =	wrdreg $0x0  }
0xa9: {  	s6 =	sshll.u32 s28, $0x1;
	[dreg:$0x2] =	wrdreg s4  }
0xaa: {  	[dreg:$0x3] =	wrdreg s6  }
0xab: {  	[dreg:$0x4] =	wrdreg $0xC0  }
0xac: {  	_ =	task [dreg:s8], $0x5FFFF  }
0xad: {  	[dreg:$0x1] =	wrdreg $0xFFFFFFFF  }
0xae: {  	[dreg:$0x0] =	wrdreg $0x60  }
0xaf: {  	[dreg:$0x2] =	wrdreg s2  }
0xb0: {  	[dreg:$0x3] =	wrdreg s24  }
0xb1: {  	[dreg:$0x4] =	wrdreg s18  }
0xb2: {  	[dreg:$0x5] =	wrdreg $0x9  }
0xb3: {  	_ =	task.clear_ibuf [dreg:s8], $0x6FFFF;
	_ =	strace $0x90000046  }
0xb4: {  	s29 =	simm.s32 $0x9;
	_ =	strace $0x80000048  }
0xb5: {  	_ =	swait.ge [sflag:s29], $0x1  }
0xb6: {  	[sflag:s29] =	ssyncadd.s32 $0xFFFFFFFF  }
0xb7: {  	_ =	strace $0x90000048  }
0xb8: {  	_ =	sfence  }
0xb9: {  	s30 =	sld [smem:$0x0];
	_ =	sdelay $0x2  }
0xba: {  	s31 =	sshll.u32 s1, $0xD;
	s1 =	sshrl.u32 s1, $0x2  }
0xbb: {  	s3 =	sand.u32 $0x4000, s31;
	s1 =	sadd.s32 s1, s30  }
0xbc: {  	s0 =	sor.u32 s3, s0;
	s1 =	sshll.u32 s1, $0x11  }
0xbd: {  	s0 =	sor.u32 s1, s0  }
0xbe: {  	s0 =	sadd.s32 $0x8F2B, s0  }
0xbf: {  	[sflag:s0] =	ssyncadd.remote.s32 $0x1  }
0xc0: {  	_ =	sfence.sel $0xFFFF  }
0xc1: {  	[dreg:$0x0] =	wrdreg $0xFFFFFFFF;
	(pc) =	sbr.abs _section_cstart, $3  }
0xc2: {  	[dreg:$0x1] =	wrdreg $0xFFFFFFFF  }
0xc3: {  	_ =	task.clear_ibuf [dreg:s8], $0x2FFFF;
	_ =	strace $0x9FFFFFFF  }
0xc4: {  	(tm) =	ssettm $0x7FFFFFFF  }
0xc5: {  	_ =	shalt  }
tec
execute0_lowered:
.L_overlay_start_1:
0x0: {  	(tag) =	ssettag $0x1  }
0x1: {  	s0 =	rddreg [dreg:$0x0]  }
0x2: {  	s1 =	rddreg [dreg:$0x1]  }
0x3: {  	s4 =	rddreg [dreg:$0x2];
	s2 =	simm.s32 $0x0;
	s3 =	srdreg.scid  }
0x4: {  	s5 =	stileid.u32;
	s28 =	simm.s32 $0xA00;
	s29 =	simm.s32 $0xC00  }
0x5: {  	s30 =	simm.s32 $0xE00;
	s31 =	simm.s32 $0x1000;
	s15 =	simm.s32 $0x0  }
0x6: {  	[smem:$0x7FF] =	sst s2;
	s3 =	sand.u32 $0x1, s3;
	s5 =	sshll.u32 s5, $0x7  }
0x7: {  	s8 =	sadd.s32 $0x2240, s1;
	s9 =	sadd.s32 $0x2250, s1;
	s10 =	sadd.s32 $0x2260, s1  }
0x8: {  	s11 =	sadd.s32 $0x2270, s1;
	_ =	strace $0x80000047;
	s6 =	sshll.u32 s3, $0x6  }
0x9: {  	s7 =	ssub.s32 $0x2, s3;
	s3 =	sadd.s32 $0x2200, s1;
	s12 =	sor.u32 s6, s5  }
0xa: {  	s19 =	sshrl.u32 s7, $0x1;
	s5 =	sadd.s32 $0x2210, s1;
	s6 =	sadd.s32 $0x2220, s1  }
0xb: {  	s13 =	sadd.s32 s12, s1;
	s14 =	ssub.s32 s7, s19;
	s0 =	sadd.s32 s0, s12  }
0xc: {  	s7 =	sadd.s32 $0x2230, s1;
	s20 =	sadd.s32 s4, s12;
	[dreg:$0x4] =	wrdreg s0  }
0xd: {  	s1 =	simm.s32 $0x280;
	[dreg:$0x5] =	wrdreg s20;
	s21 =	sadd.s32 $0x1AA00, s13  }
0xe: {  	s4 =	simm.s32 $0x300;
	s22 =	sadd.s32 $0x1B200, s13;
	[dreg:$0x6] =	wrdreg s21  }
0xf: {  	s12 =	simm.s32 $0x380;
	s23 =	sadd.s32 $0x1BA00, s13;
	[dreg:$0x7] =	wrdreg s22  }
0x10: {  	s24 =	sadd.s32 $0x1C200, s13;
	s25 =	sadd.s32 $0x1CA00, s13;
	[dreg:$0x8] =	wrdreg s23  }
0x11: {  	s26 =	sadd.s32 $0x1D200, s13;
	s19 =	sadd.s32 $0x1DA00, s13;
	[dreg:$0x9] =	wrdreg s24  }
0x12: {  	s20 =	smax.u32 s14, $0x1;
	s0 =	simm.s32 $0x1200;
	[dreg:$0xa] =	wrdreg s25  }
0x13: {  	s13 =	simm.s32 $0x1;
	s14 =	simm.s32 $0x2;
	[dreg:$0xb] =	wrdreg s26  }
0x14: {  	s21 =	simm.s32 $0x3;
	s22 =	simm.s32 $0x80;
	s23 =	simm.s32 $0x200  }
0x15: {  	s24 =	simm.s32 $0x400;
	s25 =	simm.s32 $0x600;
	s26 =	simm.s32 $0x800  }
.LBB2_1:
0x16: {  	s16 =	rddreg [dreg:$0x4]  }
0x17: {  	[tilespmem:s2], [sflag:$0x3] =	stream.linear.gather [hbm4b:s16+s2], $0x200, $0x38;
	[tilespmem:$0x1400] =	vst v63  }
0x18: {  	_ =	swait.ge [sflag:s21], $0x200  }
0x19: {  	[sflag:s21] =	ssyncset.done $0x0  }
0x1a: {  	s16 =	simm.s32 $0x0;
	[sflag:s21] =	ssyncadd.s32 $0xFFFFFE00  }
0x1b: {  	s17 =	simm.s32 $0x40;
	v0 =	vld [tilespmem:s16+$0x0]  }
.LBB2_2:
0x1c: {  	_ =	sdelay $0x1  }
0x1d: {  	p0 =	sne.s32 s17, $0x7C0  }
.Ltmp0:
0x1e: {  	_ = 	snop;
	(pc) =	sbr.rel @p0 .LBB2_2-.Ltmp0, $4  }
0x1f: {  	v1 =	vshll.u32 v0, $0x3  }
0x20: {  	v2 =	vand.u32 $0x7F, v0;
	v1 =	vand.u32 $0xFFFFFC00, v1  }
0x21: {  	s18 =	sshra.s32 s17, $0x2;
	v1 =	vor.u32 v2, v1  }
0x22: {  	s17 =	sadd.s32 $0x40, s17;
	v0 =	vld [tilespmem:s18+$0x0];
	[tilespmem:s16+$0x200] =	vst v1;
	s16 =	smov.u32 s18  }
0x23: {  	_ =	sdelay $0x3  }
0x24: {  	v1 =	vshll.u32 v0, $0x3  }
0x25: {  	v63 =	vand.u32 $0x7F, v0;
	v1 =	vand.u32 $0xFFFFFC00, v1  }
0x26: {  	v0 =	vor.u32 v63, v1  }
0x27: {  	[tilespmem:s16+$0x200] =	vst v0  }
0x28: {  	[tilespmem:s24], [sflag:$0x1] =	stream.indirect.gather [hbm4b:s3+s22], $0x1, s23, s22, $0xb8;
	[tilespmem:$0x1400] =	vst v63  }
0x29: {  	_ = 	snop  }
0x2a: {  	[tilespmem:s25], [sflag:$0x1] =	stream.indirect.gather [hbm4b:s5+s22], $0x1, s23, s22, $0xb8;
	[tilespmem:$0x1400] =	vst v63  }
0x2b: {  	_ = 	snop  }
0x2c: {  	[tilespmem:s26], [sflag:$0x1] =	stream.indirect.gather [hbm4b:s6+s22], $0x1, s23, s22, $0xb8;
	[tilespmem:$0x1400] =	vst v63  }
0x2d: {  	_ = 	snop  }
0x2e: {  	[tilespmem:s28], [sflag:$0x1] =	stream.indirect.gather [hbm4b:s7+s22], $0x1, s23, s22, $0xb8;
	[tilespmem:$0x1400] =	vst v63  }
0x2f: {  	_ = 	snop  }
0x30: {  	[tilespmem:s29], [sflag:$0x1] =	stream.indirect.gather [hbm4b:s8+s22], $0x1, s23, s22, $0xb8;
	[tilespmem:$0x1400] =	vst v63  }
0x31: {  	_ = 	snop  }
0x32: {  	[tilespmem:s30], [sflag:$0x1] =	stream.indirect.gather [hbm4b:s9+s22], $0x1, s23, s22, $0xb8;
	[tilespmem:$0x1400] =	vst v63  }
0x33: {  	_ = 	snop  }
0x34: {  	[tilespmem:s31], [sflag:$0x1] =	stream.indirect.gather [hbm4b:s10+s22], $0x1, s23, s22, $0xb8;
	[tilespmem:$0x1400] =	vst v63  }
0x35: {  	_ = 	snop  }
0x36: {  	[tilespmem:s0], [sflag:$0x1] =	stream.indirect.gather [hbm4b:s11+s22], $0x1, s23, s22, $0xb8;
	[tilespmem:$0x1400] =	vst v63  }
0x37: {  	s18 =	simm.s32 $0x480  }
0x38: {  	[tilespmem:s18], [sflag:$0x1] =	stream.indirect.gather [hbm4b:s3+s22], $0x1, s1, s22, $0xb8;
	[tilespmem:$0x1400] =	vst v63  }
0x39: {  	s17 =	simm.s32 $0x680  }
0x3a: {  	[tilespmem:s17], [sflag:$0x1] =	stream.indirect.gather [hbm4b:s5+s22], $0x1, s1, s22, $0xb8;
	[tilespmem:$0x1400] =	vst v63  }
0x3b: {  	s18 =	simm.s32 $0x880  }
0x3c: {  	[tilespmem:s18], [sflag:$0x1] =	stream.indirect.gather [hbm4b:s6+s22], $0x1, s1, s22, $0xb8;
	[tilespmem:$0x1400] =	vst v63  }
0x3d: {  	s17 =	simm.s32 $0xA80  }
0x3e: {  	[tilespmem:s17], [sflag:$0x1] =	stream.indirect.gather [hbm4b:s7+s22], $0x1, s1, s22, $0xb8;
	[tilespmem:$0x1400] =	vst v63  }
0x3f: {  	s18 =	simm.s32 $0xC80  }
0x40: {  	[tilespmem:s18], [sflag:$0x1] =	stream.indirect.gather [hbm4b:s8+s22], $0x1, s1, s22, $0xb8;
	[tilespmem:$0x1400] =	vst v63  }
0x41: {  	s17 =	simm.s32 $0xE80  }
0x42: {  	[tilespmem:s17], [sflag:$0x1] =	stream.indirect.gather [hbm4b:s9+s22], $0x1, s1, s22, $0xb8;
	[tilespmem:$0x1400] =	vst v63  }
0x43: {  	s18 =	simm.s32 $0x1080  }
0x44: {  	[tilespmem:s18], [sflag:$0x1] =	stream.indirect.gather [hbm4b:s10+s22], $0x1, s1, s22, $0xb8;
	[tilespmem:$0x1400] =	vst v63  }
0x45: {  	s17 =	simm.s32 $0x1280  }
0x46: {  	[tilespmem:s17], [sflag:$0x1] =	stream.indirect.gather [hbm4b:s11+s22], $0x1, s1, s22, $0xb8;
	[tilespmem:$0x1400] =	vst v63  }
0x47: {  	s18 =	simm.s32 $0x500  }
0x48: {  	[tilespmem:s18], [sflag:$0x1] =	stream.indirect.gather [hbm4b:s3+s22], $0x1, s4, s22, $0xb8;
	[tilespmem:$0x1400] =	vst v63  }
0x49: {  	s17 =	simm.s32 $0x700  }
0x4a: {  	[tilespmem:s17], [sflag:$0x1] =	stream.indirect.gather [hbm4b:s5+s22], $0x1, s4, s22, $0xb8;
	[tilespmem:$0x1400] =	vst v63  }
0x4b: {  	s18 =	simm.s32 $0x900  }
0x4c: {  	[tilespmem:s18], [sflag:$0x1] =	stream.indirect.gather [hbm4b:s6+s22], $0x1, s4, s22, $0xb8;
	[tilespmem:$0x1400] =	vst v63  }
0x4d: {  	s17 =	simm.s32 $0xB00  }
0x4e: {  	[tilespmem:s17], [sflag:$0x1] =	stream.indirect.gather [hbm4b:s7+s22], $0x1, s4, s22, $0xb8;
	[tilespmem:$0x1400] =	vst v63  }
0x4f: {  	s18 =	simm.s32 $0xD00  }
0x50: {  	[tilespmem:s18], [sflag:$0x1] =	stream.indirect.gather [hbm4b:s8+s22], $0x1, s4, s22, $0xb8;
	[tilespmem:$0x1400] =	vst v63  }
0x51: {  	s17 =	simm.s32 $0xF00  }
0x52: {  	[tilespmem:s17], [sflag:$0x1] =	stream.indirect.gather [hbm4b:s9+s22], $0x1, s4, s22, $0xb8;
	[tilespmem:$0x1400] =	vst v63  }
0x53: {  	s18 =	simm.s32 $0x1100  }
0x54: {  	[tilespmem:s18], [sflag:$0x1] =	stream.indirect.gather [hbm4b:s10+s22], $0x1, s4, s22, $0xb8;
	[tilespmem:$0x1400] =	vst v63  }
0x55: {  	s17 =	simm.s32 $0x1300  }
0x56: {  	[tilespmem:s17], [sflag:$0x1] =	stream.indirect.gather [hbm4b:s11+s22], $0x1, s4, s22, $0xb8;
	[tilespmem:$0x1400] =	vst v63  }
0x57: {  	s18 =	simm.s32 $0x580  }
0x58: {  	[tilespmem:s18], [sflag:$0x1] =	stream.indirect.gather [hbm4b:s3+s22], $0x1, s12, s22, $0xb8;
	[tilespmem:$0x1400] =	vst v63  }
0x59: {  	s17 =	simm.s32 $0x780  }
0x5a: {  	[tilespmem:s17], [sflag:$0x1] =	stream.indirect.gather [hbm4b:s5+s22], $0x1, s12, s22, $0xb8;
	[tilespmem:$0x1400] =	vst v63  }
0x5b: {  	s18 =	simm.s32 $0x980  }
0x5c: {  	[tilespmem:s18], [sflag:$0x1] =	stream.indirect.gather [hbm4b:s6+s22], $0x1, s12, s22, $0xb8;
	[tilespmem:$0x1400] =	vst v63  }
0x5d: {  	s17 =	simm.s32 $0xB80  }
0x5e: {  	[tilespmem:s17], [sflag:$0x1] =	stream.indirect.gather [hbm4b:s7+s22], $0x1, s12, s22, $0xb8;
	[tilespmem:$0x1400] =	vst v63  }
0x5f: {  	s18 =	simm.s32 $0xD80  }
0x60: {  	[tilespmem:s18], [sflag:$0x1] =	stream.indirect.gather [hbm4b:s8+s22], $0x1, s12, s22, $0xb8;
	[tilespmem:$0x1400] =	vst v63  }
0x61: {  	s17 =	simm.s32 $0xF80  }
0x62: {  	[tilespmem:s17], [sflag:$0x1] =	stream.indirect.gather [hbm4b:s9+s22], $0x1, s12, s22, $0xb8;
	[tilespmem:$0x1400] =	vst v63  }
0x63: {  	s18 =	simm.s32 $0x1180  }
0x64: {  	[tilespmem:s18], [sflag:$0x1] =	stream.indirect.gather [hbm4b:s10+s22], $0x1, s12, s22, $0xb8;
	[tilespmem:$0x1400] =	vst v63  }
0x65: {  	s17 =	simm.s32 $0x1380  }
0x66: {  	[tilespmem:s17], [sflag:$0x1] =	stream.indirect.gather [hbm4b:s11+s22], $0x1, s12, s22, $0xb8;
	[tilespmem:$0x1400] =	vst v63  }
0x67: {  	_ =	swait.ge [sflag:s13], $0x80  }
0x68: {  	[sflag:s13] =	ssyncset.done $0x0  }
0x69: {  	[sflag:s13] =	ssyncadd.s32 $0xFFFFFF80  }
0x6a: {  	_ =	swait.ge [sflag:s13], $0x80  }
0x6b: {  	[sflag:s13] =	ssyncset.done $0x0  }
0x6c: {  	[sflag:s13] =	ssyncadd.s32 $0xFFFFFF80  }
0x6d: {  	_ =	swait.ge [sflag:s13], $0x80  }
0x6e: {  	[sflag:s13] =	ssyncset.done $0x0  }
0x6f: {  	[sflag:s13] =	ssyncadd.s32 $0xFFFFFF80  }
0x70: {  	_ =	swait.ge [sflag:s13], $0x80  }
0x71: {  	[sflag:s13] =	ssyncset.done $0x0  }
0x72: {  	[sflag:s13] =	ssyncadd.s32 $0xFFFFFF80  }
0x73: {  	_ =	swait.ge [sflag:s13], $0x80  }
0x74: {  	[sflag:s13] =	ssyncset.done $0x0  }
0x75: {  	[sflag:s13] =	ssyncadd.s32 $0xFFFFFF80  }
0x76: {  	_ =	swait.ge [sflag:s13], $0x80  }
0x77: {  	[sflag:s13] =	ssyncset.done $0x0  }
0x78: {  	[sflag:s13] =	ssyncadd.s32 $0xFFFFFF80  }
0x79: {  	_ =	swait.ge [sflag:s13], $0x80  }
0x7a: {  	[sflag:s13] =	ssyncset.done $0x0  }
0x7b: {  	[sflag:s13] =	ssyncadd.s32 $0xFFFFFF80  }
0x7c: {  	_ =	swait.ge [sflag:s13], $0x80  }
0x7d: {  	[sflag:s13] =	ssyncset.done $0x0  }
0x7e: {  	[sflag:s13] =	ssyncadd.s32 $0xFFFFFF80  }
0x7f: {  	_ =	swait.ge [sflag:s13], $0x80  }
0x80: {  	[sflag:s13] =	ssyncset.done $0x0  }
0x81: {  	[sflag:s13] =	ssyncadd.s32 $0xFFFFFF80  }
0x82: {  	_ =	swait.ge [sflag:s13], $0x80  }
0x83: {  	[sflag:s13] =	ssyncset.done $0x0  }
0x84: {  	[sflag:s13] =	ssyncadd.s32 $0xFFFFFF80  }
0x85: {  	_ =	swait.ge [sflag:s13], $0x80  }
0x86: {  	[sflag:s13] =	ssyncset.done $0x0  }
0x87: {  	[sflag:s13] =	ssyncadd.s32 $0xFFFFFF80  }
0x88: {  	_ =	swait.ge [sflag:s13], $0x80  }
0x89: {  	[sflag:s13] =	ssyncset.done $0x0  }
0x8a: {  	[sflag:s13] =	ssyncadd.s32 $0xFFFFFF80  }
0x8b: {  	_ =	swait.ge [sflag:s13], $0x80  }
0x8c: {  	[sflag:s13] =	ssyncset.done $0x0  }
0x8d: {  	[sflag:s13] =	ssyncadd.s32 $0xFFFFFF80  }
0x8e: {  	_ =	swait.ge [sflag:s13], $0x80  }
0x8f: {  	[sflag:s13] =	ssyncset.done $0x0  }
0x90: {  	[sflag:s13] =	ssyncadd.s32 $0xFFFFFF80  }
0x91: {  	_ =	swait.ge [sflag:s13], $0x80  }
0x92: {  	[sflag:s13] =	ssyncset.done $0x0  }
0x93: {  	[sflag:s13] =	ssyncadd.s32 $0xFFFFFF80  }
0x94: {  	_ =	swait.ge [sflag:s13], $0x80  }
0x95: {  	[sflag:s13] =	ssyncset.done $0x0  }
0x96: {  	[sflag:s13] =	ssyncadd.s32 $0xFFFFFF80  }
0x97: {  	_ =	swait.ge [sflag:s13], $0x80  }
0x98: {  	[sflag:s13] =	ssyncset.done $0x0  }
0x99: {  	[sflag:s13] =	ssyncadd.s32 $0xFFFFFF80  }
0x9a: {  	_ =	swait.ge [sflag:s13], $0x80  }
0x9b: {  	[sflag:s13] =	ssyncset.done $0x0  }
0x9c: {  	[sflag:s13] =	ssyncadd.s32 $0xFFFFFF80  }
0x9d: {  	_ =	swait.ge [sflag:s13], $0x80  }
0x9e: {  	[sflag:s13] =	ssyncset.done $0x0  }
0x9f: {  	[sflag:s13] =	ssyncadd.s32 $0xFFFFFF80  }
0xa0: {  	_ =	swait.ge [sflag:s13], $0x80  }
0xa1: {  	[sflag:s13] =	ssyncset.done $0x0  }
0xa2: {  	[sflag:s13] =	ssyncadd.s32 $0xFFFFFF80  }
0xa3: {  	_ =	swait.ge [sflag:s13], $0x80  }
0xa4: {  	[sflag:s13] =	ssyncset.done $0x0  }
0xa5: {  	[sflag:s13] =	ssyncadd.s32 $0xFFFFFF80  }
0xa6: {  	_ =	swait.ge [sflag:s13], $0x80  }
0xa7: {  	[sflag:s13] =	ssyncset.done $0x0  }
0xa8: {  	[sflag:s13] =	ssyncadd.s32 $0xFFFFFF80  }
0xa9: {  	_ =	swait.ge [sflag:s13], $0x80  }
0xaa: {  	[sflag:s13] =	ssyncset.done $0x0  }
0xab: {  	[sflag:s13] =	ssyncadd.s32 $0xFFFFFF80  }
0xac: {  	_ =	swait.ge [sflag:s13], $0x80  }
0xad: {  	[sflag:s13] =	ssyncset.done $0x0  }
0xae: {  	[sflag:s13] =	ssyncadd.s32 $0xFFFFFF80  }
0xaf: {  	_ =	swait.ge [sflag:s13], $0x80  }
0xb0: {  	[sflag:s13] =	ssyncset.done $0x0  }
0xb1: {  	[sflag:s13] =	ssyncadd.s32 $0xFFFFFF80  }
0xb2: {  	_ =	swait.ge [sflag:s13], $0x80  }
0xb3: {  	[sflag:s13] =	ssyncset.done $0x0  }
0xb4: {  	[sflag:s13] =	ssyncadd.s32 $0xFFFFFF80  }
0xb5: {  	_ =	swait.ge [sflag:s13], $0x80  }
0xb6: {  	[sflag:s13] =	ssyncset.done $0x0  }
0xb7: {  	[sflag:s13] =	ssyncadd.s32 $0xFFFFFF80  }
0xb8: {  	_ =	swait.ge [sflag:s13], $0x80  }
0xb9: {  	[sflag:s13] =	ssyncset.done $0x0  }
0xba: {  	[sflag:s13] =	ssyncadd.s32 $0xFFFFFF80  }
0xbb: {  	_ =	swait.ge [sflag:s13], $0x80  }
0xbc: {  	[sflag:s13] =	ssyncset.done $0x0  }
0xbd: {  	[sflag:s13] =	ssyncadd.s32 $0xFFFFFF80  }
0xbe: {  	_ =	swait.ge [sflag:s13], $0x80  }
0xbf: {  	[sflag:s13] =	ssyncset.done $0x0  }
0xc0: {  	[sflag:s13] =	ssyncadd.s32 $0xFFFFFF80  }
0xc1: {  	_ =	swait.ge [sflag:s13], $0x80  }
0xc2: {  	[sflag:s13] =	ssyncset.done $0x0  }
0xc3: {  	[sflag:s13] =	ssyncadd.s32 $0xFFFFFF80  }
0xc4: {  	_ =	swait.ge [sflag:s13], $0x80  }
0xc5: {  	[sflag:s13] =	ssyncset.done $0x0  }
0xc6: {  	s18 =	rddreg [dreg:$0x5];
	[sflag:s13] =	ssyncadd.s32 $0xFFFFFF80  }
0xc7: {  	[hbm4b:s18+s2] =	stream.linear.scatter [tilespmem:s24], [sflag:$0x2], $0x200, $0x38;
	[tilespmem:$0x1400] =	vst v63  }
0xc8: {  	s17 =	rddreg [dreg:$0x6]  }
0xc9: {  	[hbm4b:s17+s2] =	stream.linear.scatter [tilespmem:s25], [sflag:$0x2], $0x200, $0x38;
	[tilespmem:$0x1400] =	vst v63  }
0xca: {  	s18 =	rddreg [dreg:$0x7]  }
0xcb: {  	[hbm4b:s18+s2] =	stream.linear.scatter [tilespmem:s26], [sflag:$0x2], $0x200, $0x38;
	[tilespmem:$0x1400] =	vst v63  }
0xcc: {  	s17 =	rddreg [dreg:$0x8]  }
0xcd: {  	[hbm4b:s17+s2] =	stream.linear.scatter [tilespmem:s28], [sflag:$0x2], $0x200, $0x38;
	[tilespmem:$0x1400] =	vst v63  }
0xce: {  	s18 =	rddreg [dreg:$0x9]  }
0xcf: {  	[hbm4b:s18+s2] =	stream.linear.scatter [tilespmem:s29], [sflag:$0x2], $0x200, $0x38;
	[tilespmem:$0x1400] =	vst v63  }
0xd0: {  	s17 =	rddreg [dreg:$0xa]  }
0xd1: {  	[hbm4b:s17+s2] =	stream.linear.scatter [tilespmem:s30], [sflag:$0x2], $0x200, $0x38;
	[tilespmem:$0x1400] =	vst v63  }
0xd2: {  	s18 =	rddreg [dreg:$0xb]  }
0xd3: {  	[hbm4b:s18+s2] =	stream.linear.scatter [tilespmem:s31], [sflag:$0x2], $0x200, $0x38;
	[tilespmem:$0x1400] =	vst v63  }
0xd4: {  	_ = 	snop  }
0xd5: {  	[hbm4b:s19+s2] =	stream.linear.scatter [tilespmem:s0], [sflag:$0x2], $0x200, $0x38;
	[tilespmem:$0x1400] =	vst v63  }
0xd6: {  	_ =	swait.ge [sflag:s14], $0x200  }
0xd7: {  	[sflag:s14] =	ssyncset.done $0x0  }
0xd8: {  	[sflag:s14] =	ssyncadd.s32 $0xFFFFFE00  }
0xd9: {  	_ =	swait.ge [sflag:s14], $0x200  }
0xda: {  	[sflag:s14] =	ssyncset.done $0x0  }
0xdb: {  	[sflag:s14] =	ssyncadd.s32 $0xFFFFFE00  }
0xdc: {  	_ =	swait.ge [sflag:s14], $0x200  }
0xdd: {  	[sflag:s14] =	ssyncset.done $0x0  }
0xde: {  	[sflag:s14] =	ssyncadd.s32 $0xFFFFFE00  }
0xdf: {  	_ =	swait.ge [sflag:s14], $0x200  }
0xe0: {  	[sflag:s14] =	ssyncset.done $0x0  }
0xe1: {  	[sflag:s14] =	ssyncadd.s32 $0xFFFFFE00  }
0xe2: {  	_ =	swait.ge [sflag:s14], $0x200  }
0xe3: {  	[sflag:s14] =	ssyncset.done $0x0  }
0xe4: {  	[sflag:s14] =	ssyncadd.s32 $0xFFFFFE00  }
0xe5: {  	_ =	swait.ge [sflag:s14], $0x200  }
0xe6: {  	[sflag:s14] =	ssyncset.done $0x0  }
0xe7: {  	s15 =	sadd.s32 $0x1, s15;
	[sflag:s14] =	ssyncadd.s32 $0xFFFFFE00  }
0xe8: {  	p0 =	sne.s32 s15, s20;
	_ =	swait.ge [sflag:s14], $0x200  }
.Ltmp1:
0xe9: {  	[sflag:s14] =	ssyncset.done $0x0;
	(pc) =	sbr.rel @p0 .LBB2_1-.Ltmp1, $4  }
0xea: {  	[sflag:s14] =	ssyncadd.s32 $0xFFFFFE00  }
0xeb: {  	_ =	swait.ge [sflag:s14], $0x200  }
0xec: {  	[sflag:s14] =	ssyncset.done $0x0  }
0xed: {  	[sflag:s14] =	ssyncadd.s32 $0xFFFFFE00  }
0xee: {  	_ =	sfence.sel $0x180000  }
0xef: {  	[bflag:$0x0] =	sbarrier.arrive $0xFFFF  }
0xf0: {  	_ =	strace $0x90000047  }
0xf1: {  	s0 =	stileid.u32;
	[bflag:$0x2] =	sbarrier.arrive $0xFFFF  }
0xf2: {  	p0 =	sne.s32 s0, $0x0;
	s0 =	rddreg [dreg:$0x3]  }
0xf3: {  	s0 =	sadd.s32 @!p0 $0x100000, s0  }
0xf4: {  	[sflag:s0] =	ssyncadd.tile.s32 @!p0 $0x1;
	_ =	shalt  }
.Lfunc_end2:
_tile_overlayer_lowered:
.L_overlay_start_2:
0xf5: {  	(tag) =	ssettag $0x2  }
0xf6: {  	s0 =	rddreg [dreg:$0x0];
	s2 =	stileid.u32  }
0xf7: {  	s1 =	rddreg [dreg:$0x1];
	p0 =	sne.s32 s2, $0x0  }
0xf8: {  	s3 =	rddreg [dreg:$0x2];
	[bflag:$0x3] =	sbarrier.arrive $0xFFFF;
	s2 =	simm.s32 @!p0 $0x1C03  }
0xf9: {  	[timem:s3], [sflag:s2] =	dma.local @!p0 [hbm:s0], s1  }
0xfa: {  	s0 =	simm.s32 @!p0 $0x3  }
0xfb: {  	_ =	swait.ge @!p0 [sflag:s0], s1  }
0xfc: {  	s1 =	ssub.s32 @!p0 $0x0, s1;
	[sflag:s0] =	ssyncset.done @!p0 $0x0  }
0xfd: {  	[sflag:s0] =	ssyncadd.s32 @!p0 s1  }
0xfe: {  	[bflag:$0x3] =	sbarrier.arrive $0xFFFF  }
0xff: {  	_ =	shalt  }

</sc_bundles>
